<compile_context>
chip_gen: v7x
topology: tpu7x:2x2x1
jax: 0.10.2.dev20260603
libtpu: 0.0.44.dev20260713+nightly
codegen_flags: <defaults>
</compile_context>

<pallas_src>
import functools
import math

import jax
import jax.numpy as jnp
import numpy as np
from jax import lax
from jax.experimental import pallas as pl
from jax.experimental.pallas import tpu as pltpu
from jax.experimental.pallas import tpu_sc as plsc

NTOKENS = 100000
NINP = 128
SEQ = 2048
BATCH = 16
SCALE = math.sqrt(float(NINP))

NW = 32
S_PER_W = SEQ // NW
LANE_GROUPS = NINP // 16

S_PER_CH = 2
CH = S_PER_CH * BATCH
NCH = S_PER_W // S_PER_CH
NBUF = 8
NITER = NCH // NBUF


def _make_pe() -> np.ndarray:
    position = np.arange(SEQ, dtype=np.float32)[:, None]
    div_term = np.exp(
        np.arange(0, NINP, 2, dtype=np.float32) * (-math.log(10000.0) / NINP)
    )
    pe = np.zeros((SEQ, NINP), dtype=np.float32)
    pe[:, 0::2] = np.sin(position * div_term)
    pe[:, 1::2] = np.cos(position * div_term)
    return pe


_PE = _make_pe()

_mesh = plsc.VectorSubcoreMesh(core_axis_name="c", subcore_axis_name="s")


def _compute_chunk(c, gbuf, obuf, pe_v):
    for sj in range(S_PER_CH):
        prow = c * S_PER_CH + sj
        pvals = [pe_v[prow, pl.ds(16 * j, 16)] for j in range(LANE_GROUPS)]

        def bb_body(bb, carry, sj=sj, pvals=pvals):
            r = sj * BATCH + bb
            for j in range(LANE_GROUPS):
                obuf[r, pl.ds(16 * j, 16)] = (
                    gbuf[r, pl.ds(16 * j, 16)] * SCALE + pvals[j]
                )
            return carry

        lax.fori_loop(0, BATCH, bb_body, 0)


@functools.partial(
    pl.kernel,
    mesh=_mesh,
    out_type=jax.ShapeDtypeStruct((SEQ * BATCH, NINP), jnp.float32),
    scratch_types=(
        [pltpu.VMEM((S_PER_W, BATCH), jnp.int32)]
        + [pltpu.VMEM((S_PER_W * BATCH,), jnp.int32)]
        + [pltpu.VMEM((S_PER_W, NINP), jnp.float32)]
        + [pltpu.VMEM((CH, NINP), jnp.float32)] * NBUF
        + [pltpu.VMEM((CH, NINP), jnp.float32)] * NBUF
        + [pltpu.SemaphoreType.DMA] * (2 * NBUF)
    ),
)
def _sc_embed(x_hbm, pe_hbm, table_hbm, out_hbm, idx_s, idx_v, pe_v, *rest):
    gbufs = rest[0:NBUF]
    obufs = rest[NBUF : 2 * NBUF]
    gsems = rest[2 * NBUF : 3 * NBUF]
    osems = rest[3 * NBUF : 4 * NBUF]

    wid = lax.axis_index("s") * 2 + lax.axis_index("c")
    sbase = wid * S_PER_W

    pltpu.sync_copy(x_hbm.at[pl.ds(sbase, S_PER_W)], idx_s)
    for r in range(S_PER_W):
        idx_v[pl.ds(r * BATCH, BATCH)] = idx_s[r, pl.ds(0, BATCH)]

    def _gather(c, b):
        return pltpu.async_copy(
            table_hbm.at[idx_v.at[pl.ds(c * CH, CH)]],
            gbufs[b],
            gsems[b],
        )

    def _writeback(c, b):
        return pltpu.async_copy(
            obufs[b],
            out_hbm.at[pl.ds(sbase * BATCH + c * CH, CH)],
            osems[b],
        )

    for b in range(NBUF):
        _gather(b, b)
    pltpu.sync_copy(pe_hbm.at[pl.ds(sbase, S_PER_W)], pe_v)

    def g_body(g, carry):
        for b in range(NBUF):
            c = g * NBUF + b
            pltpu.make_async_copy(
                table_hbm.at[idx_v.at[pl.ds(0, CH)]], gbufs[b], gsems[b]
            ).wait()

            @pl.when(g > 0)
            def _drain_prev(b=b):
                pltpu.make_async_copy(
                    obufs[b], out_hbm.at[pl.ds(0, CH)], osems[b]
                ).wait()

            _compute_chunk(c, gbufs[b], obufs[b], pe_v)

            @pl.when(g < NITER - 1)
            def _issue_next(b=b, c=c):
                _gather(c + NBUF, b)

            _writeback(c, b)
        return carry

    lax.fori_loop(0, NITER, g_body, 0)

    for b in range(NBUF):
        pltpu.make_async_copy(
            obufs[b], out_hbm.at[pl.ds(0, CH)], osems[b]
        ).wait()


def kernel(x, table):
    pe = jnp.asarray(_PE)
    out = _sc_embed(x, pe, table)
    return out.reshape(SEQ, BATCH, NINP)

# --- scband reference (transcript-rebuilt; emitter-appended) ---
"""Pipeline reference for scband-lmpart1-14937896256199 (READ-ONLY COPY).

The authoritative reference and input builder live on the scoring server;
editing this copy changes nothing except your own understanding.
"""

import math
import jax, jax.numpy as jnp
import numpy as np

NTOKENS = 100000
NINP = 128
MAX_LEN = 5000
SEQ = 2048
BATCH = 16

def _make_pe(d_model, max_len=MAX_LEN):
    position = np.arange(max_len, dtype=np.float32)[:, None]
    div_term = np.exp(np.arange(0, d_model, 2, dtype=np.float32) * (-math.log(10000.0) / d_model))
    pe = np.zeros((max_len, d_model), dtype=np.float32)
    pe[:, 0::2] = np.sin(position * div_term)
    pe[:, 1::2] = np.cos(position * div_term)
    # unsqueeze(0).transpose(0,1) -> (max_len, 1, d_model)
    return jnp.asarray(pe[:, None, :])

def setup_inputs(seed: int = 0) -> dict:
    key = jax.random.key(seed)
    k1, k2 = jax.random.split(key)
    x = jax.random.randint(k1, (SEQ, BATCH), 0, NTOKENS, dtype=jnp.int32)
    # EmbeddingLayer weight init: uniform(-initrange, initrange)
    table = jax.random.uniform(k2, (NTOKENS, NINP), minval=-0.1, maxval=0.1, dtype=jnp.float32)
    return {"x": x, "table": table}

def reference(x, table):
    pe = _make_pe(NINP)
    # EmbeddingLayer: gather + scale by sqrt(ninp)
    emb = jnp.take(table, x, axis=0) * math.sqrt(NINP)
    # PositionalEncodingLayer: add pe[:seq_len]; dropout is identity in eval mode
    out = emb + pe[: x.shape[0], :]
    return out

if __name__ == "__main__":
    import jax
    _d = setup_inputs()
    print(jax.jit(kernel)(*tuple(_d.values())))

</pallas_src>

<mosaic_0001>
#map = affine_map<(d0, d1) -> (0, 0)>
module attributes {stable_mosaic.version = 14 : i64} {
  func.func @_sc_embed(%arg0: i32, %arg1: i32, %arg2: memref<2048x16xi32, #tpu.memory_space<hbm>>, %arg3: memref<2048x128xf32, #tpu.memory_space<hbm>>, %arg4: memref<100000x128xf32, #tpu.memory_space<hbm>>, %arg5: memref<32768x128xf32, #tpu.memory_space<hbm>>, %arg6: memref<64x16xi32, #tpu.memory_space<vmem>>, %arg7: memref<1024xi32, #tpu.memory_space<vmem>>, %arg8: memref<64x128xf32, #tpu.memory_space<vmem>>, %arg9: memref<32x128xf32, #tpu.memory_space<vmem>>, %arg10: memref<32x128xf32, #tpu.memory_space<vmem>>, %arg11: memref<32x128xf32, #tpu.memory_space<vmem>>, %arg12: memref<32x128xf32, #tpu.memory_space<vmem>>, %arg13: memref<32x128xf32, #tpu.memory_space<vmem>>, %arg14: memref<32x128xf32, #tpu.memory_space<vmem>>, %arg15: memref<32x128xf32, #tpu.memory_space<vmem>>, %arg16: memref<32x128xf32, #tpu.memory_space<vmem>>, %arg17: memref<32x128xf32, #tpu.memory_space<vmem>>, %arg18: memref<32x128xf32, #tpu.memory_space<vmem>>, %arg19: memref<32x128xf32, #tpu.memory_space<vmem>>, %arg20: memref<32x128xf32, #tpu.memory_space<vmem>>, %arg21: memref<32x128xf32, #tpu.memory_space<vmem>>, %arg22: memref<32x128xf32, #tpu.memory_space<vmem>>, %arg23: memref<32x128xf32, #tpu.memory_space<vmem>>, %arg24: memref<32x128xf32, #tpu.memory_space<vmem>>, %arg25: memref<!tpu.dma_semaphore, #tpu.memory_space<semaphore_mem>>, %arg26: memref<!tpu.dma_semaphore, #tpu.memory_space<semaphore_mem>>, %arg27: memref<!tpu.dma_semaphore, #tpu.memory_space<semaphore_mem>>, %arg28: memref<!tpu.dma_semaphore, #tpu.memory_space<semaphore_mem>>, %arg29: memref<!tpu.dma_semaphore, #tpu.memory_space<semaphore_mem>>, %arg30: memref<!tpu.dma_semaphore, #tpu.memory_space<semaphore_mem>>, %arg31: memref<!tpu.dma_semaphore, #tpu.memory_space<semaphore_mem>>, %arg32: memref<!tpu.dma_semaphore, #tpu.memory_space<semaphore_mem>>, %arg33: memref<!tpu.dma_semaphore, #tpu.memory_space<semaphore_mem>>, %arg34: memref<!tpu.dma_semaphore, #tpu.memory_space<semaphore_mem>>, %arg35: memref<!tpu.dma_semaphore, #tpu.memory_space<semaphore_mem>>, %arg36: memref<!tpu.dma_semaphore, #tpu.memory_space<semaphore_mem>>, %arg37: memref<!tpu.dma_semaphore, #tpu.memory_space<semaphore_mem>>, %arg38: memref<!tpu.dma_semaphore, #tpu.memory_space<semaphore_mem>>, %arg39: memref<!tpu.dma_semaphore, #tpu.memory_space<semaphore_mem>>, %arg40: memref<!tpu.dma_semaphore, #tpu.memory_space<semaphore_mem>>) attributes {dimension_semantics = [#tpu.dimension_semantics<core_parallel>, #tpu.dimension_semantics<subcore_parallel>], iteration_bounds = array<i64: 2, 16>, scalar_prefetch = 0 : i64, scratch_operands = 35 : i64, tpu.core_type = #tpu.core_type<sc_vector_subcore>, window_params = [{transform_indices = #map}, {transform_indices = #map}, {transform_indices = #map}, {transform_indices = #map}]} {
    %mul3A = arith.constant 2 : i32
    %mul3A_0 = arith.muli %arg1, %mul3A : i32
    %add3A = arith.addi %mul3A_0, %arg0 : i32
    %mul3A_1 = arith.constant 64 : i32
    %mul3A_2 = arith.muli %add3A, %mul3A_1 : i32
    "tpu.region"() ({
      %run_scoped3A = tpu.sem_alloc : memref<!tpu.dma_semaphore, #tpu.memory_space<semaphore_mem>>
      %dma_start3A_668 = arith.constant 0 : i32
      %dma_start3A_669 = tpu.memref_slice %arg2[%mul3A_2, %dma_start3A_668] : memref<2048x16xi32, #tpu.memory_space<hbm>> -> memref<64x16xi32, #tpu.memory_space<hbm>>
      %dma_start3A_670 = arith.constant 0 : i32
      %dma_start3A_671 = tpu.memref_slice %arg2[%mul3A_2, %dma_start3A_670] : memref<2048x16xi32, #tpu.memory_space<hbm>> -> memref<64x16xi32, #tpu.memory_space<hbm>>
      tpu.enqueue_dma source(%dma_start3A_671 : memref<64x16xi32, #tpu.memory_space<hbm>>) target(%arg6 : memref<64x16xi32, #tpu.memory_space<vmem>>) target_semaphore(%run_scoped3A : memref<!tpu.dma_semaphore, #tpu.memory_space<semaphore_mem>>)
      %dma_wait3A_672 = arith.constant 0 : i32
      %dma_wait3A_673 = tpu.memref_slice %arg2[%mul3A_2, %dma_wait3A_672] : memref<2048x16xi32, #tpu.memory_space<hbm>> -> memref<64x16xi32, #tpu.memory_space<hbm>>
      %dma_wait3A_674 = arith.constant 0 : i32
      %dma_wait3A_675 = tpu.memref_slice %arg2[%mul3A_2, %dma_wait3A_674] : memref<2048x16xi32, #tpu.memory_space<hbm>> -> memref<64x16xi32, #tpu.memory_space<hbm>>
      tpu.wait_dma2 semaphore(%run_scoped3A : memref<!tpu.dma_semaphore, #tpu.memory_space<semaphore_mem>>) src(%dma_wait3A_675 : memref<64x16xi32, #tpu.memory_space<hbm>>) dst(%arg6 : memref<64x16xi32, #tpu.memory_space<vmem>>)
      tpu.yield
    }) : () -> ()
    %get3A = arith.constant 0 : i32
    %get3A_3 = arith.index_cast %get3A : i32 to index
    %get3A_4 = arith.constant 0 : index
    %get3A_5 = tpu.vector_load %arg6[%get3A_3, %get3A_4] {strides = array<i32>} : memref<64x16xi32, #tpu.memory_space<vmem>>, vector<1x16xi32>,
    %get3A_6 = vector.shape_cast %get3A_5 : vector<1x16xi32> to vector<16xi32>
    %swap3A = arith.constant 0 : index
    %swap3A_7 = tpu.vector_load %arg7[%swap3A] {strides = array<i32>} : memref<1024xi32, #tpu.memory_space<vmem>>, vector<16xi32>,
    %swap3A_8 = vector.shape_cast %swap3A_7 : vector<16xi32> to vector<16xi32>
    %swap3A_9 = vector.shape_cast %get3A_6 : vector<16xi32> to vector<16xi32>
    tpu.vector_store %arg7[%swap3A], %swap3A_9 {strides = array<i32>} : memref<1024xi32, #tpu.memory_space<vmem>>, vector<16xi32>,
    %get3A_10 = arith.constant 1 : i32
    %get3A_11 = arith.index_cast %get3A_10 : i32 to index
    %get3A_12 = arith.constant 0 : index
    %get3A_13 = tpu.vector_load %arg6[%get3A_11, %get3A_12] {strides = array<i32>} : memref<64x16xi32, #tpu.memory_space<vmem>>, vector<1x16xi32>,
    %get3A_14 = vector.shape_cast %get3A_13 : vector<1x16xi32> to vector<16xi32>
    %swap3A_15 = arith.constant 16 : index
    %swap3A_16 = tpu.vector_load %arg7[%swap3A_15] {strides = array<i32>} : memref<1024xi32, #tpu.memory_space<vmem>>, vector<16xi32>,
    %swap3A_17 = vector.shape_cast %swap3A_16 : vector<16xi32> to vector<16xi32>
    %swap3A_18 = vector.shape_cast %get3A_14 : vector<16xi32> to vector<16xi32>
    tpu.vector_store %arg7[%swap3A_15], %swap3A_18 {strides = array<i32>} : memref<1024xi32, #tpu.memory_space<vmem>>, vector<16xi32>,
    %get3A_19 = arith.constant 2 : i32
    %get3A_20 = arith.index_cast %get3A_19 : i32 to index
    %get3A_21 = arith.constant 0 : index
    %get3A_22 = tpu.vector_load %arg6[%get3A_20, %get3A_21] {strides = array<i32>} : memref<64x16xi32, #tpu.memory_space<vmem>>, vector<1x16xi32>,
    %get3A_23 = vector.shape_cast %get3A_22 : vector<1x16xi32> to vector<16xi32>
    %swap3A_24 = arith.constant 32 : index
    %swap3A_25 = tpu.vector_load %arg7[%swap3A_24] {strides = array<i32>} : memref<1024xi32, #tpu.memory_space<vmem>>, vector<16xi32>,
    %swap3A_26 = vector.shape_cast %swap3A_25 : vector<16xi32> to vector<16xi32>
    %swap3A_27 = vector.shape_cast %get3A_23 : vector<16xi32> to vector<16xi32>
    tpu.vector_store %arg7[%swap3A_24], %swap3A_27 {strides = array<i32>} : memref<1024xi32, #tpu.memory_space<vmem>>, vector<16xi32>,
    %get3A_28 = arith.constant 3 : i32
    %get3A_29 = arith.index_cast %get3A_28 : i32 to index
    %get3A_30 = arith.constant 0 : index
    %get3A_31 = tpu.vector_load %arg6[%get3A_29, %get3A_30] {strides = array<i32>} : memref<64x16xi32, #tpu.memory_space<vmem>>, vector<1x16xi32>,
    %get3A_32 = vector.shape_cast %get3A_31 : vector<1x16xi32> to vector<16xi32>
    %swap3A_33 = arith.constant 48 : index
    %swap3A_34 = tpu.vector_load %arg7[%swap3A_33] {strides = array<i32>} : memref<1024xi32, #tpu.memory_space<vmem>>, vector<16xi32>,
    %swap3A_35 = vector.shape_cast %swap3A_34 : vector<16xi32> to vector<16xi32>
    %swap3A_36 = vector.shape_cast %get3A_32 : vector<16xi32> to vector<16xi32>
    tpu.vector_store %arg7[%swap3A_33], %swap3A_36 {strides = array<i32>} : memref<1024xi32, #tpu.memory_space<vmem>>, vector<16xi32>,
    %get3A_37 = arith.constant 4 : i32
    %get3A_38 = arith.index_cast %get3A_37 : i32 to index
    %get3A_39 = arith.constant 0 : index
    %get3A_40 = tpu.vector_load %arg6[%get3A_38, %get3A_39] {strides = array<i32>} : memref<64x16xi32, #tpu.memory_space<vmem>>, vector<1x16xi32>,
    %get3A_41 = vector.shape_cast %get3A_40 : vector<1x16xi32> to vector<16xi32>
    %swap3A_42 = arith.constant 64 : index
    %swap3A_43 = tpu.vector_load %arg7[%swap3A_42] {strides = array<i32>} : memref<1024xi32, #tpu.memory_space<vmem>>, vector<16xi32>,
    %swap3A_44 = vector.shape_cast %swap3A_43 : vector<16xi32> to vector<16xi32>
    %swap3A_45 = vector.shape_cast %get3A_41 : vector<16xi32> to vector<16xi32>
    tpu.vector_store %arg7[%swap3A_42], %swap3A_45 {strides = array<i32>} : memref<1024xi32, #tpu.memory_space<vmem>>, vector<16xi32>,
    %get3A_46 = arith.constant 5 : i32
    %get3A_47 = arith.index_cast %get3A_46 : i32 to index
    %get3A_48 = arith.constant 0 : index
    %get3A_49 = tpu.vector_load %arg6[%get3A_47, %get3A_48] {strides = array<i32>} : memref<64x16xi32, #tpu.memory_space<vmem>>, vector<1x16xi32>,
    %get3A_50 = vector.shape_cast %get3A_49 : vector<1x16xi32> to vector<16xi32>
    %swap3A_51 = arith.constant 80 : index
    %swap3A_52 = tpu.vector_load %arg7[%swap3A_51] {strides = array<i32>} : memref<1024xi32, #tpu.memory_space<vmem>>, vector<16xi32>,
    %swap3A_53 = vector.shape_cast %swap3A_52 : vector<16xi32> to vector<16xi32>
    %swap3A_54 = vector.shape_cast %get3A_50 : vector<16xi32> to vector<16xi32>
    tpu.vector_store %arg7[%swap3A_51], %swap3A_54 {strides = array<i32>} : memref<1024xi32, #tpu.memory_space<vmem>>, vector<16xi32>,
    %get3A_55 = arith.constant 6 : i32
    %get3A_56 = arith.index_cast %get3A_55 : i32 to index
    %get3A_57 = arith.constant 0 : index
    %get3A_58 = tpu.vector_load %arg6[%get3A_56, %get3A_57] {strides = array<i32>} : memref<64x16xi32, #tpu.memory_space<vmem>>, vector<1x16xi32>,
    %get3A_59 = vector.shape_cast %get3A_58 : vector<1x16xi32> to vector<16xi32>
    %swap3A_60 = arith.constant 96 : index
    %swap3A_61 = tpu.vector_load %arg7[%swap3A_60] {strides = array<i32>} : memref<1024xi32, #tpu.memory_space<vmem>>, vector<16xi32>,
    %swap3A_62 = vector.shape_cast %swap3A_61 : vector<16xi32> to vector<16xi32>
    %swap3A_63 = vector.shape_cast %get3A_59 : vector<16xi32> to vector<16xi32>
    tpu.vector_store %arg7[%swap3A_60], %swap3A_63 {strides = array<i32>} : memref<1024xi32, #tpu.memory_space<vmem>>, vector<16xi32>,
    %get3A_64 = arith.constant 7 : i32
    %get3A_65 = arith.index_cast %get3A_64 : i32 to index
    %get3A_66 = arith.constant 0 : index
    %get3A_67 = tpu.vector_load %arg6[%get3A_65, %get3A_66] {strides = array<i32>} : memref<64x16xi32, #tpu.memory_space<vmem>>, vector<1x16xi32>,
    %get3A_68 = vector.shape_cast %get3A_67 : vector<1x16xi32> to vector<16xi32>
    %swap3A_69 = arith.constant 112 : index
    %swap3A_70 = tpu.vector_load %arg7[%swap3A_69] {strides = array<i32>} : memref<1024xi32, #tpu.memory_space<vmem>>, vector<16xi32>,
    %swap3A_71 = vector.shape_cast %swap3A_70 : vector<16xi32> to vector<16xi32>
    %swap3A_72 = vector.shape_cast %get3A_68 : vector<16xi32> to vector<16xi32>
    tpu.vector_store %arg7[%swap3A_69], %swap3A_72 {strides = array<i32>} : memref<1024xi32, #tpu.memory_space<vmem>>, vector<16xi32>,
    %get3A_73 = arith.constant 8 : i32
    %get3A_74 = arith.index_cast %get3A_73 : i32 to index
    %get3A_75 = arith.constant 0 : index
    %get3A_76 = tpu.vector_load %arg6[%get3A_74, %get3A_75] {strides = array<i32>} : memref<64x16xi32, #tpu.memory_space<vmem>>, vector<1x16xi32>,
    %get3A_77 = vector.shape_cast %get3A_76 : vector<1x16xi32> to vector<16xi32>
    %swap3A_78 = arith.constant 128 : index
    %swap3A_79 = tpu.vector_load %arg7[%swap3A_78] {strides = array<i32>} : memref<1024xi32, #tpu.memory_space<vmem>>, vector<16xi32>,
    %swap3A_80 = vector.shape_cast %swap3A_79 : vector<16xi32> to vector<16xi32>
    %swap3A_81 = vector.shape_cast %get3A_77 : vector<16xi32> to vector<16xi32>
    tpu.vector_store %arg7[%swap3A_78], %swap3A_81 {strides = array<i32>} : memref<1024xi32, #tpu.memory_space<vmem>>, vector<16xi32>,
    %get3A_82 = arith.constant 9 : i32
    %get3A_83 = arith.index_cast %get3A_82 : i32 to index
    %get3A_84 = arith.constant 0 : index
    %get3A_85 = tpu.vector_load %arg6[%get3A_83, %get3A_84] {strides = array<i32>} : memref<64x16xi32, #tpu.memory_space<vmem>>, vector<1x16xi32>,
    %get3A_86 = vector.shape_cast %get3A_85 : vector<1x16xi32> to vector<16xi32>
    %swap3A_87 = arith.constant 144 : index
    %swap3A_88 = tpu.vector_load %arg7[%swap3A_87] {strides = array<i32>} : memref<1024xi32, #tpu.memory_space<vmem>>, vector<16xi32>,
    %swap3A_89 = vector.shape_cast %swap3A_88 : vector<16xi32> to vector<16xi32>
    %swap3A_90 = vector.shape_cast %get3A_86 : vector<16xi32> to vector<16xi32>
    tpu.vector_store %arg7[%swap3A_87], %swap3A_90 {strides = array<i32>} : memref<1024xi32, #tpu.memory_space<vmem>>, vector<16xi32>,
    %get3A_91 = arith.constant 10 : i32
    %get3A_92 = arith.index_cast %get3A_91 : i32 to index
    %get3A_93 = arith.constant 0 : index
    %get3A_94 = tpu.vector_load %arg6[%get3A_92, %get3A_93] {strides = array<i32>} : memref<64x16xi32, #tpu.memory_space<vmem>>, vector<1x16xi32>,
    %get3A_95 = vector.shape_cast %get3A_94 : vector<1x16xi32> to vector<16xi32>
    %swap3A_96 = arith.constant 160 : index
    %swap3A_97 = tpu.vector_load %arg7[%swap3A_96] {strides = array<i32>} : memref<1024xi32, #tpu.memory_space<vmem>>, vector<16xi32>,
    %swap3A_98 = vector.shape_cast %swap3A_97 : vector<16xi32> to vector<16xi32>
    %swap3A_99 = vector.shape_cast %get3A_95 : vector<16xi32> to vector<16xi32>
    tpu.vector_store %arg7[%swap3A_96], %swap3A_99 {strides = array<i32>} : memref<1024xi32, #tpu.memory_space<vmem>>, vector<16xi32>,
    %get3A_100 = arith.constant 11 : i32
    %get3A_101 = arith.index_cast %get3A_100 : i32 to index
    %get3A_102 = arith.constant 0 : index
    %get3A_103 = tpu.vector_load %arg6[%get3A_101, %get3A_102] {strides = array<i32>} : memref<64x16xi32, #tpu.memory_space<vmem>>, vector<1x16xi32>,
    %get3A_104 = vector.shape_cast %get3A_103 : vector<1x16xi32> to vector<16xi32>
    %swap3A_105 = arith.constant 176 : index
    %swap3A_106 = tpu.vector_load %arg7[%swap3A_105] {strides = array<i32>} : memref<1024xi32, #tpu.memory_space<vmem>>, vector<16xi32>,
    %swap3A_107 = vector.shape_cast %swap3A_106 : vector<16xi32> to vector<16xi32>
    %swap3A_108 = vector.shape_cast %get3A_104 : vector<16xi32> to vector<16xi32>
    tpu.vector_store %arg7[%swap3A_105], %swap3A_108 {strides = array<i32>} : memref<1024xi32, #tpu.memory_space<vmem>>, vector<16xi32>,
    %get3A_109 = arith.constant 12 : i32
    %get3A_110 = arith.index_cast %get3A_109 : i32 to index
    %get3A_111 = arith.constant 0 : index
    %get3A_112 = tpu.vector_load %arg6[%get3A_110, %get3A_111] {strides = array<i32>} : memref<64x16xi32, #tpu.memory_space<vmem>>, vector<1x16xi32>,
    %get3A_113 = vector.shape_cast %get3A_112 : vector<1x16xi32> to vector<16xi32>
    %swap3A_114 = arith.constant 192 : index
    %swap3A_115 = tpu.vector_load %arg7[%swap3A_114] {strides = array<i32>} : memref<1024xi32, #tpu.memory_space<vmem>>, vector<16xi32>,
    %swap3A_116 = vector.shape_cast %swap3A_115 : vector<16xi32> to vector<16xi32>
    %swap3A_117 = vector.shape_cast %get3A_113 : vector<16xi32> to vector<16xi32>
    tpu.vector_store %arg7[%swap3A_114], %swap3A_117 {strides = array<i32>} : memref<1024xi32, #tpu.memory_space<vmem>>, vector<16xi32>,
    %get3A_118 = arith.constant 13 : i32
    %get3A_119 = arith.index_cast %get3A_118 : i32 to index
    %get3A_120 = arith.constant 0 : index
    %get3A_121 = tpu.vector_load %arg6[%get3A_119, %get3A_120] {strides = array<i32>} : memref<64x16xi32, #tpu.memory_space<vmem>>, vector<1x16xi32>,
    %get3A_122 = vector.shape_cast %get3A_121 : vector<1x16xi32> to vector<16xi32>
    %swap3A_123 = arith.constant 208 : index
    %swap3A_124 = tpu.vector_load %arg7[%swap3A_123] {strides = array<i32>} : memref<1024xi32, #tpu.memory_space<vmem>>, vector<16xi32>,
    %swap3A_125 = vector.shape_cast %swap3A_124 : vector<16xi32> to vector<16xi32>
    %swap3A_126 = vector.shape_cast %get3A_122 : vector<16xi32> to vector<16xi32>
    tpu.vector_store %arg7[%swap3A_123], %swap3A_126 {strides = array<i32>} : memref<1024xi32, #tpu.memory_space<vmem>>, vector<16xi32>,
    %get3A_127 = arith.constant 14 : i32
    %get3A_128 = arith.index_cast %get3A_127 : i32 to index
    %get3A_129 = arith.constant 0 : index
    %get3A_130 = tpu.vector_load %arg6[%get3A_128, %get3A_129] {strides = array<i32>} : memref<64x16xi32, #tpu.memory_space<vmem>>, vector<1x16xi32>,
    %get3A_131 = vector.shape_cast %get3A_130 : vector<1x16xi32> to vector<16xi32>
    %swap3A_132 = arith.constant 224 : index
    %swap3A_133 = tpu.vector_load %arg7[%swap3A_132] {strides = array<i32>} : memref<1024xi32, #tpu.memory_space<vmem>>, vector<16xi32>,
    %swap3A_134 = vector.shape_cast %swap3A_133 : vector<16xi32> to vector<16xi32>
    %swap3A_135 = vector.shape_cast %get3A_131 : vector<16xi32> to vector<16xi32>
    tpu.vector_store %arg7[%swap3A_132], %swap3A_135 {strides = array<i32>} : memref<1024xi32, #tpu.memory_space<vmem>>, vector<16xi32>,
    %get3A_136 = arith.constant 15 : i32
    %get3A_137 = arith.index_cast %get3A_136 : i32 to index
    %get3A_138 = arith.constant 0 : index
    %get3A_139 = tpu.vector_load %arg6[%get3A_137, %get3A_138] {strides = array<i32>} : memref<64x16xi32, #tpu.memory_space<vmem>>, vector<1x16xi32>,
    %get3A_140 = vector.shape_cast %get3A_139 : vector<1x16xi32> to vector<16xi32>
    %swap3A_141 = arith.constant 240 : index
    %swap3A_142 = tpu.vector_load %arg7[%swap3A_141] {strides = array<i32>} : memref<1024xi32, #tpu.memory_space<vmem>>, vector<16xi32>,
    %swap3A_143 = vector.shape_cast %swap3A_142 : vector<16xi32> to vector<16xi32>
    %swap3A_144 = vector.shape_cast %get3A_140 : vector<16xi32> to vector<16xi32>
    tpu.vector_store %arg7[%swap3A_141], %swap3A_144 {strides = array<i32>} : memref<1024xi32, #tpu.memory_space<vmem>>, vector<16xi32>,
    %get3A_145 = arith.constant 16 : i32
    %get3A_146 = arith.index_cast %get3A_145 : i32 to index
    %get3A_147 = arith.constant 0 : index
    %get3A_148 = tpu.vector_load %arg6[%get3A_146, %get3A_147] {strides = array<i32>} : memref<64x16xi32, #tpu.memory_space<vmem>>, vector<1x16xi32>,
    %get3A_149 = vector.shape_cast %get3A_148 : vector<1x16xi32> to vector<16xi32>
    %swap3A_150 = arith.constant 256 : index
    %swap3A_151 = tpu.vector_load %arg7[%swap3A_150] {strides = array<i32>} : memref<1024xi32, #tpu.memory_space<vmem>>, vector<16xi32>,
    %swap3A_152 = vector.shape_cast %swap3A_151 : vector<16xi32> to vector<16xi32>
    %swap3A_153 = vector.shape_cast %get3A_149 : vector<16xi32> to vector<16xi32>
    tpu.vector_store %arg7[%swap3A_150], %swap3A_153 {strides = array<i32>} : memref<1024xi32, #tpu.memory_space<vmem>>, vector<16xi32>,
    %get3A_154 = arith.constant 17 : i32
    %get3A_155 = arith.index_cast %get3A_154 : i32 to index
    %get3A_156 = arith.constant 0 : index
    %get3A_157 = tpu.vector_load %arg6[%get3A_155, %get3A_156] {strides = array<i32>} : memref<64x16xi32, #tpu.memory_space<vmem>>, vector<1x16xi32>,
    %get3A_158 = vector.shape_cast %get3A_157 : vector<1x16xi32> to vector<16xi32>
    %swap3A_159 = arith.constant 272 : index
    %swap3A_160 = tpu.vector_load %arg7[%swap3A_159] {strides = array<i32>} : memref<1024xi32, #tpu.memory_space<vmem>>, vector<16xi32>,
    %swap3A_161 = vector.shape_cast %swap3A_160 : vector<16xi32> to vector<16xi32>
    %swap3A_162 = vector.shape_cast %get3A_158 : vector<16xi32> to vector<16xi32>
    tpu.vector_store %arg7[%swap3A_159], %swap3A_162 {strides = array<i32>} : memref<1024xi32, #tpu.memory_space<vmem>>, vector<16xi32>,
    %get3A_163 = arith.constant 18 : i32
    %get3A_164 = arith.index_cast %get3A_163 : i32 to index
    %get3A_165 = arith.constant 0 : index
    %get3A_166 = tpu.vector_load %arg6[%get3A_164, %get3A_165] {strides = array<i32>} : memref<64x16xi32, #tpu.memory_space<vmem>>, vector<1x16xi32>,
    %get3A_167 = vector.shape_cast %get3A_166 : vector<1x16xi32> to vector<16xi32>
    %swap3A_168 = arith.constant 288 : index
    %swap3A_169 = tpu.vector_load %arg7[%swap3A_168] {strides = array<i32>} : memref<1024xi32, #tpu.memory_space<vmem>>, vector<16xi32>,
    %swap3A_170 = vector.shape_cast %swap3A_169 : vector<16xi32> to vector<16xi32>
    %swap3A_171 = vector.shape_cast %get3A_167 : vector<16xi32> to vector<16xi32>
    tpu.vector_store %arg7[%swap3A_168], %swap3A_171 {strides = array<i32>} : memref<1024xi32, #tpu.memory_space<vmem>>, vector<16xi32>,
    %get3A_172 = arith.constant 19 : i32
    %get3A_173 = arith.index_cast %get3A_172 : i32 to index
    %get3A_174 = arith.constant 0 : index
    %get3A_175 = tpu.vector_load %arg6[%get3A_173, %get3A_174] {strides = array<i32>} : memref<64x16xi32, #tpu.memory_space<vmem>>, vector<1x16xi32>,
    %get3A_176 = vector.shape_cast %get3A_175 : vector<1x16xi32> to vector<16xi32>
    %swap3A_177 = arith.constant 304 : index
    %swap3A_178 = tpu.vector_load %arg7[%swap3A_177] {strides = array<i32>} : memref<1024xi32, #tpu.memory_space<vmem>>, vector<16xi32>,
    %swap3A_179 = vector.shape_cast %swap3A_178 : vector<16xi32> to vector<16xi32>
    %swap3A_180 = vector.shape_cast %get3A_176 : vector<16xi32> to vector<16xi32>
    tpu.vector_store %arg7[%swap3A_177], %swap3A_180 {strides = array<i32>} : memref<1024xi32, #tpu.memory_space<vmem>>, vector<16xi32>,
    %get3A_181 = arith.constant 20 : i32
    %get3A_182 = arith.index_cast %get3A_181 : i32 to index
    %get3A_183 = arith.constant 0 : index
    %get3A_184 = tpu.vector_load %arg6[%get3A_182, %get3A_183] {strides = array<i32>} : memref<64x16xi32, #tpu.memory_space<vmem>>, vector<1x16xi32>,
    %get3A_185 = vector.shape_cast %get3A_184 : vector<1x16xi32> to vector<16xi32>
    %swap3A_186 = arith.constant 320 : index
    %swap3A_187 = tpu.vector_load %arg7[%swap3A_186] {strides = array<i32>} : memref<1024xi32, #tpu.memory_space<vmem>>, vector<16xi32>,
    %swap3A_188 = vector.shape_cast %swap3A_187 : vector<16xi32> to vector<16xi32>
    %swap3A_189 = vector.shape_cast %get3A_185 : vector<16xi32> to vector<16xi32>
    tpu.vector_store %arg7[%swap3A_186], %swap3A_189 {strides = array<i32>} : memref<1024xi32, #tpu.memory_space<vmem>>, vector<16xi32>,
    %get3A_190 = arith.constant 21 : i32
    %get3A_191 = arith.index_cast %get3A_190 : i32 to index
    %get3A_192 = arith.constant 0 : index
    %get3A_193 = tpu.vector_load %arg6[%get3A_191, %get3A_192] {strides = array<i32>} : memref<64x16xi32, #tpu.memory_space<vmem>>, vector<1x16xi32>,
    %get3A_194 = vector.shape_cast %get3A_193 : vector<1x16xi32> to vector<16xi32>
    %swap3A_195 = arith.constant 336 : index
    %swap3A_196 = tpu.vector_load %arg7[%swap3A_195] {strides = array<i32>} : memref<1024xi32, #tpu.memory_space<vmem>>, vector<16xi32>,
    %swap3A_197 = vector.shape_cast %swap3A_196 : vector<16xi32> to vector<16xi32>
    %swap3A_198 = vector.shape_cast %get3A_194 : vector<16xi32> to vector<16xi32>
    tpu.vector_store %arg7[%swap3A_195], %swap3A_198 {strides = array<i32>} : memref<1024xi32, #tpu.memory_space<vmem>>, vector<16xi32>,
    %get3A_199 = arith.constant 22 : i32
    %get3A_200 = arith.index_cast %get3A_199 : i32 to index
    %get3A_201 = arith.constant 0 : index
    %get3A_202 = tpu.vector_load %arg6[%get3A_200, %get3A_201] {strides = array<i32>} : memref<64x16xi32, #tpu.memory_space<vmem>>, vector<1x16xi32>,
    %get3A_203 = vector.shape_cast %get3A_202 : vector<1x16xi32> to vector<16xi32>
    %swap3A_204 = arith.constant 352 : index
    %swap3A_205 = tpu.vector_load %arg7[%swap3A_204] {strides = array<i32>} : memref<1024xi32, #tpu.memory_space<vmem>>, vector<16xi32>,
    %swap3A_206 = vector.shape_cast %swap3A_205 : vector<16xi32> to vector<16xi32>
    %swap3A_207 = vector.shape_cast %get3A_203 : vector<16xi32> to vector<16xi32>
    tpu.vector_store %arg7[%swap3A_204], %swap3A_207 {strides = array<i32>} : memref<1024xi32, #tpu.memory_space<vmem>>, vector<16xi32>,
    %get3A_208 = arith.constant 23 : i32
    %get3A_209 = arith.index_cast %get3A_208 : i32 to index
    %get3A_210 = arith.constant 0 : index
    %get3A_211 = tpu.vector_load %arg6[%get3A_209, %get3A_210] {strides = array<i32>} : memref<64x16xi32, #tpu.memory_space<vmem>>, vector<1x16xi32>,
    %get3A_212 = vector.shape_cast %get3A_211 : vector<1x16xi32> to vector<16xi32>
    %swap3A_213 = arith.constant 368 : index
    %swap3A_214 = tpu.vector_load %arg7[%swap3A_213] {strides = array<i32>} : memref<1024xi32, #tpu.memory_space<vmem>>, vector<16xi32>,
    %swap3A_215 = vector.shape_cast %swap3A_214 : vector<16xi32> to vector<16xi32>
    %swap3A_216 = vector.shape_cast %get3A_212 : vector<16xi32> to vector<16xi32>
    tpu.vector_store %arg7[%swap3A_213], %swap3A_216 {strides = array<i32>} : memref<1024xi32, #tpu.memory_space<vmem>>, vector<16xi32>,
    %get3A_217 = arith.constant 24 : i32
    %get3A_218 = arith.index_cast %get3A_217 : i32 to index
    %get3A_219 = arith.constant 0 : index
    %get3A_220 = tpu.vector_load %arg6[%get3A_218, %get3A_219] {strides = array<i32>} : memref<64x16xi32, #tpu.memory_space<vmem>>, vector<1x16xi32>,
    %get3A_221 = vector.shape_cast %get3A_220 : vector<1x16xi32> to vector<16xi32>
    %swap3A_222 = arith.constant 384 : index
    %swap3A_223 = tpu.vector_load %arg7[%swap3A_222] {strides = array<i32>} : memref<1024xi32, #tpu.memory_space<vmem>>, vector<16xi32>,
    %swap3A_224 = vector.shape_cast %swap3A_223 : vector<16xi32> to vector<16xi32>
    %swap3A_225 = vector.shape_cast %get3A_221 : vector<16xi32> to vector<16xi32>
    tpu.vector_store %arg7[%swap3A_222], %swap3A_225 {strides = array<i32>} : memref<1024xi32, #tpu.memory_space<vmem>>, vector<16xi32>,
    %get3A_226 = arith.constant 25 : i32
    %get3A_227 = arith.index_cast %get3A_226 : i32 to index
    %get3A_228 = arith.constant 0 : index
    %get3A_229 = tpu.vector_load %arg6[%get3A_227, %get3A_228] {strides = array<i32>} : memref<64x16xi32, #tpu.memory_space<vmem>>, vector<1x16xi32>,
    %get3A_230 = vector.shape_cast %get3A_229 : vector<1x16xi32> to vector<16xi32>
    %swap3A_231 = arith.constant 400 : index
    %swap3A_232 = tpu.vector_load %arg7[%swap3A_231] {strides = array<i32>} : memref<1024xi32, #tpu.memory_space<vmem>>, vector<16xi32>,
    %swap3A_233 = vector.shape_cast %swap3A_232 : vector<16xi32> to vector<16xi32>
    %swap3A_234 = vector.shape_cast %get3A_230 : vector<16xi32> to vector<16xi32>
    tpu.vector_store %arg7[%swap3A_231], %swap3A_234 {strides = array<i32>} : memref<1024xi32, #tpu.memory_space<vmem>>, vector<16xi32>,
    %get3A_235 = arith.constant 26 : i32
    %get3A_236 = arith.index_cast %get3A_235 : i32 to index
    %get3A_237 = arith.constant 0 : index
    %get3A_238 = tpu.vector_load %arg6[%get3A_236, %get3A_237] {strides = array<i32>} : memref<64x16xi32, #tpu.memory_space<vmem>>, vector<1x16xi32>,
    %get3A_239 = vector.shape_cast %get3A_238 : vector<1x16xi32> to vector<16xi32>
    %swap3A_240 = arith.constant 416 : index
    %swap3A_241 = tpu.vector_load %arg7[%swap3A_240] {strides = array<i32>} : memref<1024xi32, #tpu.memory_space<vmem>>, vector<16xi32>,
    %swap3A_242 = vector.shape_cast %swap3A_241 : vector<16xi32> to vector<16xi32>
    %swap3A_243 = vector.shape_cast %get3A_239 : vector<16xi32> to vector<16xi32>
    tpu.vector_store %arg7[%swap3A_240], %swap3A_243 {strides = array<i32>} : memref<1024xi32, #tpu.memory_space<vmem>>, vector<16xi32>,
    %get3A_244 = arith.constant 27 : i32
    %get3A_245 = arith.index_cast %get3A_244 : i32 to index
    %get3A_246 = arith.constant 0 : index
    %get3A_247 = tpu.vector_load %arg6[%get3A_245, %get3A_246] {strides = array<i32>} : memref<64x16xi32, #tpu.memory_space<vmem>>, vector<1x16xi32>,
    %get3A_248 = vector.shape_cast %get3A_247 : vector<1x16xi32> to vector<16xi32>
    %swap3A_249 = arith.constant 432 : index
    %swap3A_250 = tpu.vector_load %arg7[%swap3A_249] {strides = array<i32>} : memref<1024xi32, #tpu.memory_space<vmem>>, vector<16xi32>,
    %swap3A_251 = vector.shape_cast %swap3A_250 : vector<16xi32> to vector<16xi32>
    %swap3A_252 = vector.shape_cast %get3A_248 : vector<16xi32> to vector<16xi32>
    tpu.vector_store %arg7[%swap3A_249], %swap3A_252 {strides = array<i32>} : memref<1024xi32, #tpu.memory_space<vmem>>, vector<16xi32>,
    %get3A_253 = arith.constant 28 : i32
    %get3A_254 = arith.index_cast %get3A_253 : i32 to index
    %get3A_255 = arith.constant 0 : index
    %get3A_256 = tpu.vector_load %arg6[%get3A_254, %get3A_255] {strides = array<i32>} : memref<64x16xi32, #tpu.memory_space<vmem>>, vector<1x16xi32>,
    %get3A_257 = vector.shape_cast %get3A_256 : vector<1x16xi32> to vector<16xi32>
    %swap3A_258 = arith.constant 448 : index
    %swap3A_259 = tpu.vector_load %arg7[%swap3A_258] {strides = array<i32>} : memref<1024xi32, #tpu.memory_space<vmem>>, vector<16xi32>,
    %swap3A_260 = vector.shape_cast %swap3A_259 : vector<16xi32> to vector<16xi32>
    %swap3A_261 = vector.shape_cast %get3A_257 : vector<16xi32> to vector<16xi32>
    tpu.vector_store %arg7[%swap3A_258], %swap3A_261 {strides = array<i32>} : memref<1024xi32, #tpu.memory_space<vmem>>, vector<16xi32>,
    %get3A_262 = arith.constant 29 : i32
    %get3A_263 = arith.index_cast %get3A_262 : i32 to index
    %get3A_264 = arith.constant 0 : index
    %get3A_265 = tpu.vector_load %arg6[%get3A_263, %get3A_264] {strides = array<i32>} : memref<64x16xi32, #tpu.memory_space<vmem>>, vector<1x16xi32>,
    %get3A_266 = vector.shape_cast %get3A_265 : vector<1x16xi32> to vector<16xi32>
    %swap3A_267 = arith.constant 464 : index
    %swap3A_268 = tpu.vector_load %arg7[%swap3A_267] {strides = array<i32>} : memref<1024xi32, #tpu.memory_space<vmem>>, vector<16xi32>,
    %swap3A_269 = vector.shape_cast %swap3A_268 : vector<16xi32> to vector<16xi32>
    %swap3A_270 = vector.shape_cast %get3A_266 : vector<16xi32> to vector<16xi32>
    tpu.vector_store %arg7[%swap3A_267], %swap3A_270 {strides = array<i32>} : memref<1024xi32, #tpu.memory_space<vmem>>, vector<16xi32>,
    %get3A_271 = arith.constant 30 : i32
    %get3A_272 = arith.index_cast %get3A_271 : i32 to index
    %get3A_273 = arith.constant 0 : index
    %get3A_274 = tpu.vector_load %arg6[%get3A_272, %get3A_273] {strides = array<i32>} : memref<64x16xi32, #tpu.memory_space<vmem>>, vector<1x16xi32>,
    %get3A_275 = vector.shape_cast %get3A_274 : vector<1x16xi32> to vector<16xi32>
    %swap3A_276 = arith.constant 480 : index
    %swap3A_277 = tpu.vector_load %arg7[%swap3A_276] {strides = array<i32>} : memref<1024xi32, #tpu.memory_space<vmem>>, vector<16xi32>,
    %swap3A_278 = vector.shape_cast %swap3A_277 : vector<16xi32> to vector<16xi32>
    %swap3A_279 = vector.shape_cast %get3A_275 : vector<16xi32> to vector<16xi32>
    tpu.vector_store %arg7[%swap3A_276], %swap3A_279 {strides = array<i32>} : memref<1024xi32, #tpu.memory_space<vmem>>, vector<16xi32>,
    %get3A_280 = arith.constant 31 : i32
    %get3A_281 = arith.index_cast %get3A_280 : i32 to index
    %get3A_282 = arith.constant 0 : index
    %get3A_283 = tpu.vector_load %arg6[%get3A_281, %get3A_282] {strides = array<i32>} : memref<64x16xi32, #tpu.memory_space<vmem>>, vector<1x16xi32>,
    %get3A_284 = vector.shape_cast %get3A_283 : vector<1x16xi32> to vector<16xi32>
    %swap3A_285 = arith.constant 496 : index
    %swap3A_286 = tpu.vector_load %arg7[%swap3A_285] {strides = array<i32>} : memref<1024xi32, #tpu.memory_space<vmem>>, vector<16xi32>,
    %swap3A_287 = vector.shape_cast %swap3A_286 : vector<16xi32> to vector<16xi32>
    %swap3A_288 = vector.shape_cast %get3A_284 : vector<16xi32> to vector<16xi32>
    tpu.vector_store %arg7[%swap3A_285], %swap3A_288 {strides = array<i32>} : memref<1024xi32, #tpu.memory_space<vmem>>, vector<16xi32>,
    %get3A_289 = arith.constant 32 : i32
    %get3A_290 = arith.index_cast %get3A_289 : i32 to index
    %get3A_291 = arith.constant 0 : index
    %get3A_292 = tpu.vector_load %arg6[%get3A_290, %get3A_291] {strides = array<i32>} : memref<64x16xi32, #tpu.memory_space<vmem>>, vector<1x16xi32>,
    %get3A_293 = vector.shape_cast %get3A_292 : vector<1x16xi32> to vector<16xi32>
    %swap3A_294 = arith.constant 512 : index
    %swap3A_295 = tpu.vector_load %arg7[%swap3A_294] {strides = array<i32>} : memref<1024xi32, #tpu.memory_space<vmem>>, vector<16xi32>,
    %swap3A_296 = vector.shape_cast %swap3A_295 : vector<16xi32> to vector<16xi32>
    %swap3A_297 = vector.shape_cast %get3A_293 : vector<16xi32> to vector<16xi32>
    tpu.vector_store %arg7[%swap3A_294], %swap3A_297 {strides = array<i32>} : memref<1024xi32, #tpu.memory_space<vmem>>, vector<16xi32>,
    %get3A_298 = arith.constant 33 : i32
    %get3A_299 = arith.index_cast %get3A_298 : i32 to index
    %get3A_300 = arith.constant 0 : index
    %get3A_301 = tpu.vector_load %arg6[%get3A_299, %get3A_300] {strides = array<i32>} : memref<64x16xi32, #tpu.memory_space<vmem>>, vector<1x16xi32>,
    %get3A_302 = vector.shape_cast %get3A_301 : vector<1x16xi32> to vector<16xi32>
    %swap3A_303 = arith.constant 528 : index
    %swap3A_304 = tpu.vector_load %arg7[%swap3A_303] {strides = array<i32>} : memref<1024xi32, #tpu.memory_space<vmem>>, vector<16xi32>,
    %swap3A_305 = vector.shape_cast %swap3A_304 : vector<16xi32> to vector<16xi32>
    %swap3A_306 = vector.shape_cast %get3A_302 : vector<16xi32> to vector<16xi32>
    tpu.vector_store %arg7[%swap3A_303], %swap3A_306 {strides = array<i32>} : memref<1024xi32, #tpu.memory_space<vmem>>, vector<16xi32>,
    %get3A_307 = arith.constant 34 : i32
    %get3A_308 = arith.index_cast %get3A_307 : i32 to index
    %get3A_309 = arith.constant 0 : index
    %get3A_310 = tpu.vector_load %arg6[%get3A_308, %get3A_309] {strides = array<i32>} : memref<64x16xi32, #tpu.memory_space<vmem>>, vector<1x16xi32>,
    %get3A_311 = vector.shape_cast %get3A_310 : vector<1x16xi32> to vector<16xi32>
    %swap3A_312 = arith.constant 544 : index
    %swap3A_313 = tpu.vector_load %arg7[%swap3A_312] {strides = array<i32>} : memref<1024xi32, #tpu.memory_space<vmem>>, vector<16xi32>,
    %swap3A_314 = vector.shape_cast %swap3A_313 : vector<16xi32> to vector<16xi32>
    %swap3A_315 = vector.shape_cast %get3A_311 : vector<16xi32> to vector<16xi32>
    tpu.vector_store %arg7[%swap3A_312], %swap3A_315 {strides = array<i32>} : memref<1024xi32, #tpu.memory_space<vmem>>, vector<16xi32>,
    %get3A_316 = arith.constant 35 : i32
    %get3A_317 = arith.index_cast %get3A_316 : i32 to index
    %get3A_318 = arith.constant 0 : index
    %get3A_319 = tpu.vector_load %arg6[%get3A_317, %get3A_318] {strides = array<i32>} : memref<64x16xi32, #tpu.memory_space<vmem>>, vector<1x16xi32>,
    %get3A_320 = vector.shape_cast %get3A_319 : vector<1x16xi32> to vector<16xi32>
    %swap3A_321 = arith.constant 560 : index
    %swap3A_322 = tpu.vector_load %arg7[%swap3A_321] {strides = array<i32>} : memref<1024xi32, #tpu.memory_space<vmem>>, vector<16xi32>,
    %swap3A_323 = vector.shape_cast %swap3A_322 : vector<16xi32> to vector<16xi32>
    %swap3A_324 = vector.shape_cast %get3A_320 : vector<16xi32> to vector<16xi32>
    tpu.vector_store %arg7[%swap3A_321], %swap3A_324 {strides = array<i32>} : memref<1024xi32, #tpu.memory_space<vmem>>, vector<16xi32>,
    %get3A_325 = arith.constant 36 : i32
    %get3A_326 = arith.index_cast %get3A_325 : i32 to index
    %get3A_327 = arith.constant 0 : index
    %get3A_328 = tpu.vector_load %arg6[%get3A_326, %get3A_327] {strides = array<i32>} : memref<64x16xi32, #tpu.memory_space<vmem>>, vector<1x16xi32>,
    %get3A_329 = vector.shape_cast %get3A_328 : vector<1x16xi32> to vector<16xi32>
    %swap3A_330 = arith.constant 576 : index
    %swap3A_331 = tpu.vector_load %arg7[%swap3A_330] {strides = array<i32>} : memref<1024xi32, #tpu.memory_space<vmem>>, vector<16xi32>,
    %swap3A_332 = vector.shape_cast %swap3A_331 : vector<16xi32> to vector<16xi32>
    %swap3A_333 = vector.shape_cast %get3A_329 : vector<16xi32> to vector<16xi32>
    tpu.vector_store %arg7[%swap3A_330], %swap3A_333 {strides = array<i32>} : memref<1024xi32, #tpu.memory_space<vmem>>, vector<16xi32>,
    %get3A_334 = arith.constant 37 : i32
    %get3A_335 = arith.index_cast %get3A_334 : i32 to index
    %get3A_336 = arith.constant 0 : index
    %get3A_337 = tpu.vector_load %arg6[%get3A_335, %get3A_336] {strides = array<i32>} : memref<64x16xi32, #tpu.memory_space<vmem>>, vector<1x16xi32>,
    %get3A_338 = vector.shape_cast %get3A_337 : vector<1x16xi32> to vector<16xi32>
    %swap3A_339 = arith.constant 592 : index
    %swap3A_340 = tpu.vector_load %arg7[%swap3A_339] {strides = array<i32>} : memref<1024xi32, #tpu.memory_space<vmem>>, vector<16xi32>,
    %swap3A_341 = vector.shape_cast %swap3A_340 : vector<16xi32> to vector<16xi32>
    %swap3A_342 = vector.shape_cast %get3A_338 : vector<16xi32> to vector<16xi32>
    tpu.vector_store %arg7[%swap3A_339], %swap3A_342 {strides = array<i32>} : memref<1024xi32, #tpu.memory_space<vmem>>, vector<16xi32>,
    %get3A_343 = arith.constant 38 : i32
    %get3A_344 = arith.index_cast %get3A_343 : i32 to index
    %get3A_345 = arith.constant 0 : index
    %get3A_346 = tpu.vector_load %arg6[%get3A_344, %get3A_345] {strides = array<i32>} : memref<64x16xi32, #tpu.memory_space<vmem>>, vector<1x16xi32>,
    %get3A_347 = vector.shape_cast %get3A_346 : vector<1x16xi32> to vector<16xi32>
    %swap3A_348 = arith.constant 608 : index
    %swap3A_349 = tpu.vector_load %arg7[%swap3A_348] {strides = array<i32>} : memref<1024xi32, #tpu.memory_space<vmem>>, vector<16xi32>,
    %swap3A_350 = vector.shape_cast %swap3A_349 : vector<16xi32> to vector<16xi32>
    %swap3A_351 = vector.shape_cast %get3A_347 : vector<16xi32> to vector<16xi32>
    tpu.vector_store %arg7[%swap3A_348], %swap3A_351 {strides = array<i32>} : memref<1024xi32, #tpu.memory_space<vmem>>, vector<16xi32>,
    %get3A_352 = arith.constant 39 : i32
    %get3A_353 = arith.index_cast %get3A_352 : i32 to index
    %get3A_354 = arith.constant 0 : index
    %get3A_355 = tpu.vector_load %arg6[%get3A_353, %get3A_354] {strides = array<i32>} : memref<64x16xi32, #tpu.memory_space<vmem>>, vector<1x16xi32>,
    %get3A_356 = vector.shape_cast %get3A_355 : vector<1x16xi32> to vector<16xi32>
    %swap3A_357 = arith.constant 624 : index
    %swap3A_358 = tpu.vector_load %arg7[%swap3A_357] {strides = array<i32>} : memref<1024xi32, #tpu.memory_space<vmem>>, vector<16xi32>,
    %swap3A_359 = vector.shape_cast %swap3A_358 : vector<16xi32> to vector<16xi32>
    %swap3A_360 = vector.shape_cast %get3A_356 : vector<16xi32> to vector<16xi32>
    tpu.vector_store %arg7[%swap3A_357], %swap3A_360 {strides = array<i32>} : memref<1024xi32, #tpu.memory_space<vmem>>, vector<16xi32>,
    %get3A_361 = arith.constant 40 : i32
    %get3A_362 = arith.index_cast %get3A_361 : i32 to index
    %get3A_363 = arith.constant 0 : index
    %get3A_364 = tpu.vector_load %arg6[%get3A_362, %get3A_363] {strides = array<i32>} : memref<64x16xi32, #tpu.memory_space<vmem>>, vector<1x16xi32>,
    %get3A_365 = vector.shape_cast %get3A_364 : vector<1x16xi32> to vector<16xi32>
    %swap3A_366 = arith.constant 640 : index
    %swap3A_367 = tpu.vector_load %arg7[%swap3A_366] {strides = array<i32>} : memref<1024xi32, #tpu.memory_space<vmem>>, vector<16xi32>,
    %swap3A_368 = vector.shape_cast %swap3A_367 : vector<16xi32> to vector<16xi32>
    %swap3A_369 = vector.shape_cast %get3A_365 : vector<16xi32> to vector<16xi32>
    tpu.vector_store %arg7[%swap3A_366], %swap3A_369 {strides = array<i32>} : memref<1024xi32, #tpu.memory_space<vmem>>, vector<16xi32>,
    %get3A_370 = arith.constant 41 : i32
    %get3A_371 = arith.index_cast %get3A_370 : i32 to index
    %get3A_372 = arith.constant 0 : index
    %get3A_373 = tpu.vector_load %arg6[%get3A_371, %get3A_372] {strides = array<i32>} : memref<64x16xi32, #tpu.memory_space<vmem>>, vector<1x16xi32>,
    %get3A_374 = vector.shape_cast %get3A_373 : vector<1x16xi32> to vector<16xi32>
    %swap3A_375 = arith.constant 656 : index
    %swap3A_376 = tpu.vector_load %arg7[%swap3A_375] {strides = array<i32>} : memref<1024xi32, #tpu.memory_space<vmem>>, vector<16xi32>,
    %swap3A_377 = vector.shape_cast %swap3A_376 : vector<16xi32> to vector<16xi32>
    %swap3A_378 = vector.shape_cast %get3A_374 : vector<16xi32> to vector<16xi32>
    tpu.vector_store %arg7[%swap3A_375], %swap3A_378 {strides = array<i32>} : memref<1024xi32, #tpu.memory_space<vmem>>, vector<16xi32>,
    %get3A_379 = arith.constant 42 : i32
    %get3A_380 = arith.index_cast %get3A_379 : i32 to index
    %get3A_381 = arith.constant 0 : index
    %get3A_382 = tpu.vector_load %arg6[%get3A_380, %get3A_381] {strides = array<i32>} : memref<64x16xi32, #tpu.memory_space<vmem>>, vector<1x16xi32>,
    %get3A_383 = vector.shape_cast %get3A_382 : vector<1x16xi32> to vector<16xi32>
    %swap3A_384 = arith.constant 672 : index
    %swap3A_385 = tpu.vector_load %arg7[%swap3A_384] {strides = array<i32>} : memref<1024xi32, #tpu.memory_space<vmem>>, vector<16xi32>,
    %swap3A_386 = vector.shape_cast %swap3A_385 : vector<16xi32> to vector<16xi32>
    %swap3A_387 = vector.shape_cast %get3A_383 : vector<16xi32> to vector<16xi32>
    tpu.vector_store %arg7[%swap3A_384], %swap3A_387 {strides = array<i32>} : memref<1024xi32, #tpu.memory_space<vmem>>, vector<16xi32>,
    %get3A_388 = arith.constant 43 : i32
    %get3A_389 = arith.index_cast %get3A_388 : i32 to index
    %get3A_390 = arith.constant 0 : index
    %get3A_391 = tpu.vector_load %arg6[%get3A_389, %get3A_390] {strides = array<i32>} : memref<64x16xi32, #tpu.memory_space<vmem>>, vector<1x16xi32>,
    %get3A_392 = vector.shape_cast %get3A_391 : vector<1x16xi32> to vector<16xi32>
    %swap3A_393 = arith.constant 688 : index
    %swap3A_394 = tpu.vector_load %arg7[%swap3A_393] {strides = array<i32>} : memref<1024xi32, #tpu.memory_space<vmem>>, vector<16xi32>,
    %swap3A_395 = vector.shape_cast %swap3A_394 : vector<16xi32> to vector<16xi32>
    %swap3A_396 = vector.shape_cast %get3A_392 : vector<16xi32> to vector<16xi32>
    tpu.vector_store %arg7[%swap3A_393], %swap3A_396 {strides = array<i32>} : memref<1024xi32, #tpu.memory_space<vmem>>, vector<16xi32>,
    %get3A_397 = arith.constant 44 : i32
    %get3A_398 = arith.index_cast %get3A_397 : i32 to index
    %get3A_399 = arith.constant 0 : index
    %get3A_400 = tpu.vector_load %arg6[%get3A_398, %get3A_399] {strides = array<i32>} : memref<64x16xi32, #tpu.memory_space<vmem>>, vector<1x16xi32>,
    %get3A_401 = vector.shape_cast %get3A_400 : vector<1x16xi32> to vector<16xi32>
    %swap3A_402 = arith.constant 704 : index
    %swap3A_403 = tpu.vector_load %arg7[%swap3A_402] {strides = array<i32>} : memref<1024xi32, #tpu.memory_space<vmem>>, vector<16xi32>,
    %swap3A_404 = vector.shape_cast %swap3A_403 : vector<16xi32> to vector<16xi32>
    %swap3A_405 = vector.shape_cast %get3A_401 : vector<16xi32> to vector<16xi32>
    tpu.vector_store %arg7[%swap3A_402], %swap3A_405 {strides = array<i32>} : memref<1024xi32, #tpu.memory_space<vmem>>, vector<16xi32>,
    %get3A_406 = arith.constant 45 : i32
    %get3A_407 = arith.index_cast %get3A_406 : i32 to index
    %get3A_408 = arith.constant 0 : index
    %get3A_409 = tpu.vector_load %arg6[%get3A_407, %get3A_408] {strides = array<i32>} : memref<64x16xi32, #tpu.memory_space<vmem>>, vector<1x16xi32>,
    %get3A_410 = vector.shape_cast %get3A_409 : vector<1x16xi32> to vector<16xi32>
    %swap3A_411 = arith.constant 720 : index
    %swap3A_412 = tpu.vector_load %arg7[%swap3A_411] {strides = array<i32>} : memref<1024xi32, #tpu.memory_space<vmem>>, vector<16xi32>,
    %swap3A_413 = vector.shape_cast %swap3A_412 : vector<16xi32> to vector<16xi32>
    %swap3A_414 = vector.shape_cast %get3A_410 : vector<16xi32> to vector<16xi32>
    tpu.vector_store %arg7[%swap3A_411], %swap3A_414 {strides = array<i32>} : memref<1024xi32, #tpu.memory_space<vmem>>, vector<16xi32>,
    %get3A_415 = arith.constant 46 : i32
    %get3A_416 = arith.index_cast %get3A_415 : i32 to index
    %get3A_417 = arith.constant 0 : index
    %get3A_418 = tpu.vector_load %arg6[%get3A_416, %get3A_417] {strides = array<i32>} : memref<64x16xi32, #tpu.memory_space<vmem>>, vector<1x16xi32>,
    %get3A_419 = vector.shape_cast %get3A_418 : vector<1x16xi32> to vector<16xi32>
    %swap3A_420 = arith.constant 736 : index
    %swap3A_421 = tpu.vector_load %arg7[%swap3A_420] {strides = array<i32>} : memref<1024xi32, #tpu.memory_space<vmem>>, vector<16xi32>,
    %swap3A_422 = vector.shape_cast %swap3A_421 : vector<16xi32> to vector<16xi32>
    %swap3A_423 = vector.shape_cast %get3A_419 : vector<16xi32> to vector<16xi32>
    tpu.vector_store %arg7[%swap3A_420], %swap3A_423 {strides = array<i32>} : memref<1024xi32, #tpu.memory_space<vmem>>, vector<16xi32>,
    %get3A_424 = arith.constant 47 : i32
    %get3A_425 = arith.index_cast %get3A_424 : i32 to index
    %get3A_426 = arith.constant 0 : index
    %get3A_427 = tpu.vector_load %arg6[%get3A_425, %get3A_426] {strides = array<i32>} : memref<64x16xi32, #tpu.memory_space<vmem>>, vector<1x16xi32>,
    %get3A_428 = vector.shape_cast %get3A_427 : vector<1x16xi32> to vector<16xi32>
    %swap3A_429 = arith.constant 752 : index
    %swap3A_430 = tpu.vector_load %arg7[%swap3A_429] {strides = array<i32>} : memref<1024xi32, #tpu.memory_space<vmem>>, vector<16xi32>,
    %swap3A_431 = vector.shape_cast %swap3A_430 : vector<16xi32> to vector<16xi32>
    %swap3A_432 = vector.shape_cast %get3A_428 : vector<16xi32> to vector<16xi32>
    tpu.vector_store %arg7[%swap3A_429], %swap3A_432 {strides = array<i32>} : memref<1024xi32, #tpu.memory_space<vmem>>, vector<16xi32>,
    %get3A_433 = arith.constant 48 : i32
    %get3A_434 = arith.index_cast %get3A_433 : i32 to index
    %get3A_435 = arith.constant 0 : index
    %get3A_436 = tpu.vector_load %arg6[%get3A_434, %get3A_435] {strides = array<i32>} : memref<64x16xi32, #tpu.memory_space<vmem>>, vector<1x16xi32>,
    %get3A_437 = vector.shape_cast %get3A_436 : vector<1x16xi32> to vector<16xi32>
    %swap3A_438 = arith.constant 768 : index
    %swap3A_439 = tpu.vector_load %arg7[%swap3A_438] {strides = array<i32>} : memref<1024xi32, #tpu.memory_space<vmem>>, vector<16xi32>,
    %swap3A_440 = vector.shape_cast %swap3A_439 : vector<16xi32> to vector<16xi32>
    %swap3A_441 = vector.shape_cast %get3A_437 : vector<16xi32> to vector<16xi32>
    tpu.vector_store %arg7[%swap3A_438], %swap3A_441 {strides = array<i32>} : memref<1024xi32, #tpu.memory_space<vmem>>, vector<16xi32>,
    %get3A_442 = arith.constant 49 : i32
    %get3A_443 = arith.index_cast %get3A_442 : i32 to index
    %get3A_444 = arith.constant 0 : index
    %get3A_445 = tpu.vector_load %arg6[%get3A_443, %get3A_444] {strides = array<i32>} : memref<64x16xi32, #tpu.memory_space<vmem>>, vector<1x16xi32>,
    %get3A_446 = vector.shape_cast %get3A_445 : vector<1x16xi32> to vector<16xi32>
    %swap3A_447 = arith.constant 784 : index
    %swap3A_448 = tpu.vector_load %arg7[%swap3A_447] {strides = array<i32>} : memref<1024xi32, #tpu.memory_space<vmem>>, vector<16xi32>,
    %swap3A_449 = vector.shape_cast %swap3A_448 : vector<16xi32> to vector<16xi32>
    %swap3A_450 = vector.shape_cast %get3A_446 : vector<16xi32> to vector<16xi32>
    tpu.vector_store %arg7[%swap3A_447], %swap3A_450 {strides = array<i32>} : memref<1024xi32, #tpu.memory_space<vmem>>, vector<16xi32>,
    %get3A_451 = arith.constant 50 : i32
    %get3A_452 = arith.index_cast %get3A_451 : i32 to index
    %get3A_453 = arith.constant 0 : index
    %get3A_454 = tpu.vector_load %arg6[%get3A_452, %get3A_453] {strides = array<i32>} : memref<64x16xi32, #tpu.memory_space<vmem>>, vector<1x16xi32>,
    %get3A_455 = vector.shape_cast %get3A_454 : vector<1x16xi32> to vector<16xi32>
    %swap3A_456 = arith.constant 800 : index
    %swap3A_457 = tpu.vector_load %arg7[%swap3A_456] {strides = array<i32>} : memref<1024xi32, #tpu.memory_space<vmem>>, vector<16xi32>,
    %swap3A_458 = vector.shape_cast %swap3A_457 : vector<16xi32> to vector<16xi32>
    %swap3A_459 = vector.shape_cast %get3A_455 : vector<16xi32> to vector<16xi32>
    tpu.vector_store %arg7[%swap3A_456], %swap3A_459 {strides = array<i32>} : memref<1024xi32, #tpu.memory_space<vmem>>, vector<16xi32>,
    %get3A_460 = arith.constant 51 : i32
    %get3A_461 = arith.index_cast %get3A_460 : i32 to index
    %get3A_462 = arith.constant 0 : index
    %get3A_463 = tpu.vector_load %arg6[%get3A_461, %get3A_462] {strides = array<i32>} : memref<64x16xi32, #tpu.memory_space<vmem>>, vector<1x16xi32>,
    %get3A_464 = vector.shape_cast %get3A_463 : vector<1x16xi32> to vector<16xi32>
    %swap3A_465 = arith.constant 816 : index
    %swap3A_466 = tpu.vector_load %arg7[%swap3A_465] {strides = array<i32>} : memref<1024xi32, #tpu.memory_space<vmem>>, vector<16xi32>,
    %swap3A_467 = vector.shape_cast %swap3A_466 : vector<16xi32> to vector<16xi32>
    %swap3A_468 = vector.shape_cast %get3A_464 : vector<16xi32> to vector<16xi32>
    tpu.vector_store %arg7[%swap3A_465], %swap3A_468 {strides = array<i32>} : memref<1024xi32, #tpu.memory_space<vmem>>, vector<16xi32>,
    %get3A_469 = arith.constant 52 : i32
    %get3A_470 = arith.index_cast %get3A_469 : i32 to index
    %get3A_471 = arith.constant 0 : index
    %get3A_472 = tpu.vector_load %arg6[%get3A_470, %get3A_471] {strides = array<i32>} : memref<64x16xi32, #tpu.memory_space<vmem>>, vector<1x16xi32>,
    %get3A_473 = vector.shape_cast %get3A_472 : vector<1x16xi32> to vector<16xi32>
    %swap3A_474 = arith.constant 832 : index
    %swap3A_475 = tpu.vector_load %arg7[%swap3A_474] {strides = array<i32>} : memref<1024xi32, #tpu.memory_space<vmem>>, vector<16xi32>,
    %swap3A_476 = vector.shape_cast %swap3A_475 : vector<16xi32> to vector<16xi32>
    %swap3A_477 = vector.shape_cast %get3A_473 : vector<16xi32> to vector<16xi32>
    tpu.vector_store %arg7[%swap3A_474], %swap3A_477 {strides = array<i32>} : memref<1024xi32, #tpu.memory_space<vmem>>, vector<16xi32>,
    %get3A_478 = arith.constant 53 : i32
    %get3A_479 = arith.index_cast %get3A_478 : i32 to index
    %get3A_480 = arith.constant 0 : index
    %get3A_481 = tpu.vector_load %arg6[%get3A_479, %get3A_480] {strides = array<i32>} : memref<64x16xi32, #tpu.memory_space<vmem>>, vector<1x16xi32>,
    %get3A_482 = vector.shape_cast %get3A_481 : vector<1x16xi32> to vector<16xi32>
    %swap3A_483 = arith.constant 848 : index
    %swap3A_484 = tpu.vector_load %arg7[%swap3A_483] {strides = array<i32>} : memref<1024xi32, #tpu.memory_space<vmem>>, vector<16xi32>,
    %swap3A_485 = vector.shape_cast %swap3A_484 : vector<16xi32> to vector<16xi32>
    %swap3A_486 = vector.shape_cast %get3A_482 : vector<16xi32> to vector<16xi32>
    tpu.vector_store %arg7[%swap3A_483], %swap3A_486 {strides = array<i32>} : memref<1024xi32, #tpu.memory_space<vmem>>, vector<16xi32>,
    %get3A_487 = arith.constant 54 : i32
    %get3A_488 = arith.index_cast %get3A_487 : i32 to index
    %get3A_489 = arith.constant 0 : index
    %get3A_490 = tpu.vector_load %arg6[%get3A_488, %get3A_489] {strides = array<i32>} : memref<64x16xi32, #tpu.memory_space<vmem>>, vector<1x16xi32>,
    %get3A_491 = vector.shape_cast %get3A_490 : vector<1x16xi32> to vector<16xi32>
    %swap3A_492 = arith.constant 864 : index
    %swap3A_493 = tpu.vector_load %arg7[%swap3A_492] {strides = array<i32>} : memref<1024xi32, #tpu.memory_space<vmem>>, vector<16xi32>,
    %swap3A_494 = vector.shape_cast %swap3A_493 : vector<16xi32> to vector<16xi32>
    %swap3A_495 = vector.shape_cast %get3A_491 : vector<16xi32> to vector<16xi32>
    tpu.vector_store %arg7[%swap3A_492], %swap3A_495 {strides = array<i32>} : memref<1024xi32, #tpu.memory_space<vmem>>, vector<16xi32>,
    %get3A_496 = arith.constant 55 : i32
    %get3A_497 = arith.index_cast %get3A_496 : i32 to index
    %get3A_498 = arith.constant 0 : index
    %get3A_499 = tpu.vector_load %arg6[%get3A_497, %get3A_498] {strides = array<i32>} : memref<64x16xi32, #tpu.memory_space<vmem>>, vector<1x16xi32>,
    %get3A_500 = vector.shape_cast %get3A_499 : vector<1x16xi32> to vector<16xi32>
    %swap3A_501 = arith.constant 880 : index
    %swap3A_502 = tpu.vector_load %arg7[%swap3A_501] {strides = array<i32>} : memref<1024xi32, #tpu.memory_space<vmem>>, vector<16xi32>,
    %swap3A_503 = vector.shape_cast %swap3A_502 : vector<16xi32> to vector<16xi32>
    %swap3A_504 = vector.shape_cast %get3A_500 : vector<16xi32> to vector<16xi32>
    tpu.vector_store %arg7[%swap3A_501], %swap3A_504 {strides = array<i32>} : memref<1024xi32, #tpu.memory_space<vmem>>, vector<16xi32>,
    %get3A_505 = arith.constant 56 : i32
    %get3A_506 = arith.index_cast %get3A_505 : i32 to index
    %get3A_507 = arith.constant 0 : index
    %get3A_508 = tpu.vector_load %arg6[%get3A_506, %get3A_507] {strides = array<i32>} : memref<64x16xi32, #tpu.memory_space<vmem>>, vector<1x16xi32>,
    %get3A_509 = vector.shape_cast %get3A_508 : vector<1x16xi32> to vector<16xi32>
    %swap3A_510 = arith.constant 896 : index
    %swap3A_511 = tpu.vector_load %arg7[%swap3A_510] {strides = array<i32>} : memref<1024xi32, #tpu.memory_space<vmem>>, vector<16xi32>,
    %swap3A_512 = vector.shape_cast %swap3A_511 : vector<16xi32> to vector<16xi32>
    %swap3A_513 = vector.shape_cast %get3A_509 : vector<16xi32> to vector<16xi32>
    tpu.vector_store %arg7[%swap3A_510], %swap3A_513 {strides = array<i32>} : memref<1024xi32, #tpu.memory_space<vmem>>, vector<16xi32>,
    %get3A_514 = arith.constant 57 : i32
    %get3A_515 = arith.index_cast %get3A_514 : i32 to index
    %get3A_516 = arith.constant 0 : index
    %get3A_517 = tpu.vector_load %arg6[%get3A_515, %get3A_516] {strides = array<i32>} : memref<64x16xi32, #tpu.memory_space<vmem>>, vector<1x16xi32>,
    %get3A_518 = vector.shape_cast %get3A_517 : vector<1x16xi32> to vector<16xi32>
    %swap3A_519 = arith.constant 912 : index
    %swap3A_520 = tpu.vector_load %arg7[%swap3A_519] {strides = array<i32>} : memref<1024xi32, #tpu.memory_space<vmem>>, vector<16xi32>,
    %swap3A_521 = vector.shape_cast %swap3A_520 : vector<16xi32> to vector<16xi32>
    %swap3A_522 = vector.shape_cast %get3A_518 : vector<16xi32> to vector<16xi32>
    tpu.vector_store %arg7[%swap3A_519], %swap3A_522 {strides = array<i32>} : memref<1024xi32, #tpu.memory_space<vmem>>, vector<16xi32>,
    %get3A_523 = arith.constant 58 : i32
    %get3A_524 = arith.index_cast %get3A_523 : i32 to index
    %get3A_525 = arith.constant 0 : index
    %get3A_526 = tpu.vector_load %arg6[%get3A_524, %get3A_525] {strides = array<i32>} : memref<64x16xi32, #tpu.memory_space<vmem>>, vector<1x16xi32>,
    %get3A_527 = vector.shape_cast %get3A_526 : vector<1x16xi32> to vector<16xi32>
    %swap3A_528 = arith.constant 928 : index
    %swap3A_529 = tpu.vector_load %arg7[%swap3A_528] {strides = array<i32>} : memref<1024xi32, #tpu.memory_space<vmem>>, vector<16xi32>,
    %swap3A_530 = vector.shape_cast %swap3A_529 : vector<16xi32> to vector<16xi32>
    %swap3A_531 = vector.shape_cast %get3A_527 : vector<16xi32> to vector<16xi32>
    tpu.vector_store %arg7[%swap3A_528], %swap3A_531 {strides = array<i32>} : memref<1024xi32, #tpu.memory_space<vmem>>, vector<16xi32>,
    %get3A_532 = arith.constant 59 : i32
    %get3A_533 = arith.index_cast %get3A_532 : i32 to index
    %get3A_534 = arith.constant 0 : index
    %get3A_535 = tpu.vector_load %arg6[%get3A_533, %get3A_534] {strides = array<i32>} : memref<64x16xi32, #tpu.memory_space<vmem>>, vector<1x16xi32>,
    %get3A_536 = vector.shape_cast %get3A_535 : vector<1x16xi32> to vector<16xi32>
    %swap3A_537 = arith.constant 944 : index
    %swap3A_538 = tpu.vector_load %arg7[%swap3A_537] {strides = array<i32>} : memref<1024xi32, #tpu.memory_space<vmem>>, vector<16xi32>,
    %swap3A_539 = vector.shape_cast %swap3A_538 : vector<16xi32> to vector<16xi32>
    %swap3A_540 = vector.shape_cast %get3A_536 : vector<16xi32> to vector<16xi32>
    tpu.vector_store %arg7[%swap3A_537], %swap3A_540 {strides = array<i32>} : memref<1024xi32, #tpu.memory_space<vmem>>, vector<16xi32>,
    %get3A_541 = arith.constant 60 : i32
    %get3A_542 = arith.index_cast %get3A_541 : i32 to index
    %get3A_543 = arith.constant 0 : index
    %get3A_544 = tpu.vector_load %arg6[%get3A_542, %get3A_543] {strides = array<i32>} : memref<64x16xi32, #tpu.memory_space<vmem>>, vector<1x16xi32>,
    %get3A_545 = vector.shape_cast %get3A_544 : vector<1x16xi32> to vector<16xi32>
    %swap3A_546 = arith.constant 960 : index
    %swap3A_547 = tpu.vector_load %arg7[%swap3A_546] {strides = array<i32>} : memref<1024xi32, #tpu.memory_space<vmem>>, vector<16xi32>,
    %swap3A_548 = vector.shape_cast %swap3A_547 : vector<16xi32> to vector<16xi32>
    %swap3A_549 = vector.shape_cast %get3A_545 : vector<16xi32> to vector<16xi32>
    tpu.vector_store %arg7[%swap3A_546], %swap3A_549 {strides = array<i32>} : memref<1024xi32, #tpu.memory_space<vmem>>, vector<16xi32>,
    %get3A_550 = arith.constant 61 : i32
    %get3A_551 = arith.index_cast %get3A_550 : i32 to index
    %get3A_552 = arith.constant 0 : index
    %get3A_553 = tpu.vector_load %arg6[%get3A_551, %get3A_552] {strides = array<i32>} : memref<64x16xi32, #tpu.memory_space<vmem>>, vector<1x16xi32>,
    %get3A_554 = vector.shape_cast %get3A_553 : vector<1x16xi32> to vector<16xi32>
    %swap3A_555 = arith.constant 976 : index
    %swap3A_556 = tpu.vector_load %arg7[%swap3A_555] {strides = array<i32>} : memref<1024xi32, #tpu.memory_space<vmem>>, vector<16xi32>,
    %swap3A_557 = vector.shape_cast %swap3A_556 : vector<16xi32> to vector<16xi32>
    %swap3A_558 = vector.shape_cast %get3A_554 : vector<16xi32> to vector<16xi32>
    tpu.vector_store %arg7[%swap3A_555], %swap3A_558 {strides = array<i32>} : memref<1024xi32, #tpu.memory_space<vmem>>, vector<16xi32>,
    %get3A_559 = arith.constant 62 : i32
    %get3A_560 = arith.index_cast %get3A_559 : i32 to index
    %get3A_561 = arith.constant 0 : index
    %get3A_562 = tpu.vector_load %arg6[%get3A_560, %get3A_561] {strides = array<i32>} : memref<64x16xi32, #tpu.memory_space<vmem>>, vector<1x16xi32>,
    %get3A_563 = vector.shape_cast %get3A_562 : vector<1x16xi32> to vector<16xi32>
    %swap3A_564 = arith.constant 992 : index
    %swap3A_565 = tpu.vector_load %arg7[%swap3A_564] {strides = array<i32>} : memref<1024xi32, #tpu.memory_space<vmem>>, vector<16xi32>,
    %swap3A_566 = vector.shape_cast %swap3A_565 : vector<16xi32> to vector<16xi32>
    %swap3A_567 = vector.shape_cast %get3A_563 : vector<16xi32> to vector<16xi32>
    tpu.vector_store %arg7[%swap3A_564], %swap3A_567 {strides = array<i32>} : memref<1024xi32, #tpu.memory_space<vmem>>, vector<16xi32>,
    %get3A_568 = arith.constant 63 : i32
    %get3A_569 = arith.index_cast %get3A_568 : i32 to index
    %get3A_570 = arith.constant 0 : index
    %get3A_571 = tpu.vector_load %arg6[%get3A_569, %get3A_570] {strides = array<i32>} : memref<64x16xi32, #tpu.memory_space<vmem>>, vector<1x16xi32>,
    %get3A_572 = vector.shape_cast %get3A_571 : vector<1x16xi32> to vector<16xi32>
    %swap3A_573 = arith.constant 1008 : index
    %swap3A_574 = tpu.vector_load %arg7[%swap3A_573] {strides = array<i32>} : memref<1024xi32, #tpu.memory_space<vmem>>, vector<16xi32>,
    %swap3A_575 = vector.shape_cast %swap3A_574 : vector<16xi32> to vector<16xi32>
    %swap3A_576 = vector.shape_cast %get3A_572 : vector<16xi32> to vector<16xi32>
    tpu.vector_store %arg7[%swap3A_573], %swap3A_576 {strides = array<i32>} : memref<1024xi32, #tpu.memory_space<vmem>>, vector<16xi32>,
    %dma_start3A = arith.constant 0 : i32
    %dma_start3A_577 = tpu.memref_slice %arg7[%dma_start3A] : memref<1024xi32, #tpu.memory_space<vmem>> -> memref<32xi32, #tpu.memory_space<vmem>>
    %dma_start3A_578 = arith.constant 0 : i32
    %dma_start3A_579 = arith.constant 0 : i32
    %dma_start3A_580 = tpu.memref_slice %arg4[%dma_start3A_578, %dma_start3A_579] : memref<100000x128xf32, #tpu.memory_space<hbm>> -> memref<100000x128xf32, #tpu.memory_space<hbm>>
    tpu.enqueue_indirect_dma source(%dma_start3A_580 : memref<100000x128xf32, #tpu.memory_space<hbm>>) target(%arg9 : memref<32x128xf32, #tpu.memory_space<vmem>>) offsets(%dma_start3A_577 : memref<32xi32, #tpu.memory_space<vmem>>) semaphore(%arg25 : memref<!tpu.dma_semaphore, #tpu.memory_space<semaphore_mem>>)
    %dma_start3A_581 = arith.constant 32 : i32
    %dma_start3A_582 = tpu.memref_slice %arg7[%dma_start3A_581] : memref<1024xi32, #tpu.memory_space<vmem>> -> memref<32xi32, #tpu.memory_space<vmem>>
    %dma_start3A_583 = arith.constant 0 : i32
    %dma_start3A_584 = arith.constant 0 : i32
    %dma_start3A_585 = tpu.memref_slice %arg4[%dma_start3A_583, %dma_start3A_584] : memref<100000x128xf32, #tpu.memory_space<hbm>> -> memref<100000x128xf32, #tpu.memory_space<hbm>>
    tpu.enqueue_indirect_dma source(%dma_start3A_585 : memref<100000x128xf32, #tpu.memory_space<hbm>>) target(%arg10 : memref<32x128xf32, #tpu.memory_space<vmem>>) offsets(%dma_start3A_582 : memref<32xi32, #tpu.memory_space<vmem>>) semaphore(%arg26 : memref<!tpu.dma_semaphore, #tpu.memory_space<semaphore_mem>>)
    %dma_start3A_586 = arith.constant 64 : i32
    %dma_start3A_587 = tpu.memref_slice %arg7[%dma_start3A_586] : memref<1024xi32, #tpu.memory_space<vmem>> -> memref<32xi32, #tpu.memory_space<vmem>>
    %dma_start3A_588 = arith.constant 0 : i32
    %dma_start3A_589 = arith.constant 0 : i32
    %dma_start3A_590 = tpu.memref_slice %arg4[%dma_start3A_588, %dma_start3A_589] : memref<100000x128xf32, #tpu.memory_space<hbm>> -> memref<100000x128xf32, #tpu.memory_space<hbm>>
    tpu.enqueue_indirect_dma source(%dma_start3A_590 : memref<100000x128xf32, #tpu.memory_space<hbm>>) target(%arg11 : memref<32x128xf32, #tpu.memory_space<vmem>>) offsets(%dma_start3A_587 : memref<32xi32, #tpu.memory_space<vmem>>) semaphore(%arg27 : memref<!tpu.dma_semaphore, #tpu.memory_space<semaphore_mem>>)
    %dma_start3A_591 = arith.constant 96 : i32
    %dma_start3A_592 = tpu.memref_slice %arg7[%dma_start3A_591] : memref<1024xi32, #tpu.memory_space<vmem>> -> memref<32xi32, #tpu.memory_space<vmem>>
    %dma_start3A_593 = arith.constant 0 : i32
    %dma_start3A_594 = arith.constant 0 : i32
    %dma_start3A_595 = tpu.memref_slice %arg4[%dma_start3A_593, %dma_start3A_594] : memref<100000x128xf32, #tpu.memory_space<hbm>> -> memref<100000x128xf32, #tpu.memory_space<hbm>>
    tpu.enqueue_indirect_dma source(%dma_start3A_595 : memref<100000x128xf32, #tpu.memory_space<hbm>>) target(%arg12 : memref<32x128xf32, #tpu.memory_space<vmem>>) offsets(%dma_start3A_592 : memref<32xi32, #tpu.memory_space<vmem>>) semaphore(%arg28 : memref<!tpu.dma_semaphore, #tpu.memory_space<semaphore_mem>>)
    %dma_start3A_596 = arith.constant 128 : i32
    %dma_start3A_597 = tpu.memref_slice %arg7[%dma_start3A_596] : memref<1024xi32, #tpu.memory_space<vmem>> -> memref<32xi32, #tpu.memory_space<vmem>>
    %dma_start3A_598 = arith.constant 0 : i32
    %dma_start3A_599 = arith.constant 0 : i32
    %dma_start3A_600 = tpu.memref_slice %arg4[%dma_start3A_598, %dma_start3A_599] : memref<100000x128xf32, #tpu.memory_space<hbm>> -> memref<100000x128xf32, #tpu.memory_space<hbm>>
    tpu.enqueue_indirect_dma source(%dma_start3A_600 : memref<100000x128xf32, #tpu.memory_space<hbm>>) target(%arg13 : memref<32x128xf32, #tpu.memory_space<vmem>>) offsets(%dma_start3A_597 : memref<32xi32, #tpu.memory_space<vmem>>) semaphore(%arg29 : memref<!tpu.dma_semaphore, #tpu.memory_space<semaphore_mem>>)
    %dma_start3A_601 = arith.constant 160 : i32
    %dma_start3A_602 = tpu.memref_slice %arg7[%dma_start3A_601] : memref<1024xi32, #tpu.memory_space<vmem>> -> memref<32xi32, #tpu.memory_space<vmem>>
    %dma_start3A_603 = arith.constant 0 : i32
    %dma_start3A_604 = arith.constant 0 : i32
    %dma_start3A_605 = tpu.memref_slice %arg4[%dma_start3A_603, %dma_start3A_604] : memref<100000x128xf32, #tpu.memory_space<hbm>> -> memref<100000x128xf32, #tpu.memory_space<hbm>>
    tpu.enqueue_indirect_dma source(%dma_start3A_605 : memref<100000x128xf32, #tpu.memory_space<hbm>>) target(%arg14 : memref<32x128xf32, #tpu.memory_space<vmem>>) offsets(%dma_start3A_602 : memref<32xi32, #tpu.memory_space<vmem>>) semaphore(%arg30 : memref<!tpu.dma_semaphore, #tpu.memory_space<semaphore_mem>>)
    %dma_start3A_606 = arith.constant 192 : i32
    %dma_start3A_607 = tpu.memref_slice %arg7[%dma_start3A_606] : memref<1024xi32, #tpu.memory_space<vmem>> -> memref<32xi32, #tpu.memory_space<vmem>>
    %dma_start3A_608 = arith.constant 0 : i32
    %dma_start3A_609 = arith.constant 0 : i32
    %dma_start3A_610 = tpu.memref_slice %arg4[%dma_start3A_608, %dma_start3A_609] : memref<100000x128xf32, #tpu.memory_space<hbm>> -> memref<100000x128xf32, #tpu.memory_space<hbm>>
    tpu.enqueue_indirect_dma source(%dma_start3A_610 : memref<100000x128xf32, #tpu.memory_space<hbm>>) target(%arg15 : memref<32x128xf32, #tpu.memory_space<vmem>>) offsets(%dma_start3A_607 : memref<32xi32, #tpu.memory_space<vmem>>) semaphore(%arg31 : memref<!tpu.dma_semaphore, #tpu.memory_space<semaphore_mem>>)
    %dma_start3A_611 = arith.constant 224 : i32
    %dma_start3A_612 = tpu.memref_slice %arg7[%dma_start3A_611] : memref<1024xi32, #tpu.memory_space<vmem>> -> memref<32xi32, #tpu.memory_space<vmem>>
    %dma_start3A_613 = arith.constant 0 : i32
    %dma_start3A_614 = arith.constant 0 : i32
    %dma_start3A_615 = tpu.memref_slice %arg4[%dma_start3A_613, %dma_start3A_614] : memref<100000x128xf32, #tpu.memory_space<hbm>> -> memref<100000x128xf32, #tpu.memory_space<hbm>>
    tpu.enqueue_indirect_dma source(%dma_start3A_615 : memref<100000x128xf32, #tpu.memory_space<hbm>>) target(%arg16 : memref<32x128xf32, #tpu.memory_space<vmem>>) offsets(%dma_start3A_612 : memref<32xi32, #tpu.memory_space<vmem>>) semaphore(%arg32 : memref<!tpu.dma_semaphore, #tpu.memory_space<semaphore_mem>>)
    "tpu.region"() ({
      %run_scoped3A = tpu.sem_alloc : memref<!tpu.dma_semaphore, #tpu.memory_space<semaphore_mem>>
      %dma_start3A_668 = arith.constant 0 : i32
      %dma_start3A_669 = tpu.memref_slice %arg3[%mul3A_2, %dma_start3A_668] : memref<2048x128xf32, #tpu.memory_space<hbm>> -> memref<64x128xf32, #tpu.memory_space<hbm>>
      %dma_start3A_670 = arith.constant 0 : i32
      %dma_start3A_671 = tpu.memref_slice %arg3[%mul3A_2, %dma_start3A_670] : memref<2048x128xf32, #tpu.memory_space<hbm>> -> memref<64x128xf32, #tpu.memory_space<hbm>>
      tpu.enqueue_dma source(%dma_start3A_671 : memref<64x128xf32, #tpu.memory_space<hbm>>) target(%arg8 : memref<64x128xf32, #tpu.memory_space<vmem>>) target_semaphore(%run_scoped3A : memref<!tpu.dma_semaphore, #tpu.memory_space<semaphore_mem>>)
      %dma_wait3A_672 = arith.constant 0 : i32
      %dma_wait3A_673 = tpu.memref_slice %arg3[%mul3A_2, %dma_wait3A_672] : memref<2048x128xf32, #tpu.memory_space<hbm>> -> memref<64x128xf32, #tpu.memory_space<hbm>>
      %dma_wait3A_674 = arith.constant 0 : i32
      %dma_wait3A_675 = tpu.memref_slice %arg3[%mul3A_2, %dma_wait3A_674] : memref<2048x128xf32, #tpu.memory_space<hbm>> -> memref<64x128xf32, #tpu.memory_space<hbm>>
      tpu.wait_dma2 semaphore(%run_scoped3A : memref<!tpu.dma_semaphore, #tpu.memory_space<semaphore_mem>>) src(%dma_wait3A_675 : memref<64x128xf32, #tpu.memory_space<hbm>>) dst(%arg8 : memref<64x128xf32, #tpu.memory_space<vmem>>)
      tpu.yield
    }) : () -> ()
    %scan3A = arith.constant 0 : i32
    %scan3A_616 = arith.constant 0 : i32
    %scan3A_617 = arith.constant 4 : i32
    %scan3A_618 = arith.addi %scan3A_616, %scan3A_617 : i32
    %scan3A_619 = arith.constant 1 : i32
    scf.for %scan3A_668 = %scan3A_616 to %scan3A_618 step %scan3A_619  : i32 {
      %mul3A_669 = arith.constant 8 : i32
      %mul3A_670 = arith.muli %scan3A_668, %mul3A_669 : i32
      %add3A_671 = arith.constant 0 : i32
      %add3A_672 = arith.addi %mul3A_670, %add3A_671 : i32
      %dma_wait3A_673 = arith.constant 0 : i32
      %dma_wait3A_674 = tpu.memref_slice %arg7[%dma_wait3A_673] : memref<1024xi32, #tpu.memory_space<vmem>> -> memref<32xi32, #tpu.memory_space<vmem>>
      %dma_wait3A_675 = arith.constant 0 : i32
      %dma_wait3A_676 = arith.constant 0 : i32
      %dma_wait3A_677 = tpu.memref_slice %arg4[%dma_wait3A_675, %dma_wait3A_676] : memref<100000x128xf32, #tpu.memory_space<hbm>> -> memref<100000x128xf32, #tpu.memory_space<hbm>>
      tpu.wait_indirect_dma semaphore(%arg25 : memref<!tpu.dma_semaphore, #tpu.memory_space<semaphore_mem>>) src(%dma_wait3A_677 : memref<100000x128xf32, #tpu.memory_space<hbm>>) dst(%arg9 : memref<32x128xf32, #tpu.memory_space<vmem>>)
      %gt3A = arith.constant 0 : i32
      %gt3A_678 = arith.cmpi sgt, %scan3A_668, %gt3A : i32
      %convert_element_type3A = arith.extui %gt3A_678 : i1 to i32
      %cond3A = arith.constant 0 : i32
      %cond3A_679 = arith.cmpi ne, %convert_element_type3A, %cond3A : i32
      scf.if %cond3A_679 {
        %dma_wait3A_1561 = arith.constant 0 : i32
        %dma_wait3A_1562 = arith.constant 0 : i32
        %dma_wait3A_1563 = tpu.memref_slice %arg5[%dma_wait3A_1561, %dma_wait3A_1562] : memref<32768x128xf32, #tpu.memory_space<hbm>> -> memref<32x128xf32, #tpu.memory_space<hbm>>
        %dma_wait3A_1564 = arith.constant 0 : i32
        %dma_wait3A_1565 = arith.constant 0 : i32
        %dma_wait3A_1566 = tpu.memref_slice %arg5[%dma_wait3A_1564, %dma_wait3A_1565] : memref<32768x128xf32, #tpu.memory_space<hbm>> -> memref<32x128xf32, #tpu.memory_space<hbm>>
        tpu.wait_dma2 semaphore(%arg33 : memref<!tpu.dma_semaphore, #tpu.memory_space<semaphore_mem>>) src(%arg17 : memref<32x128xf32, #tpu.memory_space<vmem>>) dst(%dma_wait3A_1566 : memref<32x128xf32, #tpu.memory_space<hbm>>)
      } else {
      }
      %mul3A_680 = arith.constant 2 : i32
      %mul3A_681 = arith.muli %add3A_672, %mul3A_680 : i32
      %add3A_682 = arith.constant 0 : i32
      %add3A_683 = arith.addi %mul3A_681, %add3A_682 : i32
      %get3A_684 = arith.index_cast %add3A_683 : i32 to index
      %get3A_685 = arith.constant 0 : index
      %get3A_686 = tpu.vector_load %arg8[%get3A_684, %get3A_685] {strides = array<i32>} : memref<64x128xf32, #tpu.memory_space<vmem>>, vector<1x16xf32>,
      %get3A_687 = vector.shape_cast %get3A_686 : vector<1x16xf32> to vector<16xf32>
      %get3A_688 = arith.index_cast %add3A_683 : i32 to index
      %get3A_689 = arith.constant 16 : index
      %get3A_690 = tpu.vector_load %arg8[%get3A_688, %get3A_689] {strides = array<i32>} : memref<64x128xf32, #tpu.memory_space<vmem>>, vector<1x16xf32>,
      %get3A_691 = vector.shape_cast %get3A_690 : vector<1x16xf32> to vector<16xf32>
      %get3A_692 = arith.index_cast %add3A_683 : i32 to index
      %get3A_693 = arith.constant 32 : index
      %get3A_694 = tpu.vector_load %arg8[%get3A_692, %get3A_693] {strides = array<i32>} : memref<64x128xf32, #tpu.memory_space<vmem>>, vector<1x16xf32>,
      %get3A_695 = vector.shape_cast %get3A_694 : vector<1x16xf32> to vector<16xf32>
      %get3A_696 = arith.index_cast %add3A_683 : i32 to index
      %get3A_697 = arith.constant 48 : index
      %get3A_698 = tpu.vector_load %arg8[%get3A_696, %get3A_697] {strides = array<i32>} : memref<64x128xf32, #tpu.memory_space<vmem>>, vector<1x16xf32>,
      %get3A_699 = vector.shape_cast %get3A_698 : vector<1x16xf32> to vector<16xf32>
      %get3A_700 = arith.index_cast %add3A_683 : i32 to index
      %get3A_701 = arith.constant 64 : index
      %get3A_702 = tpu.vector_load %arg8[%get3A_700, %get3A_701] {strides = array<i32>} : memref<64x128xf32, #tpu.memory_space<vmem>>, vector<1x16xf32>,
      %get3A_703 = vector.shape_cast %get3A_702 : vector<1x16xf32> to vector<16xf32>
      %get3A_704 = arith.index_cast %add3A_683 : i32 to index
      %get3A_705 = arith.constant 80 : index
      %get3A_706 = tpu.vector_load %arg8[%get3A_704, %get3A_705] {strides = array<i32>} : memref<64x128xf32, #tpu.memory_space<vmem>>, vector<1x16xf32>,
      %get3A_707 = vector.shape_cast %get3A_706 : vector<1x16xf32> to vector<16xf32>
      %get3A_708 = arith.index_cast %add3A_683 : i32 to index
      %get3A_709 = arith.constant 96 : index
      %get3A_710 = tpu.vector_load %arg8[%get3A_708, %get3A_709] {strides = array<i32>} : memref<64x128xf32, #tpu.memory_space<vmem>>, vector<1x16xf32>,
      %get3A_711 = vector.shape_cast %get3A_710 : vector<1x16xf32> to vector<16xf32>
      %get3A_712 = arith.index_cast %add3A_683 : i32 to index
      %get3A_713 = arith.constant 112 : index
      %get3A_714 = tpu.vector_load %arg8[%get3A_712, %get3A_713] {strides = array<i32>} : memref<64x128xf32, #tpu.memory_space<vmem>>, vector<1x16xf32>,
      %get3A_715 = vector.shape_cast %get3A_714 : vector<1x16xf32> to vector<16xf32>
      %scan3A_716 = arith.constant 0 : i32
      %scan3A_717 = arith.constant 0 : i32
      %scan3A_718 = arith.constant 16 : i32
      %scan3A_719 = arith.addi %scan3A_717, %scan3A_718 : i32
      %scan3A_720 = arith.constant 1 : i32
      scf.for %scan3A_1561 = %scan3A_717 to %scan3A_719 step %scan3A_720  : i32 {
        %add3A_1562 = arith.constant 0 : i32
        %add3A_1563 = arith.addi %add3A_1562, %scan3A_1561 : i32
        %get3A_1564 = arith.index_cast %add3A_1563 : i32 to index
        %get3A_1565 = arith.constant 0 : index
        %get3A_1566 = tpu.vector_load %arg9[%get3A_1564, %get3A_1565] {strides = array<i32>} : memref<32x128xf32, #tpu.memory_space<vmem>>, vector<1x16xf32>,
        %get3A_1567 = vector.shape_cast %get3A_1566 : vector<1x16xf32> to vector<16xf32>
        %mul3A_1568 = arith.constant 11.3137083 : f32
        %mul3A_1569 = vector.broadcast %mul3A_1568 : f32 to vector<16xf32>
        %mul3A_1570 = arith.mulf %get3A_1567, %mul3A_1569 : vector<16xf32>
        %add3A_1571 = arith.addf %mul3A_1570, %get3A_687 : vector<16xf32>
        %swap3A_1572 = arith.index_cast %add3A_1563 : i32 to index
        %swap3A_1573 = arith.constant 0 : index
        %swap3A_1574 = tpu.vector_load %arg17[%swap3A_1572, %swap3A_1573] {strides = array<i32>} : memref<32x128xf32, #tpu.memory_space<vmem>>, vector<1x16xf32>,
        %swap3A_1575 = vector.shape_cast %swap3A_1574 : vector<1x16xf32> to vector<16xf32>
        %swap3A_1576 = vector.shape_cast %add3A_1571 : vector<16xf32> to vector<1x16xf32>
        tpu.vector_store %arg17[%swap3A_1572, %swap3A_1573], %swap3A_1576 {strides = array<i32>} : memref<32x128xf32, #tpu.memory_space<vmem>>, vector<1x16xf32>,
        %get3A_1577 = arith.index_cast %add3A_1563 : i32 to index
        %get3A_1578 = arith.constant 16 : index
        %get3A_1579 = tpu.vector_load %arg9[%get3A_1577, %get3A_1578] {strides = array<i32>} : memref<32x128xf32, #tpu.memory_space<vmem>>, vector<1x16xf32>,
        %get3A_1580 = vector.shape_cast %get3A_1579 : vector<1x16xf32> to vector<16xf32>
        %mul3A_1581 = arith.constant 11.3137083 : f32
        %mul3A_1582 = vector.broadcast %mul3A_1581 : f32 to vector<16xf32>
        %mul3A_1583 = arith.mulf %get3A_1580, %mul3A_1582 : vector<16xf32>
        %add3A_1584 = arith.addf %mul3A_1583, %get3A_691 : vector<16xf32>
        %swap3A_1585 = arith.index_cast %add3A_1563 : i32 to index
        %swap3A_1586 = arith.constant 16 : index
        %swap3A_1587 = tpu.vector_load %arg17[%swap3A_1585, %swap3A_1586] {strides = array<i32>} : memref<32x128xf32, #tpu.memory_space<vmem>>, vector<1x16xf32>,
        %swap3A_1588 = vector.shape_cast %swap3A_1587 : vector<1x16xf32> to vector<16xf32>
        %swap3A_1589 = vector.shape_cast %add3A_1584 : vector<16xf32> to vector<1x16xf32>
        tpu.vector_store %arg17[%swap3A_1585, %swap3A_1586], %swap3A_1589 {strides = array<i32>} : memref<32x128xf32, #tpu.memory_space<vmem>>, vector<1x16xf32>,
        %get3A_1590 = arith.index_cast %add3A_1563 : i32 to index
        %get3A_1591 = arith.constant 32 : index
        %get3A_1592 = tpu.vector_load %arg9[%get3A_1590, %get3A_1591] {strides = array<i32>} : memref<32x128xf32, #tpu.memory_space<vmem>>, vector<1x16xf32>,
        %get3A_1593 = vector.shape_cast %get3A_1592 : vector<1x16xf32> to vector<16xf32>
        %mul3A_1594 = arith.constant 11.3137083 : f32
        %mul3A_1595 = vector.broadcast %mul3A_1594 : f32 to vector<16xf32>
        %mul3A_1596 = arith.mulf %get3A_1593, %mul3A_1595 : vector<16xf32>
        %add3A_1597 = arith.addf %mul3A_1596, %get3A_695 : vector<16xf32>
        %swap3A_1598 = arith.index_cast %add3A_1563 : i32 to index
        %swap3A_1599 = arith.constant 32 : index
        %swap3A_1600 = tpu.vector_load %arg17[%swap3A_1598, %swap3A_1599] {strides = array<i32>} : memref<32x128xf32, #tpu.memory_space<vmem>>, vector<1x16xf32>,
        %swap3A_1601 = vector.shape_cast %swap3A_1600 : vector<1x16xf32> to vector<16xf32>
        %swap3A_1602 = vector.shape_cast %add3A_1597 : vector<16xf32> to vector<1x16xf32>
        tpu.vector_store %arg17[%swap3A_1598, %swap3A_1599], %swap3A_1602 {strides = array<i32>} : memref<32x128xf32, #tpu.memory_space<vmem>>, vector<1x16xf32>,
        %get3A_1603 = arith.index_cast %add3A_1563 : i32 to index
        %get3A_1604 = arith.constant 48 : index
        %get3A_1605 = tpu.vector_load %arg9[%get3A_1603, %get3A_1604] {strides = array<i32>} : memref<32x128xf32, #tpu.memory_space<vmem>>, vector<1x16xf32>,
        %get3A_1606 = vector.shape_cast %get3A_1605 : vector<1x16xf32> to vector<16xf32>
        %mul3A_1607 = arith.constant 11.3137083 : f32
        %mul3A_1608 = vector.broadcast %mul3A_1607 : f32 to vector<16xf32>
        %mul3A_1609 = arith.mulf %get3A_1606, %mul3A_1608 : vector<16xf32>
        %add3A_1610 = arith.addf %mul3A_1609, %get3A_699 : vector<16xf32>
        %swap3A_1611 = arith.index_cast %add3A_1563 : i32 to index
        %swap3A_1612 = arith.constant 48 : index
        %swap3A_1613 = tpu.vector_load %arg17[%swap3A_1611, %swap3A_1612] {strides = array<i32>} : memref<32x128xf32, #tpu.memory_space<vmem>>, vector<1x16xf32>,
        %swap3A_1614 = vector.shape_cast %swap3A_1613 : vector<1x16xf32> to vector<16xf32>
        %swap3A_1615 = vector.shape_cast %add3A_1610 : vector<16xf32> to vector<1x16xf32>
        tpu.vector_store %arg17[%swap3A_1611, %swap3A_1612], %swap3A_1615 {strides = array<i32>} : memref<32x128xf32, #tpu.memory_space<vmem>>, vector<1x16xf32>,
        %get3A_1616 = arith.index_cast %add3A_1563 : i32 to index
        %get3A_1617 = arith.constant 64 : index
        %get3A_1618 = tpu.vector_load %arg9[%get3A_1616, %get3A_1617] {strides = array<i32>} : memref<32x128xf32, #tpu.memory_space<vmem>>, vector<1x16xf32>,
        %get3A_1619 = vector.shape_cast %get3A_1618 : vector<1x16xf32> to vector<16xf32>
        %mul3A_1620 = arith.constant 11.3137083 : f32
        %mul3A_1621 = vector.broadcast %mul3A_1620 : f32 to vector<16xf32>
        %mul3A_1622 = arith.mulf %get3A_1619, %mul3A_1621 : vector<16xf32>
        %add3A_1623 = arith.addf %mul3A_1622, %get3A_703 : vector<16xf32>
        %swap3A_1624 = arith.index_cast %add3A_1563 : i32 to index
        %swap3A_1625 = arith.constant 64 : index
        %swap3A_1626 = tpu.vector_load %arg17[%swap3A_1624, %swap3A_1625] {strides = array<i32>} : memref<32x128xf32, #tpu.memory_space<vmem>>, vector<1x16xf32>,
        %swap3A_1627 = vector.shape_cast %swap3A_1626 : vector<1x16xf32> to vector<16xf32>
        %swap3A_1628 = vector.shape_cast %add3A_1623 : vector<16xf32> to vector<1x16xf32>
        tpu.vector_store %arg17[%swap3A_1624, %swap3A_1625], %swap3A_1628 {strides = array<i32>} : memref<32x128xf32, #tpu.memory_space<vmem>>, vector<1x16xf32>,
        %get3A_1629 = arith.index_cast %add3A_1563 : i32 to index
        %get3A_1630 = arith.constant 80 : index
        %get3A_1631 = tpu.vector_load %arg9[%get3A_1629, %get3A_1630] {strides = array<i32>} : memref<32x128xf32, #tpu.memory_space<vmem>>, vector<1x16xf32>,
        %get3A_1632 = vector.shape_cast %get3A_1631 : vector<1x16xf32> to vector<16xf32>
        %mul3A_1633 = arith.constant 11.3137083 : f32
        %mul3A_1634 = vector.broadcast %mul3A_1633 : f32 to vector<16xf32>
        %mul3A_1635 = arith.mulf %get3A_1632, %mul3A_1634 : vector<16xf32>
        %add3A_1636 = arith.addf %mul3A_1635, %get3A_707 : vector<16xf32>
        %swap3A_1637 = arith.index_cast %add3A_1563 : i32 to index
        %swap3A_1638 = arith.constant 80 : index
        %swap3A_1639 = tpu.vector_load %arg17[%swap3A_1637, %swap3A_1638] {strides = array<i32>} : memref<32x128xf32, #tpu.memory_space<vmem>>, vector<1x16xf32>,
        %swap3A_1640 = vector.shape_cast %swap3A_1639 : vector<1x16xf32> to vector<16xf32>
        %swap3A_1641 = vector.shape_cast %add3A_1636 : vector<16xf32> to vector<1x16xf32>
        tpu.vector_store %arg17[%swap3A_1637, %swap3A_1638], %swap3A_1641 {strides = array<i32>} : memref<32x128xf32, #tpu.memory_space<vmem>>, vector<1x16xf32>,
        %get3A_1642 = arith.index_cast %add3A_1563 : i32 to index
        %get3A_1643 = arith.constant 96 : index
        %get3A_1644 = tpu.vector_load %arg9[%get3A_1642, %get3A_1643] {strides = array<i32>} : memref<32x128xf32, #tpu.memory_space<vmem>>, vector<1x16xf32>,
        %get3A_1645 = vector.shape_cast %get3A_1644 : vector<1x16xf32> to vector<16xf32>
        %mul3A_1646 = arith.constant 11.3137083 : f32
        %mul3A_1647 = vector.broadcast %mul3A_1646 : f32 to vector<16xf32>
        %mul3A_1648 = arith.mulf %get3A_1645, %mul3A_1647 : vector<16xf32>
        %add3A_1649 = arith.addf %mul3A_1648, %get3A_711 : vector<16xf32>
        %swap3A_1650 = arith.index_cast %add3A_1563 : i32 to index
        %swap3A_1651 = arith.constant 96 : index
        %swap3A_1652 = tpu.vector_load %arg17[%swap3A_1650, %swap3A_1651] {strides = array<i32>} : memref<32x128xf32, #tpu.memory_space<vmem>>, vector<1x16xf32>,
        %swap3A_1653 = vector.shape_cast %swap3A_1652 : vector<1x16xf32> to vector<16xf32>
        %swap3A_1654 = vector.shape_cast %add3A_1649 : vector<16xf32> to vector<1x16xf32>
        tpu.vector_store %arg17[%swap3A_1650, %swap3A_1651], %swap3A_1654 {strides = array<i32>} : memref<32x128xf32, #tpu.memory_space<vmem>>, vector<1x16xf32>,
        %get3A_1655 = arith.index_cast %add3A_1563 : i32 to index
        %get3A_1656 = arith.constant 112 : index
        %get3A_1657 = tpu.vector_load %arg9[%get3A_1655, %get3A_1656] {strides = array<i32>} : memref<32x128xf32, #tpu.memory_space<vmem>>, vector<1x16xf32>,
        %get3A_1658 = vector.shape_cast %get3A_1657 : vector<1x16xf32> to vector<16xf32>
        %mul3A_1659 = arith.constant 11.3137083 : f32
        %mul3A_1660 = vector.broadcast %mul3A_1659 : f32 to vector<16xf32>
        %mul3A_1661 = arith.mulf %get3A_1658, %mul3A_1660 : vector<16xf32>
        %add3A_1662 = arith.addf %mul3A_1661, %get3A_715 : vector<16xf32>
        %swap3A_1663 = arith.index_cast %add3A_1563 : i32 to index
        %swap3A_1664 = arith.constant 112 : index
        %swap3A_1665 = tpu.vector_load %arg17[%swap3A_1663, %swap3A_1664] {strides = array<i32>} : memref<32x128xf32, #tpu.memory_space<vmem>>, vector<1x16xf32>,
        %swap3A_1666 = vector.shape_cast %swap3A_1665 : vector<1x16xf32> to vector<16xf32>
        %swap3A_1667 = vector.shape_cast %add3A_1662 : vector<16xf32> to vector<1x16xf32>
        tpu.vector_store %arg17[%swap3A_1663, %swap3A_1664], %swap3A_1667 {strides = array<i32>} : memref<32x128xf32, #tpu.memory_space<vmem>>, vector<1x16xf32>,
      }
      %scan3A_721 = arith.constant 16 : i32
      %mul3A_722 = arith.constant 2 : i32
      %mul3A_723 = arith.muli %add3A_672, %mul3A_722 : i32
      %add3A_724 = arith.constant 1 : i32
      %add3A_725 = arith.addi %mul3A_723, %add3A_724 : i32
      %get3A_726 = arith.index_cast %add3A_725 : i32 to index
      %get3A_727 = arith.constant 0 : index
      %get3A_728 = tpu.vector_load %arg8[%get3A_726, %get3A_727] {strides = array<i32>} : memref<64x128xf32, #tpu.memory_space<vmem>>, vector<1x16xf32>,
      %get3A_729 = vector.shape_cast %get3A_728 : vector<1x16xf32> to vector<16xf32>
      %get3A_730 = arith.index_cast %add3A_725 : i32 to index
      %get3A_731 = arith.constant 16 : index
      %get3A_732 = tpu.vector_load %arg8[%get3A_730, %get3A_731] {strides = array<i32>} : memref<64x128xf32, #tpu.memory_space<vmem>>, vector<1x16xf32>,
      %get3A_733 = vector.shape_cast %get3A_732 : vector<1x16xf32> to vector<16xf32>
      %get3A_734 = arith.index_cast %add3A_725 : i32 to index
      %get3A_735 = arith.constant 32 : index
      %get3A_736 = tpu.vector_load %arg8[%get3A_734, %get3A_735] {strides = array<i32>} : memref<64x128xf32, #tpu.memory_space<vmem>>, vector<1x16xf32>,
      %get3A_737 = vector.shape_cast %get3A_736 : vector<1x16xf32> to vector<16xf32>
      %get3A_738 = arith.index_cast %add3A_725 : i32 to index
      %get3A_739 = arith.constant 48 : index
      %get3A_740 = tpu.vector_load %arg8[%get3A_738, %get3A_739] {strides = array<i32>} : memref<64x128xf32, #tpu.memory_space<vmem>>, vector<1x16xf32>,
      %get3A_741 = vector.shape_cast %get3A_740 : vector<1x16xf32> to vector<16xf32>
      %get3A_742 = arith.index_cast %add3A_725 : i32 to index
      %get3A_743 = arith.constant 64 : index
      %get3A_744 = tpu.vector_load %arg8[%get3A_742, %get3A_743] {strides = array<i32>} : memref<64x128xf32, #tpu.memory_space<vmem>>, vector<1x16xf32>,
      %get3A_745 = vector.shape_cast %get3A_744 : vector<1x16xf32> to vector<16xf32>
      %get3A_746 = arith.index_cast %add3A_725 : i32 to index
      %get3A_747 = arith.constant 80 : index
      %get3A_748 = tpu.vector_load %arg8[%get3A_746, %get3A_747] {strides = array<i32>} : memref<64x128xf32, #tpu.memory_space<vmem>>, vector<1x16xf32>,
      %get3A_749 = vector.shape_cast %get3A_748 : vector<1x16xf32> to vector<16xf32>
      %get3A_750 = arith.index_cast %add3A_725 : i32 to index
      %get3A_751 = arith.constant 96 : index
      %get3A_752 = tpu.vector_load %arg8[%get3A_750, %get3A_751] {strides = array<i32>} : memref<64x128xf32, #tpu.memory_space<vmem>>, vector<1x16xf32>,
      %get3A_753 = vector.shape_cast %get3A_752 : vector<1x16xf32> to vector<16xf32>
      %get3A_754 = arith.index_cast %add3A_725 : i32 to index
      %get3A_755 = arith.constant 112 : index
      %get3A_756 = tpu.vector_load %arg8[%get3A_754, %get3A_755] {strides = array<i32>} : memref<64x128xf32, #tpu.memory_space<vmem>>, vector<1x16xf32>,
      %get3A_757 = vector.shape_cast %get3A_756 : vector<1x16xf32> to vector<16xf32>
      %scan3A_758 = arith.constant 0 : i32
      %scan3A_759 = arith.constant 0 : i32
      %scan3A_760 = arith.constant 16 : i32
      %scan3A_761 = arith.addi %scan3A_759, %scan3A_760 : i32
      %scan3A_762 = arith.constant 1 : i32
      scf.for %scan3A_1561 = %scan3A_759 to %scan3A_761 step %scan3A_762  : i32 {
        %add3A_1562 = arith.constant 16 : i32
        %add3A_1563 = arith.addi %add3A_1562, %scan3A_1561 : i32
        %get3A_1564 = arith.index_cast %add3A_1563 : i32 to index
        %get3A_1565 = arith.constant 0 : index
        %get3A_1566 = tpu.vector_load %arg9[%get3A_1564, %get3A_1565] {strides = array<i32>} : memref<32x128xf32, #tpu.memory_space<vmem>>, vector<1x16xf32>,
        %get3A_1567 = vector.shape_cast %get3A_1566 : vector<1x16xf32> to vector<16xf32>
        %mul3A_1568 = arith.constant 11.3137083 : f32
        %mul3A_1569 = vector.broadcast %mul3A_1568 : f32 to vector<16xf32>
        %mul3A_1570 = arith.mulf %get3A_1567, %mul3A_1569 : vector<16xf32>
        %add3A_1571 = arith.addf %mul3A_1570, %get3A_729 : vector<16xf32>
        %swap3A_1572 = arith.index_cast %add3A_1563 : i32 to index
        %swap3A_1573 = arith.constant 0 : index
        %swap3A_1574 = tpu.vector_load %arg17[%swap3A_1572, %swap3A_1573] {strides = array<i32>} : memref<32x128xf32, #tpu.memory_space<vmem>>, vector<1x16xf32>,
        %swap3A_1575 = vector.shape_cast %swap3A_1574 : vector<1x16xf32> to vector<16xf32>
        %swap3A_1576 = vector.shape_cast %add3A_1571 : vector<16xf32> to vector<1x16xf32>
        tpu.vector_store %arg17[%swap3A_1572, %swap3A_1573], %swap3A_1576 {strides = array<i32>} : memref<32x128xf32, #tpu.memory_space<vmem>>, vector<1x16xf32>,
        %get3A_1577 = arith.index_cast %add3A_1563 : i32 to index
        %get3A_1578 = arith.constant 16 : index
        %get3A_1579 = tpu.vector_load %arg9[%get3A_1577, %get3A_1578] {strides = array<i32>} : memref<32x128xf32, #tpu.memory_space<vmem>>, vector<1x16xf32>,
        %get3A_1580 = vector.shape_cast %get3A_1579 : vector<1x16xf32> to vector<16xf32>
        %mul3A_1581 = arith.constant 11.3137083 : f32
        %mul3A_1582 = vector.broadcast %mul3A_1581 : f32 to vector<16xf32>
        %mul3A_1583 = arith.mulf %get3A_1580, %mul3A_1582 : vector<16xf32>
        %add3A_1584 = arith.addf %mul3A_1583, %get3A_733 : vector<16xf32>
        %swap3A_1585 = arith.index_cast %add3A_1563 : i32 to index
        %swap3A_1586 = arith.constant 16 : index
        %swap3A_1587 = tpu.vector_load %arg17[%swap3A_1585, %swap3A_1586] {strides = array<i32>} : memref<32x128xf32, #tpu.memory_space<vmem>>, vector<1x16xf32>,
        %swap3A_1588 = vector.shape_cast %swap3A_1587 : vector<1x16xf32> to vector<16xf32>
        %swap3A_1589 = vector.shape_cast %add3A_1584 : vector<16xf32> to vector<1x16xf32>
        tpu.vector_store %arg17[%swap3A_1585, %swap3A_1586], %swap3A_1589 {strides = array<i32>} : memref<32x128xf32, #tpu.memory_space<vmem>>, vector<1x16xf32>,
        %get3A_1590 = arith.index_cast %add3A_1563 : i32 to index
        %get3A_1591 = arith.constant 32 : index
        %get3A_1592 = tpu.vector_load %arg9[%get3A_1590, %get3A_1591] {strides = array<i32>} : memref<32x128xf32, #tpu.memory_space<vmem>>, vector<1x16xf32>,
        %get3A_1593 = vector.shape_cast %get3A_1592 : vector<1x16xf32> to vector<16xf32>
        %mul3A_1594 = arith.constant 11.3137083 : f32
        %mul3A_1595 = vector.broadcast %mul3A_1594 : f32 to vector<16xf32>
        %mul3A_1596 = arith.mulf %get3A_1593, %mul3A_1595 : vector<16xf32>
        %add3A_1597 = arith.addf %mul3A_1596, %get3A_737 : vector<16xf32>
        %swap3A_1598 = arith.index_cast %add3A_1563 : i32 to index
        %swap3A_1599 = arith.constant 32 : index
        %swap3A_1600 = tpu.vector_load %arg17[%swap3A_1598, %swap3A_1599] {strides = array<i32>} : memref<32x128xf32, #tpu.memory_space<vmem>>, vector<1x16xf32>,
        %swap3A_1601 = vector.shape_cast %swap3A_1600 : vector<1x16xf32> to vector<16xf32>
        %swap3A_1602 = vector.shape_cast %add3A_1597 : vector<16xf32> to vector<1x16xf32>
        tpu.vector_store %arg17[%swap3A_1598, %swap3A_1599], %swap3A_1602 {strides = array<i32>} : memref<32x128xf32, #tpu.memory_space<vmem>>, vector<1x16xf32>,
        %get3A_1603 = arith.index_cast %add3A_1563 : i32 to index
        %get3A_1604 = arith.constant 48 : index
        %get3A_1605 = tpu.vector_load %arg9[%get3A_1603, %get3A_1604] {strides = array<i32>} : memref<32x128xf32, #tpu.memory_space<vmem>>, vector<1x16xf32>,
        %get3A_1606 = vector.shape_cast %get3A_1605 : vector<1x16xf32> to vector<16xf32>
        %mul3A_1607 = arith.constant 11.3137083 : f32
        %mul3A_1608 = vector.broadcast %mul3A_1607 : f32 to vector<16xf32>
        %mul3A_1609 = arith.mulf %get3A_1606, %mul3A_1608 : vector<16xf32>
        %add3A_1610 = arith.addf %mul3A_1609, %get3A_741 : vector<16xf32>
        %swap3A_1611 = arith.index_cast %add3A_1563 : i32 to index
        %swap3A_1612 = arith.constant 48 : index
        %swap3A_1613 = tpu.vector_load %arg17[%swap3A_1611, %swap3A_1612] {strides = array<i32>} : memref<32x128xf32, #tpu.memory_space<vmem>>, vector<1x16xf32>,
        %swap3A_1614 = vector.shape_cast %swap3A_1613 : vector<1x16xf32> to vector<16xf32>
        %swap3A_1615 = vector.shape_cast %add3A_1610 : vector<16xf32> to vector<1x16xf32>
        tpu.vector_store %arg17[%swap3A_1611, %swap3A_1612], %swap3A_1615 {strides = array<i32>} : memref<32x128xf32, #tpu.memory_space<vmem>>, vector<1x16xf32>,
        %get3A_1616 = arith.index_cast %add3A_1563 : i32 to index
        %get3A_1617 = arith.constant 64 : index
        %get3A_1618 = tpu.vector_load %arg9[%get3A_1616, %get3A_1617] {strides = array<i32>} : memref<32x128xf32, #tpu.memory_space<vmem>>, vector<1x16xf32>,
        %get3A_1619 = vector.shape_cast %get3A_1618 : vector<1x16xf32> to vector<16xf32>
        %mul3A_1620 = arith.constant 11.3137083 : f32
        %mul3A_1621 = vector.broadcast %mul3A_1620 : f32 to vector<16xf32>
        %mul3A_1622 = arith.mulf %get3A_1619, %mul3A_1621 : vector<16xf32>
        %add3A_1623 = arith.addf %mul3A_1622, %get3A_745 : vector<16xf32>
        %swap3A_1624 = arith.index_cast %add3A_1563 : i32 to index
        %swap3A_1625 = arith.constant 64 : index
        %swap3A_1626 = tpu.vector_load %arg17[%swap3A_1624, %swap3A_1625] {strides = array<i32>} : memref<32x128xf32, #tpu.memory_space<vmem>>, vector<1x16xf32>,
        %swap3A_1627 = vector.shape_cast %swap3A_1626 : vector<1x16xf32> to vector<16xf32>
        %swap3A_1628 = vector.shape_cast %add3A_1623 : vector<16xf32> to vector<1x16xf32>
        tpu.vector_store %arg17[%swap3A_1624, %swap3A_1625], %swap3A_1628 {strides = array<i32>} : memref<32x128xf32, #tpu.memory_space<vmem>>, vector<1x16xf32>,
        %get3A_1629 = arith.index_cast %add3A_1563 : i32 to index
        %get3A_1630 = arith.constant 80 : index
        %get3A_1631 = tpu.vector_load %arg9[%get3A_1629, %get3A_1630] {strides = array<i32>} : memref<32x128xf32, #tpu.memory_space<vmem>>, vector<1x16xf32>,
        %get3A_1632 = vector.shape_cast %get3A_1631 : vector<1x16xf32> to vector<16xf32>
        %mul3A_1633 = arith.constant 11.3137083 : f32
        %mul3A_1634 = vector.broadcast %mul3A_1633 : f32 to vector<16xf32>
        %mul3A_1635 = arith.mulf %get3A_1632, %mul3A_1634 : vector<16xf32>
        %add3A_1636 = arith.addf %mul3A_1635, %get3A_749 : vector<16xf32>
        %swap3A_1637 = arith.index_cast %add3A_1563 : i32 to index
        %swap3A_1638 = arith.constant 80 : index
        %swap3A_1639 = tpu.vector_load %arg17[%swap3A_1637, %swap3A_1638] {strides = array<i32>} : memref<32x128xf32, #tpu.memory_space<vmem>>, vector<1x16xf32>,
        %swap3A_1640 = vector.shape_cast %swap3A_1639 : vector<1x16xf32> to vector<16xf32>
        %swap3A_1641 = vector.shape_cast %add3A_1636 : vector<16xf32> to vector<1x16xf32>
        tpu.vector_store %arg17[%swap3A_1637, %swap3A_1638], %swap3A_1641 {strides = array<i32>} : memref<32x128xf32, #tpu.memory_space<vmem>>, vector<1x16xf32>,
        %get3A_1642 = arith.index_cast %add3A_1563 : i32 to index
        %get3A_1643 = arith.constant 96 : index
        %get3A_1644 = tpu.vector_load %arg9[%get3A_1642, %get3A_1643] {strides = array<i32>} : memref<32x128xf32, #tpu.memory_space<vmem>>, vector<1x16xf32>,
        %get3A_1645 = vector.shape_cast %get3A_1644 : vector<1x16xf32> to vector<16xf32>
        %mul3A_1646 = arith.constant 11.3137083 : f32
        %mul3A_1647 = vector.broadcast %mul3A_1646 : f32 to vector<16xf32>
        %mul3A_1648 = arith.mulf %get3A_1645, %mul3A_1647 : vector<16xf32>
        %add3A_1649 = arith.addf %mul3A_1648, %get3A_753 : vector<16xf32>
        %swap3A_1650 = arith.index_cast %add3A_1563 : i32 to index
        %swap3A_1651 = arith.constant 96 : index
        %swap3A_1652 = tpu.vector_load %arg17[%swap3A_1650, %swap3A_1651] {strides = array<i32>} : memref<32x128xf32, #tpu.memory_space<vmem>>, vector<1x16xf32>,
        %swap3A_1653 = vector.shape_cast %swap3A_1652 : vector<1x16xf32> to vector<16xf32>
        %swap3A_1654 = vector.shape_cast %add3A_1649 : vector<16xf32> to vector<1x16xf32>
        tpu.vector_store %arg17[%swap3A_1650, %swap3A_1651], %swap3A_1654 {strides = array<i32>} : memref<32x128xf32, #tpu.memory_space<vmem>>, vector<1x16xf32>,
        %get3A_1655 = arith.index_cast %add3A_1563 : i32 to index
        %get3A_1656 = arith.constant 112 : index
        %get3A_1657 = tpu.vector_load %arg9[%get3A_1655, %get3A_1656] {strides = array<i32>} : memref<32x128xf32, #tpu.memory_space<vmem>>, vector<1x16xf32>,
        %get3A_1658 = vector.shape_cast %get3A_1657 : vector<1x16xf32> to vector<16xf32>
        %mul3A_1659 = arith.constant 11.3137083 : f32
        %mul3A_1660 = vector.broadcast %mul3A_1659 : f32 to vector<16xf32>
        %mul3A_1661 = arith.mulf %get3A_1658, %mul3A_1660 : vector<16xf32>
        %add3A_1662 = arith.addf %mul3A_1661, %get3A_757 : vector<16xf32>
        %swap3A_1663 = arith.index_cast %add3A_1563 : i32 to index
        %swap3A_1664 = arith.constant 112 : index
        %swap3A_1665 = tpu.vector_load %arg17[%swap3A_1663, %swap3A_1664] {strides = array<i32>} : memref<32x128xf32, #tpu.memory_space<vmem>>, vector<1x16xf32>,
        %swap3A_1666 = vector.shape_cast %swap3A_1665 : vector<1x16xf32> to vector<16xf32>
        %swap3A_1667 = vector.shape_cast %add3A_1662 : vector<16xf32> to vector<1x16xf32>
        tpu.vector_store %arg17[%swap3A_1663, %swap3A_1664], %swap3A_1667 {strides = array<i32>} : memref<32x128xf32, #tpu.memory_space<vmem>>, vector<1x16xf32>,
      }
      %scan3A_763 = arith.constant 16 : i32
      %lt3A = arith.constant 3 : i32
      %lt3A_764 = arith.cmpi slt, %scan3A_668, %lt3A : i32
      %convert_element_type3A_765 = arith.extui %lt3A_764 : i1 to i32
      %cond3A_766 = arith.constant 0 : i32
      %cond3A_767 = arith.cmpi ne, %convert_element_type3A_765, %cond3A_766 : i32
      scf.if %cond3A_767 {
        %add3A_1561 = arith.constant 8 : i32
        %add3A_1562 = arith.addi %add3A_672, %add3A_1561 : i32
        %mul3A_1563 = arith.constant 32 : i32
        %mul3A_1564 = arith.muli %add3A_1562, %mul3A_1563 : i32
        %dma_start3A_1565 = tpu.memref_slice %arg7[%mul3A_1564] : memref<1024xi32, #tpu.memory_space<vmem>> -> memref<32xi32, #tpu.memory_space<vmem>>
        %dma_start3A_1566 = arith.constant 0 : i32
        %dma_start3A_1567 = arith.constant 0 : i32
        %dma_start3A_1568 = tpu.memref_slice %arg4[%dma_start3A_1566, %dma_start3A_1567] : memref<100000x128xf32, #tpu.memory_space<hbm>> -> memref<100000x128xf32, #tpu.memory_space<hbm>>
        tpu.enqueue_indirect_dma source(%dma_start3A_1568 : memref<100000x128xf32, #tpu.memory_space<hbm>>) target(%arg9 : memref<32x128xf32, #tpu.memory_space<vmem>>) offsets(%dma_start3A_1565 : memref<32xi32, #tpu.memory_space<vmem>>) semaphore(%arg25 : memref<!tpu.dma_semaphore, #tpu.memory_space<semaphore_mem>>)
      } else {
      }
      %mul3A_768 = arith.constant 16 : i32
      %mul3A_769 = arith.muli %mul3A_2, %mul3A_768 : i32
      %mul3A_770 = arith.constant 32 : i32
      %mul3A_771 = arith.muli %add3A_672, %mul3A_770 : i32
      %add3A_772 = arith.addi %mul3A_769, %mul3A_771 : i32
      %dma_start3A_773 = arith.constant 0 : i32
      %dma_start3A_774 = tpu.memref_slice %arg5[%add3A_772, %dma_start3A_773] : memref<32768x128xf32, #tpu.memory_space<hbm>> -> memref<32x128xf32, #tpu.memory_space<hbm>>
      %dma_start3A_775 = arith.constant 0 : i32
      %dma_start3A_776 = tpu.memref_slice %arg5[%add3A_772, %dma_start3A_775] : memref<32768x128xf32, #tpu.memory_space<hbm>> -> memref<32x128xf32, #tpu.memory_space<hbm>>
      tpu.enqueue_dma source(%arg17 : memref<32x128xf32, #tpu.memory_space<vmem>>) target(%dma_start3A_776 : memref<32x128xf32, #tpu.memory_space<hbm>>) target_semaphore(%arg33 : memref<!tpu.dma_semaphore, #tpu.memory_space<semaphore_mem>>)
      %mul3A_777 = arith.constant 8 : i32
      %mul3A_778 = arith.muli %scan3A_668, %mul3A_777 : i32
      %add3A_779 = arith.constant 1 : i32
      %add3A_780 = arith.addi %mul3A_778, %add3A_779 : i32
      %dma_wait3A_781 = arith.constant 0 : i32
      %dma_wait3A_782 = tpu.memref_slice %arg7[%dma_wait3A_781] : memref<1024xi32, #tpu.memory_space<vmem>> -> memref<32xi32, #tpu.memory_space<vmem>>
      %dma_wait3A_783 = arith.constant 0 : i32
      %dma_wait3A_784 = arith.constant 0 : i32
      %dma_wait3A_785 = tpu.memref_slice %arg4[%dma_wait3A_783, %dma_wait3A_784] : memref<100000x128xf32, #tpu.memory_space<hbm>> -> memref<100000x128xf32, #tpu.memory_space<hbm>>
      tpu.wait_indirect_dma semaphore(%arg26 : memref<!tpu.dma_semaphore, #tpu.memory_space<semaphore_mem>>) src(%dma_wait3A_785 : memref<100000x128xf32, #tpu.memory_space<hbm>>) dst(%arg10 : memref<32x128xf32, #tpu.memory_space<vmem>>)
      %gt3A_786 = arith.constant 0 : i32
      %gt3A_787 = arith.cmpi sgt, %scan3A_668, %gt3A_786 : i32
      %convert_element_type3A_788 = arith.extui %gt3A_787 : i1 to i32
      %cond3A_789 = arith.constant 0 : i32
      %cond3A_790 = arith.cmpi ne, %convert_element_type3A_788, %cond3A_789 : i32
      scf.if %cond3A_790 {
        %dma_wait3A_1561 = arith.constant 0 : i32
        %dma_wait3A_1562 = arith.constant 0 : i32
        %dma_wait3A_1563 = tpu.memref_slice %arg5[%dma_wait3A_1561, %dma_wait3A_1562] : memref<32768x128xf32, #tpu.memory_space<hbm>> -> memref<32x128xf32, #tpu.memory_space<hbm>>
        %dma_wait3A_1564 = arith.constant 0 : i32
        %dma_wait3A_1565 = arith.constant 0 : i32
        %dma_wait3A_1566 = tpu.memref_slice %arg5[%dma_wait3A_1564, %dma_wait3A_1565] : memref<32768x128xf32, #tpu.memory_space<hbm>> -> memref<32x128xf32, #tpu.memory_space<hbm>>
        tpu.wait_dma2 semaphore(%arg34 : memref<!tpu.dma_semaphore, #tpu.memory_space<semaphore_mem>>) src(%arg18 : memref<32x128xf32, #tpu.memory_space<vmem>>) dst(%dma_wait3A_1566 : memref<32x128xf32, #tpu.memory_space<hbm>>)
      } else {
      }
      %mul3A_791 = arith.constant 2 : i32
      %mul3A_792 = arith.muli %add3A_780, %mul3A_791 : i32
      %add3A_793 = arith.constant 0 : i32
      %add3A_794 = arith.addi %mul3A_792, %add3A_793 : i32
      %get3A_795 = arith.index_cast %add3A_794 : i32 to index
      %get3A_796 = arith.constant 0 : index
      %get3A_797 = tpu.vector_load %arg8[%get3A_795, %get3A_796] {strides = array<i32>} : memref<64x128xf32, #tpu.memory_space<vmem>>, vector<1x16xf32>,
      %get3A_798 = vector.shape_cast %get3A_797 : vector<1x16xf32> to vector<16xf32>
      %get3A_799 = arith.index_cast %add3A_794 : i32 to index
      %get3A_800 = arith.constant 16 : index
      %get3A_801 = tpu.vector_load %arg8[%get3A_799, %get3A_800] {strides = array<i32>} : memref<64x128xf32, #tpu.memory_space<vmem>>, vector<1x16xf32>,
      %get3A_802 = vector.shape_cast %get3A_801 : vector<1x16xf32> to vector<16xf32>
      %get3A_803 = arith.index_cast %add3A_794 : i32 to index
      %get3A_804 = arith.constant 32 : index
      %get3A_805 = tpu.vector_load %arg8[%get3A_803, %get3A_804] {strides = array<i32>} : memref<64x128xf32, #tpu.memory_space<vmem>>, vector<1x16xf32>,
      %get3A_806 = vector.shape_cast %get3A_805 : vector<1x16xf32> to vector<16xf32>
      %get3A_807 = arith.index_cast %add3A_794 : i32 to index
      %get3A_808 = arith.constant 48 : index
      %get3A_809 = tpu.vector_load %arg8[%get3A_807, %get3A_808] {strides = array<i32>} : memref<64x128xf32, #tpu.memory_space<vmem>>, vector<1x16xf32>,
      %get3A_810 = vector.shape_cast %get3A_809 : vector<1x16xf32> to vector<16xf32>
      %get3A_811 = arith.index_cast %add3A_794 : i32 to index
      %get3A_812 = arith.constant 64 : index
      %get3A_813 = tpu.vector_load %arg8[%get3A_811, %get3A_812] {strides = array<i32>} : memref<64x128xf32, #tpu.memory_space<vmem>>, vector<1x16xf32>,
      %get3A_814 = vector.shape_cast %get3A_813 : vector<1x16xf32> to vector<16xf32>
      %get3A_815 = arith.index_cast %add3A_794 : i32 to index
      %get3A_816 = arith.constant 80 : index
      %get3A_817 = tpu.vector_load %arg8[%get3A_815, %get3A_816] {strides = array<i32>} : memref<64x128xf32, #tpu.memory_space<vmem>>, vector<1x16xf32>,
      %get3A_818 = vector.shape_cast %get3A_817 : vector<1x16xf32> to vector<16xf32>
      %get3A_819 = arith.index_cast %add3A_794 : i32 to index
      %get3A_820 = arith.constant 96 : index
      %get3A_821 = tpu.vector_load %arg8[%get3A_819, %get3A_820] {strides = array<i32>} : memref<64x128xf32, #tpu.memory_space<vmem>>, vector<1x16xf32>,
      %get3A_822 = vector.shape_cast %get3A_821 : vector<1x16xf32> to vector<16xf32>
      %get3A_823 = arith.index_cast %add3A_794 : i32 to index
      %get3A_824 = arith.constant 112 : index
      %get3A_825 = tpu.vector_load %arg8[%get3A_823, %get3A_824] {strides = array<i32>} : memref<64x128xf32, #tpu.memory_space<vmem>>, vector<1x16xf32>,
      %get3A_826 = vector.shape_cast %get3A_825 : vector<1x16xf32> to vector<16xf32>
      %scan3A_827 = arith.constant 0 : i32
      %scan3A_828 = arith.constant 0 : i32
      %scan3A_829 = arith.constant 16 : i32
      %scan3A_830 = arith.addi %scan3A_828, %scan3A_829 : i32
      %scan3A_831 = arith.constant 1 : i32
      scf.for %scan3A_1561 = %scan3A_828 to %scan3A_830 step %scan3A_831  : i32 {
        %add3A_1562 = arith.constant 0 : i32
        %add3A_1563 = arith.addi %add3A_1562, %scan3A_1561 : i32
        %get3A_1564 = arith.index_cast %add3A_1563 : i32 to index
        %get3A_1565 = arith.constant 0 : index
        %get3A_1566 = tpu.vector_load %arg10[%get3A_1564, %get3A_1565] {strides = array<i32>} : memref<32x128xf32, #tpu.memory_space<vmem>>, vector<1x16xf32>,
        %get3A_1567 = vector.shape_cast %get3A_1566 : vector<1x16xf32> to vector<16xf32>
        %mul3A_1568 = arith.constant 11.3137083 : f32
        %mul3A_1569 = vector.broadcast %mul3A_1568 : f32 to vector<16xf32>
        %mul3A_1570 = arith.mulf %get3A_1567, %mul3A_1569 : vector<16xf32>
        %add3A_1571 = arith.addf %mul3A_1570, %get3A_798 : vector<16xf32>
        %swap3A_1572 = arith.index_cast %add3A_1563 : i32 to index
        %swap3A_1573 = arith.constant 0 : index
        %swap3A_1574 = tpu.vector_load %arg18[%swap3A_1572, %swap3A_1573] {strides = array<i32>} : memref<32x128xf32, #tpu.memory_space<vmem>>, vector<1x16xf32>,
        %swap3A_1575 = vector.shape_cast %swap3A_1574 : vector<1x16xf32> to vector<16xf32>
        %swap3A_1576 = vector.shape_cast %add3A_1571 : vector<16xf32> to vector<1x16xf32>
        tpu.vector_store %arg18[%swap3A_1572, %swap3A_1573], %swap3A_1576 {strides = array<i32>} : memref<32x128xf32, #tpu.memory_space<vmem>>, vector<1x16xf32>,
        %get3A_1577 = arith.index_cast %add3A_1563 : i32 to index
        %get3A_1578 = arith.constant 16 : index
        %get3A_1579 = tpu.vector_load %arg10[%get3A_1577, %get3A_1578] {strides = array<i32>} : memref<32x128xf32, #tpu.memory_space<vmem>>, vector<1x16xf32>,
        %get3A_1580 = vector.shape_cast %get3A_1579 : vector<1x16xf32> to vector<16xf32>
        %mul3A_1581 = arith.constant 11.3137083 : f32
        %mul3A_1582 = vector.broadcast %mul3A_1581 : f32 to vector<16xf32>
        %mul3A_1583 = arith.mulf %get3A_1580, %mul3A_1582 : vector<16xf32>
        %add3A_1584 = arith.addf %mul3A_1583, %get3A_802 : vector<16xf32>
        %swap3A_1585 = arith.index_cast %add3A_1563 : i32 to index
        %swap3A_1586 = arith.constant 16 : index
        %swap3A_1587 = tpu.vector_load %arg18[%swap3A_1585, %swap3A_1586] {strides = array<i32>} : memref<32x128xf32, #tpu.memory_space<vmem>>, vector<1x16xf32>,
        %swap3A_1588 = vector.shape_cast %swap3A_1587 : vector<1x16xf32> to vector<16xf32>
        %swap3A_1589 = vector.shape_cast %add3A_1584 : vector<16xf32> to vector<1x16xf32>
        tpu.vector_store %arg18[%swap3A_1585, %swap3A_1586], %swap3A_1589 {strides = array<i32>} : memref<32x128xf32, #tpu.memory_space<vmem>>, vector<1x16xf32>,
        %get3A_1590 = arith.index_cast %add3A_1563 : i32 to index
        %get3A_1591 = arith.constant 32 : index
        %get3A_1592 = tpu.vector_load %arg10[%get3A_1590, %get3A_1591] {strides = array<i32>} : memref<32x128xf32, #tpu.memory_space<vmem>>, vector<1x16xf32>,
        %get3A_1593 = vector.shape_cast %get3A_1592 : vector<1x16xf32> to vector<16xf32>
        %mul3A_1594 = arith.constant 11.3137083 : f32
        %mul3A_1595 = vector.broadcast %mul3A_1594 : f32 to vector<16xf32>
        %mul3A_1596 = arith.mulf %get3A_1593, %mul3A_1595 : vector<16xf32>
        %add3A_1597 = arith.addf %mul3A_1596, %get3A_806 : vector<16xf32>
        %swap3A_1598 = arith.index_cast %add3A_1563 : i32 to index
        %swap3A_1599 = arith.constant 32 : index
        %swap3A_1600 = tpu.vector_load %arg18[%swap3A_1598, %swap3A_1599] {strides = array<i32>} : memref<32x128xf32, #tpu.memory_space<vmem>>, vector<1x16xf32>,
        %swap3A_1601 = vector.shape_cast %swap3A_1600 : vector<1x16xf32> to vector<16xf32>
        %swap3A_1602 = vector.shape_cast %add3A_1597 : vector<16xf32> to vector<1x16xf32>
        tpu.vector_store %arg18[%swap3A_1598, %swap3A_1599], %swap3A_1602 {strides = array<i32>} : memref<32x128xf32, #tpu.memory_space<vmem>>, vector<1x16xf32>,
        %get3A_1603 = arith.index_cast %add3A_1563 : i32 to index
        %get3A_1604 = arith.constant 48 : index
        %get3A_1605 = tpu.vector_load %arg10[%get3A_1603, %get3A_1604] {strides = array<i32>} : memref<32x128xf32, #tpu.memory_space<vmem>>, vector<1x16xf32>,
        %get3A_1606 = vector.shape_cast %get3A_1605 : vector<1x16xf32> to vector<16xf32>
        %mul3A_1607 = arith.constant 11.3137083 : f32
        %mul3A_1608 = vector.broadcast %mul3A_1607 : f32 to vector<16xf32>
        %mul3A_1609 = arith.mulf %get3A_1606, %mul3A_1608 : vector<16xf32>
        %add3A_1610 = arith.addf %mul3A_1609, %get3A_810 : vector<16xf32>
        %swap3A_1611 = arith.index_cast %add3A_1563 : i32 to index
        %swap3A_1612 = arith.constant 48 : index
        %swap3A_1613 = tpu.vector_load %arg18[%swap3A_1611, %swap3A_1612] {strides = array<i32>} : memref<32x128xf32, #tpu.memory_space<vmem>>, vector<1x16xf32>,
        %swap3A_1614 = vector.shape_cast %swap3A_1613 : vector<1x16xf32> to vector<16xf32>
        %swap3A_1615 = vector.shape_cast %add3A_1610 : vector<16xf32> to vector<1x16xf32>
        tpu.vector_store %arg18[%swap3A_1611, %swap3A_1612], %swap3A_1615 {strides = array<i32>} : memref<32x128xf32, #tpu.memory_space<vmem>>, vector<1x16xf32>,
        %get3A_1616 = arith.index_cast %add3A_1563 : i32 to index
        %get3A_1617 = arith.constant 64 : index
        %get3A_1618 = tpu.vector_load %arg10[%get3A_1616, %get3A_1617] {strides = array<i32>} : memref<32x128xf32, #tpu.memory_space<vmem>>, vector<1x16xf32>,
        %get3A_1619 = vector.shape_cast %get3A_1618 : vector<1x16xf32> to vector<16xf32>
        %mul3A_1620 = arith.constant 11.3137083 : f32
        %mul3A_1621 = vector.broadcast %mul3A_1620 : f32 to vector<16xf32>
        %mul3A_1622 = arith.mulf %get3A_1619, %mul3A_1621 : vector<16xf32>
        %add3A_1623 = arith.addf %mul3A_1622, %get3A_814 : vector<16xf32>
        %swap3A_1624 = arith.index_cast %add3A_1563 : i32 to index
        %swap3A_1625 = arith.constant 64 : index
        %swap3A_1626 = tpu.vector_load %arg18[%swap3A_1624, %swap3A_1625] {strides = array<i32>} : memref<32x128xf32, #tpu.memory_space<vmem>>, vector<1x16xf32>,
        %swap3A_1627 = vector.shape_cast %swap3A_1626 : vector<1x16xf32> to vector<16xf32>
        %swap3A_1628 = vector.shape_cast %add3A_1623 : vector<16xf32> to vector<1x16xf32>
        tpu.vector_store %arg18[%swap3A_1624, %swap3A_1625], %swap3A_1628 {strides = array<i32>} : memref<32x128xf32, #tpu.memory_space<vmem>>, vector<1x16xf32>,
        %get3A_1629 = arith.index_cast %add3A_1563 : i32 to index
        %get3A_1630 = arith.constant 80 : index
        %get3A_1631 = tpu.vector_load %arg10[%get3A_1629, %get3A_1630] {strides = array<i32>} : memref<32x128xf32, #tpu.memory_space<vmem>>, vector<1x16xf32>,
        %get3A_1632 = vector.shape_cast %get3A_1631 : vector<1x16xf32> to vector<16xf32>
        %mul3A_1633 = arith.constant 11.3137083 : f32
        %mul3A_1634 = vector.broadcast %mul3A_1633 : f32 to vector<16xf32>
        %mul3A_1635 = arith.mulf %get3A_1632, %mul3A_1634 : vector<16xf32>
        %add3A_1636 = arith.addf %mul3A_1635, %get3A_818 : vector<16xf32>
        %swap3A_1637 = arith.index_cast %add3A_1563 : i32 to index
        %swap3A_1638 = arith.constant 80 : index
        %swap3A_1639 = tpu.vector_load %arg18[%swap3A_1637, %swap3A_1638] {strides = array<i32>} : memref<32x128xf32, #tpu.memory_space<vmem>>, vector<1x16xf32>,
        %swap3A_1640 = vector.shape_cast %swap3A_1639 : vector<1x16xf32> to vector<16xf32>
        %swap3A_1641 = vector.shape_cast %add3A_1636 : vector<16xf32> to vector<1x16xf32>
        tpu.vector_store %arg18[%swap3A_1637, %swap3A_1638], %swap3A_1641 {strides = array<i32>} : memref<32x128xf32, #tpu.memory_space<vmem>>, vector<1x16xf32>,
        %get3A_1642 = arith.index_cast %add3A_1563 : i32 to index
        %get3A_1643 = arith.constant 96 : index
        %get3A_1644 = tpu.vector_load %arg10[%get3A_1642, %get3A_1643] {strides = array<i32>} : memref<32x128xf32, #tpu.memory_space<vmem>>, vector<1x16xf32>,
        %get3A_1645 = vector.shape_cast %get3A_1644 : vector<1x16xf32> to vector<16xf32>
        %mul3A_1646 = arith.constant 11.3137083 : f32
        %mul3A_1647 = vector.broadcast %mul3A_1646 : f32 to vector<16xf32>
        %mul3A_1648 = arith.mulf %get3A_1645, %mul3A_1647 : vector<16xf32>
        %add3A_1649 = arith.addf %mul3A_1648, %get3A_822 : vector<16xf32>
        %swap3A_1650 = arith.index_cast %add3A_1563 : i32 to index
        %swap3A_1651 = arith.constant 96 : index
        %swap3A_1652 = tpu.vector_load %arg18[%swap3A_1650, %swap3A_1651] {strides = array<i32>} : memref<32x128xf32, #tpu.memory_space<vmem>>, vector<1x16xf32>,
        %swap3A_1653 = vector.shape_cast %swap3A_1652 : vector<1x16xf32> to vector<16xf32>
        %swap3A_1654 = vector.shape_cast %add3A_1649 : vector<16xf32> to vector<1x16xf32>
        tpu.vector_store %arg18[%swap3A_1650, %swap3A_1651], %swap3A_1654 {strides = array<i32>} : memref<32x128xf32, #tpu.memory_space<vmem>>, vector<1x16xf32>,
        %get3A_1655 = arith.index_cast %add3A_1563 : i32 to index
        %get3A_1656 = arith.constant 112 : index
        %get3A_1657 = tpu.vector_load %arg10[%get3A_1655, %get3A_1656] {strides = array<i32>} : memref<32x128xf32, #tpu.memory_space<vmem>>, vector<1x16xf32>,
        %get3A_1658 = vector.shape_cast %get3A_1657 : vector<1x16xf32> to vector<16xf32>
        %mul3A_1659 = arith.constant 11.3137083 : f32
        %mul3A_1660 = vector.broadcast %mul3A_1659 : f32 to vector<16xf32>
        %mul3A_1661 = arith.mulf %get3A_1658, %mul3A_1660 : vector<16xf32>
        %add3A_1662 = arith.addf %mul3A_1661, %get3A_826 : vector<16xf32>
        %swap3A_1663 = arith.index_cast %add3A_1563 : i32 to index
        %swap3A_1664 = arith.constant 112 : index
        %swap3A_1665 = tpu.vector_load %arg18[%swap3A_1663, %swap3A_1664] {strides = array<i32>} : memref<32x128xf32, #tpu.memory_space<vmem>>, vector<1x16xf32>,
        %swap3A_1666 = vector.shape_cast %swap3A_1665 : vector<1x16xf32> to vector<16xf32>
        %swap3A_1667 = vector.shape_cast %add3A_1662 : vector<16xf32> to vector<1x16xf32>
        tpu.vector_store %arg18[%swap3A_1663, %swap3A_1664], %swap3A_1667 {strides = array<i32>} : memref<32x128xf32, #tpu.memory_space<vmem>>, vector<1x16xf32>,
      }
      %scan3A_832 = arith.constant 16 : i32
      %mul3A_833 = arith.constant 2 : i32
      %mul3A_834 = arith.muli %add3A_780, %mul3A_833 : i32
      %add3A_835 = arith.constant 1 : i32
      %add3A_836 = arith.addi %mul3A_834, %add3A_835 : i32
      %get3A_837 = arith.index_cast %add3A_836 : i32 to index
      %get3A_838 = arith.constant 0 : index
      %get3A_839 = tpu.vector_load %arg8[%get3A_837, %get3A_838] {strides = array<i32>} : memref<64x128xf32, #tpu.memory_space<vmem>>, vector<1x16xf32>,
      %get3A_840 = vector.shape_cast %get3A_839 : vector<1x16xf32> to vector<16xf32>
      %get3A_841 = arith.index_cast %add3A_836 : i32 to index
      %get3A_842 = arith.constant 16 : index
      %get3A_843 = tpu.vector_load %arg8[%get3A_841, %get3A_842] {strides = array<i32>} : memref<64x128xf32, #tpu.memory_space<vmem>>, vector<1x16xf32>,
      %get3A_844 = vector.shape_cast %get3A_843 : vector<1x16xf32> to vector<16xf32>
      %get3A_845 = arith.index_cast %add3A_836 : i32 to index
      %get3A_846 = arith.constant 32 : index
      %get3A_847 = tpu.vector_load %arg8[%get3A_845, %get3A_846] {strides = array<i32>} : memref<64x128xf32, #tpu.memory_space<vmem>>, vector<1x16xf32>,
      %get3A_848 = vector.shape_cast %get3A_847 : vector<1x16xf32> to vector<16xf32>
      %get3A_849 = arith.index_cast %add3A_836 : i32 to index
      %get3A_850 = arith.constant 48 : index
      %get3A_851 = tpu.vector_load %arg8[%get3A_849, %get3A_850] {strides = array<i32>} : memref<64x128xf32, #tpu.memory_space<vmem>>, vector<1x16xf32>,
      %get3A_852 = vector.shape_cast %get3A_851 : vector<1x16xf32> to vector<16xf32>
      %get3A_853 = arith.index_cast %add3A_836 : i32 to index
      %get3A_854 = arith.constant 64 : index
      %get3A_855 = tpu.vector_load %arg8[%get3A_853, %get3A_854] {strides = array<i32>} : memref<64x128xf32, #tpu.memory_space<vmem>>, vector<1x16xf32>,
      %get3A_856 = vector.shape_cast %get3A_855 : vector<1x16xf32> to vector<16xf32>
      %get3A_857 = arith.index_cast %add3A_836 : i32 to index
      %get3A_858 = arith.constant 80 : index
      %get3A_859 = tpu.vector_load %arg8[%get3A_857, %get3A_858] {strides = array<i32>} : memref<64x128xf32, #tpu.memory_space<vmem>>, vector<1x16xf32>,
      %get3A_860 = vector.shape_cast %get3A_859 : vector<1x16xf32> to vector<16xf32>
      %get3A_861 = arith.index_cast %add3A_836 : i32 to index
      %get3A_862 = arith.constant 96 : index
      %get3A_863 = tpu.vector_load %arg8[%get3A_861, %get3A_862] {strides = array<i32>} : memref<64x128xf32, #tpu.memory_space<vmem>>, vector<1x16xf32>,
      %get3A_864 = vector.shape_cast %get3A_863 : vector<1x16xf32> to vector<16xf32>
      %get3A_865 = arith.index_cast %add3A_836 : i32 to index
      %get3A_866 = arith.constant 112 : index
      %get3A_867 = tpu.vector_load %arg8[%get3A_865, %get3A_866] {strides = array<i32>} : memref<64x128xf32, #tpu.memory_space<vmem>>, vector<1x16xf32>,
      %get3A_868 = vector.shape_cast %get3A_867 : vector<1x16xf32> to vector<16xf32>
      %scan3A_869 = arith.constant 0 : i32
      %scan3A_870 = arith.constant 0 : i32
      %scan3A_871 = arith.constant 16 : i32
      %scan3A_872 = arith.addi %scan3A_870, %scan3A_871 : i32
      %scan3A_873 = arith.constant 1 : i32
      scf.for %scan3A_1561 = %scan3A_870 to %scan3A_872 step %scan3A_873  : i32 {
        %add3A_1562 = arith.constant 16 : i32
        %add3A_1563 = arith.addi %add3A_1562, %scan3A_1561 : i32
        %get3A_1564 = arith.index_cast %add3A_1563 : i32 to index
        %get3A_1565 = arith.constant 0 : index
        %get3A_1566 = tpu.vector_load %arg10[%get3A_1564, %get3A_1565] {strides = array<i32>} : memref<32x128xf32, #tpu.memory_space<vmem>>, vector<1x16xf32>,
        %get3A_1567 = vector.shape_cast %get3A_1566 : vector<1x16xf32> to vector<16xf32>
        %mul3A_1568 = arith.constant 11.3137083 : f32
        %mul3A_1569 = vector.broadcast %mul3A_1568 : f32 to vector<16xf32>
        %mul3A_1570 = arith.mulf %get3A_1567, %mul3A_1569 : vector<16xf32>
        %add3A_1571 = arith.addf %mul3A_1570, %get3A_840 : vector<16xf32>
        %swap3A_1572 = arith.index_cast %add3A_1563 : i32 to index
        %swap3A_1573 = arith.constant 0 : index
        %swap3A_1574 = tpu.vector_load %arg18[%swap3A_1572, %swap3A_1573] {strides = array<i32>} : memref<32x128xf32, #tpu.memory_space<vmem>>, vector<1x16xf32>,
        %swap3A_1575 = vector.shape_cast %swap3A_1574 : vector<1x16xf32> to vector<16xf32>
        %swap3A_1576 = vector.shape_cast %add3A_1571 : vector<16xf32> to vector<1x16xf32>
        tpu.vector_store %arg18[%swap3A_1572, %swap3A_1573], %swap3A_1576 {strides = array<i32>} : memref<32x128xf32, #tpu.memory_space<vmem>>, vector<1x16xf32>,
        %get3A_1577 = arith.index_cast %add3A_1563 : i32 to index
        %get3A_1578 = arith.constant 16 : index
        %get3A_1579 = tpu.vector_load %arg10[%get3A_1577, %get3A_1578] {strides = array<i32>} : memref<32x128xf32, #tpu.memory_space<vmem>>, vector<1x16xf32>,
        %get3A_1580 = vector.shape_cast %get3A_1579 : vector<1x16xf32> to vector<16xf32>
        %mul3A_1581 = arith.constant 11.3137083 : f32
        %mul3A_1582 = vector.broadcast %mul3A_1581 : f32 to vector<16xf32>
        %mul3A_1583 = arith.mulf %get3A_1580, %mul3A_1582 : vector<16xf32>
        %add3A_1584 = arith.addf %mul3A_1583, %get3A_844 : vector<16xf32>
        %swap3A_1585 = arith.index_cast %add3A_1563 : i32 to index
        %swap3A_1586 = arith.constant 16 : index
        %swap3A_1587 = tpu.vector_load %arg18[%swap3A_1585, %swap3A_1586] {strides = array<i32>} : memref<32x128xf32, #tpu.memory_space<vmem>>, vector<1x16xf32>,
        %swap3A_1588 = vector.shape_cast %swap3A_1587 : vector<1x16xf32> to vector<16xf32>
        %swap3A_1589 = vector.shape_cast %add3A_1584 : vector<16xf32> to vector<1x16xf32>
        tpu.vector_store %arg18[%swap3A_1585, %swap3A_1586], %swap3A_1589 {strides = array<i32>} : memref<32x128xf32, #tpu.memory_space<vmem>>, vector<1x16xf32>,
        %get3A_1590 = arith.index_cast %add3A_1563 : i32 to index
        %get3A_1591 = arith.constant 32 : index
        %get3A_1592 = tpu.vector_load %arg10[%get3A_1590, %get3A_1591] {strides = array<i32>} : memref<32x128xf32, #tpu.memory_space<vmem>>, vector<1x16xf32>,
        %get3A_1593 = vector.shape_cast %get3A_1592 : vector<1x16xf32> to vector<16xf32>
        %mul3A_1594 = arith.constant 11.3137083 : f32
        %mul3A_1595 = vector.broadcast %mul3A_1594 : f32 to vector<16xf32>
        %mul3A_1596 = arith.mulf %get3A_1593, %mul3A_1595 : vector<16xf32>
        %add3A_1597 = arith.addf %mul3A_1596, %get3A_848 : vector<16xf32>
        %swap3A_1598 = arith.index_cast %add3A_1563 : i32 to index
        %swap3A_1599 = arith.constant 32 : index
        %swap3A_1600 = tpu.vector_load %arg18[%swap3A_1598, %swap3A_1599] {strides = array<i32>} : memref<32x128xf32, #tpu.memory_space<vmem>>, vector<1x16xf32>,
        %swap3A_1601 = vector.shape_cast %swap3A_1600 : vector<1x16xf32> to vector<16xf32>
        %swap3A_1602 = vector.shape_cast %add3A_1597 : vector<16xf32> to vector<1x16xf32>
        tpu.vector_store %arg18[%swap3A_1598, %swap3A_1599], %swap3A_1602 {strides = array<i32>} : memref<32x128xf32, #tpu.memory_space<vmem>>, vector<1x16xf32>,
        %get3A_1603 = arith.index_cast %add3A_1563 : i32 to index
        %get3A_1604 = arith.constant 48 : index
        %get3A_1605 = tpu.vector_load %arg10[%get3A_1603, %get3A_1604] {strides = array<i32>} : memref<32x128xf32, #tpu.memory_space<vmem>>, vector<1x16xf32>,
        %get3A_1606 = vector.shape_cast %get3A_1605 : vector<1x16xf32> to vector<16xf32>
        %mul3A_1607 = arith.constant 11.3137083 : f32
        %mul3A_1608 = vector.broadcast %mul3A_1607 : f32 to vector<16xf32>
        %mul3A_1609 = arith.mulf %get3A_1606, %mul3A_1608 : vector<16xf32>
        %add3A_1610 = arith.addf %mul3A_1609, %get3A_852 : vector<16xf32>
        %swap3A_1611 = arith.index_cast %add3A_1563 : i32 to index
        %swap3A_1612 = arith.constant 48 : index
        %swap3A_1613 = tpu.vector_load %arg18[%swap3A_1611, %swap3A_1612] {strides = array<i32>} : memref<32x128xf32, #tpu.memory_space<vmem>>, vector<1x16xf32>,
        %swap3A_1614 = vector.shape_cast %swap3A_1613 : vector<1x16xf32> to vector<16xf32>
        %swap3A_1615 = vector.shape_cast %add3A_1610 : vector<16xf32> to vector<1x16xf32>
        tpu.vector_store %arg18[%swap3A_1611, %swap3A_1612], %swap3A_1615 {strides = array<i32>} : memref<32x128xf32, #tpu.memory_space<vmem>>, vector<1x16xf32>,
        %get3A_1616 = arith.index_cast %add3A_1563 : i32 to index
        %get3A_1617 = arith.constant 64 : index
        %get3A_1618 = tpu.vector_load %arg10[%get3A_1616, %get3A_1617] {strides = array<i32>} : memref<32x128xf32, #tpu.memory_space<vmem>>, vector<1x16xf32>,
        %get3A_1619 = vector.shape_cast %get3A_1618 : vector<1x16xf32> to vector<16xf32>
        %mul3A_1620 = arith.constant 11.3137083 : f32
        %mul3A_1621 = vector.broadcast %mul3A_1620 : f32 to vector<16xf32>
        %mul3A_1622 = arith.mulf %get3A_1619, %mul3A_1621 : vector<16xf32>
        %add3A_1623 = arith.addf %mul3A_1622, %get3A_856 : vector<16xf32>
        %swap3A_1624 = arith.index_cast %add3A_1563 : i32 to index
        %swap3A_1625 = arith.constant 64 : index
        %swap3A_1626 = tpu.vector_load %arg18[%swap3A_1624, %swap3A_1625] {strides = array<i32>} : memref<32x128xf32, #tpu.memory_space<vmem>>, vector<1x16xf32>,
        %swap3A_1627 = vector.shape_cast %swap3A_1626 : vector<1x16xf32> to vector<16xf32>
        %swap3A_1628 = vector.shape_cast %add3A_1623 : vector<16xf32> to vector<1x16xf32>
        tpu.vector_store %arg18[%swap3A_1624, %swap3A_1625], %swap3A_1628 {strides = array<i32>} : memref<32x128xf32, #tpu.memory_space<vmem>>, vector<1x16xf32>,
        %get3A_1629 = arith.index_cast %add3A_1563 : i32 to index
        %get3A_1630 = arith.constant 80 : index
        %get3A_1631 = tpu.vector_load %arg10[%get3A_1629, %get3A_1630] {strides = array<i32>} : memref<32x128xf32, #tpu.memory_space<vmem>>, vector<1x16xf32>,
        %get3A_1632 = vector.shape_cast %get3A_1631 : vector<1x16xf32> to vector<16xf32>
        %mul3A_1633 = arith.constant 11.3137083 : f32
        %mul3A_1634 = vector.broadcast %mul3A_1633 : f32 to vector<16xf32>
        %mul3A_1635 = arith.mulf %get3A_1632, %mul3A_1634 : vector<16xf32>
        %add3A_1636 = arith.addf %mul3A_1635, %get3A_860 : vector<16xf32>
        %swap3A_1637 = arith.index_cast %add3A_1563 : i32 to index
        %swap3A_1638 = arith.constant 80 : index
        %swap3A_1639 = tpu.vector_load %arg18[%swap3A_1637, %swap3A_1638] {strides = array<i32>} : memref<32x128xf32, #tpu.memory_space<vmem>>, vector<1x16xf32>,
        %swap3A_1640 = vector.shape_cast %swap3A_1639 : vector<1x16xf32> to vector<16xf32>
        %swap3A_1641 = vector.shape_cast %add3A_1636 : vector<16xf32> to vector<1x16xf32>
        tpu.vector_store %arg18[%swap3A_1637, %swap3A_1638], %swap3A_1641 {strides = array<i32>} : memref<32x128xf32, #tpu.memory_space<vmem>>, vector<1x16xf32>,
        %get3A_1642 = arith.index_cast %add3A_1563 : i32 to index
        %get3A_1643 = arith.constant 96 : index
        %get3A_1644 = tpu.vector_load %arg10[%get3A_1642, %get3A_1643] {strides = array<i32>} : memref<32x128xf32, #tpu.memory_space<vmem>>, vector<1x16xf32>,
        %get3A_1645 = vector.shape_cast %get3A_1644 : vector<1x16xf32> to vector<16xf32>
        %mul3A_1646 = arith.constant 11.3137083 : f32
        %mul3A_1647 = vector.broadcast %mul3A_1646 : f32 to vector<16xf32>
        %mul3A_1648 = arith.mulf %get3A_1645, %mul3A_1647 : vector<16xf32>
        %add3A_1649 = arith.addf %mul3A_1648, %get3A_864 : vector<16xf32>
        %swap3A_1650 = arith.index_cast %add3A_1563 : i32 to index
        %swap3A_1651 = arith.constant 96 : index
        %swap3A_1652 = tpu.vector_load %arg18[%swap3A_1650, %swap3A_1651] {strides = array<i32>} : memref<32x128xf32, #tpu.memory_space<vmem>>, vector<1x16xf32>,
        %swap3A_1653 = vector.shape_cast %swap3A_1652 : vector<1x16xf32> to vector<16xf32>
        %swap3A_1654 = vector.shape_cast %add3A_1649 : vector<16xf32> to vector<1x16xf32>
        tpu.vector_store %arg18[%swap3A_1650, %swap3A_1651], %swap3A_1654 {strides = array<i32>} : memref<32x128xf32, #tpu.memory_space<vmem>>, vector<1x16xf32>,
        %get3A_1655 = arith.index_cast %add3A_1563 : i32 to index
        %get3A_1656 = arith.constant 112 : index
        %get3A_1657 = tpu.vector_load %arg10[%get3A_1655, %get3A_1656] {strides = array<i32>} : memref<32x128xf32, #tpu.memory_space<vmem>>, vector<1x16xf32>,
        %get3A_1658 = vector.shape_cast %get3A_1657 : vector<1x16xf32> to vector<16xf32>
        %mul3A_1659 = arith.constant 11.3137083 : f32
        %mul3A_1660 = vector.broadcast %mul3A_1659 : f32 to vector<16xf32>
        %mul3A_1661 = arith.mulf %get3A_1658, %mul3A_1660 : vector<16xf32>
        %add3A_1662 = arith.addf %mul3A_1661, %get3A_868 : vector<16xf32>
        %swap3A_1663 = arith.index_cast %add3A_1563 : i32 to index
        %swap3A_1664 = arith.constant 112 : index
        %swap3A_1665 = tpu.vector_load %arg18[%swap3A_1663, %swap3A_1664] {strides = array<i32>} : memref<32x128xf32, #tpu.memory_space<vmem>>, vector<1x16xf32>,
        %swap3A_1666 = vector.shape_cast %swap3A_1665 : vector<1x16xf32> to vector<16xf32>
        %swap3A_1667 = vector.shape_cast %add3A_1662 : vector<16xf32> to vector<1x16xf32>
        tpu.vector_store %arg18[%swap3A_1663, %swap3A_1664], %swap3A_1667 {strides = array<i32>} : memref<32x128xf32, #tpu.memory_space<vmem>>, vector<1x16xf32>,
      }
      %scan3A_874 = arith.constant 16 : i32
      %lt3A_875 = arith.constant 3 : i32
      %lt3A_876 = arith.cmpi slt, %scan3A_668, %lt3A_875 : i32
      %convert_element_type3A_877 = arith.extui %lt3A_876 : i1 to i32
      %cond3A_878 = arith.constant 0 : i32
      %cond3A_879 = arith.cmpi ne, %convert_element_type3A_877, %cond3A_878 : i32
      scf.if %cond3A_879 {
        %add3A_1561 = arith.constant 8 : i32
        %add3A_1562 = arith.addi %add3A_780, %add3A_1561 : i32
        %mul3A_1563 = arith.constant 32 : i32
        %mul3A_1564 = arith.muli %add3A_1562, %mul3A_1563 : i32
        %dma_start3A_1565 = tpu.memref_slice %arg7[%mul3A_1564] : memref<1024xi32, #tpu.memory_space<vmem>> -> memref<32xi32, #tpu.memory_space<vmem>>
        %dma_start3A_1566 = arith.constant 0 : i32
        %dma_start3A_1567 = arith.constant 0 : i32
        %dma_start3A_1568 = tpu.memref_slice %arg4[%dma_start3A_1566, %dma_start3A_1567] : memref<100000x128xf32, #tpu.memory_space<hbm>> -> memref<100000x128xf32, #tpu.memory_space<hbm>>
        tpu.enqueue_indirect_dma source(%dma_start3A_1568 : memref<100000x128xf32, #tpu.memory_space<hbm>>) target(%arg10 : memref<32x128xf32, #tpu.memory_space<vmem>>) offsets(%dma_start3A_1565 : memref<32xi32, #tpu.memory_space<vmem>>) semaphore(%arg26 : memref<!tpu.dma_semaphore, #tpu.memory_space<semaphore_mem>>)
      } else {
      }
      %mul3A_880 = arith.constant 16 : i32
      %mul3A_881 = arith.muli %mul3A_2, %mul3A_880 : i32
      %mul3A_882 = arith.constant 32 : i32
      %mul3A_883 = arith.muli %add3A_780, %mul3A_882 : i32
      %add3A_884 = arith.addi %mul3A_881, %mul3A_883 : i32
      %dma_start3A_885 = arith.constant 0 : i32
      %dma_start3A_886 = tpu.memref_slice %arg5[%add3A_884, %dma_start3A_885] : memref<32768x128xf32, #tpu.memory_space<hbm>> -> memref<32x128xf32, #tpu.memory_space<hbm>>
      %dma_start3A_887 = arith.constant 0 : i32
      %dma_start3A_888 = tpu.memref_slice %arg5[%add3A_884, %dma_start3A_887] : memref<32768x128xf32, #tpu.memory_space<hbm>> -> memref<32x128xf32, #tpu.memory_space<hbm>>
      tpu.enqueue_dma source(%arg18 : memref<32x128xf32, #tpu.memory_space<vmem>>) target(%dma_start3A_888 : memref<32x128xf32, #tpu.memory_space<hbm>>) target_semaphore(%arg34 : memref<!tpu.dma_semaphore, #tpu.memory_space<semaphore_mem>>)
      %mul3A_889 = arith.constant 8 : i32
      %mul3A_890 = arith.muli %scan3A_668, %mul3A_889 : i32
      %add3A_891 = arith.constant 2 : i32
      %add3A_892 = arith.addi %mul3A_890, %add3A_891 : i32
      %dma_wait3A_893 = arith.constant 0 : i32
      %dma_wait3A_894 = tpu.memref_slice %arg7[%dma_wait3A_893] : memref<1024xi32, #tpu.memory_space<vmem>> -> memref<32xi32, #tpu.memory_space<vmem>>
      %dma_wait3A_895 = arith.constant 0 : i32
      %dma_wait3A_896 = arith.constant 0 : i32
      %dma_wait3A_897 = tpu.memref_slice %arg4[%dma_wait3A_895, %dma_wait3A_896] : memref<100000x128xf32, #tpu.memory_space<hbm>> -> memref<100000x128xf32, #tpu.memory_space<hbm>>
      tpu.wait_indirect_dma semaphore(%arg27 : memref<!tpu.dma_semaphore, #tpu.memory_space<semaphore_mem>>) src(%dma_wait3A_897 : memref<100000x128xf32, #tpu.memory_space<hbm>>) dst(%arg11 : memref<32x128xf32, #tpu.memory_space<vmem>>)
      %gt3A_898 = arith.constant 0 : i32
      %gt3A_899 = arith.cmpi sgt, %scan3A_668, %gt3A_898 : i32
      %convert_element_type3A_900 = arith.extui %gt3A_899 : i1 to i32
      %cond3A_901 = arith.constant 0 : i32
      %cond3A_902 = arith.cmpi ne, %convert_element_type3A_900, %cond3A_901 : i32
      scf.if %cond3A_902 {
        %dma_wait3A_1561 = arith.constant 0 : i32
        %dma_wait3A_1562 = arith.constant 0 : i32
        %dma_wait3A_1563 = tpu.memref_slice %arg5[%dma_wait3A_1561, %dma_wait3A_1562] : memref<32768x128xf32, #tpu.memory_space<hbm>> -> memref<32x128xf32, #tpu.memory_space<hbm>>
        %dma_wait3A_1564 = arith.constant 0 : i32
        %dma_wait3A_1565 = arith.constant 0 : i32
        %dma_wait3A_1566 = tpu.memref_slice %arg5[%dma_wait3A_1564, %dma_wait3A_1565] : memref<32768x128xf32, #tpu.memory_space<hbm>> -> memref<32x128xf32, #tpu.memory_space<hbm>>
        tpu.wait_dma2 semaphore(%arg35 : memref<!tpu.dma_semaphore, #tpu.memory_space<semaphore_mem>>) src(%arg19 : memref<32x128xf32, #tpu.memory_space<vmem>>) dst(%dma_wait3A_1566 : memref<32x128xf32, #tpu.memory_space<hbm>>)
      } else {
      }
      %mul3A_903 = arith.constant 2 : i32
      %mul3A_904 = arith.muli %add3A_892, %mul3A_903 : i32
      %add3A_905 = arith.constant 0 : i32
      %add3A_906 = arith.addi %mul3A_904, %add3A_905 : i32
      %get3A_907 = arith.index_cast %add3A_906 : i32 to index
      %get3A_908 = arith.constant 0 : index
      %get3A_909 = tpu.vector_load %arg8[%get3A_907, %get3A_908] {strides = array<i32>} : memref<64x128xf32, #tpu.memory_space<vmem>>, vector<1x16xf32>,
      %get3A_910 = vector.shape_cast %get3A_909 : vector<1x16xf32> to vector<16xf32>
      %get3A_911 = arith.index_cast %add3A_906 : i32 to index
      %get3A_912 = arith.constant 16 : index
      %get3A_913 = tpu.vector_load %arg8[%get3A_911, %get3A_912] {strides = array<i32>} : memref<64x128xf32, #tpu.memory_space<vmem>>, vector<1x16xf32>,
      %get3A_914 = vector.shape_cast %get3A_913 : vector<1x16xf32> to vector<16xf32>
      %get3A_915 = arith.index_cast %add3A_906 : i32 to index
      %get3A_916 = arith.constant 32 : index
      %get3A_917 = tpu.vector_load %arg8[%get3A_915, %get3A_916] {strides = array<i32>} : memref<64x128xf32, #tpu.memory_space<vmem>>, vector<1x16xf32>,
      %get3A_918 = vector.shape_cast %get3A_917 : vector<1x16xf32> to vector<16xf32>
      %get3A_919 = arith.index_cast %add3A_906 : i32 to index
      %get3A_920 = arith.constant 48 : index
      %get3A_921 = tpu.vector_load %arg8[%get3A_919, %get3A_920] {strides = array<i32>} : memref<64x128xf32, #tpu.memory_space<vmem>>, vector<1x16xf32>,
      %get3A_922 = vector.shape_cast %get3A_921 : vector<1x16xf32> to vector<16xf32>
      %get3A_923 = arith.index_cast %add3A_906 : i32 to index
      %get3A_924 = arith.constant 64 : index
      %get3A_925 = tpu.vector_load %arg8[%get3A_923, %get3A_924] {strides = array<i32>} : memref<64x128xf32, #tpu.memory_space<vmem>>, vector<1x16xf32>,
      %get3A_926 = vector.shape_cast %get3A_925 : vector<1x16xf32> to vector<16xf32>
      %get3A_927 = arith.index_cast %add3A_906 : i32 to index
      %get3A_928 = arith.constant 80 : index
      %get3A_929 = tpu.vector_load %arg8[%get3A_927, %get3A_928] {strides = array<i32>} : memref<64x128xf32, #tpu.memory_space<vmem>>, vector<1x16xf32>,
      %get3A_930 = vector.shape_cast %get3A_929 : vector<1x16xf32> to vector<16xf32>
      %get3A_931 = arith.index_cast %add3A_906 : i32 to index
      %get3A_932 = arith.constant 96 : index
      %get3A_933 = tpu.vector_load %arg8[%get3A_931, %get3A_932] {strides = array<i32>} : memref<64x128xf32, #tpu.memory_space<vmem>>, vector<1x16xf32>,
      %get3A_934 = vector.shape_cast %get3A_933 : vector<1x16xf32> to vector<16xf32>
      %get3A_935 = arith.index_cast %add3A_906 : i32 to index
      %get3A_936 = arith.constant 112 : index
      %get3A_937 = tpu.vector_load %arg8[%get3A_935, %get3A_936] {strides = array<i32>} : memref<64x128xf32, #tpu.memory_space<vmem>>, vector<1x16xf32>,
      %get3A_938 = vector.shape_cast %get3A_937 : vector<1x16xf32> to vector<16xf32>
      %scan3A_939 = arith.constant 0 : i32
      %scan3A_940 = arith.constant 0 : i32
      %scan3A_941 = arith.constant 16 : i32
      %scan3A_942 = arith.addi %scan3A_940, %scan3A_941 : i32
      %scan3A_943 = arith.constant 1 : i32
      scf.for %scan3A_1561 = %scan3A_940 to %scan3A_942 step %scan3A_943  : i32 {
        %add3A_1562 = arith.constant 0 : i32
        %add3A_1563 = arith.addi %add3A_1562, %scan3A_1561 : i32
        %get3A_1564 = arith.index_cast %add3A_1563 : i32 to index
        %get3A_1565 = arith.constant 0 : index
        %get3A_1566 = tpu.vector_load %arg11[%get3A_1564, %get3A_1565] {strides = array<i32>} : memref<32x128xf32, #tpu.memory_space<vmem>>, vector<1x16xf32>,
        %get3A_1567 = vector.shape_cast %get3A_1566 : vector<1x16xf32> to vector<16xf32>
        %mul3A_1568 = arith.constant 11.3137083 : f32
        %mul3A_1569 = vector.broadcast %mul3A_1568 : f32 to vector<16xf32>
        %mul3A_1570 = arith.mulf %get3A_1567, %mul3A_1569 : vector<16xf32>
        %add3A_1571 = arith.addf %mul3A_1570, %get3A_910 : vector<16xf32>
        %swap3A_1572 = arith.index_cast %add3A_1563 : i32 to index
        %swap3A_1573 = arith.constant 0 : index
        %swap3A_1574 = tpu.vector_load %arg19[%swap3A_1572, %swap3A_1573] {strides = array<i32>} : memref<32x128xf32, #tpu.memory_space<vmem>>, vector<1x16xf32>,
        %swap3A_1575 = vector.shape_cast %swap3A_1574 : vector<1x16xf32> to vector<16xf32>
        %swap3A_1576 = vector.shape_cast %add3A_1571 : vector<16xf32> to vector<1x16xf32>
        tpu.vector_store %arg19[%swap3A_1572, %swap3A_1573], %swap3A_1576 {strides = array<i32>} : memref<32x128xf32, #tpu.memory_space<vmem>>, vector<1x16xf32>,
        %get3A_1577 = arith.index_cast %add3A_1563 : i32 to index
        %get3A_1578 = arith.constant 16 : index
        %get3A_1579 = tpu.vector_load %arg11[%get3A_1577, %get3A_1578] {strides = array<i32>} : memref<32x128xf32, #tpu.memory_space<vmem>>, vector<1x16xf32>,
        %get3A_1580 = vector.shape_cast %get3A_1579 : vector<1x16xf32> to vector<16xf32>
        %mul3A_1581 = arith.constant 11.3137083 : f32
        %mul3A_1582 = vector.broadcast %mul3A_1581 : f32 to vector<16xf32>
        %mul3A_1583 = arith.mulf %get3A_1580, %mul3A_1582 : vector<16xf32>
        %add3A_1584 = arith.addf %mul3A_1583, %get3A_914 : vector<16xf32>
        %swap3A_1585 = arith.index_cast %add3A_1563 : i32 to index
        %swap3A_1586 = arith.constant 16 : index
        %swap3A_1587 = tpu.vector_load %arg19[%swap3A_1585, %swap3A_1586] {strides = array<i32>} : memref<32x128xf32, #tpu.memory_space<vmem>>, vector<1x16xf32>,
        %swap3A_1588 = vector.shape_cast %swap3A_1587 : vector<1x16xf32> to vector<16xf32>
        %swap3A_1589 = vector.shape_cast %add3A_1584 : vector<16xf32> to vector<1x16xf32>
        tpu.vector_store %arg19[%swap3A_1585, %swap3A_1586], %swap3A_1589 {strides = array<i32>} : memref<32x128xf32, #tpu.memory_space<vmem>>, vector<1x16xf32>,
        %get3A_1590 = arith.index_cast %add3A_1563 : i32 to index
        %get3A_1591 = arith.constant 32 : index
        %get3A_1592 = tpu.vector_load %arg11[%get3A_1590, %get3A_1591] {strides = array<i32>} : memref<32x128xf32, #tpu.memory_space<vmem>>, vector<1x16xf32>,
        %get3A_1593 = vector.shape_cast %get3A_1592 : vector<1x16xf32> to vector<16xf32>
        %mul3A_1594 = arith.constant 11.3137083 : f32
        %mul3A_1595 = vector.broadcast %mul3A_1594 : f32 to vector<16xf32>
        %mul3A_1596 = arith.mulf %get3A_1593, %mul3A_1595 : vector<16xf32>
        %add3A_1597 = arith.addf %mul3A_1596, %get3A_918 : vector<16xf32>
        %swap3A_1598 = arith.index_cast %add3A_1563 : i32 to index
        %swap3A_1599 = arith.constant 32 : index
        %swap3A_1600 = tpu.vector_load %arg19[%swap3A_1598, %swap3A_1599] {strides = array<i32>} : memref<32x128xf32, #tpu.memory_space<vmem>>, vector<1x16xf32>,
        %swap3A_1601 = vector.shape_cast %swap3A_1600 : vector<1x16xf32> to vector<16xf32>
        %swap3A_1602 = vector.shape_cast %add3A_1597 : vector<16xf32> to vector<1x16xf32>
        tpu.vector_store %arg19[%swap3A_1598, %swap3A_1599], %swap3A_1602 {strides = array<i32>} : memref<32x128xf32, #tpu.memory_space<vmem>>, vector<1x16xf32>,
        %get3A_1603 = arith.index_cast %add3A_1563 : i32 to index
        %get3A_1604 = arith.constant 48 : index
        %get3A_1605 = tpu.vector_load %arg11[%get3A_1603, %get3A_1604] {strides = array<i32>} : memref<32x128xf32, #tpu.memory_space<vmem>>, vector<1x16xf32>,
        %get3A_1606 = vector.shape_cast %get3A_1605 : vector<1x16xf32> to vector<16xf32>
        %mul3A_1607 = arith.constant 11.3137083 : f32
        %mul3A_1608 = vector.broadcast %mul3A_1607 : f32 to vector<16xf32>
        %mul3A_1609 = arith.mulf %get3A_1606, %mul3A_1608 : vector<16xf32>
        %add3A_1610 = arith.addf %mul3A_1609, %get3A_922 : vector<16xf32>
        %swap3A_1611 = arith.index_cast %add3A_1563 : i32 to index
        %swap3A_1612 = arith.constant 48 : index
        %swap3A_1613 = tpu.vector_load %arg19[%swap3A_1611, %swap3A_1612] {strides = array<i32>} : memref<32x128xf32, #tpu.memory_space<vmem>>, vector<1x16xf32>,
        %swap3A_1614 = vector.shape_cast %swap3A_1613 : vector<1x16xf32> to vector<16xf32>
        %swap3A_1615 = vector.shape_cast %add3A_1610 : vector<16xf32> to vector<1x16xf32>
        tpu.vector_store %arg19[%swap3A_1611, %swap3A_1612], %swap3A_1615 {strides = array<i32>} : memref<32x128xf32, #tpu.memory_space<vmem>>, vector<1x16xf32>,
        %get3A_1616 = arith.index_cast %add3A_1563 : i32 to index
        %get3A_1617 = arith.constant 64 : index
        %get3A_1618 = tpu.vector_load %arg11[%get3A_1616, %get3A_1617] {strides = array<i32>} : memref<32x128xf32, #tpu.memory_space<vmem>>, vector<1x16xf32>,
        %get3A_1619 = vector.shape_cast %get3A_1618 : vector<1x16xf32> to vector<16xf32>
        %mul3A_1620 = arith.constant 11.3137083 : f32
        %mul3A_1621 = vector.broadcast %mul3A_1620 : f32 to vector<16xf32>
        %mul3A_1622 = arith.mulf %get3A_1619, %mul3A_1621 : vector<16xf32>
        %add3A_1623 = arith.addf %mul3A_1622, %get3A_926 : vector<16xf32>
        %swap3A_1624 = arith.index_cast %add3A_1563 : i32 to index
        %swap3A_1625 = arith.constant 64 : index
        %swap3A_1626 = tpu.vector_load %arg19[%swap3A_1624, %swap3A_1625] {strides = array<i32>} : memref<32x128xf32, #tpu.memory_space<vmem>>, vector<1x16xf32>,
        %swap3A_1627 = vector.shape_cast %swap3A_1626 : vector<1x16xf32> to vector<16xf32>
        %swap3A_1628 = vector.shape_cast %add3A_1623 : vector<16xf32> to vector<1x16xf32>
        tpu.vector_store %arg19[%swap3A_1624, %swap3A_1625], %swap3A_1628 {strides = array<i32>} : memref<32x128xf32, #tpu.memory_space<vmem>>, vector<1x16xf32>,
        %get3A_1629 = arith.index_cast %add3A_1563 : i32 to index
        %get3A_1630 = arith.constant 80 : index
        %get3A_1631 = tpu.vector_load %arg11[%get3A_1629, %get3A_1630] {strides = array<i32>} : memref<32x128xf32, #tpu.memory_space<vmem>>, vector<1x16xf32>,
        %get3A_1632 = vector.shape_cast %get3A_1631 : vector<1x16xf32> to vector<16xf32>
        %mul3A_1633 = arith.constant 11.3137083 : f32
        %mul3A_1634 = vector.broadcast %mul3A_1633 : f32 to vector<16xf32>
        %mul3A_1635 = arith.mulf %get3A_1632, %mul3A_1634 : vector<16xf32>
        %add3A_1636 = arith.addf %mul3A_1635, %get3A_930 : vector<16xf32>
        %swap3A_1637 = arith.index_cast %add3A_1563 : i32 to index
        %swap3A_1638 = arith.constant 80 : index
        %swap3A_1639 = tpu.vector_load %arg19[%swap3A_1637, %swap3A_1638] {strides = array<i32>} : memref<32x128xf32, #tpu.memory_space<vmem>>, vector<1x16xf32>,
        %swap3A_1640 = vector.shape_cast %swap3A_1639 : vector<1x16xf32> to vector<16xf32>
        %swap3A_1641 = vector.shape_cast %add3A_1636 : vector<16xf32> to vector<1x16xf32>
        tpu.vector_store %arg19[%swap3A_1637, %swap3A_1638], %swap3A_1641 {strides = array<i32>} : memref<32x128xf32, #tpu.memory_space<vmem>>, vector<1x16xf32>,
        %get3A_1642 = arith.index_cast %add3A_1563 : i32 to index
        %get3A_1643 = arith.constant 96 : index
        %get3A_1644 = tpu.vector_load %arg11[%get3A_1642, %get3A_1643] {strides = array<i32>} : memref<32x128xf32, #tpu.memory_space<vmem>>, vector<1x16xf32>,
        %get3A_1645 = vector.shape_cast %get3A_1644 : vector<1x16xf32> to vector<16xf32>
        %mul3A_1646 = arith.constant 11.3137083 : f32
        %mul3A_1647 = vector.broadcast %mul3A_1646 : f32 to vector<16xf32>
        %mul3A_1648 = arith.mulf %get3A_1645, %mul3A_1647 : vector<16xf32>
        %add3A_1649 = arith.addf %mul3A_1648, %get3A_934 : vector<16xf32>
        %swap3A_1650 = arith.index_cast %add3A_1563 : i32 to index
        %swap3A_1651 = arith.constant 96 : index
        %swap3A_1652 = tpu.vector_load %arg19[%swap3A_1650, %swap3A_1651] {strides = array<i32>} : memref<32x128xf32, #tpu.memory_space<vmem>>, vector<1x16xf32>,
        %swap3A_1653 = vector.shape_cast %swap3A_1652 : vector<1x16xf32> to vector<16xf32>
        %swap3A_1654 = vector.shape_cast %add3A_1649 : vector<16xf32> to vector<1x16xf32>
        tpu.vector_store %arg19[%swap3A_1650, %swap3A_1651], %swap3A_1654 {strides = array<i32>} : memref<32x128xf32, #tpu.memory_space<vmem>>, vector<1x16xf32>,
        %get3A_1655 = arith.index_cast %add3A_1563 : i32 to index
        %get3A_1656 = arith.constant 112 : index
        %get3A_1657 = tpu.vector_load %arg11[%get3A_1655, %get3A_1656] {strides = array<i32>} : memref<32x128xf32, #tpu.memory_space<vmem>>, vector<1x16xf32>,
        %get3A_1658 = vector.shape_cast %get3A_1657 : vector<1x16xf32> to vector<16xf32>
        %mul3A_1659 = arith.constant 11.3137083 : f32
        %mul3A_1660 = vector.broadcast %mul3A_1659 : f32 to vector<16xf32>
        %mul3A_1661 = arith.mulf %get3A_1658, %mul3A_1660 : vector<16xf32>
        %add3A_1662 = arith.addf %mul3A_1661, %get3A_938 : vector<16xf32>
        %swap3A_1663 = arith.index_cast %add3A_1563 : i32 to index
        %swap3A_1664 = arith.constant 112 : index
        %swap3A_1665 = tpu.vector_load %arg19[%swap3A_1663, %swap3A_1664] {strides = array<i32>} : memref<32x128xf32, #tpu.memory_space<vmem>>, vector<1x16xf32>,
        %swap3A_1666 = vector.shape_cast %swap3A_1665 : vector<1x16xf32> to vector<16xf32>
        %swap3A_1667 = vector.shape_cast %add3A_1662 : vector<16xf32> to vector<1x16xf32>
        tpu.vector_store %arg19[%swap3A_1663, %swap3A_1664], %swap3A_1667 {strides = array<i32>} : memref<32x128xf32, #tpu.memory_space<vmem>>, vector<1x16xf32>,
      }
      %scan3A_944 = arith.constant 16 : i32
      %mul3A_945 = arith.constant 2 : i32
      %mul3A_946 = arith.muli %add3A_892, %mul3A_945 : i32
      %add3A_947 = arith.constant 1 : i32
      %add3A_948 = arith.addi %mul3A_946, %add3A_947 : i32
      %get3A_949 = arith.index_cast %add3A_948 : i32 to index
      %get3A_950 = arith.constant 0 : index
      %get3A_951 = tpu.vector_load %arg8[%get3A_949, %get3A_950] {strides = array<i32>} : memref<64x128xf32, #tpu.memory_space<vmem>>, vector<1x16xf32>,
      %get3A_952 = vector.shape_cast %get3A_951 : vector<1x16xf32> to vector<16xf32>
      %get3A_953 = arith.index_cast %add3A_948 : i32 to index
      %get3A_954 = arith.constant 16 : index
      %get3A_955 = tpu.vector_load %arg8[%get3A_953, %get3A_954] {strides = array<i32>} : memref<64x128xf32, #tpu.memory_space<vmem>>, vector<1x16xf32>,
      %get3A_956 = vector.shape_cast %get3A_955 : vector<1x16xf32> to vector<16xf32>
      %get3A_957 = arith.index_cast %add3A_948 : i32 to index
      %get3A_958 = arith.constant 32 : index
      %get3A_959 = tpu.vector_load %arg8[%get3A_957, %get3A_958] {strides = array<i32>} : memref<64x128xf32, #tpu.memory_space<vmem>>, vector<1x16xf32>,
      %get3A_960 = vector.shape_cast %get3A_959 : vector<1x16xf32> to vector<16xf32>
      %get3A_961 = arith.index_cast %add3A_948 : i32 to index
      %get3A_962 = arith.constant 48 : index
      %get3A_963 = tpu.vector_load %arg8[%get3A_961, %get3A_962] {strides = array<i32>} : memref<64x128xf32, #tpu.memory_space<vmem>>, vector<1x16xf32>,
      %get3A_964 = vector.shape_cast %get3A_963 : vector<1x16xf32> to vector<16xf32>
      %get3A_965 = arith.index_cast %add3A_948 : i32 to index
      %get3A_966 = arith.constant 64 : index
      %get3A_967 = tpu.vector_load %arg8[%get3A_965, %get3A_966] {strides = array<i32>} : memref<64x128xf32, #tpu.memory_space<vmem>>, vector<1x16xf32>,
      %get3A_968 = vector.shape_cast %get3A_967 : vector<1x16xf32> to vector<16xf32>
      %get3A_969 = arith.index_cast %add3A_948 : i32 to index
      %get3A_970 = arith.constant 80 : index
      %get3A_971 = tpu.vector_load %arg8[%get3A_969, %get3A_970] {strides = array<i32>} : memref<64x128xf32, #tpu.memory_space<vmem>>, vector<1x16xf32>,
      %get3A_972 = vector.shape_cast %get3A_971 : vector<1x16xf32> to vector<16xf32>
      %get3A_973 = arith.index_cast %add3A_948 : i32 to index
      %get3A_974 = arith.constant 96 : index
      %get3A_975 = tpu.vector_load %arg8[%get3A_973, %get3A_974] {strides = array<i32>} : memref<64x128xf32, #tpu.memory_space<vmem>>, vector<1x16xf32>,
      %get3A_976 = vector.shape_cast %get3A_975 : vector<1x16xf32> to vector<16xf32>
      %get3A_977 = arith.index_cast %add3A_948 : i32 to index
      %get3A_978 = arith.constant 112 : index
      %get3A_979 = tpu.vector_load %arg8[%get3A_977, %get3A_978] {strides = array<i32>} : memref<64x128xf32, #tpu.memory_space<vmem>>, vector<1x16xf32>,
      %get3A_980 = vector.shape_cast %get3A_979 : vector<1x16xf32> to vector<16xf32>
      %scan3A_981 = arith.constant 0 : i32
      %scan3A_982 = arith.constant 0 : i32
      %scan3A_983 = arith.constant 16 : i32
      %scan3A_984 = arith.addi %scan3A_982, %scan3A_983 : i32
      %scan3A_985 = arith.constant 1 : i32
      scf.for %scan3A_1561 = %scan3A_982 to %scan3A_984 step %scan3A_985  : i32 {
        %add3A_1562 = arith.constant 16 : i32
        %add3A_1563 = arith.addi %add3A_1562, %scan3A_1561 : i32
        %get3A_1564 = arith.index_cast %add3A_1563 : i32 to index
        %get3A_1565 = arith.constant 0 : index
        %get3A_1566 = tpu.vector_load %arg11[%get3A_1564, %get3A_1565] {strides = array<i32>} : memref<32x128xf32, #tpu.memory_space<vmem>>, vector<1x16xf32>,
        %get3A_1567 = vector.shape_cast %get3A_1566 : vector<1x16xf32> to vector<16xf32>
        %mul3A_1568 = arith.constant 11.3137083 : f32
        %mul3A_1569 = vector.broadcast %mul3A_1568 : f32 to vector<16xf32>
        %mul3A_1570 = arith.mulf %get3A_1567, %mul3A_1569 : vector<16xf32>
        %add3A_1571 = arith.addf %mul3A_1570, %get3A_952 : vector<16xf32>
        %swap3A_1572 = arith.index_cast %add3A_1563 : i32 to index
        %swap3A_1573 = arith.constant 0 : index
        %swap3A_1574 = tpu.vector_load %arg19[%swap3A_1572, %swap3A_1573] {strides = array<i32>} : memref<32x128xf32, #tpu.memory_space<vmem>>, vector<1x16xf32>,
        %swap3A_1575 = vector.shape_cast %swap3A_1574 : vector<1x16xf32> to vector<16xf32>
        %swap3A_1576 = vector.shape_cast %add3A_1571 : vector<16xf32> to vector<1x16xf32>
        tpu.vector_store %arg19[%swap3A_1572, %swap3A_1573], %swap3A_1576 {strides = array<i32>} : memref<32x128xf32, #tpu.memory_space<vmem>>, vector<1x16xf32>,
        %get3A_1577 = arith.index_cast %add3A_1563 : i32 to index
        %get3A_1578 = arith.constant 16 : index
        %get3A_1579 = tpu.vector_load %arg11[%get3A_1577, %get3A_1578] {strides = array<i32>} : memref<32x128xf32, #tpu.memory_space<vmem>>, vector<1x16xf32>,
        %get3A_1580 = vector.shape_cast %get3A_1579 : vector<1x16xf32> to vector<16xf32>
        %mul3A_1581 = arith.constant 11.3137083 : f32
        %mul3A_1582 = vector.broadcast %mul3A_1581 : f32 to vector<16xf32>
        %mul3A_1583 = arith.mulf %get3A_1580, %mul3A_1582 : vector<16xf32>
        %add3A_1584 = arith.addf %mul3A_1583, %get3A_956 : vector<16xf32>
        %swap3A_1585 = arith.index_cast %add3A_1563 : i32 to index
        %swap3A_1586 = arith.constant 16 : index
        %swap3A_1587 = tpu.vector_load %arg19[%swap3A_1585, %swap3A_1586] {strides = array<i32>} : memref<32x128xf32, #tpu.memory_space<vmem>>, vector<1x16xf32>,
        %swap3A_1588 = vector.shape_cast %swap3A_1587 : vector<1x16xf32> to vector<16xf32>
        %swap3A_1589 = vector.shape_cast %add3A_1584 : vector<16xf32> to vector<1x16xf32>
        tpu.vector_store %arg19[%swap3A_1585, %swap3A_1586], %swap3A_1589 {strides = array<i32>} : memref<32x128xf32, #tpu.memory_space<vmem>>, vector<1x16xf32>,
        %get3A_1590 = arith.index_cast %add3A_1563 : i32 to index
        %get3A_1591 = arith.constant 32 : index
        %get3A_1592 = tpu.vector_load %arg11[%get3A_1590, %get3A_1591] {strides = array<i32>} : memref<32x128xf32, #tpu.memory_space<vmem>>, vector<1x16xf32>,
        %get3A_1593 = vector.shape_cast %get3A_1592 : vector<1x16xf32> to vector<16xf32>
        %mul3A_1594 = arith.constant 11.3137083 : f32
        %mul3A_1595 = vector.broadcast %mul3A_1594 : f32 to vector<16xf32>
        %mul3A_1596 = arith.mulf %get3A_1593, %mul3A_1595 : vector<16xf32>
        %add3A_1597 = arith.addf %mul3A_1596, %get3A_960 : vector<16xf32>
        %swap3A_1598 = arith.index_cast %add3A_1563 : i32 to index
        %swap3A_1599 = arith.constant 32 : index
        %swap3A_1600 = tpu.vector_load %arg19[%swap3A_1598, %swap3A_1599] {strides = array<i32>} : memref<32x128xf32, #tpu.memory_space<vmem>>, vector<1x16xf32>,
        %swap3A_1601 = vector.shape_cast %swap3A_1600 : vector<1x16xf32> to vector<16xf32>
        %swap3A_1602 = vector.shape_cast %add3A_1597 : vector<16xf32> to vector<1x16xf32>
        tpu.vector_store %arg19[%swap3A_1598, %swap3A_1599], %swap3A_1602 {strides = array<i32>} : memref<32x128xf32, #tpu.memory_space<vmem>>, vector<1x16xf32>,
        %get3A_1603 = arith.index_cast %add3A_1563 : i32 to index
        %get3A_1604 = arith.constant 48 : index
        %get3A_1605 = tpu.vector_load %arg11[%get3A_1603, %get3A_1604] {strides = array<i32>} : memref<32x128xf32, #tpu.memory_space<vmem>>, vector<1x16xf32>,
        %get3A_1606 = vector.shape_cast %get3A_1605 : vector<1x16xf32> to vector<16xf32>
        %mul3A_1607 = arith.constant 11.3137083 : f32
        %mul3A_1608 = vector.broadcast %mul3A_1607 : f32 to vector<16xf32>
        %mul3A_1609 = arith.mulf %get3A_1606, %mul3A_1608 : vector<16xf32>
        %add3A_1610 = arith.addf %mul3A_1609, %get3A_964 : vector<16xf32>
        %swap3A_1611 = arith.index_cast %add3A_1563 : i32 to index
        %swap3A_1612 = arith.constant 48 : index
        %swap3A_1613 = tpu.vector_load %arg19[%swap3A_1611, %swap3A_1612] {strides = array<i32>} : memref<32x128xf32, #tpu.memory_space<vmem>>, vector<1x16xf32>,
        %swap3A_1614 = vector.shape_cast %swap3A_1613 : vector<1x16xf32> to vector<16xf32>
        %swap3A_1615 = vector.shape_cast %add3A_1610 : vector<16xf32> to vector<1x16xf32>
        tpu.vector_store %arg19[%swap3A_1611, %swap3A_1612], %swap3A_1615 {strides = array<i32>} : memref<32x128xf32, #tpu.memory_space<vmem>>, vector<1x16xf32>,
        %get3A_1616 = arith.index_cast %add3A_1563 : i32 to index
        %get3A_1617 = arith.constant 64 : index
        %get3A_1618 = tpu.vector_load %arg11[%get3A_1616, %get3A_1617] {strides = array<i32>} : memref<32x128xf32, #tpu.memory_space<vmem>>, vector<1x16xf32>,
        %get3A_1619 = vector.shape_cast %get3A_1618 : vector<1x16xf32> to vector<16xf32>
        %mul3A_1620 = arith.constant 11.3137083 : f32
        %mul3A_1621 = vector.broadcast %mul3A_1620 : f32 to vector<16xf32>
        %mul3A_1622 = arith.mulf %get3A_1619, %mul3A_1621 : vector<16xf32>
        %add3A_1623 = arith.addf %mul3A_1622, %get3A_968 : vector<16xf32>
        %swap3A_1624 = arith.index_cast %add3A_1563 : i32 to index
        %swap3A_1625 = arith.constant 64 : index
        %swap3A_1626 = tpu.vector_load %arg19[%swap3A_1624, %swap3A_1625] {strides = array<i32>} : memref<32x128xf32, #tpu.memory_space<vmem>>, vector<1x16xf32>,
        %swap3A_1627 = vector.shape_cast %swap3A_1626 : vector<1x16xf32> to vector<16xf32>
        %swap3A_1628 = vector.shape_cast %add3A_1623 : vector<16xf32> to vector<1x16xf32>
        tpu.vector_store %arg19[%swap3A_1624, %swap3A_1625], %swap3A_1628 {strides = array<i32>} : memref<32x128xf32, #tpu.memory_space<vmem>>, vector<1x16xf32>,
        %get3A_1629 = arith.index_cast %add3A_1563 : i32 to index
        %get3A_1630 = arith.constant 80 : index
        %get3A_1631 = tpu.vector_load %arg11[%get3A_1629, %get3A_1630] {strides = array<i32>} : memref<32x128xf32, #tpu.memory_space<vmem>>, vector<1x16xf32>,
        %get3A_1632 = vector.shape_cast %get3A_1631 : vector<1x16xf32> to vector<16xf32>
        %mul3A_1633 = arith.constant 11.3137083 : f32
        %mul3A_1634 = vector.broadcast %mul3A_1633 : f32 to vector<16xf32>
        %mul3A_1635 = arith.mulf %get3A_1632, %mul3A_1634 : vector<16xf32>
        %add3A_1636 = arith.addf %mul3A_1635, %get3A_972 : vector<16xf32>
        %swap3A_1637 = arith.index_cast %add3A_1563 : i32 to index
        %swap3A_1638 = arith.constant 80 : index
        %swap3A_1639 = tpu.vector_load %arg19[%swap3A_1637, %swap3A_1638] {strides = array<i32>} : memref<32x128xf32, #tpu.memory_space<vmem>>, vector<1x16xf32>,
        %swap3A_1640 = vector.shape_cast %swap3A_1639 : vector<1x16xf32> to vector<16xf32>
        %swap3A_1641 = vector.shape_cast %add3A_1636 : vector<16xf32> to vector<1x16xf32>
        tpu.vector_store %arg19[%swap3A_1637, %swap3A_1638], %swap3A_1641 {strides = array<i32>} : memref<32x128xf32, #tpu.memory_space<vmem>>, vector<1x16xf32>,
        %get3A_1642 = arith.index_cast %add3A_1563 : i32 to index
        %get3A_1643 = arith.constant 96 : index
        %get3A_1644 = tpu.vector_load %arg11[%get3A_1642, %get3A_1643] {strides = array<i32>} : memref<32x128xf32, #tpu.memory_space<vmem>>, vector<1x16xf32>,
        %get3A_1645 = vector.shape_cast %get3A_1644 : vector<1x16xf32> to vector<16xf32>
        %mul3A_1646 = arith.constant 11.3137083 : f32
        %mul3A_1647 = vector.broadcast %mul3A_1646 : f32 to vector<16xf32>
        %mul3A_1648 = arith.mulf %get3A_1645, %mul3A_1647 : vector<16xf32>
        %add3A_1649 = arith.addf %mul3A_1648, %get3A_976 : vector<16xf32>
        %swap3A_1650 = arith.index_cast %add3A_1563 : i32 to index
        %swap3A_1651 = arith.constant 96 : index
        %swap3A_1652 = tpu.vector_load %arg19[%swap3A_1650, %swap3A_1651] {strides = array<i32>} : memref<32x128xf32, #tpu.memory_space<vmem>>, vector<1x16xf32>,
        %swap3A_1653 = vector.shape_cast %swap3A_1652 : vector<1x16xf32> to vector<16xf32>
        %swap3A_1654 = vector.shape_cast %add3A_1649 : vector<16xf32> to vector<1x16xf32>
        tpu.vector_store %arg19[%swap3A_1650, %swap3A_1651], %swap3A_1654 {strides = array<i32>} : memref<32x128xf32, #tpu.memory_space<vmem>>, vector<1x16xf32>,
        %get3A_1655 = arith.index_cast %add3A_1563 : i32 to index
        %get3A_1656 = arith.constant 112 : index
        %get3A_1657 = tpu.vector_load %arg11[%get3A_1655, %get3A_1656] {strides = array<i32>} : memref<32x128xf32, #tpu.memory_space<vmem>>, vector<1x16xf32>,
        %get3A_1658 = vector.shape_cast %get3A_1657 : vector<1x16xf32> to vector<16xf32>
        %mul3A_1659 = arith.constant 11.3137083 : f32
        %mul3A_1660 = vector.broadcast %mul3A_1659 : f32 to vector<16xf32>
        %mul3A_1661 = arith.mulf %get3A_1658, %mul3A_1660 : vector<16xf32>
        %add3A_1662 = arith.addf %mul3A_1661, %get3A_980 : vector<16xf32>
        %swap3A_1663 = arith.index_cast %add3A_1563 : i32 to index
        %swap3A_1664 = arith.constant 112 : index
        %swap3A_1665 = tpu.vector_load %arg19[%swap3A_1663, %swap3A_1664] {strides = array<i32>} : memref<32x128xf32, #tpu.memory_space<vmem>>, vector<1x16xf32>,
        %swap3A_1666 = vector.shape_cast %swap3A_1665 : vector<1x16xf32> to vector<16xf32>
        %swap3A_1667 = vector.shape_cast %add3A_1662 : vector<16xf32> to vector<1x16xf32>
        tpu.vector_store %arg19[%swap3A_1663, %swap3A_1664], %swap3A_1667 {strides = array<i32>} : memref<32x128xf32, #tpu.memory_space<vmem>>, vector<1x16xf32>,
      }
      %scan3A_986 = arith.constant 16 : i32
      %lt3A_987 = arith.constant 3 : i32
      %lt3A_988 = arith.cmpi slt, %scan3A_668, %lt3A_987 : i32
      %convert_element_type3A_989 = arith.extui %lt3A_988 : i1 to i32
      %cond3A_990 = arith.constant 0 : i32
      %cond3A_991 = arith.cmpi ne, %convert_element_type3A_989, %cond3A_990 : i32
      scf.if %cond3A_991 {
        %add3A_1561 = arith.constant 8 : i32
        %add3A_1562 = arith.addi %add3A_892, %add3A_1561 : i32
        %mul3A_1563 = arith.constant 32 : i32
        %mul3A_1564 = arith.muli %add3A_1562, %mul3A_1563 : i32
        %dma_start3A_1565 = tpu.memref_slice %arg7[%mul3A_1564] : memref<1024xi32, #tpu.memory_space<vmem>> -> memref<32xi32, #tpu.memory_space<vmem>>
        %dma_start3A_1566 = arith.constant 0 : i32
        %dma_start3A_1567 = arith.constant 0 : i32
        %dma_start3A_1568 = tpu.memref_slice %arg4[%dma_start3A_1566, %dma_start3A_1567] : memref<100000x128xf32, #tpu.memory_space<hbm>> -> memref<100000x128xf32, #tpu.memory_space<hbm>>
        tpu.enqueue_indirect_dma source(%dma_start3A_1568 : memref<100000x128xf32, #tpu.memory_space<hbm>>) target(%arg11 : memref<32x128xf32, #tpu.memory_space<vmem>>) offsets(%dma_start3A_1565 : memref<32xi32, #tpu.memory_space<vmem>>) semaphore(%arg27 : memref<!tpu.dma_semaphore, #tpu.memory_space<semaphore_mem>>)
      } else {
      }
      %mul3A_992 = arith.constant 16 : i32
      %mul3A_993 = arith.muli %mul3A_2, %mul3A_992 : i32
      %mul3A_994 = arith.constant 32 : i32
      %mul3A_995 = arith.muli %add3A_892, %mul3A_994 : i32
      %add3A_996 = arith.addi %mul3A_993, %mul3A_995 : i32
      %dma_start3A_997 = arith.constant 0 : i32
      %dma_start3A_998 = tpu.memref_slice %arg5[%add3A_996, %dma_start3A_997] : memref<32768x128xf32, #tpu.memory_space<hbm>> -> memref<32x128xf32, #tpu.memory_space<hbm>>
      %dma_start3A_999 = arith.constant 0 : i32
      %dma_start3A_1000 = tpu.memref_slice %arg5[%add3A_996, %dma_start3A_999] : memref<32768x128xf32, #tpu.memory_space<hbm>> -> memref<32x128xf32, #tpu.memory_space<hbm>>
      tpu.enqueue_dma source(%arg19 : memref<32x128xf32, #tpu.memory_space<vmem>>) target(%dma_start3A_1000 : memref<32x128xf32, #tpu.memory_space<hbm>>) target_semaphore(%arg35 : memref<!tpu.dma_semaphore, #tpu.memory_space<semaphore_mem>>)
      %mul3A_1001 = arith.constant 8 : i32
      %mul3A_1002 = arith.muli %scan3A_668, %mul3A_1001 : i32
      %add3A_1003 = arith.constant 3 : i32
      %add3A_1004 = arith.addi %mul3A_1002, %add3A_1003 : i32
      %dma_wait3A_1005 = arith.constant 0 : i32
      %dma_wait3A_1006 = tpu.memref_slice %arg7[%dma_wait3A_1005] : memref<1024xi32, #tpu.memory_space<vmem>> -> memref<32xi32, #tpu.memory_space<vmem>>
      %dma_wait3A_1007 = arith.constant 0 : i32
      %dma_wait3A_1008 = arith.constant 0 : i32
      %dma_wait3A_1009 = tpu.memref_slice %arg4[%dma_wait3A_1007, %dma_wait3A_1008] : memref<100000x128xf32, #tpu.memory_space<hbm>> -> memref<100000x128xf32, #tpu.memory_space<hbm>>
      tpu.wait_indirect_dma semaphore(%arg28 : memref<!tpu.dma_semaphore, #tpu.memory_space<semaphore_mem>>) src(%dma_wait3A_1009 : memref<100000x128xf32, #tpu.memory_space<hbm>>) dst(%arg12 : memref<32x128xf32, #tpu.memory_space<vmem>>)
      %gt3A_1010 = arith.constant 0 : i32
      %gt3A_1011 = arith.cmpi sgt, %scan3A_668, %gt3A_1010 : i32
      %convert_element_type3A_1012 = arith.extui %gt3A_1011 : i1 to i32
      %cond3A_1013 = arith.constant 0 : i32
      %cond3A_1014 = arith.cmpi ne, %convert_element_type3A_1012, %cond3A_1013 : i32
      scf.if %cond3A_1014 {
        %dma_wait3A_1561 = arith.constant 0 : i32
        %dma_wait3A_1562 = arith.constant 0 : i32
        %dma_wait3A_1563 = tpu.memref_slice %arg5[%dma_wait3A_1561, %dma_wait3A_1562] : memref<32768x128xf32, #tpu.memory_space<hbm>> -> memref<32x128xf32, #tpu.memory_space<hbm>>
        %dma_wait3A_1564 = arith.constant 0 : i32
        %dma_wait3A_1565 = arith.constant 0 : i32
        %dma_wait3A_1566 = tpu.memref_slice %arg5[%dma_wait3A_1564, %dma_wait3A_1565] : memref<32768x128xf32, #tpu.memory_space<hbm>> -> memref<32x128xf32, #tpu.memory_space<hbm>>
        tpu.wait_dma2 semaphore(%arg36 : memref<!tpu.dma_semaphore, #tpu.memory_space<semaphore_mem>>) src(%arg20 : memref<32x128xf32, #tpu.memory_space<vmem>>) dst(%dma_wait3A_1566 : memref<32x128xf32, #tpu.memory_space<hbm>>)
      } else {
      }
      %mul3A_1015 = arith.constant 2 : i32
      %mul3A_1016 = arith.muli %add3A_1004, %mul3A_1015 : i32
      %add3A_1017 = arith.constant 0 : i32
      %add3A_1018 = arith.addi %mul3A_1016, %add3A_1017 : i32
      %get3A_1019 = arith.index_cast %add3A_1018 : i32 to index
      %get3A_1020 = arith.constant 0 : index
      %get3A_1021 = tpu.vector_load %arg8[%get3A_1019, %get3A_1020] {strides = array<i32>} : memref<64x128xf32, #tpu.memory_space<vmem>>, vector<1x16xf32>,
      %get3A_1022 = vector.shape_cast %get3A_1021 : vector<1x16xf32> to vector<16xf32>
      %get3A_1023 = arith.index_cast %add3A_1018 : i32 to index
      %get3A_1024 = arith.constant 16 : index
      %get3A_1025 = tpu.vector_load %arg8[%get3A_1023, %get3A_1024] {strides = array<i32>} : memref<64x128xf32, #tpu.memory_space<vmem>>, vector<1x16xf32>,
      %get3A_1026 = vector.shape_cast %get3A_1025 : vector<1x16xf32> to vector<16xf32>
      %get3A_1027 = arith.index_cast %add3A_1018 : i32 to index
      %get3A_1028 = arith.constant 32 : index
      %get3A_1029 = tpu.vector_load %arg8[%get3A_1027, %get3A_1028] {strides = array<i32>} : memref<64x128xf32, #tpu.memory_space<vmem>>, vector<1x16xf32>,
      %get3A_1030 = vector.shape_cast %get3A_1029 : vector<1x16xf32> to vector<16xf32>
      %get3A_1031 = arith.index_cast %add3A_1018 : i32 to index
      %get3A_1032 = arith.constant 48 : index
      %get3A_1033 = tpu.vector_load %arg8[%get3A_1031, %get3A_1032] {strides = array<i32>} : memref<64x128xf32, #tpu.memory_space<vmem>>, vector<1x16xf32>,
      %get3A_1034 = vector.shape_cast %get3A_1033 : vector<1x16xf32> to vector<16xf32>
      %get3A_1035 = arith.index_cast %add3A_1018 : i32 to index
      %get3A_1036 = arith.constant 64 : index
      %get3A_1037 = tpu.vector_load %arg8[%get3A_1035, %get3A_1036] {strides = array<i32>} : memref<64x128xf32, #tpu.memory_space<vmem>>, vector<1x16xf32>,
      %get3A_1038 = vector.shape_cast %get3A_1037 : vector<1x16xf32> to vector<16xf32>
      %get3A_1039 = arith.index_cast %add3A_1018 : i32 to index
      %get3A_1040 = arith.constant 80 : index
      %get3A_1041 = tpu.vector_load %arg8[%get3A_1039, %get3A_1040] {strides = array<i32>} : memref<64x128xf32, #tpu.memory_space<vmem>>, vector<1x16xf32>,
      %get3A_1042 = vector.shape_cast %get3A_1041 : vector<1x16xf32> to vector<16xf32>
      %get3A_1043 = arith.index_cast %add3A_1018 : i32 to index
      %get3A_1044 = arith.constant 96 : index
      %get3A_1045 = tpu.vector_load %arg8[%get3A_1043, %get3A_1044] {strides = array<i32>} : memref<64x128xf32, #tpu.memory_space<vmem>>, vector<1x16xf32>,
      %get3A_1046 = vector.shape_cast %get3A_1045 : vector<1x16xf32> to vector<16xf32>
      %get3A_1047 = arith.index_cast %add3A_1018 : i32 to index
      %get3A_1048 = arith.constant 112 : index
      %get3A_1049 = tpu.vector_load %arg8[%get3A_1047, %get3A_1048] {strides = array<i32>} : memref<64x128xf32, #tpu.memory_space<vmem>>, vector<1x16xf32>,
      %get3A_1050 = vector.shape_cast %get3A_1049 : vector<1x16xf32> to vector<16xf32>
      %scan3A_1051 = arith.constant 0 : i32
      %scan3A_1052 = arith.constant 0 : i32
      %scan3A_1053 = arith.constant 16 : i32
      %scan3A_1054 = arith.addi %scan3A_1052, %scan3A_1053 : i32
      %scan3A_1055 = arith.constant 1 : i32
      scf.for %scan3A_1561 = %scan3A_1052 to %scan3A_1054 step %scan3A_1055  : i32 {
        %add3A_1562 = arith.constant 0 : i32
        %add3A_1563 = arith.addi %add3A_1562, %scan3A_1561 : i32
        %get3A_1564 = arith.index_cast %add3A_1563 : i32 to index
        %get3A_1565 = arith.constant 0 : index
        %get3A_1566 = tpu.vector_load %arg12[%get3A_1564, %get3A_1565] {strides = array<i32>} : memref<32x128xf32, #tpu.memory_space<vmem>>, vector<1x16xf32>,
        %get3A_1567 = vector.shape_cast %get3A_1566 : vector<1x16xf32> to vector<16xf32>
        %mul3A_1568 = arith.constant 11.3137083 : f32
        %mul3A_1569 = vector.broadcast %mul3A_1568 : f32 to vector<16xf32>
        %mul3A_1570 = arith.mulf %get3A_1567, %mul3A_1569 : vector<16xf32>
        %add3A_1571 = arith.addf %mul3A_1570, %get3A_1022 : vector<16xf32>
        %swap3A_1572 = arith.index_cast %add3A_1563 : i32 to index
        %swap3A_1573 = arith.constant 0 : index
        %swap3A_1574 = tpu.vector_load %arg20[%swap3A_1572, %swap3A_1573] {strides = array<i32>} : memref<32x128xf32, #tpu.memory_space<vmem>>, vector<1x16xf32>,
        %swap3A_1575 = vector.shape_cast %swap3A_1574 : vector<1x16xf32> to vector<16xf32>
        %swap3A_1576 = vector.shape_cast %add3A_1571 : vector<16xf32> to vector<1x16xf32>
        tpu.vector_store %arg20[%swap3A_1572, %swap3A_1573], %swap3A_1576 {strides = array<i32>} : memref<32x128xf32, #tpu.memory_space<vmem>>, vector<1x16xf32>,
        %get3A_1577 = arith.index_cast %add3A_1563 : i32 to index
        %get3A_1578 = arith.constant 16 : index
        %get3A_1579 = tpu.vector_load %arg12[%get3A_1577, %get3A_1578] {strides = array<i32>} : memref<32x128xf32, #tpu.memory_space<vmem>>, vector<1x16xf32>,
        %get3A_1580 = vector.shape_cast %get3A_1579 : vector<1x16xf32> to vector<16xf32>
        %mul3A_1581 = arith.constant 11.3137083 : f32
        %mul3A_1582 = vector.broadcast %mul3A_1581 : f32 to vector<16xf32>
        %mul3A_1583 = arith.mulf %get3A_1580, %mul3A_1582 : vector<16xf32>
        %add3A_1584 = arith.addf %mul3A_1583, %get3A_1026 : vector<16xf32>
        %swap3A_1585 = arith.index_cast %add3A_1563 : i32 to index
        %swap3A_1586 = arith.constant 16 : index
        %swap3A_1587 = tpu.vector_load %arg20[%swap3A_1585, %swap3A_1586] {strides = array<i32>} : memref<32x128xf32, #tpu.memory_space<vmem>>, vector<1x16xf32>,
        %swap3A_1588 = vector.shape_cast %swap3A_1587 : vector<1x16xf32> to vector<16xf32>
        %swap3A_1589 = vector.shape_cast %add3A_1584 : vector<16xf32> to vector<1x16xf32>
        tpu.vector_store %arg20[%swap3A_1585, %swap3A_1586], %swap3A_1589 {strides = array<i32>} : memref<32x128xf32, #tpu.memory_space<vmem>>, vector<1x16xf32>,
        %get3A_1590 = arith.index_cast %add3A_1563 : i32 to index
        %get3A_1591 = arith.constant 32 : index
        %get3A_1592 = tpu.vector_load %arg12[%get3A_1590, %get3A_1591] {strides = array<i32>} : memref<32x128xf32, #tpu.memory_space<vmem>>, vector<1x16xf32>,
        %get3A_1593 = vector.shape_cast %get3A_1592 : vector<1x16xf32> to vector<16xf32>
        %mul3A_1594 = arith.constant 11.3137083 : f32
        %mul3A_1595 = vector.broadcast %mul3A_1594 : f32 to vector<16xf32>
        %mul3A_1596 = arith.mulf %get3A_1593, %mul3A_1595 : vector<16xf32>
        %add3A_1597 = arith.addf %mul3A_1596, %get3A_1030 : vector<16xf32>
        %swap3A_1598 = arith.index_cast %add3A_1563 : i32 to index
        %swap3A_1599 = arith.constant 32 : index
        %swap3A_1600 = tpu.vector_load %arg20[%swap3A_1598, %swap3A_1599] {strides = array<i32>} : memref<32x128xf32, #tpu.memory_space<vmem>>, vector<1x16xf32>,
        %swap3A_1601 = vector.shape_cast %swap3A_1600 : vector<1x16xf32> to vector<16xf32>
        %swap3A_1602 = vector.shape_cast %add3A_1597 : vector<16xf32> to vector<1x16xf32>
        tpu.vector_store %arg20[%swap3A_1598, %swap3A_1599], %swap3A_1602 {strides = array<i32>} : memref<32x128xf32, #tpu.memory_space<vmem>>, vector<1x16xf32>,
        %get3A_1603 = arith.index_cast %add3A_1563 : i32 to index
        %get3A_1604 = arith.constant 48 : index
        %get3A_1605 = tpu.vector_load %arg12[%get3A_1603, %get3A_1604] {strides = array<i32>} : memref<32x128xf32, #tpu.memory_space<vmem>>, vector<1x16xf32>,
        %get3A_1606 = vector.shape_cast %get3A_1605 : vector<1x16xf32> to vector<16xf32>
        %mul3A_1607 = arith.constant 11.3137083 : f32
        %mul3A_1608 = vector.broadcast %mul3A_1607 : f32 to vector<16xf32>
        %mul3A_1609 = arith.mulf %get3A_1606, %mul3A_1608 : vector<16xf32>
        %add3A_1610 = arith.addf %mul3A_1609, %get3A_1034 : vector<16xf32>
        %swap3A_1611 = arith.index_cast %add3A_1563 : i32 to index
        %swap3A_1612 = arith.constant 48 : index
        %swap3A_1613 = tpu.vector_load %arg20[%swap3A_1611, %swap3A_1612] {strides = array<i32>} : memref<32x128xf32, #tpu.memory_space<vmem>>, vector<1x16xf32>,
        %swap3A_1614 = vector.shape_cast %swap3A_1613 : vector<1x16xf32> to vector<16xf32>
        %swap3A_1615 = vector.shape_cast %add3A_1610 : vector<16xf32> to vector<1x16xf32>
        tpu.vector_store %arg20[%swap3A_1611, %swap3A_1612], %swap3A_1615 {strides = array<i32>} : memref<32x128xf32, #tpu.memory_space<vmem>>, vector<1x16xf32>,
        %get3A_1616 = arith.index_cast %add3A_1563 : i32 to index
        %get3A_1617 = arith.constant 64 : index
        %get3A_1618 = tpu.vector_load %arg12[%get3A_1616, %get3A_1617] {strides = array<i32>} : memref<32x128xf32, #tpu.memory_space<vmem>>, vector<1x16xf32>,
        %get3A_1619 = vector.shape_cast %get3A_1618 : vector<1x16xf32> to vector<16xf32>
        %mul3A_1620 = arith.constant 11.3137083 : f32
        %mul3A_1621 = vector.broadcast %mul3A_1620 : f32 to vector<16xf32>
        %mul3A_1622 = arith.mulf %get3A_1619, %mul3A_1621 : vector<16xf32>
        %add3A_1623 = arith.addf %mul3A_1622, %get3A_1038 : vector<16xf32>
        %swap3A_1624 = arith.index_cast %add3A_1563 : i32 to index
        %swap3A_1625 = arith.constant 64 : index
        %swap3A_1626 = tpu.vector_load %arg20[%swap3A_1624, %swap3A_1625] {strides = array<i32>} : memref<32x128xf32, #tpu.memory_space<vmem>>, vector<1x16xf32>,
        %swap3A_1627 = vector.shape_cast %swap3A_1626 : vector<1x16xf32> to vector<16xf32>
        %swap3A_1628 = vector.shape_cast %add3A_1623 : vector<16xf32> to vector<1x16xf32>
        tpu.vector_store %arg20[%swap3A_1624, %swap3A_1625], %swap3A_1628 {strides = array<i32>} : memref<32x128xf32, #tpu.memory_space<vmem>>, vector<1x16xf32>,
        %get3A_1629 = arith.index_cast %add3A_1563 : i32 to index
        %get3A_1630 = arith.constant 80 : index
        %get3A_1631 = tpu.vector_load %arg12[%get3A_1629, %get3A_1630] {strides = array<i32>} : memref<32x128xf32, #tpu.memory_space<vmem>>, vector<1x16xf32>,
        %get3A_1632 = vector.shape_cast %get3A_1631 : vector<1x16xf32> to vector<16xf32>
        %mul3A_1633 = arith.constant 11.3137083 : f32
        %mul3A_1634 = vector.broadcast %mul3A_1633 : f32 to vector<16xf32>
        %mul3A_1635 = arith.mulf %get3A_1632, %mul3A_1634 : vector<16xf32>
        %add3A_1636 = arith.addf %mul3A_1635, %get3A_1042 : vector<16xf32>
        %swap3A_1637 = arith.index_cast %add3A_1563 : i32 to index
        %swap3A_1638 = arith.constant 80 : index
        %swap3A_1639 = tpu.vector_load %arg20[%swap3A_1637, %swap3A_1638] {strides = array<i32>} : memref<32x128xf32, #tpu.memory_space<vmem>>, vector<1x16xf32>,
        %swap3A_1640 = vector.shape_cast %swap3A_1639 : vector<1x16xf32> to vector<16xf32>
        %swap3A_1641 = vector.shape_cast %add3A_1636 : vector<16xf32> to vector<1x16xf32>
        tpu.vector_store %arg20[%swap3A_1637, %swap3A_1638], %swap3A_1641 {strides = array<i32>} : memref<32x128xf32, #tpu.memory_space<vmem>>, vector<1x16xf32>,
        %get3A_1642 = arith.index_cast %add3A_1563 : i32 to index
        %get3A_1643 = arith.constant 96 : index
        %get3A_1644 = tpu.vector_load %arg12[%get3A_1642, %get3A_1643] {strides = array<i32>} : memref<32x128xf32, #tpu.memory_space<vmem>>, vector<1x16xf32>,
        %get3A_1645 = vector.shape_cast %get3A_1644 : vector<1x16xf32> to vector<16xf32>
        %mul3A_1646 = arith.constant 11.3137083 : f32
        %mul3A_1647 = vector.broadcast %mul3A_1646 : f32 to vector<16xf32>
        %mul3A_1648 = arith.mulf %get3A_1645, %mul3A_1647 : vector<16xf32>
        %add3A_1649 = arith.addf %mul3A_1648, %get3A_1046 : vector<16xf32>
        %swap3A_1650 = arith.index_cast %add3A_1563 : i32 to index
        %swap3A_1651 = arith.constant 96 : index
        %swap3A_1652 = tpu.vector_load %arg20[%swap3A_1650, %swap3A_1651] {strides = array<i32>} : memref<32x128xf32, #tpu.memory_space<vmem>>, vector<1x16xf32>,
        %swap3A_1653 = vector.shape_cast %swap3A_1652 : vector<1x16xf32> to vector<16xf32>
        %swap3A_1654 = vector.shape_cast %add3A_1649 : vector<16xf32> to vector<1x16xf32>
        tpu.vector_store %arg20[%swap3A_1650, %swap3A_1651], %swap3A_1654 {strides = array<i32>} : memref<32x128xf32, #tpu.memory_space<vmem>>, vector<1x16xf32>,
        %get3A_1655 = arith.index_cast %add3A_1563 : i32 to index
        %get3A_1656 = arith.constant 112 : index
        %get3A_1657 = tpu.vector_load %arg12[%get3A_1655, %get3A_1656] {strides = array<i32>} : memref<32x128xf32, #tpu.memory_space<vmem>>, vector<1x16xf32>,
        %get3A_1658 = vector.shape_cast %get3A_1657 : vector<1x16xf32> to vector<16xf32>
        %mul3A_1659 = arith.constant 11.3137083 : f32
        %mul3A_1660 = vector.broadcast %mul3A_1659 : f32 to vector<16xf32>
        %mul3A_1661 = arith.mulf %get3A_1658, %mul3A_1660 : vector<16xf32>
        %add3A_1662 = arith.addf %mul3A_1661, %get3A_1050 : vector<16xf32>
        %swap3A_1663 = arith.index_cast %add3A_1563 : i32 to index
        %swap3A_1664 = arith.constant 112 : index
        %swap3A_1665 = tpu.vector_load %arg20[%swap3A_1663, %swap3A_1664] {strides = array<i32>} : memref<32x128xf32, #tpu.memory_space<vmem>>, vector<1x16xf32>,
        %swap3A_1666 = vector.shape_cast %swap3A_1665 : vector<1x16xf32> to vector<16xf32>
        %swap3A_1667 = vector.shape_cast %add3A_1662 : vector<16xf32> to vector<1x16xf32>
        tpu.vector_store %arg20[%swap3A_1663, %swap3A_1664], %swap3A_1667 {strides = array<i32>} : memref<32x128xf32, #tpu.memory_space<vmem>>, vector<1x16xf32>,
      }
      %scan3A_1056 = arith.constant 16 : i32
      %mul3A_1057 = arith.constant 2 : i32
      %mul3A_1058 = arith.muli %add3A_1004, %mul3A_1057 : i32
      %add3A_1059 = arith.constant 1 : i32
      %add3A_1060 = arith.addi %mul3A_1058, %add3A_1059 : i32
      %get3A_1061 = arith.index_cast %add3A_1060 : i32 to index
      %get3A_1062 = arith.constant 0 : index
      %get3A_1063 = tpu.vector_load %arg8[%get3A_1061, %get3A_1062] {strides = array<i32>} : memref<64x128xf32, #tpu.memory_space<vmem>>, vector<1x16xf32>,
      %get3A_1064 = vector.shape_cast %get3A_1063 : vector<1x16xf32> to vector<16xf32>
      %get3A_1065 = arith.index_cast %add3A_1060 : i32 to index
      %get3A_1066 = arith.constant 16 : index
      %get3A_1067 = tpu.vector_load %arg8[%get3A_1065, %get3A_1066] {strides = array<i32>} : memref<64x128xf32, #tpu.memory_space<vmem>>, vector<1x16xf32>,
      %get3A_1068 = vector.shape_cast %get3A_1067 : vector<1x16xf32> to vector<16xf32>
      %get3A_1069 = arith.index_cast %add3A_1060 : i32 to index
      %get3A_1070 = arith.constant 32 : index
      %get3A_1071 = tpu.vector_load %arg8[%get3A_1069, %get3A_1070] {strides = array<i32>} : memref<64x128xf32, #tpu.memory_space<vmem>>, vector<1x16xf32>,
      %get3A_1072 = vector.shape_cast %get3A_1071 : vector<1x16xf32> to vector<16xf32>
      %get3A_1073 = arith.index_cast %add3A_1060 : i32 to index
      %get3A_1074 = arith.constant 48 : index
      %get3A_1075 = tpu.vector_load %arg8[%get3A_1073, %get3A_1074] {strides = array<i32>} : memref<64x128xf32, #tpu.memory_space<vmem>>, vector<1x16xf32>,
      %get3A_1076 = vector.shape_cast %get3A_1075 : vector<1x16xf32> to vector<16xf32>
      %get3A_1077 = arith.index_cast %add3A_1060 : i32 to index
      %get3A_1078 = arith.constant 64 : index
      %get3A_1079 = tpu.vector_load %arg8[%get3A_1077, %get3A_1078] {strides = array<i32>} : memref<64x128xf32, #tpu.memory_space<vmem>>, vector<1x16xf32>,
      %get3A_1080 = vector.shape_cast %get3A_1079 : vector<1x16xf32> to vector<16xf32>
      %get3A_1081 = arith.index_cast %add3A_1060 : i32 to index
      %get3A_1082 = arith.constant 80 : index
      %get3A_1083 = tpu.vector_load %arg8[%get3A_1081, %get3A_1082] {strides = array<i32>} : memref<64x128xf32, #tpu.memory_space<vmem>>, vector<1x16xf32>,
      %get3A_1084 = vector.shape_cast %get3A_1083 : vector<1x16xf32> to vector<16xf32>
      %get3A_1085 = arith.index_cast %add3A_1060 : i32 to index
      %get3A_1086 = arith.constant 96 : index
      %get3A_1087 = tpu.vector_load %arg8[%get3A_1085, %get3A_1086] {strides = array<i32>} : memref<64x128xf32, #tpu.memory_space<vmem>>, vector<1x16xf32>,
      %get3A_1088 = vector.shape_cast %get3A_1087 : vector<1x16xf32> to vector<16xf32>
      %get3A_1089 = arith.index_cast %add3A_1060 : i32 to index
      %get3A_1090 = arith.constant 112 : index
      %get3A_1091 = tpu.vector_load %arg8[%get3A_1089, %get3A_1090] {strides = array<i32>} : memref<64x128xf32, #tpu.memory_space<vmem>>, vector<1x16xf32>,
      %get3A_1092 = vector.shape_cast %get3A_1091 : vector<1x16xf32> to vector<16xf32>
      %scan3A_1093 = arith.constant 0 : i32
      %scan3A_1094 = arith.constant 0 : i32
      %scan3A_1095 = arith.constant 16 : i32
      %scan3A_1096 = arith.addi %scan3A_1094, %scan3A_1095 : i32
      %scan3A_1097 = arith.constant 1 : i32
      scf.for %scan3A_1561 = %scan3A_1094 to %scan3A_1096 step %scan3A_1097  : i32 {
        %add3A_1562 = arith.constant 16 : i32
        %add3A_1563 = arith.addi %add3A_1562, %scan3A_1561 : i32
        %get3A_1564 = arith.index_cast %add3A_1563 : i32 to index
        %get3A_1565 = arith.constant 0 : index
        %get3A_1566 = tpu.vector_load %arg12[%get3A_1564, %get3A_1565] {strides = array<i32>} : memref<32x128xf32, #tpu.memory_space<vmem>>, vector<1x16xf32>,
        %get3A_1567 = vector.shape_cast %get3A_1566 : vector<1x16xf32> to vector<16xf32>
        %mul3A_1568 = arith.constant 11.3137083 : f32
        %mul3A_1569 = vector.broadcast %mul3A_1568 : f32 to vector<16xf32>
        %mul3A_1570 = arith.mulf %get3A_1567, %mul3A_1569 : vector<16xf32>
        %add3A_1571 = arith.addf %mul3A_1570, %get3A_1064 : vector<16xf32>
        %swap3A_1572 = arith.index_cast %add3A_1563 : i32 to index
        %swap3A_1573 = arith.constant 0 : index
        %swap3A_1574 = tpu.vector_load %arg20[%swap3A_1572, %swap3A_1573] {strides = array<i32>} : memref<32x128xf32, #tpu.memory_space<vmem>>, vector<1x16xf32>,
        %swap3A_1575 = vector.shape_cast %swap3A_1574 : vector<1x16xf32> to vector<16xf32>
        %swap3A_1576 = vector.shape_cast %add3A_1571 : vector<16xf32> to vector<1x16xf32>
        tpu.vector_store %arg20[%swap3A_1572, %swap3A_1573], %swap3A_1576 {strides = array<i32>} : memref<32x128xf32, #tpu.memory_space<vmem>>, vector<1x16xf32>,
        %get3A_1577 = arith.index_cast %add3A_1563 : i32 to index
        %get3A_1578 = arith.constant 16 : index
        %get3A_1579 = tpu.vector_load %arg12[%get3A_1577, %get3A_1578] {strides = array<i32>} : memref<32x128xf32, #tpu.memory_space<vmem>>, vector<1x16xf32>,
        %get3A_1580 = vector.shape_cast %get3A_1579 : vector<1x16xf32> to vector<16xf32>
        %mul3A_1581 = arith.constant 11.3137083 : f32
        %mul3A_1582 = vector.broadcast %mul3A_1581 : f32 to vector<16xf32>
        %mul3A_1583 = arith.mulf %get3A_1580, %mul3A_1582 : vector<16xf32>
        %add3A_1584 = arith.addf %mul3A_1583, %get3A_1068 : vector<16xf32>
        %swap3A_1585 = arith.index_cast %add3A_1563 : i32 to index
        %swap3A_1586 = arith.constant 16 : index
        %swap3A_1587 = tpu.vector_load %arg20[%swap3A_1585, %swap3A_1586] {strides = array<i32>} : memref<32x128xf32, #tpu.memory_space<vmem>>, vector<1x16xf32>,
        %swap3A_1588 = vector.shape_cast %swap3A_1587 : vector<1x16xf32> to vector<16xf32>
        %swap3A_1589 = vector.shape_cast %add3A_1584 : vector<16xf32> to vector<1x16xf32>
        tpu.vector_store %arg20[%swap3A_1585, %swap3A_1586], %swap3A_1589 {strides = array<i32>} : memref<32x128xf32, #tpu.memory_space<vmem>>, vector<1x16xf32>,
        %get3A_1590 = arith.index_cast %add3A_1563 : i32 to index
        %get3A_1591 = arith.constant 32 : index
        %get3A_1592 = tpu.vector_load %arg12[%get3A_1590, %get3A_1591] {strides = array<i32>} : memref<32x128xf32, #tpu.memory_space<vmem>>, vector<1x16xf32>,
        %get3A_1593 = vector.shape_cast %get3A_1592 : vector<1x16xf32> to vector<16xf32>
        %mul3A_1594 = arith.constant 11.3137083 : f32
        %mul3A_1595 = vector.broadcast %mul3A_1594 : f32 to vector<16xf32>
        %mul3A_1596 = arith.mulf %get3A_1593, %mul3A_1595 : vector<16xf32>
        %add3A_1597 = arith.addf %mul3A_1596, %get3A_1072 : vector<16xf32>
        %swap3A_1598 = arith.index_cast %add3A_1563 : i32 to index
        %swap3A_1599 = arith.constant 32 : index
        %swap3A_1600 = tpu.vector_load %arg20[%swap3A_1598, %swap3A_1599] {strides = array<i32>} : memref<32x128xf32, #tpu.memory_space<vmem>>, vector<1x16xf32>,
        %swap3A_1601 = vector.shape_cast %swap3A_1600 : vector<1x16xf32> to vector<16xf32>
        %swap3A_1602 = vector.shape_cast %add3A_1597 : vector<16xf32> to vector<1x16xf32>
        tpu.vector_store %arg20[%swap3A_1598, %swap3A_1599], %swap3A_1602 {strides = array<i32>} : memref<32x128xf32, #tpu.memory_space<vmem>>, vector<1x16xf32>,
        %get3A_1603 = arith.index_cast %add3A_1563 : i32 to index
        %get3A_1604 = arith.constant 48 : index
        %get3A_1605 = tpu.vector_load %arg12[%get3A_1603, %get3A_1604] {strides = array<i32>} : memref<32x128xf32, #tpu.memory_space<vmem>>, vector<1x16xf32>,
        %get3A_1606 = vector.shape_cast %get3A_1605 : vector<1x16xf32> to vector<16xf32>
        %mul3A_1607 = arith.constant 11.3137083 : f32
        %mul3A_1608 = vector.broadcast %mul3A_1607 : f32 to vector<16xf32>
        %mul3A_1609 = arith.mulf %get3A_1606, %mul3A_1608 : vector<16xf32>
        %add3A_1610 = arith.addf %mul3A_1609, %get3A_1076 : vector<16xf32>
        %swap3A_1611 = arith.index_cast %add3A_1563 : i32 to index
        %swap3A_1612 = arith.constant 48 : index
        %swap3A_1613 = tpu.vector_load %arg20[%swap3A_1611, %swap3A_1612] {strides = array<i32>} : memref<32x128xf32, #tpu.memory_space<vmem>>, vector<1x16xf32>,
        %swap3A_1614 = vector.shape_cast %swap3A_1613 : vector<1x16xf32> to vector<16xf32>
        %swap3A_1615 = vector.shape_cast %add3A_1610 : vector<16xf32> to vector<1x16xf32>
        tpu.vector_store %arg20[%swap3A_1611, %swap3A_1612], %swap3A_1615 {strides = array<i32>} : memref<32x128xf32, #tpu.memory_space<vmem>>, vector<1x16xf32>,
        %get3A_1616 = arith.index_cast %add3A_1563 : i32 to index
        %get3A_1617 = arith.constant 64 : index
        %get3A_1618 = tpu.vector_load %arg12[%get3A_1616, %get3A_1617] {strides = array<i32>} : memref<32x128xf32, #tpu.memory_space<vmem>>, vector<1x16xf32>,
        %get3A_1619 = vector.shape_cast %get3A_1618 : vector<1x16xf32> to vector<16xf32>
        %mul3A_1620 = arith.constant 11.3137083 : f32
        %mul3A_1621 = vector.broadcast %mul3A_1620 : f32 to vector<16xf32>
        %mul3A_1622 = arith.mulf %get3A_1619, %mul3A_1621 : vector<16xf32>
        %add3A_1623 = arith.addf %mul3A_1622, %get3A_1080 : vector<16xf32>
        %swap3A_1624 = arith.index_cast %add3A_1563 : i32 to index
        %swap3A_1625 = arith.constant 64 : index
        %swap3A_1626 = tpu.vector_load %arg20[%swap3A_1624, %swap3A_1625] {strides = array<i32>} : memref<32x128xf32, #tpu.memory_space<vmem>>, vector<1x16xf32>,
        %swap3A_1627 = vector.shape_cast %swap3A_1626 : vector<1x16xf32> to vector<16xf32>
        %swap3A_1628 = vector.shape_cast %add3A_1623 : vector<16xf32> to vector<1x16xf32>
        tpu.vector_store %arg20[%swap3A_1624, %swap3A_1625], %swap3A_1628 {strides = array<i32>} : memref<32x128xf32, #tpu.memory_space<vmem>>, vector<1x16xf32>,
        %get3A_1629 = arith.index_cast %add3A_1563 : i32 to index
        %get3A_1630 = arith.constant 80 : index
        %get3A_1631 = tpu.vector_load %arg12[%get3A_1629, %get3A_1630] {strides = array<i32>} : memref<32x128xf32, #tpu.memory_space<vmem>>, vector<1x16xf32>,
        %get3A_1632 = vector.shape_cast %get3A_1631 : vector<1x16xf32> to vector<16xf32>
        %mul3A_1633 = arith.constant 11.3137083 : f32
        %mul3A_1634 = vector.broadcast %mul3A_1633 : f32 to vector<16xf32>
        %mul3A_1635 = arith.mulf %get3A_1632, %mul3A_1634 : vector<16xf32>
        %add3A_1636 = arith.addf %mul3A_1635, %get3A_1084 : vector<16xf32>
        %swap3A_1637 = arith.index_cast %add3A_1563 : i32 to index
        %swap3A_1638 = arith.constant 80 : index
        %swap3A_1639 = tpu.vector_load %arg20[%swap3A_1637, %swap3A_1638] {strides = array<i32>} : memref<32x128xf32, #tpu.memory_space<vmem>>, vector<1x16xf32>,
        %swap3A_1640 = vector.shape_cast %swap3A_1639 : vector<1x16xf32> to vector<16xf32>
        %swap3A_1641 = vector.shape_cast %add3A_1636 : vector<16xf32> to vector<1x16xf32>
        tpu.vector_store %arg20[%swap3A_1637, %swap3A_1638], %swap3A_1641 {strides = array<i32>} : memref<32x128xf32, #tpu.memory_space<vmem>>, vector<1x16xf32>,
        %get3A_1642 = arith.index_cast %add3A_1563 : i32 to index
        %get3A_1643 = arith.constant 96 : index
        %get3A_1644 = tpu.vector_load %arg12[%get3A_1642, %get3A_1643] {strides = array<i32>} : memref<32x128xf32, #tpu.memory_space<vmem>>, vector<1x16xf32>,
        %get3A_1645 = vector.shape_cast %get3A_1644 : vector<1x16xf32> to vector<16xf32>
        %mul3A_1646 = arith.constant 11.3137083 : f32
        %mul3A_1647 = vector.broadcast %mul3A_1646 : f32 to vector<16xf32>
        %mul3A_1648 = arith.mulf %get3A_1645, %mul3A_1647 : vector<16xf32>
        %add3A_1649 = arith.addf %mul3A_1648, %get3A_1088 : vector<16xf32>
        %swap3A_1650 = arith.index_cast %add3A_1563 : i32 to index
        %swap3A_1651 = arith.constant 96 : index
        %swap3A_1652 = tpu.vector_load %arg20[%swap3A_1650, %swap3A_1651] {strides = array<i32>} : memref<32x128xf32, #tpu.memory_space<vmem>>, vector<1x16xf32>,
        %swap3A_1653 = vector.shape_cast %swap3A_1652 : vector<1x16xf32> to vector<16xf32>
        %swap3A_1654 = vector.shape_cast %add3A_1649 : vector<16xf32> to vector<1x16xf32>
        tpu.vector_store %arg20[%swap3A_1650, %swap3A_1651], %swap3A_1654 {strides = array<i32>} : memref<32x128xf32, #tpu.memory_space<vmem>>, vector<1x16xf32>,
        %get3A_1655 = arith.index_cast %add3A_1563 : i32 to index
        %get3A_1656 = arith.constant 112 : index
        %get3A_1657 = tpu.vector_load %arg12[%get3A_1655, %get3A_1656] {strides = array<i32>} : memref<32x128xf32, #tpu.memory_space<vmem>>, vector<1x16xf32>,
        %get3A_1658 = vector.shape_cast %get3A_1657 : vector<1x16xf32> to vector<16xf32>
        %mul3A_1659 = arith.constant 11.3137083 : f32
        %mul3A_1660 = vector.broadcast %mul3A_1659 : f32 to vector<16xf32>
        %mul3A_1661 = arith.mulf %get3A_1658, %mul3A_1660 : vector<16xf32>
        %add3A_1662 = arith.addf %mul3A_1661, %get3A_1092 : vector<16xf32>
        %swap3A_1663 = arith.index_cast %add3A_1563 : i32 to index
        %swap3A_1664 = arith.constant 112 : index
        %swap3A_1665 = tpu.vector_load %arg20[%swap3A_1663, %swap3A_1664] {strides = array<i32>} : memref<32x128xf32, #tpu.memory_space<vmem>>, vector<1x16xf32>,
        %swap3A_1666 = vector.shape_cast %swap3A_1665 : vector<1x16xf32> to vector<16xf32>
        %swap3A_1667 = vector.shape_cast %add3A_1662 : vector<16xf32> to vector<1x16xf32>
        tpu.vector_store %arg20[%swap3A_1663, %swap3A_1664], %swap3A_1667 {strides = array<i32>} : memref<32x128xf32, #tpu.memory_space<vmem>>, vector<1x16xf32>,
      }
      %scan3A_1098 = arith.constant 16 : i32
      %lt3A_1099 = arith.constant 3 : i32
      %lt3A_1100 = arith.cmpi slt, %scan3A_668, %lt3A_1099 : i32
      %convert_element_type3A_1101 = arith.extui %lt3A_1100 : i1 to i32
      %cond3A_1102 = arith.constant 0 : i32
      %cond3A_1103 = arith.cmpi ne, %convert_element_type3A_1101, %cond3A_1102 : i32
      scf.if %cond3A_1103 {
        %add3A_1561 = arith.constant 8 : i32
        %add3A_1562 = arith.addi %add3A_1004, %add3A_1561 : i32
        %mul3A_1563 = arith.constant 32 : i32
        %mul3A_1564 = arith.muli %add3A_1562, %mul3A_1563 : i32
        %dma_start3A_1565 = tpu.memref_slice %arg7[%mul3A_1564] : memref<1024xi32, #tpu.memory_space<vmem>> -> memref<32xi32, #tpu.memory_space<vmem>>
        %dma_start3A_1566 = arith.constant 0 : i32
        %dma_start3A_1567 = arith.constant 0 : i32
        %dma_start3A_1568 = tpu.memref_slice %arg4[%dma_start3A_1566, %dma_start3A_1567] : memref<100000x128xf32, #tpu.memory_space<hbm>> -> memref<100000x128xf32, #tpu.memory_space<hbm>>
        tpu.enqueue_indirect_dma source(%dma_start3A_1568 : memref<100000x128xf32, #tpu.memory_space<hbm>>) target(%arg12 : memref<32x128xf32, #tpu.memory_space<vmem>>) offsets(%dma_start3A_1565 : memref<32xi32, #tpu.memory_space<vmem>>) semaphore(%arg28 : memref<!tpu.dma_semaphore, #tpu.memory_space<semaphore_mem>>)
      } else {
      }
      %mul3A_1104 = arith.constant 16 : i32
      %mul3A_1105 = arith.muli %mul3A_2, %mul3A_1104 : i32
      %mul3A_1106 = arith.constant 32 : i32
      %mul3A_1107 = arith.muli %add3A_1004, %mul3A_1106 : i32
      %add3A_1108 = arith.addi %mul3A_1105, %mul3A_1107 : i32
      %dma_start3A_1109 = arith.constant 0 : i32
      %dma_start3A_1110 = tpu.memref_slice %arg5[%add3A_1108, %dma_start3A_1109] : memref<32768x128xf32, #tpu.memory_space<hbm>> -> memref<32x128xf32, #tpu.memory_space<hbm>>
      %dma_start3A_1111 = arith.constant 0 : i32
      %dma_start3A_1112 = tpu.memref_slice %arg5[%add3A_1108, %dma_start3A_1111] : memref<32768x128xf32, #tpu.memory_space<hbm>> -> memref<32x128xf32, #tpu.memory_space<hbm>>
      tpu.enqueue_dma source(%arg20 : memref<32x128xf32, #tpu.memory_space<vmem>>) target(%dma_start3A_1112 : memref<32x128xf32, #tpu.memory_space<hbm>>) target_semaphore(%arg36 : memref<!tpu.dma_semaphore, #tpu.memory_space<semaphore_mem>>)
      %mul3A_1113 = arith.constant 8 : i32
      %mul3A_1114 = arith.muli %scan3A_668, %mul3A_1113 : i32
      %add3A_1115 = arith.constant 4 : i32
      %add3A_1116 = arith.addi %mul3A_1114, %add3A_1115 : i32
      %dma_wait3A_1117 = arith.constant 0 : i32
      %dma_wait3A_1118 = tpu.memref_slice %arg7[%dma_wait3A_1117] : memref<1024xi32, #tpu.memory_space<vmem>> -> memref<32xi32, #tpu.memory_space<vmem>>
      %dma_wait3A_1119 = arith.constant 0 : i32
      %dma_wait3A_1120 = arith.constant 0 : i32
      %dma_wait3A_1121 = tpu.memref_slice %arg4[%dma_wait3A_1119, %dma_wait3A_1120] : memref<100000x128xf32, #tpu.memory_space<hbm>> -> memref<100000x128xf32, #tpu.memory_space<hbm>>
      tpu.wait_indirect_dma semaphore(%arg29 : memref<!tpu.dma_semaphore, #tpu.memory_space<semaphore_mem>>) src(%dma_wait3A_1121 : memref<100000x128xf32, #tpu.memory_space<hbm>>) dst(%arg13 : memref<32x128xf32, #tpu.memory_space<vmem>>)
      %gt3A_1122 = arith.constant 0 : i32
      %gt3A_1123 = arith.cmpi sgt, %scan3A_668, %gt3A_1122 : i32
      %convert_element_type3A_1124 = arith.extui %gt3A_1123 : i1 to i32
      %cond3A_1125 = arith.constant 0 : i32
      %cond3A_1126 = arith.cmpi ne, %convert_element_type3A_1124, %cond3A_1125 : i32
      scf.if %cond3A_1126 {
        %dma_wait3A_1561 = arith.constant 0 : i32
        %dma_wait3A_1562 = arith.constant 0 : i32
        %dma_wait3A_1563 = tpu.memref_slice %arg5[%dma_wait3A_1561, %dma_wait3A_1562] : memref<32768x128xf32, #tpu.memory_space<hbm>> -> memref<32x128xf32, #tpu.memory_space<hbm>>
        %dma_wait3A_1564 = arith.constant 0 : i32
        %dma_wait3A_1565 = arith.constant 0 : i32
        %dma_wait3A_1566 = tpu.memref_slice %arg5[%dma_wait3A_1564, %dma_wait3A_1565] : memref<32768x128xf32, #tpu.memory_space<hbm>> -> memref<32x128xf32, #tpu.memory_space<hbm>>
        tpu.wait_dma2 semaphore(%arg37 : memref<!tpu.dma_semaphore, #tpu.memory_space<semaphore_mem>>) src(%arg21 : memref<32x128xf32, #tpu.memory_space<vmem>>) dst(%dma_wait3A_1566 : memref<32x128xf32, #tpu.memory_space<hbm>>)
      } else {
      }
      %mul3A_1127 = arith.constant 2 : i32
      %mul3A_1128 = arith.muli %add3A_1116, %mul3A_1127 : i32
      %add3A_1129 = arith.constant 0 : i32
      %add3A_1130 = arith.addi %mul3A_1128, %add3A_1129 : i32
      %get3A_1131 = arith.index_cast %add3A_1130 : i32 to index
      %get3A_1132 = arith.constant 0 : index
      %get3A_1133 = tpu.vector_load %arg8[%get3A_1131, %get3A_1132] {strides = array<i32>} : memref<64x128xf32, #tpu.memory_space<vmem>>, vector<1x16xf32>,
      %get3A_1134 = vector.shape_cast %get3A_1133 : vector<1x16xf32> to vector<16xf32>
      %get3A_1135 = arith.index_cast %add3A_1130 : i32 to index
      %get3A_1136 = arith.constant 16 : index
      %get3A_1137 = tpu.vector_load %arg8[%get3A_1135, %get3A_1136] {strides = array<i32>} : memref<64x128xf32, #tpu.memory_space<vmem>>, vector<1x16xf32>,
      %get3A_1138 = vector.shape_cast %get3A_1137 : vector<1x16xf32> to vector<16xf32>
      %get3A_1139 = arith.index_cast %add3A_1130 : i32 to index
      %get3A_1140 = arith.constant 32 : index
      %get3A_1141 = tpu.vector_load %arg8[%get3A_1139, %get3A_1140] {strides = array<i32>} : memref<64x128xf32, #tpu.memory_space<vmem>>, vector<1x16xf32>,
      %get3A_1142 = vector.shape_cast %get3A_1141 : vector<1x16xf32> to vector<16xf32>
      %get3A_1143 = arith.index_cast %add3A_1130 : i32 to index
      %get3A_1144 = arith.constant 48 : index
      %get3A_1145 = tpu.vector_load %arg8[%get3A_1143, %get3A_1144] {strides = array<i32>} : memref<64x128xf32, #tpu.memory_space<vmem>>, vector<1x16xf32>,
      %get3A_1146 = vector.shape_cast %get3A_1145 : vector<1x16xf32> to vector<16xf32>
      %get3A_1147 = arith.index_cast %add3A_1130 : i32 to index
      %get3A_1148 = arith.constant 64 : index
      %get3A_1149 = tpu.vector_load %arg8[%get3A_1147, %get3A_1148] {strides = array<i32>} : memref<64x128xf32, #tpu.memory_space<vmem>>, vector<1x16xf32>,
      %get3A_1150 = vector.shape_cast %get3A_1149 : vector<1x16xf32> to vector<16xf32>
      %get3A_1151 = arith.index_cast %add3A_1130 : i32 to index
      %get3A_1152 = arith.constant 80 : index
      %get3A_1153 = tpu.vector_load %arg8[%get3A_1151, %get3A_1152] {strides = array<i32>} : memref<64x128xf32, #tpu.memory_space<vmem>>, vector<1x16xf32>,
      %get3A_1154 = vector.shape_cast %get3A_1153 : vector<1x16xf32> to vector<16xf32>
      %get3A_1155 = arith.index_cast %add3A_1130 : i32 to index
      %get3A_1156 = arith.constant 96 : index
      %get3A_1157 = tpu.vector_load %arg8[%get3A_1155, %get3A_1156] {strides = array<i32>} : memref<64x128xf32, #tpu.memory_space<vmem>>, vector<1x16xf32>,
      %get3A_1158 = vector.shape_cast %get3A_1157 : vector<1x16xf32> to vector<16xf32>
      %get3A_1159 = arith.index_cast %add3A_1130 : i32 to index
      %get3A_1160 = arith.constant 112 : index
      %get3A_1161 = tpu.vector_load %arg8[%get3A_1159, %get3A_1160] {strides = array<i32>} : memref<64x128xf32, #tpu.memory_space<vmem>>, vector<1x16xf32>,
      %get3A_1162 = vector.shape_cast %get3A_1161 : vector<1x16xf32> to vector<16xf32>
      %scan3A_1163 = arith.constant 0 : i32
      %scan3A_1164 = arith.constant 0 : i32
      %scan3A_1165 = arith.constant 16 : i32
      %scan3A_1166 = arith.addi %scan3A_1164, %scan3A_1165 : i32
      %scan3A_1167 = arith.constant 1 : i32
      scf.for %scan3A_1561 = %scan3A_1164 to %scan3A_1166 step %scan3A_1167  : i32 {
        %add3A_1562 = arith.constant 0 : i32
        %add3A_1563 = arith.addi %add3A_1562, %scan3A_1561 : i32
        %get3A_1564 = arith.index_cast %add3A_1563 : i32 to index
        %get3A_1565 = arith.constant 0 : index
        %get3A_1566 = tpu.vector_load %arg13[%get3A_1564, %get3A_1565] {strides = array<i32>} : memref<32x128xf32, #tpu.memory_space<vmem>>, vector<1x16xf32>,
        %get3A_1567 = vector.shape_cast %get3A_1566 : vector<1x16xf32> to vector<16xf32>
        %mul3A_1568 = arith.constant 11.3137083 : f32
        %mul3A_1569 = vector.broadcast %mul3A_1568 : f32 to vector<16xf32>
        %mul3A_1570 = arith.mulf %get3A_1567, %mul3A_1569 : vector<16xf32>
        %add3A_1571 = arith.addf %mul3A_1570, %get3A_1134 : vector<16xf32>
        %swap3A_1572 = arith.index_cast %add3A_1563 : i32 to index
        %swap3A_1573 = arith.constant 0 : index
        %swap3A_1574 = tpu.vector_load %arg21[%swap3A_1572, %swap3A_1573] {strides = array<i32>} : memref<32x128xf32, #tpu.memory_space<vmem>>, vector<1x16xf32>,
        %swap3A_1575 = vector.shape_cast %swap3A_1574 : vector<1x16xf32> to vector<16xf32>
        %swap3A_1576 = vector.shape_cast %add3A_1571 : vector<16xf32> to vector<1x16xf32>
        tpu.vector_store %arg21[%swap3A_1572, %swap3A_1573], %swap3A_1576 {strides = array<i32>} : memref<32x128xf32, #tpu.memory_space<vmem>>, vector<1x16xf32>,
        %get3A_1577 = arith.index_cast %add3A_1563 : i32 to index
        %get3A_1578 = arith.constant 16 : index
        %get3A_1579 = tpu.vector_load %arg13[%get3A_1577, %get3A_1578] {strides = array<i32>} : memref<32x128xf32, #tpu.memory_space<vmem>>, vector<1x16xf32>,
        %get3A_1580 = vector.shape_cast %get3A_1579 : vector<1x16xf32> to vector<16xf32>
        %mul3A_1581 = arith.constant 11.3137083 : f32
        %mul3A_1582 = vector.broadcast %mul3A_1581 : f32 to vector<16xf32>
        %mul3A_1583 = arith.mulf %get3A_1580, %mul3A_1582 : vector<16xf32>
        %add3A_1584 = arith.addf %mul3A_1583, %get3A_1138 : vector<16xf32>
        %swap3A_1585 = arith.index_cast %add3A_1563 : i32 to index
        %swap3A_1586 = arith.constant 16 : index
        %swap3A_1587 = tpu.vector_load %arg21[%swap3A_1585, %swap3A_1586] {strides = array<i32>} : memref<32x128xf32, #tpu.memory_space<vmem>>, vector<1x16xf32>,
        %swap3A_1588 = vector.shape_cast %swap3A_1587 : vector<1x16xf32> to vector<16xf32>
        %swap3A_1589 = vector.shape_cast %add3A_1584 : vector<16xf32> to vector<1x16xf32>
        tpu.vector_store %arg21[%swap3A_1585, %swap3A_1586], %swap3A_1589 {strides = array<i32>} : memref<32x128xf32, #tpu.memory_space<vmem>>, vector<1x16xf32>,
        %get3A_1590 = arith.index_cast %add3A_1563 : i32 to index
        %get3A_1591 = arith.constant 32 : index
        %get3A_1592 = tpu.vector_load %arg13[%get3A_1590, %get3A_1591] {strides = array<i32>} : memref<32x128xf32, #tpu.memory_space<vmem>>, vector<1x16xf32>,
        %get3A_1593 = vector.shape_cast %get3A_1592 : vector<1x16xf32> to vector<16xf32>
        %mul3A_1594 = arith.constant 11.3137083 : f32
        %mul3A_1595 = vector.broadcast %mul3A_1594 : f32 to vector<16xf32>
        %mul3A_1596 = arith.mulf %get3A_1593, %mul3A_1595 : vector<16xf32>
        %add3A_1597 = arith.addf %mul3A_1596, %get3A_1142 : vector<16xf32>
        %swap3A_1598 = arith.index_cast %add3A_1563 : i32 to index
        %swap3A_1599 = arith.constant 32 : index
        %swap3A_1600 = tpu.vector_load %arg21[%swap3A_1598, %swap3A_1599] {strides = array<i32>} : memref<32x128xf32, #tpu.memory_space<vmem>>, vector<1x16xf32>,
        %swap3A_1601 = vector.shape_cast %swap3A_1600 : vector<1x16xf32> to vector<16xf32>
        %swap3A_1602 = vector.shape_cast %add3A_1597 : vector<16xf32> to vector<1x16xf32>
        tpu.vector_store %arg21[%swap3A_1598, %swap3A_1599], %swap3A_1602 {strides = array<i32>} : memref<32x128xf32, #tpu.memory_space<vmem>>, vector<1x16xf32>,
        %get3A_1603 = arith.index_cast %add3A_1563 : i32 to index
        %get3A_1604 = arith.constant 48 : index
        %get3A_1605 = tpu.vector_load %arg13[%get3A_1603, %get3A_1604] {strides = array<i32>} : memref<32x128xf32, #tpu.memory_space<vmem>>, vector<1x16xf32>,
        %get3A_1606 = vector.shape_cast %get3A_1605 : vector<1x16xf32> to vector<16xf32>
        %mul3A_1607 = arith.constant 11.3137083 : f32
        %mul3A_1608 = vector.broadcast %mul3A_1607 : f32 to vector<16xf32>
        %mul3A_1609 = arith.mulf %get3A_1606, %mul3A_1608 : vector<16xf32>
        %add3A_1610 = arith.addf %mul3A_1609, %get3A_1146 : vector<16xf32>
        %swap3A_1611 = arith.index_cast %add3A_1563 : i32 to index
        %swap3A_1612 = arith.constant 48 : index
        %swap3A_1613 = tpu.vector_load %arg21[%swap3A_1611, %swap3A_1612] {strides = array<i32>} : memref<32x128xf32, #tpu.memory_space<vmem>>, vector<1x16xf32>,
        %swap3A_1614 = vector.shape_cast %swap3A_1613 : vector<1x16xf32> to vector<16xf32>
        %swap3A_1615 = vector.shape_cast %add3A_1610 : vector<16xf32> to vector<1x16xf32>
        tpu.vector_store %arg21[%swap3A_1611, %swap3A_1612], %swap3A_1615 {strides = array<i32>} : memref<32x128xf32, #tpu.memory_space<vmem>>, vector<1x16xf32>,
        %get3A_1616 = arith.index_cast %add3A_1563 : i32 to index
        %get3A_1617 = arith.constant 64 : index
        %get3A_1618 = tpu.vector_load %arg13[%get3A_1616, %get3A_1617] {strides = array<i32>} : memref<32x128xf32, #tpu.memory_space<vmem>>, vector<1x16xf32>,
        %get3A_1619 = vector.shape_cast %get3A_1618 : vector<1x16xf32> to vector<16xf32>
        %mul3A_1620 = arith.constant 11.3137083 : f32
        %mul3A_1621 = vector.broadcast %mul3A_1620 : f32 to vector<16xf32>
        %mul3A_1622 = arith.mulf %get3A_1619, %mul3A_1621 : vector<16xf32>
        %add3A_1623 = arith.addf %mul3A_1622, %get3A_1150 : vector<16xf32>
        %swap3A_1624 = arith.index_cast %add3A_1563 : i32 to index
        %swap3A_1625 = arith.constant 64 : index
        %swap3A_1626 = tpu.vector_load %arg21[%swap3A_1624, %swap3A_1625] {strides = array<i32>} : memref<32x128xf32, #tpu.memory_space<vmem>>, vector<1x16xf32>,
        %swap3A_1627 = vector.shape_cast %swap3A_1626 : vector<1x16xf32> to vector<16xf32>
        %swap3A_1628 = vector.shape_cast %add3A_1623 : vector<16xf32> to vector<1x16xf32>
        tpu.vector_store %arg21[%swap3A_1624, %swap3A_1625], %swap3A_1628 {strides = array<i32>} : memref<32x128xf32, #tpu.memory_space<vmem>>, vector<1x16xf32>,
        %get3A_1629 = arith.index_cast %add3A_1563 : i32 to index
        %get3A_1630 = arith.constant 80 : index
        %get3A_1631 = tpu.vector_load %arg13[%get3A_1629, %get3A_1630] {strides = array<i32>} : memref<32x128xf32, #tpu.memory_space<vmem>>, vector<1x16xf32>,
        %get3A_1632 = vector.shape_cast %get3A_1631 : vector<1x16xf32> to vector<16xf32>
        %mul3A_1633 = arith.constant 11.3137083 : f32
        %mul3A_1634 = vector.broadcast %mul3A_1633 : f32 to vector<16xf32>
        %mul3A_1635 = arith.mulf %get3A_1632, %mul3A_1634 : vector<16xf32>
        %add3A_1636 = arith.addf %mul3A_1635, %get3A_1154 : vector<16xf32>
        %swap3A_1637 = arith.index_cast %add3A_1563 : i32 to index
        %swap3A_1638 = arith.constant 80 : index
        %swap3A_1639 = tpu.vector_load %arg21[%swap3A_1637, %swap3A_1638] {strides = array<i32>} : memref<32x128xf32, #tpu.memory_space<vmem>>, vector<1x16xf32>,
        %swap3A_1640 = vector.shape_cast %swap3A_1639 : vector<1x16xf32> to vector<16xf32>
        %swap3A_1641 = vector.shape_cast %add3A_1636 : vector<16xf32> to vector<1x16xf32>
        tpu.vector_store %arg21[%swap3A_1637, %swap3A_1638], %swap3A_1641 {strides = array<i32>} : memref<32x128xf32, #tpu.memory_space<vmem>>, vector<1x16xf32>,
        %get3A_1642 = arith.index_cast %add3A_1563 : i32 to index
        %get3A_1643 = arith.constant 96 : index
        %get3A_1644 = tpu.vector_load %arg13[%get3A_1642, %get3A_1643] {strides = array<i32>} : memref<32x128xf32, #tpu.memory_space<vmem>>, vector<1x16xf32>,
        %get3A_1645 = vector.shape_cast %get3A_1644 : vector<1x16xf32> to vector<16xf32>
        %mul3A_1646 = arith.constant 11.3137083 : f32
        %mul3A_1647 = vector.broadcast %mul3A_1646 : f32 to vector<16xf32>
        %mul3A_1648 = arith.mulf %get3A_1645, %mul3A_1647 : vector<16xf32>
        %add3A_1649 = arith.addf %mul3A_1648, %get3A_1158 : vector<16xf32>
        %swap3A_1650 = arith.index_cast %add3A_1563 : i32 to index
        %swap3A_1651 = arith.constant 96 : index
        %swap3A_1652 = tpu.vector_load %arg21[%swap3A_1650, %swap3A_1651] {strides = array<i32>} : memref<32x128xf32, #tpu.memory_space<vmem>>, vector<1x16xf32>,
        %swap3A_1653 = vector.shape_cast %swap3A_1652 : vector<1x16xf32> to vector<16xf32>
        %swap3A_1654 = vector.shape_cast %add3A_1649 : vector<16xf32> to vector<1x16xf32>
        tpu.vector_store %arg21[%swap3A_1650, %swap3A_1651], %swap3A_1654 {strides = array<i32>} : memref<32x128xf32, #tpu.memory_space<vmem>>, vector<1x16xf32>,
        %get3A_1655 = arith.index_cast %add3A_1563 : i32 to index
        %get3A_1656 = arith.constant 112 : index
        %get3A_1657 = tpu.vector_load %arg13[%get3A_1655, %get3A_1656] {strides = array<i32>} : memref<32x128xf32, #tpu.memory_space<vmem>>, vector<1x16xf32>,
        %get3A_1658 = vector.shape_cast %get3A_1657 : vector<1x16xf32> to vector<16xf32>
        %mul3A_1659 = arith.constant 11.3137083 : f32
        %mul3A_1660 = vector.broadcast %mul3A_1659 : f32 to vector<16xf32>
        %mul3A_1661 = arith.mulf %get3A_1658, %mul3A_1660 : vector<16xf32>
        %add3A_1662 = arith.addf %mul3A_1661, %get3A_1162 : vector<16xf32>
        %swap3A_1663 = arith.index_cast %add3A_1563 : i32 to index
        %swap3A_1664 = arith.constant 112 : index
        %swap3A_1665 = tpu.vector_load %arg21[%swap3A_1663, %swap3A_1664] {strides = array<i32>} : memref<32x128xf32, #tpu.memory_space<vmem>>, vector<1x16xf32>,
        %swap3A_1666 = vector.shape_cast %swap3A_1665 : vector<1x16xf32> to vector<16xf32>
        %swap3A_1667 = vector.shape_cast %add3A_1662 : vector<16xf32> to vector<1x16xf32>
        tpu.vector_store %arg21[%swap3A_1663, %swap3A_1664], %swap3A_1667 {strides = array<i32>} : memref<32x128xf32, #tpu.memory_space<vmem>>, vector<1x16xf32>,
      }
      %scan3A_1168 = arith.constant 16 : i32
      %mul3A_1169 = arith.constant 2 : i32
      %mul3A_1170 = arith.muli %add3A_1116, %mul3A_1169 : i32
      %add3A_1171 = arith.constant 1 : i32
      %add3A_1172 = arith.addi %mul3A_1170, %add3A_1171 : i32
      %get3A_1173 = arith.index_cast %add3A_1172 : i32 to index
      %get3A_1174 = arith.constant 0 : index
      %get3A_1175 = tpu.vector_load %arg8[%get3A_1173, %get3A_1174] {strides = array<i32>} : memref<64x128xf32, #tpu.memory_space<vmem>>, vector<1x16xf32>,
      %get3A_1176 = vector.shape_cast %get3A_1175 : vector<1x16xf32> to vector<16xf32>
      %get3A_1177 = arith.index_cast %add3A_1172 : i32 to index
      %get3A_1178 = arith.constant 16 : index
      %get3A_1179 = tpu.vector_load %arg8[%get3A_1177, %get3A_1178] {strides = array<i32>} : memref<64x128xf32, #tpu.memory_space<vmem>>, vector<1x16xf32>,
      %get3A_1180 = vector.shape_cast %get3A_1179 : vector<1x16xf32> to vector<16xf32>
      %get3A_1181 = arith.index_cast %add3A_1172 : i32 to index
      %get3A_1182 = arith.constant 32 : index
      %get3A_1183 = tpu.vector_load %arg8[%get3A_1181, %get3A_1182] {strides = array<i32>} : memref<64x128xf32, #tpu.memory_space<vmem>>, vector<1x16xf32>,
      %get3A_1184 = vector.shape_cast %get3A_1183 : vector<1x16xf32> to vector<16xf32>
      %get3A_1185 = arith.index_cast %add3A_1172 : i32 to index
      %get3A_1186 = arith.constant 48 : index
      %get3A_1187 = tpu.vector_load %arg8[%get3A_1185, %get3A_1186] {strides = array<i32>} : memref<64x128xf32, #tpu.memory_space<vmem>>, vector<1x16xf32>,
      %get3A_1188 = vector.shape_cast %get3A_1187 : vector<1x16xf32> to vector<16xf32>
      %get3A_1189 = arith.index_cast %add3A_1172 : i32 to index
      %get3A_1190 = arith.constant 64 : index
      %get3A_1191 = tpu.vector_load %arg8[%get3A_1189, %get3A_1190] {strides = array<i32>} : memref<64x128xf32, #tpu.memory_space<vmem>>, vector<1x16xf32>,
      %get3A_1192 = vector.shape_cast %get3A_1191 : vector<1x16xf32> to vector<16xf32>
      %get3A_1193 = arith.index_cast %add3A_1172 : i32 to index
      %get3A_1194 = arith.constant 80 : index
      %get3A_1195 = tpu.vector_load %arg8[%get3A_1193, %get3A_1194] {strides = array<i32>} : memref<64x128xf32, #tpu.memory_space<vmem>>, vector<1x16xf32>,
      %get3A_1196 = vector.shape_cast %get3A_1195 : vector<1x16xf32> to vector<16xf32>
      %get3A_1197 = arith.index_cast %add3A_1172 : i32 to index
      %get3A_1198 = arith.constant 96 : index
      %get3A_1199 = tpu.vector_load %arg8[%get3A_1197, %get3A_1198] {strides = array<i32>} : memref<64x128xf32, #tpu.memory_space<vmem>>, vector<1x16xf32>,
      %get3A_1200 = vector.shape_cast %get3A_1199 : vector<1x16xf32> to vector<16xf32>
      %get3A_1201 = arith.index_cast %add3A_1172 : i32 to index
      %get3A_1202 = arith.constant 112 : index
      %get3A_1203 = tpu.vector_load %arg8[%get3A_1201, %get3A_1202] {strides = array<i32>} : memref<64x128xf32, #tpu.memory_space<vmem>>, vector<1x16xf32>,
      %get3A_1204 = vector.shape_cast %get3A_1203 : vector<1x16xf32> to vector<16xf32>
      %scan3A_1205 = arith.constant 0 : i32
      %scan3A_1206 = arith.constant 0 : i32
      %scan3A_1207 = arith.constant 16 : i32
      %scan3A_1208 = arith.addi %scan3A_1206, %scan3A_1207 : i32
      %scan3A_1209 = arith.constant 1 : i32
      scf.for %scan3A_1561 = %scan3A_1206 to %scan3A_1208 step %scan3A_1209  : i32 {
        %add3A_1562 = arith.constant 16 : i32
        %add3A_1563 = arith.addi %add3A_1562, %scan3A_1561 : i32
        %get3A_1564 = arith.index_cast %add3A_1563 : i32 to index
        %get3A_1565 = arith.constant 0 : index
        %get3A_1566 = tpu.vector_load %arg13[%get3A_1564, %get3A_1565] {strides = array<i32>} : memref<32x128xf32, #tpu.memory_space<vmem>>, vector<1x16xf32>,
        %get3A_1567 = vector.shape_cast %get3A_1566 : vector<1x16xf32> to vector<16xf32>
        %mul3A_1568 = arith.constant 11.3137083 : f32
        %mul3A_1569 = vector.broadcast %mul3A_1568 : f32 to vector<16xf32>
        %mul3A_1570 = arith.mulf %get3A_1567, %mul3A_1569 : vector<16xf32>
        %add3A_1571 = arith.addf %mul3A_1570, %get3A_1176 : vector<16xf32>
        %swap3A_1572 = arith.index_cast %add3A_1563 : i32 to index
        %swap3A_1573 = arith.constant 0 : index
        %swap3A_1574 = tpu.vector_load %arg21[%swap3A_1572, %swap3A_1573] {strides = array<i32>} : memref<32x128xf32, #tpu.memory_space<vmem>>, vector<1x16xf32>,
        %swap3A_1575 = vector.shape_cast %swap3A_1574 : vector<1x16xf32> to vector<16xf32>
        %swap3A_1576 = vector.shape_cast %add3A_1571 : vector<16xf32> to vector<1x16xf32>
        tpu.vector_store %arg21[%swap3A_1572, %swap3A_1573], %swap3A_1576 {strides = array<i32>} : memref<32x128xf32, #tpu.memory_space<vmem>>, vector<1x16xf32>,
        %get3A_1577 = arith.index_cast %add3A_1563 : i32 to index
        %get3A_1578 = arith.constant 16 : index
        %get3A_1579 = tpu.vector_load %arg13[%get3A_1577, %get3A_1578] {strides = array<i32>} : memref<32x128xf32, #tpu.memory_space<vmem>>, vector<1x16xf32>,
        %get3A_1580 = vector.shape_cast %get3A_1579 : vector<1x16xf32> to vector<16xf32>
        %mul3A_1581 = arith.constant 11.3137083 : f32
        %mul3A_1582 = vector.broadcast %mul3A_1581 : f32 to vector<16xf32>
        %mul3A_1583 = arith.mulf %get3A_1580, %mul3A_1582 : vector<16xf32>
        %add3A_1584 = arith.addf %mul3A_1583, %get3A_1180 : vector<16xf32>
        %swap3A_1585 = arith.index_cast %add3A_1563 : i32 to index
        %swap3A_1586 = arith.constant 16 : index
        %swap3A_1587 = tpu.vector_load %arg21[%swap3A_1585, %swap3A_1586] {strides = array<i32>} : memref<32x128xf32, #tpu.memory_space<vmem>>, vector<1x16xf32>,
        %swap3A_1588 = vector.shape_cast %swap3A_1587 : vector<1x16xf32> to vector<16xf32>
        %swap3A_1589 = vector.shape_cast %add3A_1584 : vector<16xf32> to vector<1x16xf32>
        tpu.vector_store %arg21[%swap3A_1585, %swap3A_1586], %swap3A_1589 {strides = array<i32>} : memref<32x128xf32, #tpu.memory_space<vmem>>, vector<1x16xf32>,
        %get3A_1590 = arith.index_cast %add3A_1563 : i32 to index
        %get3A_1591 = arith.constant 32 : index
        %get3A_1592 = tpu.vector_load %arg13[%get3A_1590, %get3A_1591] {strides = array<i32>} : memref<32x128xf32, #tpu.memory_space<vmem>>, vector<1x16xf32>,
        %get3A_1593 = vector.shape_cast %get3A_1592 : vector<1x16xf32> to vector<16xf32>
        %mul3A_1594 = arith.constant 11.3137083 : f32
        %mul3A_1595 = vector.broadcast %mul3A_1594 : f32 to vector<16xf32>
        %mul3A_1596 = arith.mulf %get3A_1593, %mul3A_1595 : vector<16xf32>
        %add3A_1597 = arith.addf %mul3A_1596, %get3A_1184 : vector<16xf32>
        %swap3A_1598 = arith.index_cast %add3A_1563 : i32 to index
        %swap3A_1599 = arith.constant 32 : index
        %swap3A_1600 = tpu.vector_load %arg21[%swap3A_1598, %swap3A_1599] {strides = array<i32>} : memref<32x128xf32, #tpu.memory_space<vmem>>, vector<1x16xf32>,
        %swap3A_1601 = vector.shape_cast %swap3A_1600 : vector<1x16xf32> to vector<16xf32>
        %swap3A_1602 = vector.shape_cast %add3A_1597 : vector<16xf32> to vector<1x16xf32>
        tpu.vector_store %arg21[%swap3A_1598, %swap3A_1599], %swap3A_1602 {strides = array<i32>} : memref<32x128xf32, #tpu.memory_space<vmem>>, vector<1x16xf32>,
        %get3A_1603 = arith.index_cast %add3A_1563 : i32 to index
        %get3A_1604 = arith.constant 48 : index
        %get3A_1605 = tpu.vector_load %arg13[%get3A_1603, %get3A_1604] {strides = array<i32>} : memref<32x128xf32, #tpu.memory_space<vmem>>, vector<1x16xf32>,
        %get3A_1606 = vector.shape_cast %get3A_1605 : vector<1x16xf32> to vector<16xf32>
        %mul3A_1607 = arith.constant 11.3137083 : f32
        %mul3A_1608 = vector.broadcast %mul3A_1607 : f32 to vector<16xf32>
        %mul3A_1609 = arith.mulf %get3A_1606, %mul3A_1608 : vector<16xf32>
        %add3A_1610 = arith.addf %mul3A_1609, %get3A_1188 : vector<16xf32>
        %swap3A_1611 = arith.index_cast %add3A_1563 : i32 to index
        %swap3A_1612 = arith.constant 48 : index
        %swap3A_1613 = tpu.vector_load %arg21[%swap3A_1611, %swap3A_1612] {strides = array<i32>} : memref<32x128xf32, #tpu.memory_space<vmem>>, vector<1x16xf32>,
        %swap3A_1614 = vector.shape_cast %swap3A_1613 : vector<1x16xf32> to vector<16xf32>
        %swap3A_1615 = vector.shape_cast %add3A_1610 : vector<16xf32> to vector<1x16xf32>
        tpu.vector_store %arg21[%swap3A_1611, %swap3A_1612], %swap3A_1615 {strides = array<i32>} : memref<32x128xf32, #tpu.memory_space<vmem>>, vector<1x16xf32>,
        %get3A_1616 = arith.index_cast %add3A_1563 : i32 to index
        %get3A_1617 = arith.constant 64 : index
        %get3A_1618 = tpu.vector_load %arg13[%get3A_1616, %get3A_1617] {strides = array<i32>} : memref<32x128xf32, #tpu.memory_space<vmem>>, vector<1x16xf32>,
        %get3A_1619 = vector.shape_cast %get3A_1618 : vector<1x16xf32> to vector<16xf32>
        %mul3A_1620 = arith.constant 11.3137083 : f32
        %mul3A_1621 = vector.broadcast %mul3A_1620 : f32 to vector<16xf32>
        %mul3A_1622 = arith.mulf %get3A_1619, %mul3A_1621 : vector<16xf32>
        %add3A_1623 = arith.addf %mul3A_1622, %get3A_1192 : vector<16xf32>
        %swap3A_1624 = arith.index_cast %add3A_1563 : i32 to index
        %swap3A_1625 = arith.constant 64 : index
        %swap3A_1626 = tpu.vector_load %arg21[%swap3A_1624, %swap3A_1625] {strides = array<i32>} : memref<32x128xf32, #tpu.memory_space<vmem>>, vector<1x16xf32>,
        %swap3A_1627 = vector.shape_cast %swap3A_1626 : vector<1x16xf32> to vector<16xf32>
        %swap3A_1628 = vector.shape_cast %add3A_1623 : vector<16xf32> to vector<1x16xf32>
        tpu.vector_store %arg21[%swap3A_1624, %swap3A_1625], %swap3A_1628 {strides = array<i32>} : memref<32x128xf32, #tpu.memory_space<vmem>>, vector<1x16xf32>,
        %get3A_1629 = arith.index_cast %add3A_1563 : i32 to index
        %get3A_1630 = arith.constant 80 : index
        %get3A_1631 = tpu.vector_load %arg13[%get3A_1629, %get3A_1630] {strides = array<i32>} : memref<32x128xf32, #tpu.memory_space<vmem>>, vector<1x16xf32>,
        %get3A_1632 = vector.shape_cast %get3A_1631 : vector<1x16xf32> to vector<16xf32>
        %mul3A_1633 = arith.constant 11.3137083 : f32
        %mul3A_1634 = vector.broadcast %mul3A_1633 : f32 to vector<16xf32>
        %mul3A_1635 = arith.mulf %get3A_1632, %mul3A_1634 : vector<16xf32>
        %add3A_1636 = arith.addf %mul3A_1635, %get3A_1196 : vector<16xf32>
        %swap3A_1637 = arith.index_cast %add3A_1563 : i32 to index
        %swap3A_1638 = arith.constant 80 : index
        %swap3A_1639 = tpu.vector_load %arg21[%swap3A_1637, %swap3A_1638] {strides = array<i32>} : memref<32x128xf32, #tpu.memory_space<vmem>>, vector<1x16xf32>,
        %swap3A_1640 = vector.shape_cast %swap3A_1639 : vector<1x16xf32> to vector<16xf32>
        %swap3A_1641 = vector.shape_cast %add3A_1636 : vector<16xf32> to vector<1x16xf32>
        tpu.vector_store %arg21[%swap3A_1637, %swap3A_1638], %swap3A_1641 {strides = array<i32>} : memref<32x128xf32, #tpu.memory_space<vmem>>, vector<1x16xf32>,
        %get3A_1642 = arith.index_cast %add3A_1563 : i32 to index
        %get3A_1643 = arith.constant 96 : index
        %get3A_1644 = tpu.vector_load %arg13[%get3A_1642, %get3A_1643] {strides = array<i32>} : memref<32x128xf32, #tpu.memory_space<vmem>>, vector<1x16xf32>,
        %get3A_1645 = vector.shape_cast %get3A_1644 : vector<1x16xf32> to vector<16xf32>
        %mul3A_1646 = arith.constant 11.3137083 : f32
        %mul3A_1647 = vector.broadcast %mul3A_1646 : f32 to vector<16xf32>
        %mul3A_1648 = arith.mulf %get3A_1645, %mul3A_1647 : vector<16xf32>
        %add3A_1649 = arith.addf %mul3A_1648, %get3A_1200 : vector<16xf32>
        %swap3A_1650 = arith.index_cast %add3A_1563 : i32 to index
        %swap3A_1651 = arith.constant 96 : index
        %swap3A_1652 = tpu.vector_load %arg21[%swap3A_1650, %swap3A_1651] {strides = array<i32>} : memref<32x128xf32, #tpu.memory_space<vmem>>, vector<1x16xf32>,
        %swap3A_1653 = vector.shape_cast %swap3A_1652 : vector<1x16xf32> to vector<16xf32>
        %swap3A_1654 = vector.shape_cast %add3A_1649 : vector<16xf32> to vector<1x16xf32>
        tpu.vector_store %arg21[%swap3A_1650, %swap3A_1651], %swap3A_1654 {strides = array<i32>} : memref<32x128xf32, #tpu.memory_space<vmem>>, vector<1x16xf32>,
        %get3A_1655 = arith.index_cast %add3A_1563 : i32 to index
        %get3A_1656 = arith.constant 112 : index
        %get3A_1657 = tpu.vector_load %arg13[%get3A_1655, %get3A_1656] {strides = array<i32>} : memref<32x128xf32, #tpu.memory_space<vmem>>, vector<1x16xf32>,
        %get3A_1658 = vector.shape_cast %get3A_1657 : vector<1x16xf32> to vector<16xf32>
        %mul3A_1659 = arith.constant 11.3137083 : f32
        %mul3A_1660 = vector.broadcast %mul3A_1659 : f32 to vector<16xf32>
        %mul3A_1661 = arith.mulf %get3A_1658, %mul3A_1660 : vector<16xf32>
        %add3A_1662 = arith.addf %mul3A_1661, %get3A_1204 : vector<16xf32>
        %swap3A_1663 = arith.index_cast %add3A_1563 : i32 to index
        %swap3A_1664 = arith.constant 112 : index
        %swap3A_1665 = tpu.vector_load %arg21[%swap3A_1663, %swap3A_1664] {strides = array<i32>} : memref<32x128xf32, #tpu.memory_space<vmem>>, vector<1x16xf32>,
        %swap3A_1666 = vector.shape_cast %swap3A_1665 : vector<1x16xf32> to vector<16xf32>
        %swap3A_1667 = vector.shape_cast %add3A_1662 : vector<16xf32> to vector<1x16xf32>
        tpu.vector_store %arg21[%swap3A_1663, %swap3A_1664], %swap3A_1667 {strides = array<i32>} : memref<32x128xf32, #tpu.memory_space<vmem>>, vector<1x16xf32>,
      }
      %scan3A_1210 = arith.constant 16 : i32
      %lt3A_1211 = arith.constant 3 : i32
      %lt3A_1212 = arith.cmpi slt, %scan3A_668, %lt3A_1211 : i32
      %convert_element_type3A_1213 = arith.extui %lt3A_1212 : i1 to i32
      %cond3A_1214 = arith.constant 0 : i32
      %cond3A_1215 = arith.cmpi ne, %convert_element_type3A_1213, %cond3A_1214 : i32
      scf.if %cond3A_1215 {
        %add3A_1561 = arith.constant 8 : i32
        %add3A_1562 = arith.addi %add3A_1116, %add3A_1561 : i32
        %mul3A_1563 = arith.constant 32 : i32
        %mul3A_1564 = arith.muli %add3A_1562, %mul3A_1563 : i32
        %dma_start3A_1565 = tpu.memref_slice %arg7[%mul3A_1564] : memref<1024xi32, #tpu.memory_space<vmem>> -> memref<32xi32, #tpu.memory_space<vmem>>
        %dma_start3A_1566 = arith.constant 0 : i32
        %dma_start3A_1567 = arith.constant 0 : i32
        %dma_start3A_1568 = tpu.memref_slice %arg4[%dma_start3A_1566, %dma_start3A_1567] : memref<100000x128xf32, #tpu.memory_space<hbm>> -> memref<100000x128xf32, #tpu.memory_space<hbm>>
        tpu.enqueue_indirect_dma source(%dma_start3A_1568 : memref<100000x128xf32, #tpu.memory_space<hbm>>) target(%arg13 : memref<32x128xf32, #tpu.memory_space<vmem>>) offsets(%dma_start3A_1565 : memref<32xi32, #tpu.memory_space<vmem>>) semaphore(%arg29 : memref<!tpu.dma_semaphore, #tpu.memory_space<semaphore_mem>>)
      } else {
      }
      %mul3A_1216 = arith.constant 16 : i32
      %mul3A_1217 = arith.muli %mul3A_2, %mul3A_1216 : i32
      %mul3A_1218 = arith.constant 32 : i32
      %mul3A_1219 = arith.muli %add3A_1116, %mul3A_1218 : i32
      %add3A_1220 = arith.addi %mul3A_1217, %mul3A_1219 : i32
      %dma_start3A_1221 = arith.constant 0 : i32
      %dma_start3A_1222 = tpu.memref_slice %arg5[%add3A_1220, %dma_start3A_1221] : memref<32768x128xf32, #tpu.memory_space<hbm>> -> memref<32x128xf32, #tpu.memory_space<hbm>>
      %dma_start3A_1223 = arith.constant 0 : i32
      %dma_start3A_1224 = tpu.memref_slice %arg5[%add3A_1220, %dma_start3A_1223] : memref<32768x128xf32, #tpu.memory_space<hbm>> -> memref<32x128xf32, #tpu.memory_space<hbm>>
      tpu.enqueue_dma source(%arg21 : memref<32x128xf32, #tpu.memory_space<vmem>>) target(%dma_start3A_1224 : memref<32x128xf32, #tpu.memory_space<hbm>>) target_semaphore(%arg37 : memref<!tpu.dma_semaphore, #tpu.memory_space<semaphore_mem>>)
      %mul3A_1225 = arith.constant 8 : i32
      %mul3A_1226 = arith.muli %scan3A_668, %mul3A_1225 : i32
      %add3A_1227 = arith.constant 5 : i32
      %add3A_1228 = arith.addi %mul3A_1226, %add3A_1227 : i32
      %dma_wait3A_1229 = arith.constant 0 : i32
      %dma_wait3A_1230 = tpu.memref_slice %arg7[%dma_wait3A_1229] : memref<1024xi32, #tpu.memory_space<vmem>> -> memref<32xi32, #tpu.memory_space<vmem>>
      %dma_wait3A_1231 = arith.constant 0 : i32
      %dma_wait3A_1232 = arith.constant 0 : i32
      %dma_wait3A_1233 = tpu.memref_slice %arg4[%dma_wait3A_1231, %dma_wait3A_1232] : memref<100000x128xf32, #tpu.memory_space<hbm>> -> memref<100000x128xf32, #tpu.memory_space<hbm>>
      tpu.wait_indirect_dma semaphore(%arg30 : memref<!tpu.dma_semaphore, #tpu.memory_space<semaphore_mem>>) src(%dma_wait3A_1233 : memref<100000x128xf32, #tpu.memory_space<hbm>>) dst(%arg14 : memref<32x128xf32, #tpu.memory_space<vmem>>)
      %gt3A_1234 = arith.constant 0 : i32
      %gt3A_1235 = arith.cmpi sgt, %scan3A_668, %gt3A_1234 : i32
      %convert_element_type3A_1236 = arith.extui %gt3A_1235 : i1 to i32
      %cond3A_1237 = arith.constant 0 : i32
      %cond3A_1238 = arith.cmpi ne, %convert_element_type3A_1236, %cond3A_1237 : i32
      scf.if %cond3A_1238 {
        %dma_wait3A_1561 = arith.constant 0 : i32
        %dma_wait3A_1562 = arith.constant 0 : i32
        %dma_wait3A_1563 = tpu.memref_slice %arg5[%dma_wait3A_1561, %dma_wait3A_1562] : memref<32768x128xf32, #tpu.memory_space<hbm>> -> memref<32x128xf32, #tpu.memory_space<hbm>>
        %dma_wait3A_1564 = arith.constant 0 : i32
        %dma_wait3A_1565 = arith.constant 0 : i32
        %dma_wait3A_1566 = tpu.memref_slice %arg5[%dma_wait3A_1564, %dma_wait3A_1565] : memref<32768x128xf32, #tpu.memory_space<hbm>> -> memref<32x128xf32, #tpu.memory_space<hbm>>
        tpu.wait_dma2 semaphore(%arg38 : memref<!tpu.dma_semaphore, #tpu.memory_space<semaphore_mem>>) src(%arg22 : memref<32x128xf32, #tpu.memory_space<vmem>>) dst(%dma_wait3A_1566 : memref<32x128xf32, #tpu.memory_space<hbm>>)
      } else {
      }
      %mul3A_1239 = arith.constant 2 : i32
      %mul3A_1240 = arith.muli %add3A_1228, %mul3A_1239 : i32
      %add3A_1241 = arith.constant 0 : i32
      %add3A_1242 = arith.addi %mul3A_1240, %add3A_1241 : i32
      %get3A_1243 = arith.index_cast %add3A_1242 : i32 to index
      %get3A_1244 = arith.constant 0 : index
      %get3A_1245 = tpu.vector_load %arg8[%get3A_1243, %get3A_1244] {strides = array<i32>} : memref<64x128xf32, #tpu.memory_space<vmem>>, vector<1x16xf32>,
      %get3A_1246 = vector.shape_cast %get3A_1245 : vector<1x16xf32> to vector<16xf32>
      %get3A_1247 = arith.index_cast %add3A_1242 : i32 to index
      %get3A_1248 = arith.constant 16 : index
      %get3A_1249 = tpu.vector_load %arg8[%get3A_1247, %get3A_1248] {strides = array<i32>} : memref<64x128xf32, #tpu.memory_space<vmem>>, vector<1x16xf32>,
      %get3A_1250 = vector.shape_cast %get3A_1249 : vector<1x16xf32> to vector<16xf32>
      %get3A_1251 = arith.index_cast %add3A_1242 : i32 to index
      %get3A_1252 = arith.constant 32 : index
      %get3A_1253 = tpu.vector_load %arg8[%get3A_1251, %get3A_1252] {strides = array<i32>} : memref<64x128xf32, #tpu.memory_space<vmem>>, vector<1x16xf32>,
      %get3A_1254 = vector.shape_cast %get3A_1253 : vector<1x16xf32> to vector<16xf32>
      %get3A_1255 = arith.index_cast %add3A_1242 : i32 to index
      %get3A_1256 = arith.constant 48 : index
      %get3A_1257 = tpu.vector_load %arg8[%get3A_1255, %get3A_1256] {strides = array<i32>} : memref<64x128xf32, #tpu.memory_space<vmem>>, vector<1x16xf32>,
      %get3A_1258 = vector.shape_cast %get3A_1257 : vector<1x16xf32> to vector<16xf32>
      %get3A_1259 = arith.index_cast %add3A_1242 : i32 to index
      %get3A_1260 = arith.constant 64 : index
      %get3A_1261 = tpu.vector_load %arg8[%get3A_1259, %get3A_1260] {strides = array<i32>} : memref<64x128xf32, #tpu.memory_space<vmem>>, vector<1x16xf32>,
      %get3A_1262 = vector.shape_cast %get3A_1261 : vector<1x16xf32> to vector<16xf32>
      %get3A_1263 = arith.index_cast %add3A_1242 : i32 to index
      %get3A_1264 = arith.constant 80 : index
      %get3A_1265 = tpu.vector_load %arg8[%get3A_1263, %get3A_1264] {strides = array<i32>} : memref<64x128xf32, #tpu.memory_space<vmem>>, vector<1x16xf32>,
      %get3A_1266 = vector.shape_cast %get3A_1265 : vector<1x16xf32> to vector<16xf32>
      %get3A_1267 = arith.index_cast %add3A_1242 : i32 to index
      %get3A_1268 = arith.constant 96 : index
      %get3A_1269 = tpu.vector_load %arg8[%get3A_1267, %get3A_1268] {strides = array<i32>} : memref<64x128xf32, #tpu.memory_space<vmem>>, vector<1x16xf32>,
      %get3A_1270 = vector.shape_cast %get3A_1269 : vector<1x16xf32> to vector<16xf32>
      %get3A_1271 = arith.index_cast %add3A_1242 : i32 to index
      %get3A_1272 = arith.constant 112 : index
      %get3A_1273 = tpu.vector_load %arg8[%get3A_1271, %get3A_1272] {strides = array<i32>} : memref<64x128xf32, #tpu.memory_space<vmem>>, vector<1x16xf32>,
      %get3A_1274 = vector.shape_cast %get3A_1273 : vector<1x16xf32> to vector<16xf32>
      %scan3A_1275 = arith.constant 0 : i32
      %scan3A_1276 = arith.constant 0 : i32
      %scan3A_1277 = arith.constant 16 : i32
      %scan3A_1278 = arith.addi %scan3A_1276, %scan3A_1277 : i32
      %scan3A_1279 = arith.constant 1 : i32
      scf.for %scan3A_1561 = %scan3A_1276 to %scan3A_1278 step %scan3A_1279  : i32 {
        %add3A_1562 = arith.constant 0 : i32
        %add3A_1563 = arith.addi %add3A_1562, %scan3A_1561 : i32
        %get3A_1564 = arith.index_cast %add3A_1563 : i32 to index
        %get3A_1565 = arith.constant 0 : index
        %get3A_1566 = tpu.vector_load %arg14[%get3A_1564, %get3A_1565] {strides = array<i32>} : memref<32x128xf32, #tpu.memory_space<vmem>>, vector<1x16xf32>,
        %get3A_1567 = vector.shape_cast %get3A_1566 : vector<1x16xf32> to vector<16xf32>
        %mul3A_1568 = arith.constant 11.3137083 : f32
        %mul3A_1569 = vector.broadcast %mul3A_1568 : f32 to vector<16xf32>
        %mul3A_1570 = arith.mulf %get3A_1567, %mul3A_1569 : vector<16xf32>
        %add3A_1571 = arith.addf %mul3A_1570, %get3A_1246 : vector<16xf32>
        %swap3A_1572 = arith.index_cast %add3A_1563 : i32 to index
        %swap3A_1573 = arith.constant 0 : index
        %swap3A_1574 = tpu.vector_load %arg22[%swap3A_1572, %swap3A_1573] {strides = array<i32>} : memref<32x128xf32, #tpu.memory_space<vmem>>, vector<1x16xf32>,
        %swap3A_1575 = vector.shape_cast %swap3A_1574 : vector<1x16xf32> to vector<16xf32>
        %swap3A_1576 = vector.shape_cast %add3A_1571 : vector<16xf32> to vector<1x16xf32>
        tpu.vector_store %arg22[%swap3A_1572, %swap3A_1573], %swap3A_1576 {strides = array<i32>} : memref<32x128xf32, #tpu.memory_space<vmem>>, vector<1x16xf32>,
        %get3A_1577 = arith.index_cast %add3A_1563 : i32 to index
        %get3A_1578 = arith.constant 16 : index
        %get3A_1579 = tpu.vector_load %arg14[%get3A_1577, %get3A_1578] {strides = array<i32>} : memref<32x128xf32, #tpu.memory_space<vmem>>, vector<1x16xf32>,
        %get3A_1580 = vector.shape_cast %get3A_1579 : vector<1x16xf32> to vector<16xf32>
        %mul3A_1581 = arith.constant 11.3137083 : f32
        %mul3A_1582 = vector.broadcast %mul3A_1581 : f32 to vector<16xf32>
        %mul3A_1583 = arith.mulf %get3A_1580, %mul3A_1582 : vector<16xf32>
        %add3A_1584 = arith.addf %mul3A_1583, %get3A_1250 : vector<16xf32>
        %swap3A_1585 = arith.index_cast %add3A_1563 : i32 to index
        %swap3A_1586 = arith.constant 16 : index
        %swap3A_1587 = tpu.vector_load %arg22[%swap3A_1585, %swap3A_1586] {strides = array<i32>} : memref<32x128xf32, #tpu.memory_space<vmem>>, vector<1x16xf32>,
        %swap3A_1588 = vector.shape_cast %swap3A_1587 : vector<1x16xf32> to vector<16xf32>
        %swap3A_1589 = vector.shape_cast %add3A_1584 : vector<16xf32> to vector<1x16xf32>
        tpu.vector_store %arg22[%swap3A_1585, %swap3A_1586], %swap3A_1589 {strides = array<i32>} : memref<32x128xf32, #tpu.memory_space<vmem>>, vector<1x16xf32>,
        %get3A_1590 = arith.index_cast %add3A_1563 : i32 to index
        %get3A_1591 = arith.constant 32 : index
        %get3A_1592 = tpu.vector_load %arg14[%get3A_1590, %get3A_1591] {strides = array<i32>} : memref<32x128xf32, #tpu.memory_space<vmem>>, vector<1x16xf32>,
        %get3A_1593 = vector.shape_cast %get3A_1592 : vector<1x16xf32> to vector<16xf32>
        %mul3A_1594 = arith.constant 11.3137083 : f32
        %mul3A_1595 = vector.broadcast %mul3A_1594 : f32 to vector<16xf32>
        %mul3A_1596 = arith.mulf %get3A_1593, %mul3A_1595 : vector<16xf32>
        %add3A_1597 = arith.addf %mul3A_1596, %get3A_1254 : vector<16xf32>
        %swap3A_1598 = arith.index_cast %add3A_1563 : i32 to index
        %swap3A_1599 = arith.constant 32 : index
        %swap3A_1600 = tpu.vector_load %arg22[%swap3A_1598, %swap3A_1599] {strides = array<i32>} : memref<32x128xf32, #tpu.memory_space<vmem>>, vector<1x16xf32>,
        %swap3A_1601 = vector.shape_cast %swap3A_1600 : vector<1x16xf32> to vector<16xf32>
        %swap3A_1602 = vector.shape_cast %add3A_1597 : vector<16xf32> to vector<1x16xf32>
        tpu.vector_store %arg22[%swap3A_1598, %swap3A_1599], %swap3A_1602 {strides = array<i32>} : memref<32x128xf32, #tpu.memory_space<vmem>>, vector<1x16xf32>,
        %get3A_1603 = arith.index_cast %add3A_1563 : i32 to index
        %get3A_1604 = arith.constant 48 : index
        %get3A_1605 = tpu.vector_load %arg14[%get3A_1603, %get3A_1604] {strides = array<i32>} : memref<32x128xf32, #tpu.memory_space<vmem>>, vector<1x16xf32>,
        %get3A_1606 = vector.shape_cast %get3A_1605 : vector<1x16xf32> to vector<16xf32>
        %mul3A_1607 = arith.constant 11.3137083 : f32
        %mul3A_1608 = vector.broadcast %mul3A_1607 : f32 to vector<16xf32>
        %mul3A_1609 = arith.mulf %get3A_1606, %mul3A_1608 : vector<16xf32>
        %add3A_1610 = arith.addf %mul3A_1609, %get3A_1258 : vector<16xf32>
        %swap3A_1611 = arith.index_cast %add3A_1563 : i32 to index
        %swap3A_1612 = arith.constant 48 : index
        %swap3A_1613 = tpu.vector_load %arg22[%swap3A_1611, %swap3A_1612] {strides = array<i32>} : memref<32x128xf32, #tpu.memory_space<vmem>>, vector<1x16xf32>,
        %swap3A_1614 = vector.shape_cast %swap3A_1613 : vector<1x16xf32> to vector<16xf32>
        %swap3A_1615 = vector.shape_cast %add3A_1610 : vector<16xf32> to vector<1x16xf32>
        tpu.vector_store %arg22[%swap3A_1611, %swap3A_1612], %swap3A_1615 {strides = array<i32>} : memref<32x128xf32, #tpu.memory_space<vmem>>, vector<1x16xf32>,
        %get3A_1616 = arith.index_cast %add3A_1563 : i32 to index
        %get3A_1617 = arith.constant 64 : index
        %get3A_1618 = tpu.vector_load %arg14[%get3A_1616, %get3A_1617] {strides = array<i32>} : memref<32x128xf32, #tpu.memory_space<vmem>>, vector<1x16xf32>,
        %get3A_1619 = vector.shape_cast %get3A_1618 : vector<1x16xf32> to vector<16xf32>
        %mul3A_1620 = arith.constant 11.3137083 : f32
        %mul3A_1621 = vector.broadcast %mul3A_1620 : f32 to vector<16xf32>
        %mul3A_1622 = arith.mulf %get3A_1619, %mul3A_1621 : vector<16xf32>
        %add3A_1623 = arith.addf %mul3A_1622, %get3A_1262 : vector<16xf32>
        %swap3A_1624 = arith.index_cast %add3A_1563 : i32 to index
        %swap3A_1625 = arith.constant 64 : index
        %swap3A_1626 = tpu.vector_load %arg22[%swap3A_1624, %swap3A_1625] {strides = array<i32>} : memref<32x128xf32, #tpu.memory_space<vmem>>, vector<1x16xf32>,
        %swap3A_1627 = vector.shape_cast %swap3A_1626 : vector<1x16xf32> to vector<16xf32>
        %swap3A_1628 = vector.shape_cast %add3A_1623 : vector<16xf32> to vector<1x16xf32>
        tpu.vector_store %arg22[%swap3A_1624, %swap3A_1625], %swap3A_1628 {strides = array<i32>} : memref<32x128xf32, #tpu.memory_space<vmem>>, vector<1x16xf32>,
        %get3A_1629 = arith.index_cast %add3A_1563 : i32 to index
        %get3A_1630 = arith.constant 80 : index
        %get3A_1631 = tpu.vector_load %arg14[%get3A_1629, %get3A_1630] {strides = array<i32>} : memref<32x128xf32, #tpu.memory_space<vmem>>, vector<1x16xf32>,
        %get3A_1632 = vector.shape_cast %get3A_1631 : vector<1x16xf32> to vector<16xf32>
        %mul3A_1633 = arith.constant 11.3137083 : f32
        %mul3A_1634 = vector.broadcast %mul3A_1633 : f32 to vector<16xf32>
        %mul3A_1635 = arith.mulf %get3A_1632, %mul3A_1634 : vector<16xf32>
        %add3A_1636 = arith.addf %mul3A_1635, %get3A_1266 : vector<16xf32>
        %swap3A_1637 = arith.index_cast %add3A_1563 : i32 to index
        %swap3A_1638 = arith.constant 80 : index
        %swap3A_1639 = tpu.vector_load %arg22[%swap3A_1637, %swap3A_1638] {strides = array<i32>} : memref<32x128xf32, #tpu.memory_space<vmem>>, vector<1x16xf32>,
        %swap3A_1640 = vector.shape_cast %swap3A_1639 : vector<1x16xf32> to vector<16xf32>
        %swap3A_1641 = vector.shape_cast %add3A_1636 : vector<16xf32> to vector<1x16xf32>
        tpu.vector_store %arg22[%swap3A_1637, %swap3A_1638], %swap3A_1641 {strides = array<i32>} : memref<32x128xf32, #tpu.memory_space<vmem>>, vector<1x16xf32>,
        %get3A_1642 = arith.index_cast %add3A_1563 : i32 to index
        %get3A_1643 = arith.constant 96 : index
        %get3A_1644 = tpu.vector_load %arg14[%get3A_1642, %get3A_1643] {strides = array<i32>} : memref<32x128xf32, #tpu.memory_space<vmem>>, vector<1x16xf32>,
        %get3A_1645 = vector.shape_cast %get3A_1644 : vector<1x16xf32> to vector<16xf32>
        %mul3A_1646 = arith.constant 11.3137083 : f32
        %mul3A_1647 = vector.broadcast %mul3A_1646 : f32 to vector<16xf32>
        %mul3A_1648 = arith.mulf %get3A_1645, %mul3A_1647 : vector<16xf32>
        %add3A_1649 = arith.addf %mul3A_1648, %get3A_1270 : vector<16xf32>
        %swap3A_1650 = arith.index_cast %add3A_1563 : i32 to index
        %swap3A_1651 = arith.constant 96 : index
        %swap3A_1652 = tpu.vector_load %arg22[%swap3A_1650, %swap3A_1651] {strides = array<i32>} : memref<32x128xf32, #tpu.memory_space<vmem>>, vector<1x16xf32>,
        %swap3A_1653 = vector.shape_cast %swap3A_1652 : vector<1x16xf32> to vector<16xf32>
        %swap3A_1654 = vector.shape_cast %add3A_1649 : vector<16xf32> to vector<1x16xf32>
        tpu.vector_store %arg22[%swap3A_1650, %swap3A_1651], %swap3A_1654 {strides = array<i32>} : memref<32x128xf32, #tpu.memory_space<vmem>>, vector<1x16xf32>,
        %get3A_1655 = arith.index_cast %add3A_1563 : i32 to index
        %get3A_1656 = arith.constant 112 : index
        %get3A_1657 = tpu.vector_load %arg14[%get3A_1655, %get3A_1656] {strides = array<i32>} : memref<32x128xf32, #tpu.memory_space<vmem>>, vector<1x16xf32>,
        %get3A_1658 = vector.shape_cast %get3A_1657 : vector<1x16xf32> to vector<16xf32>
        %mul3A_1659 = arith.constant 11.3137083 : f32
        %mul3A_1660 = vector.broadcast %mul3A_1659 : f32 to vector<16xf32>
        %mul3A_1661 = arith.mulf %get3A_1658, %mul3A_1660 : vector<16xf32>
        %add3A_1662 = arith.addf %mul3A_1661, %get3A_1274 : vector<16xf32>
        %swap3A_1663 = arith.index_cast %add3A_1563 : i32 to index
        %swap3A_1664 = arith.constant 112 : index
        %swap3A_1665 = tpu.vector_load %arg22[%swap3A_1663, %swap3A_1664] {strides = array<i32>} : memref<32x128xf32, #tpu.memory_space<vmem>>, vector<1x16xf32>,
        %swap3A_1666 = vector.shape_cast %swap3A_1665 : vector<1x16xf32> to vector<16xf32>
        %swap3A_1667 = vector.shape_cast %add3A_1662 : vector<16xf32> to vector<1x16xf32>
        tpu.vector_store %arg22[%swap3A_1663, %swap3A_1664], %swap3A_1667 {strides = array<i32>} : memref<32x128xf32, #tpu.memory_space<vmem>>, vector<1x16xf32>,
      }
      %scan3A_1280 = arith.constant 16 : i32
      %mul3A_1281 = arith.constant 2 : i32
      %mul3A_1282 = arith.muli %add3A_1228, %mul3A_1281 : i32
      %add3A_1283 = arith.constant 1 : i32
      %add3A_1284 = arith.addi %mul3A_1282, %add3A_1283 : i32
      %get3A_1285 = arith.index_cast %add3A_1284 : i32 to index
      %get3A_1286 = arith.constant 0 : index
      %get3A_1287 = tpu.vector_load %arg8[%get3A_1285, %get3A_1286] {strides = array<i32>} : memref<64x128xf32, #tpu.memory_space<vmem>>, vector<1x16xf32>,
      %get3A_1288 = vector.shape_cast %get3A_1287 : vector<1x16xf32> to vector<16xf32>
      %get3A_1289 = arith.index_cast %add3A_1284 : i32 to index
      %get3A_1290 = arith.constant 16 : index
      %get3A_1291 = tpu.vector_load %arg8[%get3A_1289, %get3A_1290] {strides = array<i32>} : memref<64x128xf32, #tpu.memory_space<vmem>>, vector<1x16xf32>,
      %get3A_1292 = vector.shape_cast %get3A_1291 : vector<1x16xf32> to vector<16xf32>
      %get3A_1293 = arith.index_cast %add3A_1284 : i32 to index
      %get3A_1294 = arith.constant 32 : index
      %get3A_1295 = tpu.vector_load %arg8[%get3A_1293, %get3A_1294] {strides = array<i32>} : memref<64x128xf32, #tpu.memory_space<vmem>>, vector<1x16xf32>,
      %get3A_1296 = vector.shape_cast %get3A_1295 : vector<1x16xf32> to vector<16xf32>
      %get3A_1297 = arith.index_cast %add3A_1284 : i32 to index
      %get3A_1298 = arith.constant 48 : index
      %get3A_1299 = tpu.vector_load %arg8[%get3A_1297, %get3A_1298] {strides = array<i32>} : memref<64x128xf32, #tpu.memory_space<vmem>>, vector<1x16xf32>,
      %get3A_1300 = vector.shape_cast %get3A_1299 : vector<1x16xf32> to vector<16xf32>
      %get3A_1301 = arith.index_cast %add3A_1284 : i32 to index
      %get3A_1302 = arith.constant 64 : index
      %get3A_1303 = tpu.vector_load %arg8[%get3A_1301, %get3A_1302] {strides = array<i32>} : memref<64x128xf32, #tpu.memory_space<vmem>>, vector<1x16xf32>,
      %get3A_1304 = vector.shape_cast %get3A_1303 : vector<1x16xf32> to vector<16xf32>
      %get3A_1305 = arith.index_cast %add3A_1284 : i32 to index
      %get3A_1306 = arith.constant 80 : index
      %get3A_1307 = tpu.vector_load %arg8[%get3A_1305, %get3A_1306] {strides = array<i32>} : memref<64x128xf32, #tpu.memory_space<vmem>>, vector<1x16xf32>,
      %get3A_1308 = vector.shape_cast %get3A_1307 : vector<1x16xf32> to vector<16xf32>
      %get3A_1309 = arith.index_cast %add3A_1284 : i32 to index
      %get3A_1310 = arith.constant 96 : index
      %get3A_1311 = tpu.vector_load %arg8[%get3A_1309, %get3A_1310] {strides = array<i32>} : memref<64x128xf32, #tpu.memory_space<vmem>>, vector<1x16xf32>,
      %get3A_1312 = vector.shape_cast %get3A_1311 : vector<1x16xf32> to vector<16xf32>
      %get3A_1313 = arith.index_cast %add3A_1284 : i32 to index
      %get3A_1314 = arith.constant 112 : index
      %get3A_1315 = tpu.vector_load %arg8[%get3A_1313, %get3A_1314] {strides = array<i32>} : memref<64x128xf32, #tpu.memory_space<vmem>>, vector<1x16xf32>,
      %get3A_1316 = vector.shape_cast %get3A_1315 : vector<1x16xf32> to vector<16xf32>
      %scan3A_1317 = arith.constant 0 : i32
      %scan3A_1318 = arith.constant 0 : i32
      %scan3A_1319 = arith.constant 16 : i32
      %scan3A_1320 = arith.addi %scan3A_1318, %scan3A_1319 : i32
      %scan3A_1321 = arith.constant 1 : i32
      scf.for %scan3A_1561 = %scan3A_1318 to %scan3A_1320 step %scan3A_1321  : i32 {
        %add3A_1562 = arith.constant 16 : i32
        %add3A_1563 = arith.addi %add3A_1562, %scan3A_1561 : i32
        %get3A_1564 = arith.index_cast %add3A_1563 : i32 to index
        %get3A_1565 = arith.constant 0 : index
        %get3A_1566 = tpu.vector_load %arg14[%get3A_1564, %get3A_1565] {strides = array<i32>} : memref<32x128xf32, #tpu.memory_space<vmem>>, vector<1x16xf32>,
        %get3A_1567 = vector.shape_cast %get3A_1566 : vector<1x16xf32> to vector<16xf32>
        %mul3A_1568 = arith.constant 11.3137083 : f32
        %mul3A_1569 = vector.broadcast %mul3A_1568 : f32 to vector<16xf32>
        %mul3A_1570 = arith.mulf %get3A_1567, %mul3A_1569 : vector<16xf32>
        %add3A_1571 = arith.addf %mul3A_1570, %get3A_1288 : vector<16xf32>
        %swap3A_1572 = arith.index_cast %add3A_1563 : i32 to index
        %swap3A_1573 = arith.constant 0 : index
        %swap3A_1574 = tpu.vector_load %arg22[%swap3A_1572, %swap3A_1573] {strides = array<i32>} : memref<32x128xf32, #tpu.memory_space<vmem>>, vector<1x16xf32>,
        %swap3A_1575 = vector.shape_cast %swap3A_1574 : vector<1x16xf32> to vector<16xf32>
        %swap3A_1576 = vector.shape_cast %add3A_1571 : vector<16xf32> to vector<1x16xf32>
        tpu.vector_store %arg22[%swap3A_1572, %swap3A_1573], %swap3A_1576 {strides = array<i32>} : memref<32x128xf32, #tpu.memory_space<vmem>>, vector<1x16xf32>,
        %get3A_1577 = arith.index_cast %add3A_1563 : i32 to index
        %get3A_1578 = arith.constant 16 : index
        %get3A_1579 = tpu.vector_load %arg14[%get3A_1577, %get3A_1578] {strides = array<i32>} : memref<32x128xf32, #tpu.memory_space<vmem>>, vector<1x16xf32>,
        %get3A_1580 = vector.shape_cast %get3A_1579 : vector<1x16xf32> to vector<16xf32>
        %mul3A_1581 = arith.constant 11.3137083 : f32
        %mul3A_1582 = vector.broadcast %mul3A_1581 : f32 to vector<16xf32>
        %mul3A_1583 = arith.mulf %get3A_1580, %mul3A_1582 : vector<16xf32>
        %add3A_1584 = arith.addf %mul3A_1583, %get3A_1292 : vector<16xf32>
        %swap3A_1585 = arith.index_cast %add3A_1563 : i32 to index
        %swap3A_1586 = arith.constant 16 : index
        %swap3A_1587 = tpu.vector_load %arg22[%swap3A_1585, %swap3A_1586] {strides = array<i32>} : memref<32x128xf32, #tpu.memory_space<vmem>>, vector<1x16xf32>,
        %swap3A_1588 = vector.shape_cast %swap3A_1587 : vector<1x16xf32> to vector<16xf32>
        %swap3A_1589 = vector.shape_cast %add3A_1584 : vector<16xf32> to vector<1x16xf32>
        tpu.vector_store %arg22[%swap3A_1585, %swap3A_1586], %swap3A_1589 {strides = array<i32>} : memref<32x128xf32, #tpu.memory_space<vmem>>, vector<1x16xf32>,
        %get3A_1590 = arith.index_cast %add3A_1563 : i32 to index
        %get3A_1591 = arith.constant 32 : index
        %get3A_1592 = tpu.vector_load %arg14[%get3A_1590, %get3A_1591] {strides = array<i32>} : memref<32x128xf32, #tpu.memory_space<vmem>>, vector<1x16xf32>,
        %get3A_1593 = vector.shape_cast %get3A_1592 : vector<1x16xf32> to vector<16xf32>
        %mul3A_1594 = arith.constant 11.3137083 : f32
        %mul3A_1595 = vector.broadcast %mul3A_1594 : f32 to vector<16xf32>
        %mul3A_1596 = arith.mulf %get3A_1593, %mul3A_1595 : vector<16xf32>
        %add3A_1597 = arith.addf %mul3A_1596, %get3A_1296 : vector<16xf32>
        %swap3A_1598 = arith.index_cast %add3A_1563 : i32 to index
        %swap3A_1599 = arith.constant 32 : index
        %swap3A_1600 = tpu.vector_load %arg22[%swap3A_1598, %swap3A_1599] {strides = array<i32>} : memref<32x128xf32, #tpu.memory_space<vmem>>, vector<1x16xf32>,
        %swap3A_1601 = vector.shape_cast %swap3A_1600 : vector<1x16xf32> to vector<16xf32>
        %swap3A_1602 = vector.shape_cast %add3A_1597 : vector<16xf32> to vector<1x16xf32>
        tpu.vector_store %arg22[%swap3A_1598, %swap3A_1599], %swap3A_1602 {strides = array<i32>} : memref<32x128xf32, #tpu.memory_space<vmem>>, vector<1x16xf32>,
        %get3A_1603 = arith.index_cast %add3A_1563 : i32 to index
        %get3A_1604 = arith.constant 48 : index
        %get3A_1605 = tpu.vector_load %arg14[%get3A_1603, %get3A_1604] {strides = array<i32>} : memref<32x128xf32, #tpu.memory_space<vmem>>, vector<1x16xf32>,
        %get3A_1606 = vector.shape_cast %get3A_1605 : vector<1x16xf32> to vector<16xf32>
        %mul3A_1607 = arith.constant 11.3137083 : f32
        %mul3A_1608 = vector.broadcast %mul3A_1607 : f32 to vector<16xf32>
        %mul3A_1609 = arith.mulf %get3A_1606, %mul3A_1608 : vector<16xf32>
        %add3A_1610 = arith.addf %mul3A_1609, %get3A_1300 : vector<16xf32>
        %swap3A_1611 = arith.index_cast %add3A_1563 : i32 to index
        %swap3A_1612 = arith.constant 48 : index
        %swap3A_1613 = tpu.vector_load %arg22[%swap3A_1611, %swap3A_1612] {strides = array<i32>} : memref<32x128xf32, #tpu.memory_space<vmem>>, vector<1x16xf32>,
        %swap3A_1614 = vector.shape_cast %swap3A_1613 : vector<1x16xf32> to vector<16xf32>
        %swap3A_1615 = vector.shape_cast %add3A_1610 : vector<16xf32> to vector<1x16xf32>
        tpu.vector_store %arg22[%swap3A_1611, %swap3A_1612], %swap3A_1615 {strides = array<i32>} : memref<32x128xf32, #tpu.memory_space<vmem>>, vector<1x16xf32>,
        %get3A_1616 = arith.index_cast %add3A_1563 : i32 to index
        %get3A_1617 = arith.constant 64 : index
        %get3A_1618 = tpu.vector_load %arg14[%get3A_1616, %get3A_1617] {strides = array<i32>} : memref<32x128xf32, #tpu.memory_space<vmem>>, vector<1x16xf32>,
        %get3A_1619 = vector.shape_cast %get3A_1618 : vector<1x16xf32> to vector<16xf32>
        %mul3A_1620 = arith.constant 11.3137083 : f32
        %mul3A_1621 = vector.broadcast %mul3A_1620 : f32 to vector<16xf32>
        %mul3A_1622 = arith.mulf %get3A_1619, %mul3A_1621 : vector<16xf32>
        %add3A_1623 = arith.addf %mul3A_1622, %get3A_1304 : vector<16xf32>
        %swap3A_1624 = arith.index_cast %add3A_1563 : i32 to index
        %swap3A_1625 = arith.constant 64 : index
        %swap3A_1626 = tpu.vector_load %arg22[%swap3A_1624, %swap3A_1625] {strides = array<i32>} : memref<32x128xf32, #tpu.memory_space<vmem>>, vector<1x16xf32>,
        %swap3A_1627 = vector.shape_cast %swap3A_1626 : vector<1x16xf32> to vector<16xf32>
        %swap3A_1628 = vector.shape_cast %add3A_1623 : vector<16xf32> to vector<1x16xf32>
        tpu.vector_store %arg22[%swap3A_1624, %swap3A_1625], %swap3A_1628 {strides = array<i32>} : memref<32x128xf32, #tpu.memory_space<vmem>>, vector<1x16xf32>,
        %get3A_1629 = arith.index_cast %add3A_1563 : i32 to index
        %get3A_1630 = arith.constant 80 : index
        %get3A_1631 = tpu.vector_load %arg14[%get3A_1629, %get3A_1630] {strides = array<i32>} : memref<32x128xf32, #tpu.memory_space<vmem>>, vector<1x16xf32>,
        %get3A_1632 = vector.shape_cast %get3A_1631 : vector<1x16xf32> to vector<16xf32>
        %mul3A_1633 = arith.constant 11.3137083 : f32
        %mul3A_1634 = vector.broadcast %mul3A_1633 : f32 to vector<16xf32>
        %mul3A_1635 = arith.mulf %get3A_1632, %mul3A_1634 : vector<16xf32>
        %add3A_1636 = arith.addf %mul3A_1635, %get3A_1308 : vector<16xf32>
        %swap3A_1637 = arith.index_cast %add3A_1563 : i32 to index
        %swap3A_1638 = arith.constant 80 : index
        %swap3A_1639 = tpu.vector_load %arg22[%swap3A_1637, %swap3A_1638] {strides = array<i32>} : memref<32x128xf32, #tpu.memory_space<vmem>>, vector<1x16xf32>,
        %swap3A_1640 = vector.shape_cast %swap3A_1639 : vector<1x16xf32> to vector<16xf32>
        %swap3A_1641 = vector.shape_cast %add3A_1636 : vector<16xf32> to vector<1x16xf32>
        tpu.vector_store %arg22[%swap3A_1637, %swap3A_1638], %swap3A_1641 {strides = array<i32>} : memref<32x128xf32, #tpu.memory_space<vmem>>, vector<1x16xf32>,
        %get3A_1642 = arith.index_cast %add3A_1563 : i32 to index
        %get3A_1643 = arith.constant 96 : index
        %get3A_1644 = tpu.vector_load %arg14[%get3A_1642, %get3A_1643] {strides = array<i32>} : memref<32x128xf32, #tpu.memory_space<vmem>>, vector<1x16xf32>,
        %get3A_1645 = vector.shape_cast %get3A_1644 : vector<1x16xf32> to vector<16xf32>
        %mul3A_1646 = arith.constant 11.3137083 : f32
        %mul3A_1647 = vector.broadcast %mul3A_1646 : f32 to vector<16xf32>
        %mul3A_1648 = arith.mulf %get3A_1645, %mul3A_1647 : vector<16xf32>
        %add3A_1649 = arith.addf %mul3A_1648, %get3A_1312 : vector<16xf32>
        %swap3A_1650 = arith.index_cast %add3A_1563 : i32 to index
        %swap3A_1651 = arith.constant 96 : index
        %swap3A_1652 = tpu.vector_load %arg22[%swap3A_1650, %swap3A_1651] {strides = array<i32>} : memref<32x128xf32, #tpu.memory_space<vmem>>, vector<1x16xf32>,
        %swap3A_1653 = vector.shape_cast %swap3A_1652 : vector<1x16xf32> to vector<16xf32>
        %swap3A_1654 = vector.shape_cast %add3A_1649 : vector<16xf32> to vector<1x16xf32>
        tpu.vector_store %arg22[%swap3A_1650, %swap3A_1651], %swap3A_1654 {strides = array<i32>} : memref<32x128xf32, #tpu.memory_space<vmem>>, vector<1x16xf32>,
        %get3A_1655 = arith.index_cast %add3A_1563 : i32 to index
        %get3A_1656 = arith.constant 112 : index
        %get3A_1657 = tpu.vector_load %arg14[%get3A_1655, %get3A_1656] {strides = array<i32>} : memref<32x128xf32, #tpu.memory_space<vmem>>, vector<1x16xf32>,
        %get3A_1658 = vector.shape_cast %get3A_1657 : vector<1x16xf32> to vector<16xf32>
        %mul3A_1659 = arith.constant 11.3137083 : f32
        %mul3A_1660 = vector.broadcast %mul3A_1659 : f32 to vector<16xf32>
        %mul3A_1661 = arith.mulf %get3A_1658, %mul3A_1660 : vector<16xf32>
        %add3A_1662 = arith.addf %mul3A_1661, %get3A_1316 : vector<16xf32>
        %swap3A_1663 = arith.index_cast %add3A_1563 : i32 to index
        %swap3A_1664 = arith.constant 112 : index
        %swap3A_1665 = tpu.vector_load %arg22[%swap3A_1663, %swap3A_1664] {strides = array<i32>} : memref<32x128xf32, #tpu.memory_space<vmem>>, vector<1x16xf32>,
        %swap3A_1666 = vector.shape_cast %swap3A_1665 : vector<1x16xf32> to vector<16xf32>
        %swap3A_1667 = vector.shape_cast %add3A_1662 : vector<16xf32> to vector<1x16xf32>
        tpu.vector_store %arg22[%swap3A_1663, %swap3A_1664], %swap3A_1667 {strides = array<i32>} : memref<32x128xf32, #tpu.memory_space<vmem>>, vector<1x16xf32>,
      }
      %scan3A_1322 = arith.constant 16 : i32
      %lt3A_1323 = arith.constant 3 : i32
      %lt3A_1324 = arith.cmpi slt, %scan3A_668, %lt3A_1323 : i32
      %convert_element_type3A_1325 = arith.extui %lt3A_1324 : i1 to i32
      %cond3A_1326 = arith.constant 0 : i32
      %cond3A_1327 = arith.cmpi ne, %convert_element_type3A_1325, %cond3A_1326 : i32
      scf.if %cond3A_1327 {
        %add3A_1561 = arith.constant 8 : i32
        %add3A_1562 = arith.addi %add3A_1228, %add3A_1561 : i32
        %mul3A_1563 = arith.constant 32 : i32
        %mul3A_1564 = arith.muli %add3A_1562, %mul3A_1563 : i32
        %dma_start3A_1565 = tpu.memref_slice %arg7[%mul3A_1564] : memref<1024xi32, #tpu.memory_space<vmem>> -> memref<32xi32, #tpu.memory_space<vmem>>
        %dma_start3A_1566 = arith.constant 0 : i32
        %dma_start3A_1567 = arith.constant 0 : i32
        %dma_start3A_1568 = tpu.memref_slice %arg4[%dma_start3A_1566, %dma_start3A_1567] : memref<100000x128xf32, #tpu.memory_space<hbm>> -> memref<100000x128xf32, #tpu.memory_space<hbm>>
        tpu.enqueue_indirect_dma source(%dma_start3A_1568 : memref<100000x128xf32, #tpu.memory_space<hbm>>) target(%arg14 : memref<32x128xf32, #tpu.memory_space<vmem>>) offsets(%dma_start3A_1565 : memref<32xi32, #tpu.memory_space<vmem>>) semaphore(%arg30 : memref<!tpu.dma_semaphore, #tpu.memory_space<semaphore_mem>>)
      } else {
      }
      %mul3A_1328 = arith.constant 16 : i32
      %mul3A_1329 = arith.muli %mul3A_2, %mul3A_1328 : i32
      %mul3A_1330 = arith.constant 32 : i32
      %mul3A_1331 = arith.muli %add3A_1228, %mul3A_1330 : i32
      %add3A_1332 = arith.addi %mul3A_1329, %mul3A_1331 : i32
      %dma_start3A_1333 = arith.constant 0 : i32
      %dma_start3A_1334 = tpu.memref_slice %arg5[%add3A_1332, %dma_start3A_1333] : memref<32768x128xf32, #tpu.memory_space<hbm>> -> memref<32x128xf32, #tpu.memory_space<hbm>>
      %dma_start3A_1335 = arith.constant 0 : i32
      %dma_start3A_1336 = tpu.memref_slice %arg5[%add3A_1332, %dma_start3A_1335] : memref<32768x128xf32, #tpu.memory_space<hbm>> -> memref<32x128xf32, #tpu.memory_space<hbm>>
      tpu.enqueue_dma source(%arg22 : memref<32x128xf32, #tpu.memory_space<vmem>>) target(%dma_start3A_1336 : memref<32x128xf32, #tpu.memory_space<hbm>>) target_semaphore(%arg38 : memref<!tpu.dma_semaphore, #tpu.memory_space<semaphore_mem>>)
      %mul3A_1337 = arith.constant 8 : i32
      %mul3A_1338 = arith.muli %scan3A_668, %mul3A_1337 : i32
      %add3A_1339 = arith.constant 6 : i32
      %add3A_1340 = arith.addi %mul3A_1338, %add3A_1339 : i32
      %dma_wait3A_1341 = arith.constant 0 : i32
      %dma_wait3A_1342 = tpu.memref_slice %arg7[%dma_wait3A_1341] : memref<1024xi32, #tpu.memory_space<vmem>> -> memref<32xi32, #tpu.memory_space<vmem>>
      %dma_wait3A_1343 = arith.constant 0 : i32
      %dma_wait3A_1344 = arith.constant 0 : i32
      %dma_wait3A_1345 = tpu.memref_slice %arg4[%dma_wait3A_1343, %dma_wait3A_1344] : memref<100000x128xf32, #tpu.memory_space<hbm>> -> memref<100000x128xf32, #tpu.memory_space<hbm>>
      tpu.wait_indirect_dma semaphore(%arg31 : memref<!tpu.dma_semaphore, #tpu.memory_space<semaphore_mem>>) src(%dma_wait3A_1345 : memref<100000x128xf32, #tpu.memory_space<hbm>>) dst(%arg15 : memref<32x128xf32, #tpu.memory_space<vmem>>)
      %gt3A_1346 = arith.constant 0 : i32
      %gt3A_1347 = arith.cmpi sgt, %scan3A_668, %gt3A_1346 : i32
      %convert_element_type3A_1348 = arith.extui %gt3A_1347 : i1 to i32
      %cond3A_1349 = arith.constant 0 : i32
      %cond3A_1350 = arith.cmpi ne, %convert_element_type3A_1348, %cond3A_1349 : i32
      scf.if %cond3A_1350 {
        %dma_wait3A_1561 = arith.constant 0 : i32
        %dma_wait3A_1562 = arith.constant 0 : i32
        %dma_wait3A_1563 = tpu.memref_slice %arg5[%dma_wait3A_1561, %dma_wait3A_1562] : memref<32768x128xf32, #tpu.memory_space<hbm>> -> memref<32x128xf32, #tpu.memory_space<hbm>>
        %dma_wait3A_1564 = arith.constant 0 : i32
        %dma_wait3A_1565 = arith.constant 0 : i32
        %dma_wait3A_1566 = tpu.memref_slice %arg5[%dma_wait3A_1564, %dma_wait3A_1565] : memref<32768x128xf32, #tpu.memory_space<hbm>> -> memref<32x128xf32, #tpu.memory_space<hbm>>
        tpu.wait_dma2 semaphore(%arg39 : memref<!tpu.dma_semaphore, #tpu.memory_space<semaphore_mem>>) src(%arg23 : memref<32x128xf32, #tpu.memory_space<vmem>>) dst(%dma_wait3A_1566 : memref<32x128xf32, #tpu.memory_space<hbm>>)
      } else {
      }
      %mul3A_1351 = arith.constant 2 : i32
      %mul3A_1352 = arith.muli %add3A_1340, %mul3A_1351 : i32
      %add3A_1353 = arith.constant 0 : i32
      %add3A_1354 = arith.addi %mul3A_1352, %add3A_1353 : i32
      %get3A_1355 = arith.index_cast %add3A_1354 : i32 to index
      %get3A_1356 = arith.constant 0 : index
      %get3A_1357 = tpu.vector_load %arg8[%get3A_1355, %get3A_1356] {strides = array<i32>} : memref<64x128xf32, #tpu.memory_space<vmem>>, vector<1x16xf32>,
      %get3A_1358 = vector.shape_cast %get3A_1357 : vector<1x16xf32> to vector<16xf32>
      %get3A_1359 = arith.index_cast %add3A_1354 : i32 to index
      %get3A_1360 = arith.constant 16 : index
      %get3A_1361 = tpu.vector_load %arg8[%get3A_1359, %get3A_1360] {strides = array<i32>} : memref<64x128xf32, #tpu.memory_space<vmem>>, vector<1x16xf32>,
      %get3A_1362 = vector.shape_cast %get3A_1361 : vector<1x16xf32> to vector<16xf32>
      %get3A_1363 = arith.index_cast %add3A_1354 : i32 to index
      %get3A_1364 = arith.constant 32 : index
      %get3A_1365 = tpu.vector_load %arg8[%get3A_1363, %get3A_1364] {strides = array<i32>} : memref<64x128xf32, #tpu.memory_space<vmem>>, vector<1x16xf32>,
      %get3A_1366 = vector.shape_cast %get3A_1365 : vector<1x16xf32> to vector<16xf32>
      %get3A_1367 = arith.index_cast %add3A_1354 : i32 to index
      %get3A_1368 = arith.constant 48 : index
      %get3A_1369 = tpu.vector_load %arg8[%get3A_1367, %get3A_1368] {strides = array<i32>} : memref<64x128xf32, #tpu.memory_space<vmem>>, vector<1x16xf32>,
      %get3A_1370 = vector.shape_cast %get3A_1369 : vector<1x16xf32> to vector<16xf32>
      %get3A_1371 = arith.index_cast %add3A_1354 : i32 to index
      %get3A_1372 = arith.constant 64 : index
      %get3A_1373 = tpu.vector_load %arg8[%get3A_1371, %get3A_1372] {strides = array<i32>} : memref<64x128xf32, #tpu.memory_space<vmem>>, vector<1x16xf32>,
      %get3A_1374 = vector.shape_cast %get3A_1373 : vector<1x16xf32> to vector<16xf32>
      %get3A_1375 = arith.index_cast %add3A_1354 : i32 to index
      %get3A_1376 = arith.constant 80 : index
      %get3A_1377 = tpu.vector_load %arg8[%get3A_1375, %get3A_1376] {strides = array<i32>} : memref<64x128xf32, #tpu.memory_space<vmem>>, vector<1x16xf32>,
      %get3A_1378 = vector.shape_cast %get3A_1377 : vector<1x16xf32> to vector<16xf32>
      %get3A_1379 = arith.index_cast %add3A_1354 : i32 to index
      %get3A_1380 = arith.constant 96 : index
      %get3A_1381 = tpu.vector_load %arg8[%get3A_1379, %get3A_1380] {strides = array<i32>} : memref<64x128xf32, #tpu.memory_space<vmem>>, vector<1x16xf32>,
      %get3A_1382 = vector.shape_cast %get3A_1381 : vector<1x16xf32> to vector<16xf32>
      %get3A_1383 = arith.index_cast %add3A_1354 : i32 to index
      %get3A_1384 = arith.constant 112 : index
      %get3A_1385 = tpu.vector_load %arg8[%get3A_1383, %get3A_1384] {strides = array<i32>} : memref<64x128xf32, #tpu.memory_space<vmem>>, vector<1x16xf32>,
      %get3A_1386 = vector.shape_cast %get3A_1385 : vector<1x16xf32> to vector<16xf32>
      %scan3A_1387 = arith.constant 0 : i32
      %scan3A_1388 = arith.constant 0 : i32
      %scan3A_1389 = arith.constant 16 : i32
      %scan3A_1390 = arith.addi %scan3A_1388, %scan3A_1389 : i32
      %scan3A_1391 = arith.constant 1 : i32
      scf.for %scan3A_1561 = %scan3A_1388 to %scan3A_1390 step %scan3A_1391  : i32 {
        %add3A_1562 = arith.constant 0 : i32
        %add3A_1563 = arith.addi %add3A_1562, %scan3A_1561 : i32
        %get3A_1564 = arith.index_cast %add3A_1563 : i32 to index
        %get3A_1565 = arith.constant 0 : index
        %get3A_1566 = tpu.vector_load %arg15[%get3A_1564, %get3A_1565] {strides = array<i32>} : memref<32x128xf32, #tpu.memory_space<vmem>>, vector<1x16xf32>,
        %get3A_1567 = vector.shape_cast %get3A_1566 : vector<1x16xf32> to vector<16xf32>
        %mul3A_1568 = arith.constant 11.3137083 : f32
        %mul3A_1569 = vector.broadcast %mul3A_1568 : f32 to vector<16xf32>
        %mul3A_1570 = arith.mulf %get3A_1567, %mul3A_1569 : vector<16xf32>
        %add3A_1571 = arith.addf %mul3A_1570, %get3A_1358 : vector<16xf32>
        %swap3A_1572 = arith.index_cast %add3A_1563 : i32 to index
        %swap3A_1573 = arith.constant 0 : index
        %swap3A_1574 = tpu.vector_load %arg23[%swap3A_1572, %swap3A_1573] {strides = array<i32>} : memref<32x128xf32, #tpu.memory_space<vmem>>, vector<1x16xf32>,
        %swap3A_1575 = vector.shape_cast %swap3A_1574 : vector<1x16xf32> to vector<16xf32>
        %swap3A_1576 = vector.shape_cast %add3A_1571 : vector<16xf32> to vector<1x16xf32>
        tpu.vector_store %arg23[%swap3A_1572, %swap3A_1573], %swap3A_1576 {strides = array<i32>} : memref<32x128xf32, #tpu.memory_space<vmem>>, vector<1x16xf32>,
        %get3A_1577 = arith.index_cast %add3A_1563 : i32 to index
        %get3A_1578 = arith.constant 16 : index
        %get3A_1579 = tpu.vector_load %arg15[%get3A_1577, %get3A_1578] {strides = array<i32>} : memref<32x128xf32, #tpu.memory_space<vmem>>, vector<1x16xf32>,
        %get3A_1580 = vector.shape_cast %get3A_1579 : vector<1x16xf32> to vector<16xf32>
        %mul3A_1581 = arith.constant 11.3137083 : f32
        %mul3A_1582 = vector.broadcast %mul3A_1581 : f32 to vector<16xf32>
        %mul3A_1583 = arith.mulf %get3A_1580, %mul3A_1582 : vector<16xf32>
        %add3A_1584 = arith.addf %mul3A_1583, %get3A_1362 : vector<16xf32>
        %swap3A_1585 = arith.index_cast %add3A_1563 : i32 to index
        %swap3A_1586 = arith.constant 16 : index
        %swap3A_1587 = tpu.vector_load %arg23[%swap3A_1585, %swap3A_1586] {strides = array<i32>} : memref<32x128xf32, #tpu.memory_space<vmem>>, vector<1x16xf32>,
        %swap3A_1588 = vector.shape_cast %swap3A_1587 : vector<1x16xf32> to vector<16xf32>
        %swap3A_1589 = vector.shape_cast %add3A_1584 : vector<16xf32> to vector<1x16xf32>
        tpu.vector_store %arg23[%swap3A_1585, %swap3A_1586], %swap3A_1589 {strides = array<i32>} : memref<32x128xf32, #tpu.memory_space<vmem>>, vector<1x16xf32>,
        %get3A_1590 = arith.index_cast %add3A_1563 : i32 to index
        %get3A_1591 = arith.constant 32 : index
        %get3A_1592 = tpu.vector_load %arg15[%get3A_1590, %get3A_1591] {strides = array<i32>} : memref<32x128xf32, #tpu.memory_space<vmem>>, vector<1x16xf32>,
        %get3A_1593 = vector.shape_cast %get3A_1592 : vector<1x16xf32> to vector<16xf32>
        %mul3A_1594 = arith.constant 11.3137083 : f32
        %mul3A_1595 = vector.broadcast %mul3A_1594 : f32 to vector<16xf32>
        %mul3A_1596 = arith.mulf %get3A_1593, %mul3A_1595 : vector<16xf32>
        %add3A_1597 = arith.addf %mul3A_1596, %get3A_1366 : vector<16xf32>
        %swap3A_1598 = arith.index_cast %add3A_1563 : i32 to index
        %swap3A_1599 = arith.constant 32 : index
        %swap3A_1600 = tpu.vector_load %arg23[%swap3A_1598, %swap3A_1599] {strides = array<i32>} : memref<32x128xf32, #tpu.memory_space<vmem>>, vector<1x16xf32>,
        %swap3A_1601 = vector.shape_cast %swap3A_1600 : vector<1x16xf32> to vector<16xf32>
        %swap3A_1602 = vector.shape_cast %add3A_1597 : vector<16xf32> to vector<1x16xf32>
        tpu.vector_store %arg23[%swap3A_1598, %swap3A_1599], %swap3A_1602 {strides = array<i32>} : memref<32x128xf32, #tpu.memory_space<vmem>>, vector<1x16xf32>,
        %get3A_1603 = arith.index_cast %add3A_1563 : i32 to index
        %get3A_1604 = arith.constant 48 : index
        %get3A_1605 = tpu.vector_load %arg15[%get3A_1603, %get3A_1604] {strides = array<i32>} : memref<32x128xf32, #tpu.memory_space<vmem>>, vector<1x16xf32>,
        %get3A_1606 = vector.shape_cast %get3A_1605 : vector<1x16xf32> to vector<16xf32>
        %mul3A_1607 = arith.constant 11.3137083 : f32
        %mul3A_1608 = vector.broadcast %mul3A_1607 : f32 to vector<16xf32>
        %mul3A_1609 = arith.mulf %get3A_1606, %mul3A_1608 : vector<16xf32>
        %add3A_1610 = arith.addf %mul3A_1609, %get3A_1370 : vector<16xf32>
        %swap3A_1611 = arith.index_cast %add3A_1563 : i32 to index
        %swap3A_1612 = arith.constant 48 : index
        %swap3A_1613 = tpu.vector_load %arg23[%swap3A_1611, %swap3A_1612] {strides = array<i32>} : memref<32x128xf32, #tpu.memory_space<vmem>>, vector<1x16xf32>,
        %swap3A_1614 = vector.shape_cast %swap3A_1613 : vector<1x16xf32> to vector<16xf32>
        %swap3A_1615 = vector.shape_cast %add3A_1610 : vector<16xf32> to vector<1x16xf32>
        tpu.vector_store %arg23[%swap3A_1611, %swap3A_1612], %swap3A_1615 {strides = array<i32>} : memref<32x128xf32, #tpu.memory_space<vmem>>, vector<1x16xf32>,
        %get3A_1616 = arith.index_cast %add3A_1563 : i32 to index
        %get3A_1617 = arith.constant 64 : index
        %get3A_1618 = tpu.vector_load %arg15[%get3A_1616, %get3A_1617] {strides = array<i32>} : memref<32x128xf32, #tpu.memory_space<vmem>>, vector<1x16xf32>,
        %get3A_1619 = vector.shape_cast %get3A_1618 : vector<1x16xf32> to vector<16xf32>
        %mul3A_1620 = arith.constant 11.3137083 : f32
        %mul3A_1621 = vector.broadcast %mul3A_1620 : f32 to vector<16xf32>
        %mul3A_1622 = arith.mulf %get3A_1619, %mul3A_1621 : vector<16xf32>
        %add3A_1623 = arith.addf %mul3A_1622, %get3A_1374 : vector<16xf32>
        %swap3A_1624 = arith.index_cast %add3A_1563 : i32 to index
        %swap3A_1625 = arith.constant 64 : index
        %swap3A_1626 = tpu.vector_load %arg23[%swap3A_1624, %swap3A_1625] {strides = array<i32>} : memref<32x128xf32, #tpu.memory_space<vmem>>, vector<1x16xf32>,
        %swap3A_1627 = vector.shape_cast %swap3A_1626 : vector<1x16xf32> to vector<16xf32>
        %swap3A_1628 = vector.shape_cast %add3A_1623 : vector<16xf32> to vector<1x16xf32>
        tpu.vector_store %arg23[%swap3A_1624, %swap3A_1625], %swap3A_1628 {strides = array<i32>} : memref<32x128xf32, #tpu.memory_space<vmem>>, vector<1x16xf32>,
        %get3A_1629 = arith.index_cast %add3A_1563 : i32 to index
        %get3A_1630 = arith.constant 80 : index
        %get3A_1631 = tpu.vector_load %arg15[%get3A_1629, %get3A_1630] {strides = array<i32>} : memref<32x128xf32, #tpu.memory_space<vmem>>, vector<1x16xf32>,
        %get3A_1632 = vector.shape_cast %get3A_1631 : vector<1x16xf32> to vector<16xf32>
        %mul3A_1633 = arith.constant 11.3137083 : f32
        %mul3A_1634 = vector.broadcast %mul3A_1633 : f32 to vector<16xf32>
        %mul3A_1635 = arith.mulf %get3A_1632, %mul3A_1634 : vector<16xf32>
        %add3A_1636 = arith.addf %mul3A_1635, %get3A_1378 : vector<16xf32>
        %swap3A_1637 = arith.index_cast %add3A_1563 : i32 to index
        %swap3A_1638 = arith.constant 80 : index
        %swap3A_1639 = tpu.vector_load %arg23[%swap3A_1637, %swap3A_1638] {strides = array<i32>} : memref<32x128xf32, #tpu.memory_space<vmem>>, vector<1x16xf32>,
        %swap3A_1640 = vector.shape_cast %swap3A_1639 : vector<1x16xf32> to vector<16xf32>
        %swap3A_1641 = vector.shape_cast %add3A_1636 : vector<16xf32> to vector<1x16xf32>
        tpu.vector_store %arg23[%swap3A_1637, %swap3A_1638], %swap3A_1641 {strides = array<i32>} : memref<32x128xf32, #tpu.memory_space<vmem>>, vector<1x16xf32>,
        %get3A_1642 = arith.index_cast %add3A_1563 : i32 to index
        %get3A_1643 = arith.constant 96 : index
        %get3A_1644 = tpu.vector_load %arg15[%get3A_1642, %get3A_1643] {strides = array<i32>} : memref<32x128xf32, #tpu.memory_space<vmem>>, vector<1x16xf32>,
        %get3A_1645 = vector.shape_cast %get3A_1644 : vector<1x16xf32> to vector<16xf32>
        %mul3A_1646 = arith.constant 11.3137083 : f32
        %mul3A_1647 = vector.broadcast %mul3A_1646 : f32 to vector<16xf32>
        %mul3A_1648 = arith.mulf %get3A_1645, %mul3A_1647 : vector<16xf32>
        %add3A_1649 = arith.addf %mul3A_1648, %get3A_1382 : vector<16xf32>
        %swap3A_1650 = arith.index_cast %add3A_1563 : i32 to index
        %swap3A_1651 = arith.constant 96 : index
        %swap3A_1652 = tpu.vector_load %arg23[%swap3A_1650, %swap3A_1651] {strides = array<i32>} : memref<32x128xf32, #tpu.memory_space<vmem>>, vector<1x16xf32>,
        %swap3A_1653 = vector.shape_cast %swap3A_1652 : vector<1x16xf32> to vector<16xf32>
        %swap3A_1654 = vector.shape_cast %add3A_1649 : vector<16xf32> to vector<1x16xf32>
        tpu.vector_store %arg23[%swap3A_1650, %swap3A_1651], %swap3A_1654 {strides = array<i32>} : memref<32x128xf32, #tpu.memory_space<vmem>>, vector<1x16xf32>,
        %get3A_1655 = arith.index_cast %add3A_1563 : i32 to index
        %get3A_1656 = arith.constant 112 : index
        %get3A_1657 = tpu.vector_load %arg15[%get3A_1655, %get3A_1656] {strides = array<i32>} : memref<32x128xf32, #tpu.memory_space<vmem>>, vector<1x16xf32>,
        %get3A_1658 = vector.shape_cast %get3A_1657 : vector<1x16xf32> to vector<16xf32>
        %mul3A_1659 = arith.constant 11.3137083 : f32
        %mul3A_1660 = vector.broadcast %mul3A_1659 : f32 to vector<16xf32>
        %mul3A_1661 = arith.mulf %get3A_1658, %mul3A_1660 : vector<16xf32>
        %add3A_1662 = arith.addf %mul3A_1661, %get3A_1386 : vector<16xf32>
        %swap3A_1663 = arith.index_cast %add3A_1563 : i32 to index
        %swap3A_1664 = arith.constant 112 : index
        %swap3A_1665 = tpu.vector_load %arg23[%swap3A_1663, %swap3A_1664] {strides = array<i32>} : memref<32x128xf32, #tpu.memory_space<vmem>>, vector<1x16xf32>,
        %swap3A_1666 = vector.shape_cast %swap3A_1665 : vector<1x16xf32> to vector<16xf32>
        %swap3A_1667 = vector.shape_cast %add3A_1662 : vector<16xf32> to vector<1x16xf32>
        tpu.vector_store %arg23[%swap3A_1663, %swap3A_1664], %swap3A_1667 {strides = array<i32>} : memref<32x128xf32, #tpu.memory_space<vmem>>, vector<1x16xf32>,
      }
      %scan3A_1392 = arith.constant 16 : i32
      %mul3A_1393 = arith.constant 2 : i32
      %mul3A_1394 = arith.muli %add3A_1340, %mul3A_1393 : i32
      %add3A_1395 = arith.constant 1 : i32
      %add3A_1396 = arith.addi %mul3A_1394, %add3A_1395 : i32
      %get3A_1397 = arith.index_cast %add3A_1396 : i32 to index
      %get3A_1398 = arith.constant 0 : index
      %get3A_1399 = tpu.vector_load %arg8[%get3A_1397, %get3A_1398] {strides = array<i32>} : memref<64x128xf32, #tpu.memory_space<vmem>>, vector<1x16xf32>,
      %get3A_1400 = vector.shape_cast %get3A_1399 : vector<1x16xf32> to vector<16xf32>
      %get3A_1401 = arith.index_cast %add3A_1396 : i32 to index
      %get3A_1402 = arith.constant 16 : index
      %get3A_1403 = tpu.vector_load %arg8[%get3A_1401, %get3A_1402] {strides = array<i32>} : memref<64x128xf32, #tpu.memory_space<vmem>>, vector<1x16xf32>,
      %get3A_1404 = vector.shape_cast %get3A_1403 : vector<1x16xf32> to vector<16xf32>
      %get3A_1405 = arith.index_cast %add3A_1396 : i32 to index
      %get3A_1406 = arith.constant 32 : index
      %get3A_1407 = tpu.vector_load %arg8[%get3A_1405, %get3A_1406] {strides = array<i32>} : memref<64x128xf32, #tpu.memory_space<vmem>>, vector<1x16xf32>,
      %get3A_1408 = vector.shape_cast %get3A_1407 : vector<1x16xf32> to vector<16xf32>
      %get3A_1409 = arith.index_cast %add3A_1396 : i32 to index
      %get3A_1410 = arith.constant 48 : index
      %get3A_1411 = tpu.vector_load %arg8[%get3A_1409, %get3A_1410] {strides = array<i32>} : memref<64x128xf32, #tpu.memory_space<vmem>>, vector<1x16xf32>,
      %get3A_1412 = vector.shape_cast %get3A_1411 : vector<1x16xf32> to vector<16xf32>
      %get3A_1413 = arith.index_cast %add3A_1396 : i32 to index
      %get3A_1414 = arith.constant 64 : index
      %get3A_1415 = tpu.vector_load %arg8[%get3A_1413, %get3A_1414] {strides = array<i32>} : memref<64x128xf32, #tpu.memory_space<vmem>>, vector<1x16xf32>,
      %get3A_1416 = vector.shape_cast %get3A_1415 : vector<1x16xf32> to vector<16xf32>
      %get3A_1417 = arith.index_cast %add3A_1396 : i32 to index
      %get3A_1418 = arith.constant 80 : index
      %get3A_1419 = tpu.vector_load %arg8[%get3A_1417, %get3A_1418] {strides = array<i32>} : memref<64x128xf32, #tpu.memory_space<vmem>>, vector<1x16xf32>,
      %get3A_1420 = vector.shape_cast %get3A_1419 : vector<1x16xf32> to vector<16xf32>
      %get3A_1421 = arith.index_cast %add3A_1396 : i32 to index
      %get3A_1422 = arith.constant 96 : index
      %get3A_1423 = tpu.vector_load %arg8[%get3A_1421, %get3A_1422] {strides = array<i32>} : memref<64x128xf32, #tpu.memory_space<vmem>>, vector<1x16xf32>,
      %get3A_1424 = vector.shape_cast %get3A_1423 : vector<1x16xf32> to vector<16xf32>
      %get3A_1425 = arith.index_cast %add3A_1396 : i32 to index
      %get3A_1426 = arith.constant 112 : index
      %get3A_1427 = tpu.vector_load %arg8[%get3A_1425, %get3A_1426] {strides = array<i32>} : memref<64x128xf32, #tpu.memory_space<vmem>>, vector<1x16xf32>,
      %get3A_1428 = vector.shape_cast %get3A_1427 : vector<1x16xf32> to vector<16xf32>
      %scan3A_1429 = arith.constant 0 : i32
      %scan3A_1430 = arith.constant 0 : i32
      %scan3A_1431 = arith.constant 16 : i32
      %scan3A_1432 = arith.addi %scan3A_1430, %scan3A_1431 : i32
      %scan3A_1433 = arith.constant 1 : i32
      scf.for %scan3A_1561 = %scan3A_1430 to %scan3A_1432 step %scan3A_1433  : i32 {
        %add3A_1562 = arith.constant 16 : i32
        %add3A_1563 = arith.addi %add3A_1562, %scan3A_1561 : i32
        %get3A_1564 = arith.index_cast %add3A_1563 : i32 to index
        %get3A_1565 = arith.constant 0 : index
        %get3A_1566 = tpu.vector_load %arg15[%get3A_1564, %get3A_1565] {strides = array<i32>} : memref<32x128xf32, #tpu.memory_space<vmem>>, vector<1x16xf32>,
        %get3A_1567 = vector.shape_cast %get3A_1566 : vector<1x16xf32> to vector<16xf32>
        %mul3A_1568 = arith.constant 11.3137083 : f32
        %mul3A_1569 = vector.broadcast %mul3A_1568 : f32 to vector<16xf32>
        %mul3A_1570 = arith.mulf %get3A_1567, %mul3A_1569 : vector<16xf32>
        %add3A_1571 = arith.addf %mul3A_1570, %get3A_1400 : vector<16xf32>
        %swap3A_1572 = arith.index_cast %add3A_1563 : i32 to index
        %swap3A_1573 = arith.constant 0 : index
        %swap3A_1574 = tpu.vector_load %arg23[%swap3A_1572, %swap3A_1573] {strides = array<i32>} : memref<32x128xf32, #tpu.memory_space<vmem>>, vector<1x16xf32>,
        %swap3A_1575 = vector.shape_cast %swap3A_1574 : vector<1x16xf32> to vector<16xf32>
        %swap3A_1576 = vector.shape_cast %add3A_1571 : vector<16xf32> to vector<1x16xf32>
        tpu.vector_store %arg23[%swap3A_1572, %swap3A_1573], %swap3A_1576 {strides = array<i32>} : memref<32x128xf32, #tpu.memory_space<vmem>>, vector<1x16xf32>,
        %get3A_1577 = arith.index_cast %add3A_1563 : i32 to index
        %get3A_1578 = arith.constant 16 : index
        %get3A_1579 = tpu.vector_load %arg15[%get3A_1577, %get3A_1578] {strides = array<i32>} : memref<32x128xf32, #tpu.memory_space<vmem>>, vector<1x16xf32>,
        %get3A_1580 = vector.shape_cast %get3A_1579 : vector<1x16xf32> to vector<16xf32>
        %mul3A_1581 = arith.constant 11.3137083 : f32
        %mul3A_1582 = vector.broadcast %mul3A_1581 : f32 to vector<16xf32>
        %mul3A_1583 = arith.mulf %get3A_1580, %mul3A_1582 : vector<16xf32>
        %add3A_1584 = arith.addf %mul3A_1583, %get3A_1404 : vector<16xf32>
        %swap3A_1585 = arith.index_cast %add3A_1563 : i32 to index
        %swap3A_1586 = arith.constant 16 : index
        %swap3A_1587 = tpu.vector_load %arg23[%swap3A_1585, %swap3A_1586] {strides = array<i32>} : memref<32x128xf32, #tpu.memory_space<vmem>>, vector<1x16xf32>,
        %swap3A_1588 = vector.shape_cast %swap3A_1587 : vector<1x16xf32> to vector<16xf32>
        %swap3A_1589 = vector.shape_cast %add3A_1584 : vector<16xf32> to vector<1x16xf32>
        tpu.vector_store %arg23[%swap3A_1585, %swap3A_1586], %swap3A_1589 {strides = array<i32>} : memref<32x128xf32, #tpu.memory_space<vmem>>, vector<1x16xf32>,
        %get3A_1590 = arith.index_cast %add3A_1563 : i32 to index
        %get3A_1591 = arith.constant 32 : index
        %get3A_1592 = tpu.vector_load %arg15[%get3A_1590, %get3A_1591] {strides = array<i32>} : memref<32x128xf32, #tpu.memory_space<vmem>>, vector<1x16xf32>,
        %get3A_1593 = vector.shape_cast %get3A_1592 : vector<1x16xf32> to vector<16xf32>
        %mul3A_1594 = arith.constant 11.3137083 : f32
        %mul3A_1595 = vector.broadcast %mul3A_1594 : f32 to vector<16xf32>
        %mul3A_1596 = arith.mulf %get3A_1593, %mul3A_1595 : vector<16xf32>
        %add3A_1597 = arith.addf %mul3A_1596, %get3A_1408 : vector<16xf32>
        %swap3A_1598 = arith.index_cast %add3A_1563 : i32 to index
        %swap3A_1599 = arith.constant 32 : index
        %swap3A_1600 = tpu.vector_load %arg23[%swap3A_1598, %swap3A_1599] {strides = array<i32>} : memref<32x128xf32, #tpu.memory_space<vmem>>, vector<1x16xf32>,
        %swap3A_1601 = vector.shape_cast %swap3A_1600 : vector<1x16xf32> to vector<16xf32>
        %swap3A_1602 = vector.shape_cast %add3A_1597 : vector<16xf32> to vector<1x16xf32>
        tpu.vector_store %arg23[%swap3A_1598, %swap3A_1599], %swap3A_1602 {strides = array<i32>} : memref<32x128xf32, #tpu.memory_space<vmem>>, vector<1x16xf32>,
        %get3A_1603 = arith.index_cast %add3A_1563 : i32 to index
        %get3A_1604 = arith.constant 48 : index
        %get3A_1605 = tpu.vector_load %arg15[%get3A_1603, %get3A_1604] {strides = array<i32>} : memref<32x128xf32, #tpu.memory_space<vmem>>, vector<1x16xf32>,
        %get3A_1606 = vector.shape_cast %get3A_1605 : vector<1x16xf32> to vector<16xf32>
        %mul3A_1607 = arith.constant 11.3137083 : f32
        %mul3A_1608 = vector.broadcast %mul3A_1607 : f32 to vector<16xf32>
        %mul3A_1609 = arith.mulf %get3A_1606, %mul3A_1608 : vector<16xf32>
        %add3A_1610 = arith.addf %mul3A_1609, %get3A_1412 : vector<16xf32>
        %swap3A_1611 = arith.index_cast %add3A_1563 : i32 to index
        %swap3A_1612 = arith.constant 48 : index
        %swap3A_1613 = tpu.vector_load %arg23[%swap3A_1611, %swap3A_1612] {strides = array<i32>} : memref<32x128xf32, #tpu.memory_space<vmem>>, vector<1x16xf32>,
        %swap3A_1614 = vector.shape_cast %swap3A_1613 : vector<1x16xf32> to vector<16xf32>
        %swap3A_1615 = vector.shape_cast %add3A_1610 : vector<16xf32> to vector<1x16xf32>
        tpu.vector_store %arg23[%swap3A_1611, %swap3A_1612], %swap3A_1615 {strides = array<i32>} : memref<32x128xf32, #tpu.memory_space<vmem>>, vector<1x16xf32>,
        %get3A_1616 = arith.index_cast %add3A_1563 : i32 to index
        %get3A_1617 = arith.constant 64 : index
        %get3A_1618 = tpu.vector_load %arg15[%get3A_1616, %get3A_1617] {strides = array<i32>} : memref<32x128xf32, #tpu.memory_space<vmem>>, vector<1x16xf32>,
        %get3A_1619 = vector.shape_cast %get3A_1618 : vector<1x16xf32> to vector<16xf32>
        %mul3A_1620 = arith.constant 11.3137083 : f32
        %mul3A_1621 = vector.broadcast %mul3A_1620 : f32 to vector<16xf32>
        %mul3A_1622 = arith.mulf %get3A_1619, %mul3A_1621 : vector<16xf32>
        %add3A_1623 = arith.addf %mul3A_1622, %get3A_1416 : vector<16xf32>
        %swap3A_1624 = arith.index_cast %add3A_1563 : i32 to index
        %swap3A_1625 = arith.constant 64 : index
        %swap3A_1626 = tpu.vector_load %arg23[%swap3A_1624, %swap3A_1625] {strides = array<i32>} : memref<32x128xf32, #tpu.memory_space<vmem>>, vector<1x16xf32>,
        %swap3A_1627 = vector.shape_cast %swap3A_1626 : vector<1x16xf32> to vector<16xf32>
        %swap3A_1628 = vector.shape_cast %add3A_1623 : vector<16xf32> to vector<1x16xf32>
        tpu.vector_store %arg23[%swap3A_1624, %swap3A_1625], %swap3A_1628 {strides = array<i32>} : memref<32x128xf32, #tpu.memory_space<vmem>>, vector<1x16xf32>,
        %get3A_1629 = arith.index_cast %add3A_1563 : i32 to index
        %get3A_1630 = arith.constant 80 : index
        %get3A_1631 = tpu.vector_load %arg15[%get3A_1629, %get3A_1630] {strides = array<i32>} : memref<32x128xf32, #tpu.memory_space<vmem>>, vector<1x16xf32>,
        %get3A_1632 = vector.shape_cast %get3A_1631 : vector<1x16xf32> to vector<16xf32>
        %mul3A_1633 = arith.constant 11.3137083 : f32
        %mul3A_1634 = vector.broadcast %mul3A_1633 : f32 to vector<16xf32>
        %mul3A_1635 = arith.mulf %get3A_1632, %mul3A_1634 : vector<16xf32>
        %add3A_1636 = arith.addf %mul3A_1635, %get3A_1420 : vector<16xf32>
        %swap3A_1637 = arith.index_cast %add3A_1563 : i32 to index
        %swap3A_1638 = arith.constant 80 : index
        %swap3A_1639 = tpu.vector_load %arg23[%swap3A_1637, %swap3A_1638] {strides = array<i32>} : memref<32x128xf32, #tpu.memory_space<vmem>>, vector<1x16xf32>,
        %swap3A_1640 = vector.shape_cast %swap3A_1639 : vector<1x16xf32> to vector<16xf32>
        %swap3A_1641 = vector.shape_cast %add3A_1636 : vector<16xf32> to vector<1x16xf32>
        tpu.vector_store %arg23[%swap3A_1637, %swap3A_1638], %swap3A_1641 {strides = array<i32>} : memref<32x128xf32, #tpu.memory_space<vmem>>, vector<1x16xf32>,
        %get3A_1642 = arith.index_cast %add3A_1563 : i32 to index
        %get3A_1643 = arith.constant 96 : index
        %get3A_1644 = tpu.vector_load %arg15[%get3A_1642, %get3A_1643] {strides = array<i32>} : memref<32x128xf32, #tpu.memory_space<vmem>>, vector<1x16xf32>,
        %get3A_1645 = vector.shape_cast %get3A_1644 : vector<1x16xf32> to vector<16xf32>
        %mul3A_1646 = arith.constant 11.3137083 : f32
        %mul3A_1647 = vector.broadcast %mul3A_1646 : f32 to vector<16xf32>
        %mul3A_1648 = arith.mulf %get3A_1645, %mul3A_1647 : vector<16xf32>
        %add3A_1649 = arith.addf %mul3A_1648, %get3A_1424 : vector<16xf32>
        %swap3A_1650 = arith.index_cast %add3A_1563 : i32 to index
        %swap3A_1651 = arith.constant 96 : index
        %swap3A_1652 = tpu.vector_load %arg23[%swap3A_1650, %swap3A_1651] {strides = array<i32>} : memref<32x128xf32, #tpu.memory_space<vmem>>, vector<1x16xf32>,
        %swap3A_1653 = vector.shape_cast %swap3A_1652 : vector<1x16xf32> to vector<16xf32>
        %swap3A_1654 = vector.shape_cast %add3A_1649 : vector<16xf32> to vector<1x16xf32>
        tpu.vector_store %arg23[%swap3A_1650, %swap3A_1651], %swap3A_1654 {strides = array<i32>} : memref<32x128xf32, #tpu.memory_space<vmem>>, vector<1x16xf32>,
        %get3A_1655 = arith.index_cast %add3A_1563 : i32 to index
        %get3A_1656 = arith.constant 112 : index
        %get3A_1657 = tpu.vector_load %arg15[%get3A_1655, %get3A_1656] {strides = array<i32>} : memref<32x128xf32, #tpu.memory_space<vmem>>, vector<1x16xf32>,
        %get3A_1658 = vector.shape_cast %get3A_1657 : vector<1x16xf32> to vector<16xf32>
        %mul3A_1659 = arith.constant 11.3137083 : f32
        %mul3A_1660 = vector.broadcast %mul3A_1659 : f32 to vector<16xf32>
        %mul3A_1661 = arith.mulf %get3A_1658, %mul3A_1660 : vector<16xf32>
        %add3A_1662 = arith.addf %mul3A_1661, %get3A_1428 : vector<16xf32>
        %swap3A_1663 = arith.index_cast %add3A_1563 : i32 to index
        %swap3A_1664 = arith.constant 112 : index
        %swap3A_1665 = tpu.vector_load %arg23[%swap3A_1663, %swap3A_1664] {strides = array<i32>} : memref<32x128xf32, #tpu.memory_space<vmem>>, vector<1x16xf32>,
        %swap3A_1666 = vector.shape_cast %swap3A_1665 : vector<1x16xf32> to vector<16xf32>
        %swap3A_1667 = vector.shape_cast %add3A_1662 : vector<16xf32> to vector<1x16xf32>
        tpu.vector_store %arg23[%swap3A_1663, %swap3A_1664], %swap3A_1667 {strides = array<i32>} : memref<32x128xf32, #tpu.memory_space<vmem>>, vector<1x16xf32>,
      }
      %scan3A_1434 = arith.constant 16 : i32
      %lt3A_1435 = arith.constant 3 : i32
      %lt3A_1436 = arith.cmpi slt, %scan3A_668, %lt3A_1435 : i32
      %convert_element_type3A_1437 = arith.extui %lt3A_1436 : i1 to i32
      %cond3A_1438 = arith.constant 0 : i32
      %cond3A_1439 = arith.cmpi ne, %convert_element_type3A_1437, %cond3A_1438 : i32
      scf.if %cond3A_1439 {
        %add3A_1561 = arith.constant 8 : i32
        %add3A_1562 = arith.addi %add3A_1340, %add3A_1561 : i32
        %mul3A_1563 = arith.constant 32 : i32
        %mul3A_1564 = arith.muli %add3A_1562, %mul3A_1563 : i32
        %dma_start3A_1565 = tpu.memref_slice %arg7[%mul3A_1564] : memref<1024xi32, #tpu.memory_space<vmem>> -> memref<32xi32, #tpu.memory_space<vmem>>
        %dma_start3A_1566 = arith.constant 0 : i32
        %dma_start3A_1567 = arith.constant 0 : i32
        %dma_start3A_1568 = tpu.memref_slice %arg4[%dma_start3A_1566, %dma_start3A_1567] : memref<100000x128xf32, #tpu.memory_space<hbm>> -> memref<100000x128xf32, #tpu.memory_space<hbm>>
        tpu.enqueue_indirect_dma source(%dma_start3A_1568 : memref<100000x128xf32, #tpu.memory_space<hbm>>) target(%arg15 : memref<32x128xf32, #tpu.memory_space<vmem>>) offsets(%dma_start3A_1565 : memref<32xi32, #tpu.memory_space<vmem>>) semaphore(%arg31 : memref<!tpu.dma_semaphore, #tpu.memory_space<semaphore_mem>>)
      } else {
      }
      %mul3A_1440 = arith.constant 16 : i32
      %mul3A_1441 = arith.muli %mul3A_2, %mul3A_1440 : i32
      %mul3A_1442 = arith.constant 32 : i32
      %mul3A_1443 = arith.muli %add3A_1340, %mul3A_1442 : i32
      %add3A_1444 = arith.addi %mul3A_1441, %mul3A_1443 : i32
      %dma_start3A_1445 = arith.constant 0 : i32
      %dma_start3A_1446 = tpu.memref_slice %arg5[%add3A_1444, %dma_start3A_1445] : memref<32768x128xf32, #tpu.memory_space<hbm>> -> memref<32x128xf32, #tpu.memory_space<hbm>>
      %dma_start3A_1447 = arith.constant 0 : i32
      %dma_start3A_1448 = tpu.memref_slice %arg5[%add3A_1444, %dma_start3A_1447] : memref<32768x128xf32, #tpu.memory_space<hbm>> -> memref<32x128xf32, #tpu.memory_space<hbm>>
      tpu.enqueue_dma source(%arg23 : memref<32x128xf32, #tpu.memory_space<vmem>>) target(%dma_start3A_1448 : memref<32x128xf32, #tpu.memory_space<hbm>>) target_semaphore(%arg39 : memref<!tpu.dma_semaphore, #tpu.memory_space<semaphore_mem>>)
      %mul3A_1449 = arith.constant 8 : i32
      %mul3A_1450 = arith.muli %scan3A_668, %mul3A_1449 : i32
      %add3A_1451 = arith.constant 7 : i32
      %add3A_1452 = arith.addi %mul3A_1450, %add3A_1451 : i32
      %dma_wait3A_1453 = arith.constant 0 : i32
      %dma_wait3A_1454 = tpu.memref_slice %arg7[%dma_wait3A_1453] : memref<1024xi32, #tpu.memory_space<vmem>> -> memref<32xi32, #tpu.memory_space<vmem>>
      %dma_wait3A_1455 = arith.constant 0 : i32
      %dma_wait3A_1456 = arith.constant 0 : i32
      %dma_wait3A_1457 = tpu.memref_slice %arg4[%dma_wait3A_1455, %dma_wait3A_1456] : memref<100000x128xf32, #tpu.memory_space<hbm>> -> memref<100000x128xf32, #tpu.memory_space<hbm>>
      tpu.wait_indirect_dma semaphore(%arg32 : memref<!tpu.dma_semaphore, #tpu.memory_space<semaphore_mem>>) src(%dma_wait3A_1457 : memref<100000x128xf32, #tpu.memory_space<hbm>>) dst(%arg16 : memref<32x128xf32, #tpu.memory_space<vmem>>)
      %gt3A_1458 = arith.constant 0 : i32
      %gt3A_1459 = arith.cmpi sgt, %scan3A_668, %gt3A_1458 : i32
      %convert_element_type3A_1460 = arith.extui %gt3A_1459 : i1 to i32
      %cond3A_1461 = arith.constant 0 : i32
      %cond3A_1462 = arith.cmpi ne, %convert_element_type3A_1460, %cond3A_1461 : i32
      scf.if %cond3A_1462 {
        %dma_wait3A_1561 = arith.constant 0 : i32
        %dma_wait3A_1562 = arith.constant 0 : i32
        %dma_wait3A_1563 = tpu.memref_slice %arg5[%dma_wait3A_1561, %dma_wait3A_1562] : memref<32768x128xf32, #tpu.memory_space<hbm>> -> memref<32x128xf32, #tpu.memory_space<hbm>>
        %dma_wait3A_1564 = arith.constant 0 : i32
        %dma_wait3A_1565 = arith.constant 0 : i32
        %dma_wait3A_1566 = tpu.memref_slice %arg5[%dma_wait3A_1564, %dma_wait3A_1565] : memref<32768x128xf32, #tpu.memory_space<hbm>> -> memref<32x128xf32, #tpu.memory_space<hbm>>
        tpu.wait_dma2 semaphore(%arg40 : memref<!tpu.dma_semaphore, #tpu.memory_space<semaphore_mem>>) src(%arg24 : memref<32x128xf32, #tpu.memory_space<vmem>>) dst(%dma_wait3A_1566 : memref<32x128xf32, #tpu.memory_space<hbm>>)
      } else {
      }
      %mul3A_1463 = arith.constant 2 : i32
      %mul3A_1464 = arith.muli %add3A_1452, %mul3A_1463 : i32
      %add3A_1465 = arith.constant 0 : i32
      %add3A_1466 = arith.addi %mul3A_1464, %add3A_1465 : i32
      %get3A_1467 = arith.index_cast %add3A_1466 : i32 to index
      %get3A_1468 = arith.constant 0 : index
      %get3A_1469 = tpu.vector_load %arg8[%get3A_1467, %get3A_1468] {strides = array<i32>} : memref<64x128xf32, #tpu.memory_space<vmem>>, vector<1x16xf32>,
      %get3A_1470 = vector.shape_cast %get3A_1469 : vector<1x16xf32> to vector<16xf32>
      %get3A_1471 = arith.index_cast %add3A_1466 : i32 to index
      %get3A_1472 = arith.constant 16 : index
      %get3A_1473 = tpu.vector_load %arg8[%get3A_1471, %get3A_1472] {strides = array<i32>} : memref<64x128xf32, #tpu.memory_space<vmem>>, vector<1x16xf32>,
      %get3A_1474 = vector.shape_cast %get3A_1473 : vector<1x16xf32> to vector<16xf32>
      %get3A_1475 = arith.index_cast %add3A_1466 : i32 to index
      %get3A_1476 = arith.constant 32 : index
      %get3A_1477 = tpu.vector_load %arg8[%get3A_1475, %get3A_1476] {strides = array<i32>} : memref<64x128xf32, #tpu.memory_space<vmem>>, vector<1x16xf32>,
      %get3A_1478 = vector.shape_cast %get3A_1477 : vector<1x16xf32> to vector<16xf32>
      %get3A_1479 = arith.index_cast %add3A_1466 : i32 to index
      %get3A_1480 = arith.constant 48 : index
      %get3A_1481 = tpu.vector_load %arg8[%get3A_1479, %get3A_1480] {strides = array<i32>} : memref<64x128xf32, #tpu.memory_space<vmem>>, vector<1x16xf32>,
      %get3A_1482 = vector.shape_cast %get3A_1481 : vector<1x16xf32> to vector<16xf32>
      %get3A_1483 = arith.index_cast %add3A_1466 : i32 to index
      %get3A_1484 = arith.constant 64 : index
      %get3A_1485 = tpu.vector_load %arg8[%get3A_1483, %get3A_1484] {strides = array<i32>} : memref<64x128xf32, #tpu.memory_space<vmem>>, vector<1x16xf32>,
      %get3A_1486 = vector.shape_cast %get3A_1485 : vector<1x16xf32> to vector<16xf32>
      %get3A_1487 = arith.index_cast %add3A_1466 : i32 to index
      %get3A_1488 = arith.constant 80 : index
      %get3A_1489 = tpu.vector_load %arg8[%get3A_1487, %get3A_1488] {strides = array<i32>} : memref<64x128xf32, #tpu.memory_space<vmem>>, vector<1x16xf32>,
      %get3A_1490 = vector.shape_cast %get3A_1489 : vector<1x16xf32> to vector<16xf32>
      %get3A_1491 = arith.index_cast %add3A_1466 : i32 to index
      %get3A_1492 = arith.constant 96 : index
      %get3A_1493 = tpu.vector_load %arg8[%get3A_1491, %get3A_1492] {strides = array<i32>} : memref<64x128xf32, #tpu.memory_space<vmem>>, vector<1x16xf32>,
      %get3A_1494 = vector.shape_cast %get3A_1493 : vector<1x16xf32> to vector<16xf32>
      %get3A_1495 = arith.index_cast %add3A_1466 : i32 to index
      %get3A_1496 = arith.constant 112 : index
      %get3A_1497 = tpu.vector_load %arg8[%get3A_1495, %get3A_1496] {strides = array<i32>} : memref<64x128xf32, #tpu.memory_space<vmem>>, vector<1x16xf32>,
      %get3A_1498 = vector.shape_cast %get3A_1497 : vector<1x16xf32> to vector<16xf32>
      %scan3A_1499 = arith.constant 0 : i32
      %scan3A_1500 = arith.constant 0 : i32
      %scan3A_1501 = arith.constant 16 : i32
      %scan3A_1502 = arith.addi %scan3A_1500, %scan3A_1501 : i32
      %scan3A_1503 = arith.constant 1 : i32
      scf.for %scan3A_1561 = %scan3A_1500 to %scan3A_1502 step %scan3A_1503  : i32 {
        %add3A_1562 = arith.constant 0 : i32
        %add3A_1563 = arith.addi %add3A_1562, %scan3A_1561 : i32
        %get3A_1564 = arith.index_cast %add3A_1563 : i32 to index
        %get3A_1565 = arith.constant 0 : index
        %get3A_1566 = tpu.vector_load %arg16[%get3A_1564, %get3A_1565] {strides = array<i32>} : memref<32x128xf32, #tpu.memory_space<vmem>>, vector<1x16xf32>,
        %get3A_1567 = vector.shape_cast %get3A_1566 : vector<1x16xf32> to vector<16xf32>
        %mul3A_1568 = arith.constant 11.3137083 : f32
        %mul3A_1569 = vector.broadcast %mul3A_1568 : f32 to vector<16xf32>
        %mul3A_1570 = arith.mulf %get3A_1567, %mul3A_1569 : vector<16xf32>
        %add3A_1571 = arith.addf %mul3A_1570, %get3A_1470 : vector<16xf32>
        %swap3A_1572 = arith.index_cast %add3A_1563 : i32 to index
        %swap3A_1573 = arith.constant 0 : index
        %swap3A_1574 = tpu.vector_load %arg24[%swap3A_1572, %swap3A_1573] {strides = array<i32>} : memref<32x128xf32, #tpu.memory_space<vmem>>, vector<1x16xf32>,
        %swap3A_1575 = vector.shape_cast %swap3A_1574 : vector<1x16xf32> to vector<16xf32>
        %swap3A_1576 = vector.shape_cast %add3A_1571 : vector<16xf32> to vector<1x16xf32>
        tpu.vector_store %arg24[%swap3A_1572, %swap3A_1573], %swap3A_1576 {strides = array<i32>} : memref<32x128xf32, #tpu.memory_space<vmem>>, vector<1x16xf32>,
        %get3A_1577 = arith.index_cast %add3A_1563 : i32 to index
        %get3A_1578 = arith.constant 16 : index
        %get3A_1579 = tpu.vector_load %arg16[%get3A_1577, %get3A_1578] {strides = array<i32>} : memref<32x128xf32, #tpu.memory_space<vmem>>, vector<1x16xf32>,
        %get3A_1580 = vector.shape_cast %get3A_1579 : vector<1x16xf32> to vector<16xf32>
        %mul3A_1581 = arith.constant 11.3137083 : f32
        %mul3A_1582 = vector.broadcast %mul3A_1581 : f32 to vector<16xf32>
        %mul3A_1583 = arith.mulf %get3A_1580, %mul3A_1582 : vector<16xf32>
        %add3A_1584 = arith.addf %mul3A_1583, %get3A_1474 : vector<16xf32>
        %swap3A_1585 = arith.index_cast %add3A_1563 : i32 to index
        %swap3A_1586 = arith.constant 16 : index
        %swap3A_1587 = tpu.vector_load %arg24[%swap3A_1585, %swap3A_1586] {strides = array<i32>} : memref<32x128xf32, #tpu.memory_space<vmem>>, vector<1x16xf32>,
        %swap3A_1588 = vector.shape_cast %swap3A_1587 : vector<1x16xf32> to vector<16xf32>
        %swap3A_1589 = vector.shape_cast %add3A_1584 : vector<16xf32> to vector<1x16xf32>
        tpu.vector_store %arg24[%swap3A_1585, %swap3A_1586], %swap3A_1589 {strides = array<i32>} : memref<32x128xf32, #tpu.memory_space<vmem>>, vector<1x16xf32>,
        %get3A_1590 = arith.index_cast %add3A_1563 : i32 to index
        %get3A_1591 = arith.constant 32 : index
        %get3A_1592 = tpu.vector_load %arg16[%get3A_1590, %get3A_1591] {strides = array<i32>} : memref<32x128xf32, #tpu.memory_space<vmem>>, vector<1x16xf32>,
        %get3A_1593 = vector.shape_cast %get3A_1592 : vector<1x16xf32> to vector<16xf32>
        %mul3A_1594 = arith.constant 11.3137083 : f32
        %mul3A_1595 = vector.broadcast %mul3A_1594 : f32 to vector<16xf32>
        %mul3A_1596 = arith.mulf %get3A_1593, %mul3A_1595 : vector<16xf32>
        %add3A_1597 = arith.addf %mul3A_1596, %get3A_1478 : vector<16xf32>
        %swap3A_1598 = arith.index_cast %add3A_1563 : i32 to index
        %swap3A_1599 = arith.constant 32 : index
        %swap3A_1600 = tpu.vector_load %arg24[%swap3A_1598, %swap3A_1599] {strides = array<i32>} : memref<32x128xf32, #tpu.memory_space<vmem>>, vector<1x16xf32>,
        %swap3A_1601 = vector.shape_cast %swap3A_1600 : vector<1x16xf32> to vector<16xf32>
        %swap3A_1602 = vector.shape_cast %add3A_1597 : vector<16xf32> to vector<1x16xf32>
        tpu.vector_store %arg24[%swap3A_1598, %swap3A_1599], %swap3A_1602 {strides = array<i32>} : memref<32x128xf32, #tpu.memory_space<vmem>>, vector<1x16xf32>,
        %get3A_1603 = arith.index_cast %add3A_1563 : i32 to index
        %get3A_1604 = arith.constant 48 : index
        %get3A_1605 = tpu.vector_load %arg16[%get3A_1603, %get3A_1604] {strides = array<i32>} : memref<32x128xf32, #tpu.memory_space<vmem>>, vector<1x16xf32>,
        %get3A_1606 = vector.shape_cast %get3A_1605 : vector<1x16xf32> to vector<16xf32>
        %mul3A_1607 = arith.constant 11.3137083 : f32
        %mul3A_1608 = vector.broadcast %mul3A_1607 : f32 to vector<16xf32>
        %mul3A_1609 = arith.mulf %get3A_1606, %mul3A_1608 : vector<16xf32>
        %add3A_1610 = arith.addf %mul3A_1609, %get3A_1482 : vector<16xf32>
        %swap3A_1611 = arith.index_cast %add3A_1563 : i32 to index
        %swap3A_1612 = arith.constant 48 : index
        %swap3A_1613 = tpu.vector_load %arg24[%swap3A_1611, %swap3A_1612] {strides = array<i32>} : memref<32x128xf32, #tpu.memory_space<vmem>>, vector<1x16xf32>,
        %swap3A_1614 = vector.shape_cast %swap3A_1613 : vector<1x16xf32> to vector<16xf32>
        %swap3A_1615 = vector.shape_cast %add3A_1610 : vector<16xf32> to vector<1x16xf32>
        tpu.vector_store %arg24[%swap3A_1611, %swap3A_1612], %swap3A_1615 {strides = array<i32>} : memref<32x128xf32, #tpu.memory_space<vmem>>, vector<1x16xf32>,
        %get3A_1616 = arith.index_cast %add3A_1563 : i32 to index
        %get3A_1617 = arith.constant 64 : index
        %get3A_1618 = tpu.vector_load %arg16[%get3A_1616, %get3A_1617] {strides = array<i32>} : memref<32x128xf32, #tpu.memory_space<vmem>>, vector<1x16xf32>,
        %get3A_1619 = vector.shape_cast %get3A_1618 : vector<1x16xf32> to vector<16xf32>
        %mul3A_1620 = arith.constant 11.3137083 : f32
        %mul3A_1621 = vector.broadcast %mul3A_1620 : f32 to vector<16xf32>
        %mul3A_1622 = arith.mulf %get3A_1619, %mul3A_1621 : vector<16xf32>
        %add3A_1623 = arith.addf %mul3A_1622, %get3A_1486 : vector<16xf32>
        %swap3A_1624 = arith.index_cast %add3A_1563 : i32 to index
        %swap3A_1625 = arith.constant 64 : index
        %swap3A_1626 = tpu.vector_load %arg24[%swap3A_1624, %swap3A_1625] {strides = array<i32>} : memref<32x128xf32, #tpu.memory_space<vmem>>, vector<1x16xf32>,
        %swap3A_1627 = vector.shape_cast %swap3A_1626 : vector<1x16xf32> to vector<16xf32>
        %swap3A_1628 = vector.shape_cast %add3A_1623 : vector<16xf32> to vector<1x16xf32>
        tpu.vector_store %arg24[%swap3A_1624, %swap3A_1625], %swap3A_1628 {strides = array<i32>} : memref<32x128xf32, #tpu.memory_space<vmem>>, vector<1x16xf32>,
        %get3A_1629 = arith.index_cast %add3A_1563 : i32 to index
        %get3A_1630 = arith.constant 80 : index
        %get3A_1631 = tpu.vector_load %arg16[%get3A_1629, %get3A_1630] {strides = array<i32>} : memref<32x128xf32, #tpu.memory_space<vmem>>, vector<1x16xf32>,
        %get3A_1632 = vector.shape_cast %get3A_1631 : vector<1x16xf32> to vector<16xf32>
        %mul3A_1633 = arith.constant 11.3137083 : f32
        %mul3A_1634 = vector.broadcast %mul3A_1633 : f32 to vector<16xf32>
        %mul3A_1635 = arith.mulf %get3A_1632, %mul3A_1634 : vector<16xf32>
        %add3A_1636 = arith.addf %mul3A_1635, %get3A_1490 : vector<16xf32>
        %swap3A_1637 = arith.index_cast %add3A_1563 : i32 to index
        %swap3A_1638 = arith.constant 80 : index
        %swap3A_1639 = tpu.vector_load %arg24[%swap3A_1637, %swap3A_1638] {strides = array<i32>} : memref<32x128xf32, #tpu.memory_space<vmem>>, vector<1x16xf32>,
        %swap3A_1640 = vector.shape_cast %swap3A_1639 : vector<1x16xf32> to vector<16xf32>
        %swap3A_1641 = vector.shape_cast %add3A_1636 : vector<16xf32> to vector<1x16xf32>
        tpu.vector_store %arg24[%swap3A_1637, %swap3A_1638], %swap3A_1641 {strides = array<i32>} : memref<32x128xf32, #tpu.memory_space<vmem>>, vector<1x16xf32>,
        %get3A_1642 = arith.index_cast %add3A_1563 : i32 to index
        %get3A_1643 = arith.constant 96 : index
        %get3A_1644 = tpu.vector_load %arg16[%get3A_1642, %get3A_1643] {strides = array<i32>} : memref<32x128xf32, #tpu.memory_space<vmem>>, vector<1x16xf32>,
        %get3A_1645 = vector.shape_cast %get3A_1644 : vector<1x16xf32> to vector<16xf32>
        %mul3A_1646 = arith.constant 11.3137083 : f32
        %mul3A_1647 = vector.broadcast %mul3A_1646 : f32 to vector<16xf32>
        %mul3A_1648 = arith.mulf %get3A_1645, %mul3A_1647 : vector<16xf32>
        %add3A_1649 = arith.addf %mul3A_1648, %get3A_1494 : vector<16xf32>
        %swap3A_1650 = arith.index_cast %add3A_1563 : i32 to index
        %swap3A_1651 = arith.constant 96 : index
        %swap3A_1652 = tpu.vector_load %arg24[%swap3A_1650, %swap3A_1651] {strides = array<i32>} : memref<32x128xf32, #tpu.memory_space<vmem>>, vector<1x16xf32>,
        %swap3A_1653 = vector.shape_cast %swap3A_1652 : vector<1x16xf32> to vector<16xf32>
        %swap3A_1654 = vector.shape_cast %add3A_1649 : vector<16xf32> to vector<1x16xf32>
        tpu.vector_store %arg24[%swap3A_1650, %swap3A_1651], %swap3A_1654 {strides = array<i32>} : memref<32x128xf32, #tpu.memory_space<vmem>>, vector<1x16xf32>,
        %get3A_1655 = arith.index_cast %add3A_1563 : i32 to index
        %get3A_1656 = arith.constant 112 : index
        %get3A_1657 = tpu.vector_load %arg16[%get3A_1655, %get3A_1656] {strides = array<i32>} : memref<32x128xf32, #tpu.memory_space<vmem>>, vector<1x16xf32>,
        %get3A_1658 = vector.shape_cast %get3A_1657 : vector<1x16xf32> to vector<16xf32>
        %mul3A_1659 = arith.constant 11.3137083 : f32
        %mul3A_1660 = vector.broadcast %mul3A_1659 : f32 to vector<16xf32>
        %mul3A_1661 = arith.mulf %get3A_1658, %mul3A_1660 : vector<16xf32>
        %add3A_1662 = arith.addf %mul3A_1661, %get3A_1498 : vector<16xf32>
        %swap3A_1663 = arith.index_cast %add3A_1563 : i32 to index
        %swap3A_1664 = arith.constant 112 : index
        %swap3A_1665 = tpu.vector_load %arg24[%swap3A_1663, %swap3A_1664] {strides = array<i32>} : memref<32x128xf32, #tpu.memory_space<vmem>>, vector<1x16xf32>,
        %swap3A_1666 = vector.shape_cast %swap3A_1665 : vector<1x16xf32> to vector<16xf32>
        %swap3A_1667 = vector.shape_cast %add3A_1662 : vector<16xf32> to vector<1x16xf32>
        tpu.vector_store %arg24[%swap3A_1663, %swap3A_1664], %swap3A_1667 {strides = array<i32>} : memref<32x128xf32, #tpu.memory_space<vmem>>, vector<1x16xf32>,
      }
      %scan3A_1504 = arith.constant 16 : i32
      %mul3A_1505 = arith.constant 2 : i32
      %mul3A_1506 = arith.muli %add3A_1452, %mul3A_1505 : i32
      %add3A_1507 = arith.constant 1 : i32
      %add3A_1508 = arith.addi %mul3A_1506, %add3A_1507 : i32
      %get3A_1509 = arith.index_cast %add3A_1508 : i32 to index
      %get3A_1510 = arith.constant 0 : index
      %get3A_1511 = tpu.vector_load %arg8[%get3A_1509, %get3A_1510] {strides = array<i32>} : memref<64x128xf32, #tpu.memory_space<vmem>>, vector<1x16xf32>,
      %get3A_1512 = vector.shape_cast %get3A_1511 : vector<1x16xf32> to vector<16xf32>
      %get3A_1513 = arith.index_cast %add3A_1508 : i32 to index
      %get3A_1514 = arith.constant 16 : index
      %get3A_1515 = tpu.vector_load %arg8[%get3A_1513, %get3A_1514] {strides = array<i32>} : memref<64x128xf32, #tpu.memory_space<vmem>>, vector<1x16xf32>,
      %get3A_1516 = vector.shape_cast %get3A_1515 : vector<1x16xf32> to vector<16xf32>
      %get3A_1517 = arith.index_cast %add3A_1508 : i32 to index
      %get3A_1518 = arith.constant 32 : index
      %get3A_1519 = tpu.vector_load %arg8[%get3A_1517, %get3A_1518] {strides = array<i32>} : memref<64x128xf32, #tpu.memory_space<vmem>>, vector<1x16xf32>,
      %get3A_1520 = vector.shape_cast %get3A_1519 : vector<1x16xf32> to vector<16xf32>
      %get3A_1521 = arith.index_cast %add3A_1508 : i32 to index
      %get3A_1522 = arith.constant 48 : index
      %get3A_1523 = tpu.vector_load %arg8[%get3A_1521, %get3A_1522] {strides = array<i32>} : memref<64x128xf32, #tpu.memory_space<vmem>>, vector<1x16xf32>,
      %get3A_1524 = vector.shape_cast %get3A_1523 : vector<1x16xf32> to vector<16xf32>
      %get3A_1525 = arith.index_cast %add3A_1508 : i32 to index
      %get3A_1526 = arith.constant 64 : index
      %get3A_1527 = tpu.vector_load %arg8[%get3A_1525, %get3A_1526] {strides = array<i32>} : memref<64x128xf32, #tpu.memory_space<vmem>>, vector<1x16xf32>,
      %get3A_1528 = vector.shape_cast %get3A_1527 : vector<1x16xf32> to vector<16xf32>
      %get3A_1529 = arith.index_cast %add3A_1508 : i32 to index
      %get3A_1530 = arith.constant 80 : index
      %get3A_1531 = tpu.vector_load %arg8[%get3A_1529, %get3A_1530] {strides = array<i32>} : memref<64x128xf32, #tpu.memory_space<vmem>>, vector<1x16xf32>,
      %get3A_1532 = vector.shape_cast %get3A_1531 : vector<1x16xf32> to vector<16xf32>
      %get3A_1533 = arith.index_cast %add3A_1508 : i32 to index
      %get3A_1534 = arith.constant 96 : index
      %get3A_1535 = tpu.vector_load %arg8[%get3A_1533, %get3A_1534] {strides = array<i32>} : memref<64x128xf32, #tpu.memory_space<vmem>>, vector<1x16xf32>,
      %get3A_1536 = vector.shape_cast %get3A_1535 : vector<1x16xf32> to vector<16xf32>
      %get3A_1537 = arith.index_cast %add3A_1508 : i32 to index
      %get3A_1538 = arith.constant 112 : index
      %get3A_1539 = tpu.vector_load %arg8[%get3A_1537, %get3A_1538] {strides = array<i32>} : memref<64x128xf32, #tpu.memory_space<vmem>>, vector<1x16xf32>,
      %get3A_1540 = vector.shape_cast %get3A_1539 : vector<1x16xf32> to vector<16xf32>
      %scan3A_1541 = arith.constant 0 : i32
      %scan3A_1542 = arith.constant 0 : i32
      %scan3A_1543 = arith.constant 16 : i32
      %scan3A_1544 = arith.addi %scan3A_1542, %scan3A_1543 : i32
      %scan3A_1545 = arith.constant 1 : i32
      scf.for %scan3A_1561 = %scan3A_1542 to %scan3A_1544 step %scan3A_1545  : i32 {
        %add3A_1562 = arith.constant 16 : i32
        %add3A_1563 = arith.addi %add3A_1562, %scan3A_1561 : i32
        %get3A_1564 = arith.index_cast %add3A_1563 : i32 to index
        %get3A_1565 = arith.constant 0 : index
        %get3A_1566 = tpu.vector_load %arg16[%get3A_1564, %get3A_1565] {strides = array<i32>} : memref<32x128xf32, #tpu.memory_space<vmem>>, vector<1x16xf32>,
        %get3A_1567 = vector.shape_cast %get3A_1566 : vector<1x16xf32> to vector<16xf32>
        %mul3A_1568 = arith.constant 11.3137083 : f32
        %mul3A_1569 = vector.broadcast %mul3A_1568 : f32 to vector<16xf32>
        %mul3A_1570 = arith.mulf %get3A_1567, %mul3A_1569 : vector<16xf32>
        %add3A_1571 = arith.addf %mul3A_1570, %get3A_1512 : vector<16xf32>
        %swap3A_1572 = arith.index_cast %add3A_1563 : i32 to index
        %swap3A_1573 = arith.constant 0 : index
        %swap3A_1574 = tpu.vector_load %arg24[%swap3A_1572, %swap3A_1573] {strides = array<i32>} : memref<32x128xf32, #tpu.memory_space<vmem>>, vector<1x16xf32>,
        %swap3A_1575 = vector.shape_cast %swap3A_1574 : vector<1x16xf32> to vector<16xf32>
        %swap3A_1576 = vector.shape_cast %add3A_1571 : vector<16xf32> to vector<1x16xf32>
        tpu.vector_store %arg24[%swap3A_1572, %swap3A_1573], %swap3A_1576 {strides = array<i32>} : memref<32x128xf32, #tpu.memory_space<vmem>>, vector<1x16xf32>,
        %get3A_1577 = arith.index_cast %add3A_1563 : i32 to index
        %get3A_1578 = arith.constant 16 : index
        %get3A_1579 = tpu.vector_load %arg16[%get3A_1577, %get3A_1578] {strides = array<i32>} : memref<32x128xf32, #tpu.memory_space<vmem>>, vector<1x16xf32>,
        %get3A_1580 = vector.shape_cast %get3A_1579 : vector<1x16xf32> to vector<16xf32>
        %mul3A_1581 = arith.constant 11.3137083 : f32
        %mul3A_1582 = vector.broadcast %mul3A_1581 : f32 to vector<16xf32>
        %mul3A_1583 = arith.mulf %get3A_1580, %mul3A_1582 : vector<16xf32>
        %add3A_1584 = arith.addf %mul3A_1583, %get3A_1516 : vector<16xf32>
        %swap3A_1585 = arith.index_cast %add3A_1563 : i32 to index
        %swap3A_1586 = arith.constant 16 : index
        %swap3A_1587 = tpu.vector_load %arg24[%swap3A_1585, %swap3A_1586] {strides = array<i32>} : memref<32x128xf32, #tpu.memory_space<vmem>>, vector<1x16xf32>,
        %swap3A_1588 = vector.shape_cast %swap3A_1587 : vector<1x16xf32> to vector<16xf32>
        %swap3A_1589 = vector.shape_cast %add3A_1584 : vector<16xf32> to vector<1x16xf32>
        tpu.vector_store %arg24[%swap3A_1585, %swap3A_1586], %swap3A_1589 {strides = array<i32>} : memref<32x128xf32, #tpu.memory_space<vmem>>, vector<1x16xf32>,
        %get3A_1590 = arith.index_cast %add3A_1563 : i32 to index
        %get3A_1591 = arith.constant 32 : index
        %get3A_1592 = tpu.vector_load %arg16[%get3A_1590, %get3A_1591] {strides = array<i32>} : memref<32x128xf32, #tpu.memory_space<vmem>>, vector<1x16xf32>,
        %get3A_1593 = vector.shape_cast %get3A_1592 : vector<1x16xf32> to vector<16xf32>
        %mul3A_1594 = arith.constant 11.3137083 : f32
        %mul3A_1595 = vector.broadcast %mul3A_1594 : f32 to vector<16xf32>
        %mul3A_1596 = arith.mulf %get3A_1593, %mul3A_1595 : vector<16xf32>
        %add3A_1597 = arith.addf %mul3A_1596, %get3A_1520 : vector<16xf32>
        %swap3A_1598 = arith.index_cast %add3A_1563 : i32 to index
        %swap3A_1599 = arith.constant 32 : index
        %swap3A_1600 = tpu.vector_load %arg24[%swap3A_1598, %swap3A_1599] {strides = array<i32>} : memref<32x128xf32, #tpu.memory_space<vmem>>, vector<1x16xf32>,
        %swap3A_1601 = vector.shape_cast %swap3A_1600 : vector<1x16xf32> to vector<16xf32>
        %swap3A_1602 = vector.shape_cast %add3A_1597 : vector<16xf32> to vector<1x16xf32>
        tpu.vector_store %arg24[%swap3A_1598, %swap3A_1599], %swap3A_1602 {strides = array<i32>} : memref<32x128xf32, #tpu.memory_space<vmem>>, vector<1x16xf32>,
        %get3A_1603 = arith.index_cast %add3A_1563 : i32 to index
        %get3A_1604 = arith.constant 48 : index
        %get3A_1605 = tpu.vector_load %arg16[%get3A_1603, %get3A_1604] {strides = array<i32>} : memref<32x128xf32, #tpu.memory_space<vmem>>, vector<1x16xf32>,
        %get3A_1606 = vector.shape_cast %get3A_1605 : vector<1x16xf32> to vector<16xf32>
        %mul3A_1607 = arith.constant 11.3137083 : f32
        %mul3A_1608 = vector.broadcast %mul3A_1607 : f32 to vector<16xf32>
        %mul3A_1609 = arith.mulf %get3A_1606, %mul3A_1608 : vector<16xf32>
        %add3A_1610 = arith.addf %mul3A_1609, %get3A_1524 : vector<16xf32>
        %swap3A_1611 = arith.index_cast %add3A_1563 : i32 to index
        %swap3A_1612 = arith.constant 48 : index
        %swap3A_1613 = tpu.vector_load %arg24[%swap3A_1611, %swap3A_1612] {strides = array<i32>} : memref<32x128xf32, #tpu.memory_space<vmem>>, vector<1x16xf32>,
        %swap3A_1614 = vector.shape_cast %swap3A_1613 : vector<1x16xf32> to vector<16xf32>
        %swap3A_1615 = vector.shape_cast %add3A_1610 : vector<16xf32> to vector<1x16xf32>
        tpu.vector_store %arg24[%swap3A_1611, %swap3A_1612], %swap3A_1615 {strides = array<i32>} : memref<32x128xf32, #tpu.memory_space<vmem>>, vector<1x16xf32>,
        %get3A_1616 = arith.index_cast %add3A_1563 : i32 to index
        %get3A_1617 = arith.constant 64 : index
        %get3A_1618 = tpu.vector_load %arg16[%get3A_1616, %get3A_1617] {strides = array<i32>} : memref<32x128xf32, #tpu.memory_space<vmem>>, vector<1x16xf32>,
        %get3A_1619 = vector.shape_cast %get3A_1618 : vector<1x16xf32> to vector<16xf32>
        %mul3A_1620 = arith.constant 11.3137083 : f32
        %mul3A_1621 = vector.broadcast %mul3A_1620 : f32 to vector<16xf32>
        %mul3A_1622 = arith.mulf %get3A_1619, %mul3A_1621 : vector<16xf32>
        %add3A_1623 = arith.addf %mul3A_1622, %get3A_1528 : vector<16xf32>
        %swap3A_1624 = arith.index_cast %add3A_1563 : i32 to index
        %swap3A_1625 = arith.constant 64 : index
        %swap3A_1626 = tpu.vector_load %arg24[%swap3A_1624, %swap3A_1625] {strides = array<i32>} : memref<32x128xf32, #tpu.memory_space<vmem>>, vector<1x16xf32>,
        %swap3A_1627 = vector.shape_cast %swap3A_1626 : vector<1x16xf32> to vector<16xf32>
        %swap3A_1628 = vector.shape_cast %add3A_1623 : vector<16xf32> to vector<1x16xf32>
        tpu.vector_store %arg24[%swap3A_1624, %swap3A_1625], %swap3A_1628 {strides = array<i32>} : memref<32x128xf32, #tpu.memory_space<vmem>>, vector<1x16xf32>,
        %get3A_1629 = arith.index_cast %add3A_1563 : i32 to index
        %get3A_1630 = arith.constant 80 : index
        %get3A_1631 = tpu.vector_load %arg16[%get3A_1629, %get3A_1630] {strides = array<i32>} : memref<32x128xf32, #tpu.memory_space<vmem>>, vector<1x16xf32>,
        %get3A_1632 = vector.shape_cast %get3A_1631 : vector<1x16xf32> to vector<16xf32>
        %mul3A_1633 = arith.constant 11.3137083 : f32
        %mul3A_1634 = vector.broadcast %mul3A_1633 : f32 to vector<16xf32>
        %mul3A_1635 = arith.mulf %get3A_1632, %mul3A_1634 : vector<16xf32>
        %add3A_1636 = arith.addf %mul3A_1635, %get3A_1532 : vector<16xf32>
        %swap3A_1637 = arith.index_cast %add3A_1563 : i32 to index
        %swap3A_1638 = arith.constant 80 : index
        %swap3A_1639 = tpu.vector_load %arg24[%swap3A_1637, %swap3A_1638] {strides = array<i32>} : memref<32x128xf32, #tpu.memory_space<vmem>>, vector<1x16xf32>,
        %swap3A_1640 = vector.shape_cast %swap3A_1639 : vector<1x16xf32> to vector<16xf32>
        %swap3A_1641 = vector.shape_cast %add3A_1636 : vector<16xf32> to vector<1x16xf32>
        tpu.vector_store %arg24[%swap3A_1637, %swap3A_1638], %swap3A_1641 {strides = array<i32>} : memref<32x128xf32, #tpu.memory_space<vmem>>, vector<1x16xf32>,
        %get3A_1642 = arith.index_cast %add3A_1563 : i32 to index
        %get3A_1643 = arith.constant 96 : index
        %get3A_1644 = tpu.vector_load %arg16[%get3A_1642, %get3A_1643] {strides = array<i32>} : memref<32x128xf32, #tpu.memory_space<vmem>>, vector<1x16xf32>,
        %get3A_1645 = vector.shape_cast %get3A_1644 : vector<1x16xf32> to vector<16xf32>
        %mul3A_1646 = arith.constant 11.3137083 : f32
        %mul3A_1647 = vector.broadcast %mul3A_1646 : f32 to vector<16xf32>
        %mul3A_1648 = arith.mulf %get3A_1645, %mul3A_1647 : vector<16xf32>
        %add3A_1649 = arith.addf %mul3A_1648, %get3A_1536 : vector<16xf32>
        %swap3A_1650 = arith.index_cast %add3A_1563 : i32 to index
        %swap3A_1651 = arith.constant 96 : index
        %swap3A_1652 = tpu.vector_load %arg24[%swap3A_1650, %swap3A_1651] {strides = array<i32>} : memref<32x128xf32, #tpu.memory_space<vmem>>, vector<1x16xf32>,
        %swap3A_1653 = vector.shape_cast %swap3A_1652 : vector<1x16xf32> to vector<16xf32>
        %swap3A_1654 = vector.shape_cast %add3A_1649 : vector<16xf32> to vector<1x16xf32>
        tpu.vector_store %arg24[%swap3A_1650, %swap3A_1651], %swap3A_1654 {strides = array<i32>} : memref<32x128xf32, #tpu.memory_space<vmem>>, vector<1x16xf32>,
        %get3A_1655 = arith.index_cast %add3A_1563 : i32 to index
        %get3A_1656 = arith.constant 112 : index
        %get3A_1657 = tpu.vector_load %arg16[%get3A_1655, %get3A_1656] {strides = array<i32>} : memref<32x128xf32, #tpu.memory_space<vmem>>, vector<1x16xf32>,
        %get3A_1658 = vector.shape_cast %get3A_1657 : vector<1x16xf32> to vector<16xf32>
        %mul3A_1659 = arith.constant 11.3137083 : f32
        %mul3A_1660 = vector.broadcast %mul3A_1659 : f32 to vector<16xf32>
        %mul3A_1661 = arith.mulf %get3A_1658, %mul3A_1660 : vector<16xf32>
        %add3A_1662 = arith.addf %mul3A_1661, %get3A_1540 : vector<16xf32>
        %swap3A_1663 = arith.index_cast %add3A_1563 : i32 to index
        %swap3A_1664 = arith.constant 112 : index
        %swap3A_1665 = tpu.vector_load %arg24[%swap3A_1663, %swap3A_1664] {strides = array<i32>} : memref<32x128xf32, #tpu.memory_space<vmem>>, vector<1x16xf32>,
        %swap3A_1666 = vector.shape_cast %swap3A_1665 : vector<1x16xf32> to vector<16xf32>
        %swap3A_1667 = vector.shape_cast %add3A_1662 : vector<16xf32> to vector<1x16xf32>
        tpu.vector_store %arg24[%swap3A_1663, %swap3A_1664], %swap3A_1667 {strides = array<i32>} : memref<32x128xf32, #tpu.memory_space<vmem>>, vector<1x16xf32>,
      }
      %scan3A_1546 = arith.constant 16 : i32
      %lt3A_1547 = arith.constant 3 : i32
      %lt3A_1548 = arith.cmpi slt, %scan3A_668, %lt3A_1547 : i32
      %convert_element_type3A_1549 = arith.extui %lt3A_1548 : i1 to i32
      %cond3A_1550 = arith.constant 0 : i32
      %cond3A_1551 = arith.cmpi ne, %convert_element_type3A_1549, %cond3A_1550 : i32
      scf.if %cond3A_1551 {
        %add3A_1561 = arith.constant 8 : i32
        %add3A_1562 = arith.addi %add3A_1452, %add3A_1561 : i32
        %mul3A_1563 = arith.constant 32 : i32
        %mul3A_1564 = arith.muli %add3A_1562, %mul3A_1563 : i32
        %dma_start3A_1565 = tpu.memref_slice %arg7[%mul3A_1564] : memref<1024xi32, #tpu.memory_space<vmem>> -> memref<32xi32, #tpu.memory_space<vmem>>
        %dma_start3A_1566 = arith.constant 0 : i32
        %dma_start3A_1567 = arith.constant 0 : i32
        %dma_start3A_1568 = tpu.memref_slice %arg4[%dma_start3A_1566, %dma_start3A_1567] : memref<100000x128xf32, #tpu.memory_space<hbm>> -> memref<100000x128xf32, #tpu.memory_space<hbm>>
        tpu.enqueue_indirect_dma source(%dma_start3A_1568 : memref<100000x128xf32, #tpu.memory_space<hbm>>) target(%arg16 : memref<32x128xf32, #tpu.memory_space<vmem>>) offsets(%dma_start3A_1565 : memref<32xi32, #tpu.memory_space<vmem>>) semaphore(%arg32 : memref<!tpu.dma_semaphore, #tpu.memory_space<semaphore_mem>>)
      } else {
      }
      %mul3A_1552 = arith.constant 16 : i32
      %mul3A_1553 = arith.muli %mul3A_2, %mul3A_1552 : i32
      %mul3A_1554 = arith.constant 32 : i32
      %mul3A_1555 = arith.muli %add3A_1452, %mul3A_1554 : i32
      %add3A_1556 = arith.addi %mul3A_1553, %mul3A_1555 : i32
      %dma_start3A_1557 = arith.constant 0 : i32
      %dma_start3A_1558 = tpu.memref_slice %arg5[%add3A_1556, %dma_start3A_1557] : memref<32768x128xf32, #tpu.memory_space<hbm>> -> memref<32x128xf32, #tpu.memory_space<hbm>>
      %dma_start3A_1559 = arith.constant 0 : i32
      %dma_start3A_1560 = tpu.memref_slice %arg5[%add3A_1556, %dma_start3A_1559] : memref<32768x128xf32, #tpu.memory_space<hbm>> -> memref<32x128xf32, #tpu.memory_space<hbm>>
      tpu.enqueue_dma source(%arg24 : memref<32x128xf32, #tpu.memory_space<vmem>>) target(%dma_start3A_1560 : memref<32x128xf32, #tpu.memory_space<hbm>>) target_semaphore(%arg40 : memref<!tpu.dma_semaphore, #tpu.memory_space<semaphore_mem>>)
    }
    %scan3A_620 = arith.constant 4 : i32
    %dma_wait3A = arith.constant 0 : i32
    %dma_wait3A_621 = arith.constant 0 : i32
    %dma_wait3A_622 = tpu.memref_slice %arg5[%dma_wait3A, %dma_wait3A_621] : memref<32768x128xf32, #tpu.memory_space<hbm>> -> memref<32x128xf32, #tpu.memory_space<hbm>>
    %dma_wait3A_623 = arith.constant 0 : i32
    %dma_wait3A_624 = arith.constant 0 : i32
    %dma_wait3A_625 = tpu.memref_slice %arg5[%dma_wait3A_623, %dma_wait3A_624] : memref<32768x128xf32, #tpu.memory_space<hbm>> -> memref<32x128xf32, #tpu.memory_space<hbm>>
    tpu.wait_dma2 semaphore(%arg33 : memref<!tpu.dma_semaphore, #tpu.memory_space<semaphore_mem>>) src(%arg17 : memref<32x128xf32, #tpu.memory_space<vmem>>) dst(%dma_wait3A_625 : memref<32x128xf32, #tpu.memory_space<hbm>>)
    %dma_wait3A_626 = arith.constant 0 : i32
    %dma_wait3A_627 = arith.constant 0 : i32
    %dma_wait3A_628 = tpu.memref_slice %arg5[%dma_wait3A_626, %dma_wait3A_627] : memref<32768x128xf32, #tpu.memory_space<hbm>> -> memref<32x128xf32, #tpu.memory_space<hbm>>
    %dma_wait3A_629 = arith.constant 0 : i32
    %dma_wait3A_630 = arith.constant 0 : i32
    %dma_wait3A_631 = tpu.memref_slice %arg5[%dma_wait3A_629, %dma_wait3A_630] : memref<32768x128xf32, #tpu.memory_space<hbm>> -> memref<32x128xf32, #tpu.memory_space<hbm>>
    tpu.wait_dma2 semaphore(%arg34 : memref<!tpu.dma_semaphore, #tpu.memory_space<semaphore_mem>>) src(%arg18 : memref<32x128xf32, #tpu.memory_space<vmem>>) dst(%dma_wait3A_631 : memref<32x128xf32, #tpu.memory_space<hbm>>)
    %dma_wait3A_632 = arith.constant 0 : i32
    %dma_wait3A_633 = arith.constant 0 : i32
    %dma_wait3A_634 = tpu.memref_slice %arg5[%dma_wait3A_632, %dma_wait3A_633] : memref<32768x128xf32, #tpu.memory_space<hbm>> -> memref<32x128xf32, #tpu.memory_space<hbm>>
    %dma_wait3A_635 = arith.constant 0 : i32
    %dma_wait3A_636 = arith.constant 0 : i32
    %dma_wait3A_637 = tpu.memref_slice %arg5[%dma_wait3A_635, %dma_wait3A_636] : memref<32768x128xf32, #tpu.memory_space<hbm>> -> memref<32x128xf32, #tpu.memory_space<hbm>>
    tpu.wait_dma2 semaphore(%arg35 : memref<!tpu.dma_semaphore, #tpu.memory_space<semaphore_mem>>) src(%arg19 : memref<32x128xf32, #tpu.memory_space<vmem>>) dst(%dma_wait3A_637 : memref<32x128xf32, #tpu.memory_space<hbm>>)
    %dma_wait3A_638 = arith.constant 0 : i32
    %dma_wait3A_639 = arith.constant 0 : i32
    %dma_wait3A_640 = tpu.memref_slice %arg5[%dma_wait3A_638, %dma_wait3A_639] : memref<32768x128xf32, #tpu.memory_space<hbm>> -> memref<32x128xf32, #tpu.memory_space<hbm>>
    %dma_wait3A_641 = arith.constant 0 : i32
    %dma_wait3A_642 = arith.constant 0 : i32
    %dma_wait3A_643 = tpu.memref_slice %arg5[%dma_wait3A_641, %dma_wait3A_642] : memref<32768x128xf32, #tpu.memory_space<hbm>> -> memref<32x128xf32, #tpu.memory_space<hbm>>
    tpu.wait_dma2 semaphore(%arg36 : memref<!tpu.dma_semaphore, #tpu.memory_space<semaphore_mem>>) src(%arg20 : memref<32x128xf32, #tpu.memory_space<vmem>>) dst(%dma_wait3A_643 : memref<32x128xf32, #tpu.memory_space<hbm>>)
    %dma_wait3A_644 = arith.constant 0 : i32
    %dma_wait3A_645 = arith.constant 0 : i32
    %dma_wait3A_646 = tpu.memref_slice %arg5[%dma_wait3A_644, %dma_wait3A_645] : memref<32768x128xf32, #tpu.memory_space<hbm>> -> memref<32x128xf32, #tpu.memory_space<hbm>>
    %dma_wait3A_647 = arith.constant 0 : i32
    %dma_wait3A_648 = arith.constant 0 : i32
    %dma_wait3A_649 = tpu.memref_slice %arg5[%dma_wait3A_647, %dma_wait3A_648] : memref<32768x128xf32, #tpu.memory_space<hbm>> -> memref<32x128xf32, #tpu.memory_space<hbm>>
    tpu.wait_dma2 semaphore(%arg37 : memref<!tpu.dma_semaphore, #tpu.memory_space<semaphore_mem>>) src(%arg21 : memref<32x128xf32, #tpu.memory_space<vmem>>) dst(%dma_wait3A_649 : memref<32x128xf32, #tpu.memory_space<hbm>>)
    %dma_wait3A_650 = arith.constant 0 : i32
    %dma_wait3A_651 = arith.constant 0 : i32
    %dma_wait3A_652 = tpu.memref_slice %arg5[%dma_wait3A_650, %dma_wait3A_651] : memref<32768x128xf32, #tpu.memory_space<hbm>> -> memref<32x128xf32, #tpu.memory_space<hbm>>
    %dma_wait3A_653 = arith.constant 0 : i32
    %dma_wait3A_654 = arith.constant 0 : i32
    %dma_wait3A_655 = tpu.memref_slice %arg5[%dma_wait3A_653, %dma_wait3A_654] : memref<32768x128xf32, #tpu.memory_space<hbm>> -> memref<32x128xf32, #tpu.memory_space<hbm>>
    tpu.wait_dma2 semaphore(%arg38 : memref<!tpu.dma_semaphore, #tpu.memory_space<semaphore_mem>>) src(%arg22 : memref<32x128xf32, #tpu.memory_space<vmem>>) dst(%dma_wait3A_655 : memref<32x128xf32, #tpu.memory_space<hbm>>)
    %dma_wait3A_656 = arith.constant 0 : i32
    %dma_wait3A_657 = arith.constant 0 : i32
    %dma_wait3A_658 = tpu.memref_slice %arg5[%dma_wait3A_656, %dma_wait3A_657] : memref<32768x128xf32, #tpu.memory_space<hbm>> -> memref<32x128xf32, #tpu.memory_space<hbm>>
    %dma_wait3A_659 = arith.constant 0 : i32
    %dma_wait3A_660 = arith.constant 0 : i32
    %dma_wait3A_661 = tpu.memref_slice %arg5[%dma_wait3A_659, %dma_wait3A_660] : memref<32768x128xf32, #tpu.memory_space<hbm>> -> memref<32x128xf32, #tpu.memory_space<hbm>>
    tpu.wait_dma2 semaphore(%arg39 : memref<!tpu.dma_semaphore, #tpu.memory_space<semaphore_mem>>) src(%arg23 : memref<32x128xf32, #tpu.memory_space<vmem>>) dst(%dma_wait3A_661 : memref<32x128xf32, #tpu.memory_space<hbm>>)
    %dma_wait3A_662 = arith.constant 0 : i32
    %dma_wait3A_663 = arith.constant 0 : i32
    %dma_wait3A_664 = tpu.memref_slice %arg5[%dma_wait3A_662, %dma_wait3A_663] : memref<32768x128xf32, #tpu.memory_space<hbm>> -> memref<32x128xf32, #tpu.memory_space<hbm>>
    %dma_wait3A_665 = arith.constant 0 : i32
    %dma_wait3A_666 = arith.constant 0 : i32
    %dma_wait3A_667 = tpu.memref_slice %arg5[%dma_wait3A_665, %dma_wait3A_666] : memref<32768x128xf32, #tpu.memory_space<hbm>> -> memref<32x128xf32, #tpu.memory_space<hbm>>
    tpu.wait_dma2 semaphore(%arg40 : memref<!tpu.dma_semaphore, #tpu.memory_space<semaphore_mem>>) src(%arg24 : memref<32x128xf32, #tpu.memory_space<vmem>>) dst(%dma_wait3A_667 : memref<32x128xf32, #tpu.memory_space<hbm>>)
    return
  }
}

</mosaic_0001>

<sc_bundles>
// kernel: kernel.3.cloned.1.call-start
scs
__scs_entry_jumppad:
0x0: {  	(pc) =	sbr.rel $0x88, $3  }
0x1: {  	(tag) =	ssettag $0x0;
	lr =	simm.s32 $0x1  }
0x2: {  	[smem:$0x3F9F] =	sst lr;
	_ =	strace $0xD0000000  }
0x3: {  	_ = 	snop  }
0x4: {  	_ = 	snop  }
0x5: {  	_ = 	snop  }
0x6: {  	_ = 	snop  }
0x7: {  	_ = 	snop  }
__scs_overlays_trampoline_lowered:
0x8: {  	[smem:$0x3FAE] =	sst s0  }
0x9: {  	[smem:$0x3FAF] =	sst s1  }
0xa: {  	[smem:$0x3FB0] =	sst s2  }
0xb: {  	[smem:$0x3FB1] =	sst s3  }
0xc: {  	[smem:$0x3FB2] =	sst s4  }
0xd: {  	[smem:$0x3FB3] =	sst s5  }
0xe: {  	[smem:$0x3FB4] =	sst s6  }
0xf: {  	[smem:$0x3FB5] =	sst s7  }
0x10: {  	[smem:$0x3FB6] =	sst s8  }
0x11: {  	[smem:$0x3FB7] =	sst s9;
	s0 =	simm.s32 @!p0 $0x0  }
0x12: {  	s1 =	sld [smem:$0x3F9D];
	s0 =	simm.s32 @p0 $0x1  }
0x13: {  	[smem:$0x3FB8] =	sst s0;
	s0 =	simm.s32 @!p1 $0x0  }
0x14: {  	s2 =	sld [smem:$0x3F9C];
	s0 =	simm.s32 @p1 $0x1  }
0x15: {  	[smem:$0x3FB9] =	sst s0;
	s0 =	simm.s32 @!p2 $0x0  }
0x16: {  	s3 =	sld [smem:$0x3FDB];
	s0 =	simm.s32 @p2 $0x1  }
0x17: {  	s4 =	simm.s32 $0x1BF5;
	[smem:$0x3FBB] =	sst s0  }
0x18: {  	s0 =	sld [smem:$0x3F9E];
	_ =	swait.ge [sflag:s4], $0x0  }
0x19: {  	s7 =	sld [smem:$0x3F9F]  }
0x1a: {  	s8 =	sadd.s32 $0xFFFFE003, lr  }
0x1b: {  	s9 =	sadd.s32 $0xFFFFFEF7, lr;
	s5 =	simm.s32 $0xFFFFFFFF;
	p2 =	slt.u32 s8, $0xFFFFF086  }
0x1c: {  	p1 =	slt.u32 s9, $0xF7A;
	s5 =	simm.s32 @!p2 $0x0  }
0x1d: {  	s5 =	simm.s32 @p1 $0x1;
	p0 =	seq.s32 s7, s2  }
0x1e: {  	s7 =	smul.u32 @!p0 $0xF7A, s2;
	p2 =	seq.s32 @!p0 s5, $0x0  }
0x1f: {  	s9 =	smul.u32 $0xF7A, s1;
	s8 =	simm.s32 @!p0 $0x1BF5;
	p2 =	por !p2, p0  }
0x20: {  	[sflag:s8] =	ssyncset.s32 @!p0 $0xFFFFF086;
	s6 =	sadd.s32 @!p0 s3, s7;
	s7 =	simm.s32 @!p0 $0x108  }
0x21: {  	s3 =	sadd.s32 s3, s9;
	s6 =	sadd.s32 @!p0 $0x88, s6;
	s7 =	simm.s32 @p2 $0x1082  }
0x22: {  	[simem:s7], [sflag:s8] =	dma.local @!p0 [hbm:s6], $0xF7A  }
0x23: {  	s9 =	sor.u32 $0xD0000000, s2;
	s6 =	simm.s32 $0x108;
	_ =	swait.ge @!p0 [sflag:s8], $0x0  }
0x24: {  	s3 =	sadd.s32 $0x88, s3;
	s6 =	simm.s32 @!p1 $0x1082;
	[sflag:s4] =	ssyncset.s32 $0xFFFFF086  }
0x25: {  	[simem:s6], [sflag:s4] =	dma.local [hbm:s3], $0xF7A  }
0x26: {  	[smem:$0x3F9F] =	sst s1;
	(tag) =	ssettag s2;
	_ =	strace s9  }
0x27: {  	s1 =	sld [smem:$0x3FAF]  }
0x28: {  	s2 =	sld [smem:$0x3FB0]  }
0x29: {  	s4 =	sld [smem:$0x3FB2]  }
0x2a: {  	p0 =	seq.s32 s5, $0x0;
	s5 =	sld [smem:$0x3FB3]  }
0x2b: {  	s6 =	sld [smem:$0x3FB4]  }
0x2c: {  	s7 =	sld [smem:$0x3FB5]  }
0x2d: {  	s3 =	simm.s32 $0x108;
	s8 =	sld [smem:$0x3FB6]  }
0x2e: {  	s3 =	simm.s32 @!p0 $0x1082;
	s9 =	sld [smem:$0x3FB7]  }
0x2f: {  	lr =	sadd.s32 s0, s3;
	s0 =	sld [smem:$0x3FAE]  }
0x30: {  	s3 =	sld [smem:$0x3FB1]  }
0x31: {  	[smem:$0x3FBA] =	sst s10  }
0x32: {  	s10 =	sld [smem:$0x3FB8];
	_ =	sdelay $0x3  }
0x33: {  	p0 =	seq.s32 s10, $0x1;
	s10 =	sld [smem:$0x3FBA];
	_ =	sdelay $0x3  }
0x34: {  	[smem:$0x3FBA] =	sst s10  }
0x35: {  	s10 =	sld [smem:$0x3FB9];
	_ =	sdelay $0x3  }
0x36: {  	p1 =	seq.s32 s10, $0x1;
	s10 =	sld [smem:$0x3FBA];
	_ =	sdelay $0x3  }
0x37: {  	[smem:$0x3FBA] =	sst s10  }
0x38: {  	s10 =	sld [smem:$0x3FBB]  }
0x39: {  	_ = 	snop;
	(pc) =	sbr.ind lr, $3  }
0x3a: {  	_ = 	snop  }
0x3b: {  	_ = 	snop  }
0x3c: {  	p2 =	seq.s32 s10, $0x1;
	s10 =	sld [smem:$0x3FBA]  }
0x3d: {  	_ =	shalt  }
0x3e: {  	_ =	shalt  }
0x3f: {  	_ =	shalt  }
0x40: {  	_ =	shalt  }
0x41: {  	_ =	shalt  }
0x42: {  	_ =	shalt  }
0x43: {  	_ =	shalt  }
0x44: {  	_ =	shalt  }
0x45: {  	_ =	shalt  }
0x46: {  	_ =	shalt  }
0x47: {  	_ =	shalt  }
0x48: {  	_ =	shalt  }
0x49: {  	_ =	shalt  }
0x4a: {  	_ =	shalt  }
0x4b: {  	_ =	shalt  }
0x4c: {  	_ =	shalt  }
0x4d: {  	_ =	shalt  }
0x4e: {  	_ =	shalt  }
0x4f: {  	_ =	shalt  }
0x50: {  	_ =	shalt  }
0x51: {  	_ =	shalt  }
0x52: {  	_ =	shalt  }
0x53: {  	_ =	shalt  }
0x54: {  	_ =	shalt  }
0x55: {  	_ =	shalt  }
0x56: {  	_ =	shalt  }
0x57: {  	_ =	shalt  }
0x58: {  	_ =	shalt  }
0x59: {  	_ =	shalt  }
0x5a: {  	_ =	shalt  }
0x5b: {  	_ =	shalt  }
0x5c: {  	_ =	shalt  }
0x5d: {  	_ =	shalt  }
0x5e: {  	_ =	shalt  }
0x5f: {  	_ =	shalt  }
0x60: {  	_ =	shalt  }
0x61: {  	_ =	shalt  }
0x62: {  	_ =	shalt  }
0x63: {  	_ =	shalt  }
0x64: {  	_ =	shalt  }
0x65: {  	_ =	shalt  }
0x66: {  	_ =	shalt  }
0x67: {  	_ =	shalt  }
0x68: {  	_ =	shalt  }
0x69: {  	_ =	shalt  }
0x6a: {  	_ =	shalt  }
0x6b: {  	_ =	shalt  }
0x6c: {  	_ =	shalt  }
0x6d: {  	_ =	shalt  }
0x6e: {  	_ =	shalt  }
0x6f: {  	_ =	shalt  }
0x70: {  	_ =	shalt  }
0x71: {  	_ =	shalt  }
0x72: {  	_ =	shalt  }
0x73: {  	_ =	shalt  }
0x74: {  	_ =	shalt  }
0x75: {  	_ =	shalt  }
0x76: {  	_ =	shalt  }
0x77: {  	_ =	shalt  }
0x78: {  	_ =	shalt  }
0x79: {  	_ =	shalt  }
0x7a: {  	_ =	shalt  }
0x7b: {  	_ =	shalt  }
0x7c: {  	_ =	shalt  }
0x7d: {  	_ =	shalt  }
0x7e: {  	_ =	shalt  }
0x7f: {  	_ =	shalt  }
0x80: {  	_ =	shalt  }
0x81: {  	_ =	shalt  }
0x82: {  	_ =	shalt  }
0x83: {  	_ =	shalt  }
0x84: {  	_ =	shalt  }
0x85: {  	_ =	shalt  }
0x86: {  	_ =	shalt  }
0x87: {  	_ =	shalt  }
.Lfunc_end0:
.L_simem_size_0:
called_computation_lowered:
.L_overlay_start_0:
0x88: {  	s2 =	sld [smem:$0x3FD9]  }
0x89: {  	s3 =	sld [smem:$0x3FFE];
	_ =	sdelay $0x1  }
0x8a: {  	s1 =	srdreg.scid  }
0x8b: {  	s0 =	sand.u32 $0x1, s1  }
0x8c: {  	s17 =	sshll.u32 s0, $0xA;
	s2 =	sadd.s32 s3, s2  }
0x8d: {  	s2 =	sadd.s32 s2, s17  }
0x8e: {  	[smem:$0x3FC6] =	sst s2  }
0x8f: {  	_ = 	snop  }
0x90: {  	s2 =	sld [smem:$0x3FC8]  }
0x91: {  	s18 =	sld [smem:$0x3FD0];
	(tm) =	ssettm $0x1  }
0x92: {  	s4 =	sld [smem:$0x3FFB];
	_ =	sdelay $0x3  }
0x93: {  	_ =	strace s4  }
0x94: {  	s4 =	sld [smem:$0x3FFC];
	_ =	sdelay $0x3  }
0x95: {  	_ =	strace s4  }
0x96: {  	s4 =	sld [smem:$0x3FFD];
	_ =	sdelay $0x3  }
0x97: {  	_ =	strace s4  }
0x98: {  	_ =	strace $0x8FFFFFFF  }
0x99: {  	s19 =	sld [smem:$0x3FDB];
	_ =	sdelay $0x1  }
0x9a: {  	s5 =	simm.s32 $_scs_section_size  }
0x9b: {  	s6 =	simm.s32 $_size__tile_overlayer_lowered;
	s7 =	simm.s32 $_tile_overlayer_lowered  }
0x9c: {  	s22 =	simm.s32 $0x1BFF;
	s21 =	sshll.u32 s7, $0x1;
	s4 =	sadd.s32 s5, s19  }
0x9d: {  	s8 =	simm.s32 $0x0;
	s20 =	sshll.u32 s6, $0x1;
	s6 =	sadd.s32 s21, s4  }
0x9e: {  	[timem:s8], [sflag:s22] =	dma.local [hbm:s6], s20  }
0x9f: {  	_ =	swait.ge [sflag:s22], s20  }
0xa0: {  	s5 =	ssub.s32 $0x0, s20;
	[sflag:s22] =	ssyncset.done $0x0  }
0xa1: {  	[sflag:s22] =	ssyncadd.s32 s5;
	_ =	sdelay $0x1  }
0xa2: {  	s23 =	simm.s32 $0x1B8B  }
0xa3: {  	_ =	swait.ge [sflag:s23], $0x1  }
0xa4: {  	[sflag:s23] =	ssyncset.done $0x0  }
0xa5: {  	s25 =	simm.s32 $0x1B8E;
	s24 =	sld [smem:$0x3FFE];
	[sflag:s23] =	ssyncadd.s32 $0xFFFFFFFF  }
0xa6: {  	s26 =	simm.s32 $execute0_lowered;
	[smem:$0x3FD2] =	sst s25  }
0xa7: {  	s6 =	sshll.u32 s26, $0x1;
	_ =	strace $0x80000046;
	[dreg:$0x1] =	wrdreg $0xFFFFFFFF  }
0xa8: {  	s28 =	simm.s32 $_size_execute0_lowered;
	s4 =	sadd.s32 s4, s6;
	[dreg:$0x0] =	wrdreg $0x0  }
0xa9: {  	s6 =	sshll.u32 s28, $0x1;
	[dreg:$0x2] =	wrdreg s4  }
0xaa: {  	[dreg:$0x3] =	wrdreg s6  }
0xab: {  	[dreg:$0x4] =	wrdreg $0xC0  }
0xac: {  	_ =	task [dreg:s8], $0x5FFFF  }
0xad: {  	[dreg:$0x1] =	wrdreg $0xFFFFFFFF  }
0xae: {  	[dreg:$0x0] =	wrdreg $0x60  }
0xaf: {  	[dreg:$0x2] =	wrdreg s24  }
0xb0: {  	[dreg:$0x3] =	wrdreg s2  }
0xb1: {  	[dreg:$0x4] =	wrdreg s18  }
0xb2: {  	[dreg:$0x5] =	wrdreg $0x9  }
0xb3: {  	_ =	task.clear_ibuf [dreg:s8], $0x6FFFF;
	_ =	strace $0x90000046  }
0xb4: {  	s29 =	simm.s32 $0x9;
	_ =	strace $0x80000048  }
0xb5: {  	_ =	swait.ge [sflag:s29], $0x1  }
0xb6: {  	[sflag:s29] =	ssyncadd.s32 $0xFFFFFFFF  }
0xb7: {  	_ =	strace $0x90000048  }
0xb8: {  	_ =	sfence  }
0xb9: {  	s30 =	sld [smem:$0x0];
	_ =	sdelay $0x2  }
0xba: {  	s31 =	sshll.u32 s1, $0xD;
	s1 =	sshrl.u32 s1, $0x2  }
0xbb: {  	s3 =	sand.u32 $0x4000, s31;
	s1 =	sadd.s32 s1, s30  }
0xbc: {  	s0 =	sor.u32 s3, s0;
	s1 =	sshll.u32 s1, $0x11  }
0xbd: {  	s0 =	sor.u32 s1, s0  }
0xbe: {  	s0 =	sadd.s32 $0x8F2B, s0  }
0xbf: {  	[sflag:s0] =	ssyncadd.remote.s32 $0x1  }
0xc0: {  	_ =	sfence.sel $0xFFFF  }
0xc1: {  	[dreg:$0x0] =	wrdreg $0xFFFFFFFF;
	(pc) =	sbr.abs _section_cstart, $3  }
0xc2: {  	[dreg:$0x1] =	wrdreg $0xFFFFFFFF  }
0xc3: {  	_ =	task.clear_ibuf [dreg:s8], $0x2FFFF;
	_ =	strace $0x9FFFFFFF  }
0xc4: {  	(tm) =	ssettm $0x7FFFFFFF  }
0xc5: {  	_ =	shalt  }
tec
execute0_lowered:
.L_overlay_start_1:
0x0: {  	(tag) =	ssettag $0x1  }
0x1: {  	s0 =	rddreg [dreg:$0x0]  }
0x2: {  	s2 =	rddreg [dreg:$0x1]  }
0x3: {  	s1 =	rddreg [dreg:$0x2];
	s4 =	srdreg.scid  }
0x4: {  	s5 =	stileid.u32;
	s3 =	simm.s32 $0x0;
	s8 =	simm.s32 $0x11  }
0x5: {  	s9 =	simm.s32 $0x20;
	s28 =	simm.s32 $0x1;
	s29 =	simm.s32 $0xC400  }
0x6: {  	s30 =	simm.s32 $0x2;
	s31 =	simm.s32 $0xD400;
	s10 =	simm.s32 $0x4  }
0x7: {  	s11 =	simm.s32 $0xF400;
	s12 =	simm.s32 $0x5;
	s13 =	simm.s32 $0x10400  }
0x8: {  	s14 =	simm.s32 $0x6;
	s4 =	sand.u32 $0x1, s4;
	s5 =	sshll.u32 s5, $0x1  }
0x9: {  	s15 =	simm.s32 $0x11400;
	s16 =	simm.s32 $0x7;
	s5 =	sor.u32 s4, s5  }
0xa: {  	s17 =	simm.s32 $0x12400;
	s18 =	simm.s32 $0x8;
	s6 =	sshll.u32 s5, $0xA  }
0xb: {  	[smem:$0x7FF] =	sst s3;
	s4 =	ssub.s32 $0x2, s4;
	s0 =	sadd.s32 s6, s0  }
0xc: {  	_ =	strace $0x80000047;
	s7 =	sshrl.u32 s4, $0x1;
	s6 =	sadd.s32 $0x400, s0  }
0xd: {  	s4 =	ssub.s32 s4, s7;
	s0 =	sadd.s32 $0x8400, s0;
	[dreg:$0x4] =	wrdreg s6  }
0xe: {  	s5 =	sshll.u32 s5, $0xE;
	s26 =	smax.u32 s4, $0x1;
	[dreg:$0x5] =	wrdreg s0  }
0xf: {  	s19 =	simm.s32 $0x13400;
	s6 =	sadd.s32 s1, s5;
	[dreg:$0x6] =	wrdreg s26  }
0x10: {  	s0 =	simm.s32 $0x3;
	s1 =	simm.s32 $0xE400;
	s5 =	simm.s32 $0x0  }
.LBB2_1:
0x11: {  	s4 =	rddreg [dreg:$0x4]  }
0x12: {  	[tilespmem:s3], [sflag:$0x11] =	stream.linear.gather [hbm4b:s4+s3], $0x2000, $0x38;
	[tilespmem:$0x14400] =	vst v63  }
0x13: {  	_ =	swait.ge [sflag:s8], $0x2000  }
0x14: {  	[sflag:s8] =	ssyncset.done $0x0  }
0x15: {  	[sflag:s8] =	ssyncadd.s32 $0xFFFFE000  }
0x16: {  	v0 =	vld [tilespmem:$0x0]  }
0x17: {  	v1 =	vld [tilespmem:$0x80]  }
0x18: {  	v2 =	vld [tilespmem:$0x100]  }
0x19: {  	v3 =	vld [tilespmem:$0x180]  }
0x1a: {  	v4 =	vld [tilespmem:$0x200]  }
0x1b: {  	v61 =	vld [tilespmem:$0x280];
	[tilespmem:$0x2000] =	vst v0  }
0x1c: {  	v62 =	vld [tilespmem:$0x300];
	[tilespmem:$0x2010] =	vst v1  }
0x1d: {  	v63 =	vld [tilespmem:$0x380];
	[tilespmem:$0x2020] =	vst v2  }
0x1e: {  	v8 =	vld [tilespmem:$0x400];
	[tilespmem:$0x2030] =	vst v3  }
0x1f: {  	v9 =	vld [tilespmem:$0x480];
	[tilespmem:$0x2040] =	vst v4  }
0x20: {  	v10 =	vld [tilespmem:$0x500];
	[tilespmem:$0x2050] =	vst v61  }
0x21: {  	v11 =	vld [tilespmem:$0x580];
	[tilespmem:$0x2060] =	vst v62  }
0x22: {  	v12 =	vld [tilespmem:$0x600];
	[tilespmem:$0x2070] =	vst v63  }
0x23: {  	v13 =	vld [tilespmem:$0x680];
	[tilespmem:$0x2080] =	vst v8  }
0x24: {  	v14 =	vld [tilespmem:$0x700];
	[tilespmem:$0x2090] =	vst v9  }
0x25: {  	v15 =	vld [tilespmem:$0x780];
	[tilespmem:$0x20A0] =	vst v10  }
0x26: {  	v16 =	vld [tilespmem:$0x800];
	[tilespmem:$0x20B0] =	vst v11  }
0x27: {  	v17 =	vld [tilespmem:$0x880];
	[tilespmem:$0x20C0] =	vst v12  }
0x28: {  	v18 =	vld [tilespmem:$0x900];
	[tilespmem:$0x20D0] =	vst v13  }
0x29: {  	v19 =	vld [tilespmem:$0x980];
	[tilespmem:$0x20E0] =	vst v14  }
0x2a: {  	v20 =	vld [tilespmem:$0xA00];
	[tilespmem:$0x20F0] =	vst v15  }
0x2b: {  	v21 =	vld [tilespmem:$0xA80];
	[tilespmem:$0x2100] =	vst v16  }
0x2c: {  	v22 =	vld [tilespmem:$0xB00];
	[tilespmem:$0x2110] =	vst v17  }
0x2d: {  	v23 =	vld [tilespmem:$0xB80];
	[tilespmem:$0x2120] =	vst v18  }
0x2e: {  	v24 =	vld [tilespmem:$0xC00];
	[tilespmem:$0x2130] =	vst v19  }
0x2f: {  	v25 =	vld [tilespmem:$0xC80];
	[tilespmem:$0x2140] =	vst v20  }
0x30: {  	v26 =	vld [tilespmem:$0xD00];
	[tilespmem:$0x2150] =	vst v21  }
0x31: {  	v27 =	vld [tilespmem:$0xD80];
	[tilespmem:$0x2160] =	vst v22  }
0x32: {  	v28 =	vld [tilespmem:$0xE00];
	[tilespmem:$0x2170] =	vst v23  }
0x33: {  	v29 =	vld [tilespmem:$0xE80];
	[tilespmem:$0x2180] =	vst v24  }
0x34: {  	v30 =	vld [tilespmem:$0xF00];
	[tilespmem:$0x2190] =	vst v25  }
0x35: {  	v31 =	vld [tilespmem:$0xF80];
	[tilespmem:$0x21A0] =	vst v26  }
0x36: {  	v32 =	vld [tilespmem:$0x1000];
	[tilespmem:$0x21B0] =	vst v27  }
0x37: {  	v33 =	vld [tilespmem:$0x1080];
	[tilespmem:$0x21C0] =	vst v28  }
0x38: {  	v34 =	vld [tilespmem:$0x1100];
	[tilespmem:$0x21D0] =	vst v29  }
0x39: {  	v35 =	vld [tilespmem:$0x1180];
	[tilespmem:$0x21E0] =	vst v30  }
0x3a: {  	v36 =	vld [tilespmem:$0x1200];
	[tilespmem:$0x21F0] =	vst v31  }
0x3b: {  	v37 =	vld [tilespmem:$0x1280];
	[tilespmem:$0x2200] =	vst v32  }
0x3c: {  	v38 =	vld [tilespmem:$0x1300];
	[tilespmem:$0x2210] =	vst v33  }
0x3d: {  	v39 =	vld [tilespmem:$0x1380];
	[tilespmem:$0x2220] =	vst v34  }
0x3e: {  	v40 =	vld [tilespmem:$0x1400];
	[tilespmem:$0x2230] =	vst v35  }
0x3f: {  	v41 =	vld [tilespmem:$0x1480];
	[tilespmem:$0x2240] =	vst v36  }
0x40: {  	v42 =	vld [tilespmem:$0x1500];
	[tilespmem:$0x2250] =	vst v37  }
0x41: {  	v43 =	vld [tilespmem:$0x1580];
	[tilespmem:$0x2260] =	vst v38  }
0x42: {  	v44 =	vld [tilespmem:$0x1600];
	[tilespmem:$0x2270] =	vst v39  }
0x43: {  	v45 =	vld [tilespmem:$0x1680];
	[tilespmem:$0x2280] =	vst v40  }
0x44: {  	v46 =	vld [tilespmem:$0x1700];
	[tilespmem:$0x2290] =	vst v41  }
0x45: {  	v47 =	vld [tilespmem:$0x1780];
	[tilespmem:$0x22A0] =	vst v42  }
0x46: {  	v48 =	vld [tilespmem:$0x1800];
	[tilespmem:$0x22B0] =	vst v43  }
0x47: {  	v49 =	vld [tilespmem:$0x1880];
	[tilespmem:$0x22C0] =	vst v44  }
0x48: {  	v50 =	vld [tilespmem:$0x1900];
	[tilespmem:$0x22D0] =	vst v45  }
0x49: {  	v51 =	vld [tilespmem:$0x1980];
	[tilespmem:$0x22E0] =	vst v46  }
0x4a: {  	v52 =	vld [tilespmem:$0x1A00];
	[tilespmem:$0x22F0] =	vst v47  }
0x4b: {  	v53 =	vld [tilespmem:$0x1A80];
	[tilespmem:$0x2300] =	vst v48  }
0x4c: {  	v54 =	vld [tilespmem:$0x1B00];
	[tilespmem:$0x2310] =	vst v49  }
0x4d: {  	v55 =	vld [tilespmem:$0x1B80];
	[tilespmem:$0x2320] =	vst v50  }
0x4e: {  	v56 =	vld [tilespmem:$0x1C00];
	[tilespmem:$0x2330] =	vst v51  }
0x4f: {  	v57 =	vld [tilespmem:$0x1C80];
	[tilespmem:$0x2340] =	vst v52  }
0x50: {  	v58 =	vld [tilespmem:$0x1D00];
	[tilespmem:$0x2350] =	vst v53  }
0x51: {  	v59 =	vld [tilespmem:$0x1D80];
	[tilespmem:$0x2360] =	vst v54  }
0x52: {  	v60 =	vld [tilespmem:$0x1E00];
	[tilespmem:$0x2370] =	vst v55  }
0x53: {  	[tilespmem:$0x2380] =	vst v56;
	v61 =	vld [tilespmem:$0x1E80]  }
0x54: {  	[tilespmem:$0x2390] =	vst v57;
	v62 =	vld [tilespmem:$0x1F00]  }
0x55: {  	[tilespmem:$0x23A0] =	vst v58;
	v63 =	vld [tilespmem:$0x1F80]  }
0x56: {  	[tilespmem:$0x23B0] =	vst v59  }
0x57: {  	[tilespmem:$0x23C0] =	vst v60  }
0x58: {  	[tilespmem:$0x23D0] =	vst v61  }
0x59: {  	[tilespmem:$0x23E0] =	vst v62  }
0x5a: {  	s26 =	simm.s32 $0x2000;
	s7 =	simm.s32 $0x4400;
	[tilespmem:$0x23F0] =	vst v63  }
0x5b: {  	[tilespmem:s7], [sflag:$0x1] =	stream.indirect.gather [hbm4b:s2+s9], $0x80, s26, s9, $0xb8;
	[tilespmem:$0x14400] =	vst v63  }
0x5c: {  	s20 =	simm.s32 $0x5400;
	s7 =	simm.s32 $0x2020  }
0x5d: {  	[tilespmem:s20], [sflag:$0x2] =	stream.indirect.gather [hbm4b:s2+s9], $0x80, s7, s9, $0xb8;
	[tilespmem:$0x14400] =	vst v63  }
0x5e: {  	s21 =	simm.s32 $0x2040;
	s22 =	simm.s32 $0x6400  }
0x5f: {  	[tilespmem:s22], [sflag:$0x3] =	stream.indirect.gather [hbm4b:s2+s9], $0x80, s21, s9, $0xb8;
	[tilespmem:$0x14400] =	vst v63  }
0x60: {  	s23 =	simm.s32 $0x2060;
	s24 =	simm.s32 $0x7400  }
0x61: {  	[tilespmem:s24], [sflag:$0x4] =	stream.indirect.gather [hbm4b:s2+s9], $0x80, s23, s9, $0xb8;
	[tilespmem:$0x14400] =	vst v63  }
0x62: {  	s25 =	simm.s32 $0x2080;
	s26 =	simm.s32 $0x8400  }
0x63: {  	[tilespmem:s26], [sflag:$0x5] =	stream.indirect.gather [hbm4b:s2+s9], $0x80, s25, s9, $0xb8;
	[tilespmem:$0x14400] =	vst v63  }
0x64: {  	s7 =	simm.s32 $0x20A0;
	s20 =	simm.s32 $0x9400  }
0x65: {  	[tilespmem:s20], [sflag:$0x6] =	stream.indirect.gather [hbm4b:s2+s9], $0x80, s7, s9, $0xb8;
	[tilespmem:$0x14400] =	vst v63  }
0x66: {  	s21 =	simm.s32 $0x20C0;
	s22 =	simm.s32 $0xA400  }
0x67: {  	[tilespmem:s22], [sflag:$0x7] =	stream.indirect.gather [hbm4b:s2+s9], $0x80, s21, s9, $0xb8;
	[tilespmem:$0x14400] =	vst v63  }
0x68: {  	s23 =	simm.s32 $0x20E0;
	s24 =	simm.s32 $0xB400  }
0x69: {  	[tilespmem:s24], [sflag:$0x8] =	stream.indirect.gather [hbm4b:s2+s9], $0x80, s23, s9, $0xb8;
	[tilespmem:$0x14400] =	vst v63  }
0x6a: {  	s25 =	rddreg [dreg:$0x5];
	s26 =	simm.s32 $0x2400  }
0x6b: {  	[tilespmem:s26], [sflag:$0x11] =	stream.linear.gather [hbm4b:s25+s3], $0x2000, $0x38;
	[tilespmem:$0x14400] =	vst v63  }
0x6c: {  	_ =	swait.ge [sflag:s8], $0x2000  }
0x6d: {  	[sflag:s8] =	ssyncset.done $0x0  }
0x6e: {  	s7 =	simm.s32 $0x0;
	[sflag:s8] =	ssyncadd.s32 $0xFFFFE000  }
.LBB2_2:
0x6f: {  	_ =	swait.ge [sflag:s28], $0x1000  }
0x70: {  	p0 =	seq.s32 s7, $0x0;
	[sflag:s28] =	ssyncset.done $0x0  }
0x71: {  	s4 =	simm.s32 @!p0 $0x9;
	[sflag:s28] =	ssyncadd.s32 $0xFFFFF000  }
0x72: {  	_ =	swait.ge @!p0 [sflag:s4], $0x1000  }
0x73: {  	s20 =	sshll.u32 s7, $0xB;
	[sflag:s4] =	ssyncset.done @!p0 $0x0  }
0x74: {  	s20 =	sand.u32 $0x3FFFF800, s20;
	[sflag:s4] =	ssyncadd.s32 @!p0 $0xFFFFF000  }
0x75: {  	v6 =	vld [tilespmem:s20+$0x2400]  }
0x76: {  	v5 =	vld [tilespmem:s20+$0x2410]  }
0x77: {  	v4 =	vld [tilespmem:s20+$0x2420]  }
0x78: {  	v3 =	vld [tilespmem:s20+$0x2430]  }
0x79: {  	v2 =	vld [tilespmem:s20+$0x2440]  }
0x7a: {  	v1 =	vld [tilespmem:s20+$0x2450]  }
0x7b: {  	v0 =	vld [tilespmem:s20+$0x2460]  }
0x7c: {  	s23 =	simm.s32 $0x0;
	v7 =	vld [tilespmem:s20+$0x2470]  }
0x7d: {  	v8 =	vld [tilespmem:s23+$0x4470]  }
0x7e: {  	v9 =	vld [tilespmem:s23+$0x4400]  }
0x7f: {  	v10 =	vld [tilespmem:s23+$0x4410]  }
0x80: {  	v11 =	vld [tilespmem:s23+$0x4420]  }
0x81: {  	v12 =	vld [tilespmem:s23+$0x4430]  }
0x82: {  	v13 =	vld [tilespmem:s23+$0x4440];
	v8 =	vmul.f32 $1.131370830e+01, v8  }
0x83: {  	v14 =	vld [tilespmem:s23+$0x4450];
	v9 =	vmul.f32 $1.131370830e+01, v9  }
0x84: {  	s22 =	simm.s32 $0x80;
	v15 =	vld [tilespmem:s23+$0x4460];
	v10 =	vmul.f32 $1.131370830e+01, v10;
	v8 =	vadd.f32 v8, v7  }
0x85: {  	v16 =	vld [tilespmem:s22+$0x4470];
	v9 =	vadd.f32 v9, v6  }
0x86: {  	v17 =	vld [tilespmem:s22+$0x4400];
	v10 =	vadd.f32 v10, v5;
	[tilespmem:s23+$0xC470] =	vst v8;
	v8 =	vmul.f32 $1.131370830e+01, v11  }
0x87: {  	v12 =	vmul.f32 $1.131370830e+01, v12;
	v18 =	vld [tilespmem:s22+$0x4410];
	[tilespmem:s23+$0xC400] =	vst v9  }
0x88: {  	v11 =	vld [tilespmem:s22+$0x4420];
	v8 =	vadd.f32 v8, v4;
	[tilespmem:s23+$0xC410] =	vst v10;
	v10 =	vmul.f32 $1.131370830e+01, v13  }
0x89: {  	v12 =	vadd.f32 v12, v3;
	v13 =	vmul.f32 $1.131370830e+01, v14  }
0x8a: {  	v15 =	vmul.f32 $1.131370830e+01, v15;
	v9 =	vld [tilespmem:s22+$0x4430];
	[tilespmem:s23+$0xC420] =	vst v8;
	v14 =	vadd.f32 v10, v2  }
0x8b: {  	v16 =	vmul.f32 $1.131370830e+01, v16;
	v19 =	vadd.f32 v13, v1;
	v8 =	vld [tilespmem:s22+$0x4440];
	[tilespmem:s23+$0xC430] =	vst v12  }
0x8c: {  	v15 =	vadd.f32 v15, v0;
	v13 =	vmul.f32 $1.131370830e+01, v17;
	v10 =	vld [tilespmem:s22+$0x4450];
	[tilespmem:s23+$0xC440] =	vst v14  }
0x8d: {  	s21 =	sshll.u32 s7, $0x3;
	s24 =	simm.s32 $0x100;
	s25 =	simm.s32 $0x600;
	v16 =	vadd.f32 v16, v7;
	v14 =	vmul.f32 $1.131370830e+01, v18;
	v12 =	vld [tilespmem:s22+$0x4460];
	[tilespmem:s23+$0xC450] =	vst v19  }
.LBB2_3:
0x8e: {  	p1 =	sne.s32 s25, $0x1E00;
	v17 =	vld [tilespmem:s24+$0x4470];
	v13 =	vadd.f32 v13, v6;
	v11 =	vmul.f32 $1.131370830e+01, v11;
	[tilespmem:s23+$0xC460] =	vst v15;
	s23 =	smov.u32 s22;
	s22 =	smov.u32 s24  }
0x8f: {  	v15 =	vld [tilespmem:s22+$0x4400];
	v14 =	vadd.f32 v14, v5;
	v9 =	vmul.f32 $1.131370830e+01, v9;
	[tilespmem:s23+$0xC470] =	vst v16  }
0x90: {  	v16 =	vld [tilespmem:s22+$0x4410];
	[tilespmem:s23+$0xC400] =	vst v13;
	v13 =	vadd.f32 v11, v4;
	v8 =	vmul.f32 $1.131370830e+01, v8  }
.Ltmp0:
0x91: {  	v11 =	vld [tilespmem:s22+$0x4420];
	[tilespmem:s23+$0xC410] =	vst v14;
	v14 =	vadd.f32 v9, v3;
	v10 =	vmul.f32 $1.131370830e+01, v10;
	(pc) =	sbr.rel @p1 .LBB2_3-.Ltmp0, $4  }
0x92: {  	v9 =	vld [tilespmem:s22+$0x4430];
	[tilespmem:s23+$0xC420] =	vst v13;
	v18 =	vadd.f32 v8, v2;
	v12 =	vmul.f32 $1.131370830e+01, v12  }
0x93: {  	v8 =	vld [tilespmem:s22+$0x4440];
	v17 =	vmul.f32 $1.131370830e+01, v17;
	[tilespmem:s23+$0xC430] =	vst v14;
	v19 =	vadd.f32 v10, v1  }
0x94: {  	v13 =	vmul.f32 $1.131370830e+01, v15;
	v10 =	vld [tilespmem:s22+$0x4450];
	[tilespmem:s23+$0xC440] =	vst v18;
	v15 =	vadd.f32 v12, v0  }
0x95: {  	s24 =	sshra.s32 s25, $0x2;
	s25 =	sadd.s32 $0x200, s25;
	v14 =	vmul.f32 $1.131370830e+01, v16;
	v12 =	vld [tilespmem:s22+$0x4460];
	v16 =	vadd.f32 v17, v7;
	[tilespmem:s23+$0xC450] =	vst v19  }
0x96: {  	v17 =	vld [tilespmem:s24+$0x4470];
	[tilespmem:s23+$0xC460] =	vst v15;
	v13 =	vadd.f32 v13, v6;
	v11 =	vmul.f32 $1.131370830e+01, v11  }
0x97: {  	v15 =	vld [tilespmem:s24+$0x4400];
	[tilespmem:s22+$0xC470] =	vst v16;
	v14 =	vadd.f32 v14, v5;
	v9 =	vmul.f32 $1.131370830e+01, v9  }
0x98: {  	v16 =	vld [tilespmem:s24+$0x4410];
	[tilespmem:s22+$0xC400] =	vst v13;
	v11 =	vadd.f32 v11, v4  }
0x99: {  	v8 =	vmul.f32 $1.131370830e+01, v8;
	v13 =	vld [tilespmem:s24+$0x4420];
	[tilespmem:s22+$0xC410] =	vst v14;
	v9 =	vadd.f32 v9, v3  }
0x9a: {  	v10 =	vmul.f32 $1.131370830e+01, v10;
	v14 =	vld [tilespmem:s24+$0x4430];
	[tilespmem:s22+$0xC420] =	vst v11  }
0x9b: {  	v8 =	vadd.f32 v8, v2;
	v11 =	vld [tilespmem:s24+$0x4440];
	[tilespmem:s22+$0xC430] =	vst v9;
	v9 =	vmul.f32 $1.131370830e+01, v12  }
0x9c: {  	v17 =	vmul.f32 $1.131370830e+01, v17;
	v10 =	vadd.f32 v10, v1  }
0x9d: {  	v12 =	vld [tilespmem:s24+$0x4450];
	[tilespmem:s22+$0xC440] =	vst v8;
	v8 =	vmul.f32 $1.131370830e+01, v15;
	v9 =	vadd.f32 v9, v0  }
0x9e: {  	v15 =	vld [tilespmem:s24+$0x4460];
	v16 =	vmul.f32 $1.131370830e+01, v16;
	v7 =	vadd.f32 v17, v7;
	[tilespmem:s22+$0xC450] =	vst v10  }
0x9f: {  	v6 =	vadd.f32 v8, v6;
	v8 =	vmul.f32 $1.131370830e+01, v13;
	[tilespmem:s22+$0xC460] =	vst v9  }
0xa0: {  	v5 =	vadd.f32 v16, v5;
	v9 =	vmul.f32 $1.131370830e+01, v14;
	[tilespmem:s24+$0xC470] =	vst v7  }
0xa1: {  	[tilespmem:s24+$0xC400] =	vst v6;
	v4 =	vadd.f32 v8, v4;
	v6 =	vmul.f32 $1.131370830e+01, v11  }
0xa2: {  	[tilespmem:s24+$0xC410] =	vst v5;
	v3 =	vadd.f32 v9, v3;
	v5 =	vmul.f32 $1.131370830e+01, v12  }
0xa3: {  	[tilespmem:s24+$0xC420] =	vst v4;
	v2 =	vadd.f32 v6, v2;
	v4 =	vmul.f32 $1.131370830e+01, v15  }
0xa4: {  	[tilespmem:s24+$0xC430] =	vst v3;
	v1 =	vadd.f32 v5, v1  }
0xa5: {  	[tilespmem:s24+$0xC440] =	vst v2;
	v0 =	vadd.f32 v4, v0  }
0xa6: {  	[tilespmem:s24+$0xC450] =	vst v1  }
0xa7: {  	[tilespmem:s24+$0xC460] =	vst v0  }
0xa8: {  	v6 =	vld [tilespmem:s20+$0x2480]  }
0xa9: {  	v5 =	vld [tilespmem:s20+$0x2490]  }
0xaa: {  	v4 =	vld [tilespmem:s20+$0x24A0]  }
0xab: {  	v3 =	vld [tilespmem:s20+$0x24B0]  }
0xac: {  	v2 =	vld [tilespmem:s20+$0x24C0]  }
0xad: {  	v1 =	vld [tilespmem:s20+$0x24D0]  }
0xae: {  	v0 =	vld [tilespmem:s20+$0x24E0]  }
0xaf: {  	s22 =	simm.s32 $0x0;
	v7 =	vld [tilespmem:s20+$0x24F0]  }
0xb0: {  	v8 =	vld [tilespmem:s22+$0x4C70]  }
0xb1: {  	v9 =	vld [tilespmem:s22+$0x4C00]  }
0xb2: {  	v10 =	vld [tilespmem:s22+$0x4C10]  }
0xb3: {  	v11 =	vld [tilespmem:s22+$0x4C20]  }
0xb4: {  	v12 =	vld [tilespmem:s22+$0x4C30]  }
0xb5: {  	v13 =	vld [tilespmem:s22+$0x4C40];
	v8 =	vmul.f32 $1.131370830e+01, v8  }
0xb6: {  	v14 =	vld [tilespmem:s22+$0x4C50];
	v9 =	vmul.f32 $1.131370830e+01, v9  }
0xb7: {  	s20 =	simm.s32 $0x80;
	v15 =	vld [tilespmem:s22+$0x4C60];
	v10 =	vmul.f32 $1.131370830e+01, v10;
	v8 =	vadd.f32 v8, v7  }
0xb8: {  	v16 =	vld [tilespmem:s20+$0x4C70];
	v9 =	vadd.f32 v9, v6  }
0xb9: {  	v17 =	vld [tilespmem:s20+$0x4C00];
	v10 =	vadd.f32 v10, v5;
	[tilespmem:s22+$0xCC70] =	vst v8;
	v8 =	vmul.f32 $1.131370830e+01, v11  }
0xba: {  	v12 =	vmul.f32 $1.131370830e+01, v12;
	v18 =	vld [tilespmem:s20+$0x4C10];
	[tilespmem:s22+$0xCC00] =	vst v9  }
0xbb: {  	v11 =	vld [tilespmem:s20+$0x4C20];
	v8 =	vadd.f32 v8, v4;
	[tilespmem:s22+$0xCC10] =	vst v10;
	v10 =	vmul.f32 $1.131370830e+01, v13  }
0xbc: {  	v12 =	vadd.f32 v12, v3;
	v13 =	vmul.f32 $1.131370830e+01, v14  }
0xbd: {  	v15 =	vmul.f32 $1.131370830e+01, v15;
	v9 =	vld [tilespmem:s20+$0x4C30];
	[tilespmem:s22+$0xCC20] =	vst v8;
	v14 =	vadd.f32 v10, v2  }
0xbe: {  	v16 =	vmul.f32 $1.131370830e+01, v16;
	v19 =	vadd.f32 v13, v1;
	v8 =	vld [tilespmem:s20+$0x4C40];
	[tilespmem:s22+$0xCC30] =	vst v12  }
0xbf: {  	v15 =	vadd.f32 v15, v0;
	v13 =	vmul.f32 $1.131370830e+01, v17;
	v10 =	vld [tilespmem:s20+$0x4C50];
	[tilespmem:s22+$0xCC40] =	vst v14  }
0xc0: {  	s23 =	simm.s32 $0x100;
	s24 =	simm.s32 $0x600;
	v16 =	vadd.f32 v16, v7;
	v14 =	vmul.f32 $1.131370830e+01, v18;
	v12 =	vld [tilespmem:s20+$0x4C60];
	[tilespmem:s22+$0xCC50] =	vst v19  }
.LBB2_5:
0xc1: {  	p1 =	sne.s32 s24, $0x1E00;
	v17 =	vld [tilespmem:s23+$0x4C70];
	v13 =	vadd.f32 v13, v6;
	v11 =	vmul.f32 $1.131370830e+01, v11;
	[tilespmem:s22+$0xCC60] =	vst v15;
	s22 =	smov.u32 s20;
	s20 =	smov.u32 s23  }
0xc2: {  	v15 =	vld [tilespmem:s20+$0x4C00];
	v14 =	vadd.f32 v14, v5;
	v9 =	vmul.f32 $1.131370830e+01, v9;
	[tilespmem:s22+$0xCC70] =	vst v16  }
0xc3: {  	v16 =	vld [tilespmem:s20+$0x4C10];
	[tilespmem:s22+$0xCC00] =	vst v13;
	v13 =	vadd.f32 v11, v4;
	v8 =	vmul.f32 $1.131370830e+01, v8  }
.Ltmp1:
0xc4: {  	v11 =	vld [tilespmem:s20+$0x4C20];
	[tilespmem:s22+$0xCC10] =	vst v14;
	v14 =	vadd.f32 v9, v3;
	v10 =	vmul.f32 $1.131370830e+01, v10;
	(pc) =	sbr.rel @p1 .LBB2_5-.Ltmp1, $4  }
0xc5: {  	v9 =	vld [tilespmem:s20+$0x4C30];
	[tilespmem:s22+$0xCC20] =	vst v13;
	v18 =	vadd.f32 v8, v2;
	v12 =	vmul.f32 $1.131370830e+01, v12  }
0xc6: {  	v8 =	vld [tilespmem:s20+$0x4C40];
	v17 =	vmul.f32 $1.131370830e+01, v17;
	[tilespmem:s22+$0xCC30] =	vst v14;
	v19 =	vadd.f32 v10, v1  }
0xc7: {  	v13 =	vmul.f32 $1.131370830e+01, v15;
	v10 =	vld [tilespmem:s20+$0x4C50];
	[tilespmem:s22+$0xCC40] =	vst v18;
	v15 =	vadd.f32 v12, v0  }
0xc8: {  	s23 =	sshra.s32 s24, $0x2;
	s24 =	sadd.s32 $0x200, s24;
	v14 =	vmul.f32 $1.131370830e+01, v16;
	v12 =	vld [tilespmem:s20+$0x4C60];
	v16 =	vadd.f32 v17, v7;
	[tilespmem:s22+$0xCC50] =	vst v19  }
0xc9: {  	v17 =	vld [tilespmem:s23+$0x4C70];
	[tilespmem:s22+$0xCC60] =	vst v15;
	v13 =	vadd.f32 v13, v6;
	v11 =	vmul.f32 $1.131370830e+01, v11  }
0xca: {  	v15 =	vld [tilespmem:s23+$0x4C00];
	[tilespmem:s20+$0xCC70] =	vst v16;
	v14 =	vadd.f32 v14, v5;
	v9 =	vmul.f32 $1.131370830e+01, v9  }
0xcb: {  	v16 =	vld [tilespmem:s23+$0x4C10];
	[tilespmem:s20+$0xCC00] =	vst v13;
	v11 =	vadd.f32 v11, v4  }
0xcc: {  	v8 =	vmul.f32 $1.131370830e+01, v8;
	v13 =	vld [tilespmem:s23+$0x4C20];
	[tilespmem:s20+$0xCC10] =	vst v14;
	v9 =	vadd.f32 v9, v3  }
0xcd: {  	v10 =	vmul.f32 $1.131370830e+01, v10;
	v14 =	vld [tilespmem:s23+$0x4C30];
	[tilespmem:s20+$0xCC20] =	vst v11  }
0xce: {  	v8 =	vadd.f32 v8, v2;
	v11 =	vld [tilespmem:s23+$0x4C40];
	[tilespmem:s20+$0xCC30] =	vst v9;
	v9 =	vmul.f32 $1.131370830e+01, v12  }
0xcf: {  	v17 =	vmul.f32 $1.131370830e+01, v17;
	v10 =	vadd.f32 v10, v1  }
0xd0: {  	v12 =	vld [tilespmem:s23+$0x4C50];
	[tilespmem:s20+$0xCC40] =	vst v8;
	v8 =	vmul.f32 $1.131370830e+01, v15;
	v9 =	vadd.f32 v9, v0  }
0xd1: {  	v15 =	vld [tilespmem:s23+$0x4C60];
	v16 =	vmul.f32 $1.131370830e+01, v16;
	v7 =	vadd.f32 v17, v7;
	[tilespmem:s20+$0xCC50] =	vst v10  }
0xd2: {  	v6 =	vadd.f32 v8, v6;
	v8 =	vmul.f32 $1.131370830e+01, v13;
	[tilespmem:s20+$0xCC60] =	vst v9  }
0xd3: {  	v5 =	vadd.f32 v16, v5;
	v9 =	vmul.f32 $1.131370830e+01, v14;
	[tilespmem:s23+$0xCC70] =	vst v7  }
0xd4: {  	[tilespmem:s23+$0xCC00] =	vst v6;
	v4 =	vadd.f32 v8, v4;
	v6 =	vmul.f32 $1.131370830e+01, v11  }
0xd5: {  	[tilespmem:s23+$0xCC10] =	vst v5;
	v3 =	vadd.f32 v9, v3;
	v5 =	vmul.f32 $1.131370830e+01, v12  }
0xd6: {  	[tilespmem:s23+$0xCC20] =	vst v4;
	v2 =	vadd.f32 v6, v2;
	v4 =	vmul.f32 $1.131370830e+01, v15  }
0xd7: {  	p1 =	seq.s32 s7, $0x3;
	[tilespmem:s23+$0xCC30] =	vst v3;
	v1 =	vadd.f32 v5, v1  }
0xd8: {  	s4 =	sshll.u32 @!p1 s7, $0x8;
	[tilespmem:s23+$0xCC40] =	vst v2;
	v0 =	vadd.f32 v4, v0  }
0xd9: {  	s25 =	sshll.u32 s7, $0xC;
	s20 =	sand.u32 @!p1 $0x3FFFFF00, s4;
	[tilespmem:s23+$0xCC50] =	vst v1  }
0xda: {  	s22 =	simm.s32 @!p1 $0x20;
	s4 =	sadd.s32 @!p1 $0x2100, s20;
	[tilespmem:s23+$0xCC60] =	vst v0;
	s23 =	simm.s32 @!p1 $0x4400  }
0xdb: {  	[tilespmem:s23], [sflag:$0x1] =	stream.indirect.gather @!p1 [hbm4b:s2+s22], $0x80, s4, s22, $0xb8;
	[tilespmem:$0x14400] =	vst v63  }
0xdc: {  	s4 =	sadd.s32 s25, s6  }
0xdd: {  	[hbm4b:s4+s3] =	stream.linear.scatter [tilespmem:s29], [sflag:$0x9], $0x1000, $0x38;
	[tilespmem:$0x14400] =	vst v63  }
0xde: {  	_ =	swait.ge [sflag:s30], $0x1000  }
0xdf: {  	[sflag:s30] =	ssyncset.done $0x0  }
0xe0: {  	s4 =	simm.s32 @!p0 $0xA;
	[sflag:s30] =	ssyncadd.s32 $0xFFFFF000  }
0xe1: {  	s22 =	sor.u32 $0x1, s21;
	_ =	swait.ge @!p0 [sflag:s4], $0x1000  }
0xe2: {  	s26 =	sshll.u32 s22, $0x8;
	[sflag:s4] =	ssyncset.done @!p0 $0x0  }
0xe3: {  	s23 =	sand.u32 $0x3FFFFF00, s26;
	[sflag:s4] =	ssyncadd.s32 @!p0 $0xFFFFF000  }
0xe4: {  	v6 =	vld [tilespmem:s23+$0x2400]  }
0xe5: {  	v5 =	vld [tilespmem:s23+$0x2410]  }
0xe6: {  	v4 =	vld [tilespmem:s23+$0x2420]  }
0xe7: {  	v3 =	vld [tilespmem:s23+$0x2430]  }
0xe8: {  	v2 =	vld [tilespmem:s23+$0x2440]  }
0xe9: {  	v1 =	vld [tilespmem:s23+$0x2450]  }
0xea: {  	v0 =	vld [tilespmem:s23+$0x2460]  }
0xeb: {  	s25 =	simm.s32 $0x0;
	v7 =	vld [tilespmem:s23+$0x2470]  }
0xec: {  	v8 =	vld [tilespmem:s25+$0x5470]  }
0xed: {  	v9 =	vld [tilespmem:s25+$0x5400]  }
0xee: {  	v10 =	vld [tilespmem:s25+$0x5410]  }
0xef: {  	v11 =	vld [tilespmem:s25+$0x5420]  }
0xf0: {  	v12 =	vld [tilespmem:s25+$0x5430]  }
0xf1: {  	v13 =	vld [tilespmem:s25+$0x5440];
	v8 =	vmul.f32 $1.131370830e+01, v8  }
0xf2: {  	v14 =	vld [tilespmem:s25+$0x5450];
	v9 =	vmul.f32 $1.131370830e+01, v9  }
0xf3: {  	s24 =	simm.s32 $0x80;
	v15 =	vld [tilespmem:s25+$0x5460];
	v10 =	vmul.f32 $1.131370830e+01, v10;
	v8 =	vadd.f32 v8, v7  }
0xf4: {  	v16 =	vld [tilespmem:s24+$0x5470];
	v9 =	vadd.f32 v9, v6  }
0xf5: {  	v17 =	vld [tilespmem:s24+$0x5400];
	v10 =	vadd.f32 v10, v5;
	[tilespmem:s25+$0xD470] =	vst v8;
	v8 =	vmul.f32 $1.131370830e+01, v11  }
0xf6: {  	v12 =	vmul.f32 $1.131370830e+01, v12;
	v18 =	vld [tilespmem:s24+$0x5410];
	[tilespmem:s25+$0xD400] =	vst v9  }
0xf7: {  	v11 =	vld [tilespmem:s24+$0x5420];
	v8 =	vadd.f32 v8, v4;
	[tilespmem:s25+$0xD410] =	vst v10;
	v10 =	vmul.f32 $1.131370830e+01, v13  }
0xf8: {  	v12 =	vadd.f32 v12, v3;
	v13 =	vmul.f32 $1.131370830e+01, v14  }
0xf9: {  	v15 =	vmul.f32 $1.131370830e+01, v15;
	v9 =	vld [tilespmem:s24+$0x5430];
	[tilespmem:s25+$0xD420] =	vst v8;
	v14 =	vadd.f32 v10, v2  }
0xfa: {  	v16 =	vmul.f32 $1.131370830e+01, v16;
	v19 =	vadd.f32 v13, v1;
	v8 =	vld [tilespmem:s24+$0x5440];
	[tilespmem:s25+$0xD430] =	vst v12  }
0xfb: {  	v15 =	vadd.f32 v15, v0;
	v13 =	vmul.f32 $1.131370830e+01, v17;
	v10 =	vld [tilespmem:s24+$0x5450];
	[tilespmem:s25+$0xD440] =	vst v14  }
0xfc: {  	s26 =	simm.s32 $0x100;
	s4 =	simm.s32 $0x600;
	v16 =	vadd.f32 v16, v7;
	v14 =	vmul.f32 $1.131370830e+01, v18;
	v12 =	vld [tilespmem:s24+$0x5460];
	[tilespmem:s25+$0xD450] =	vst v19  }
.LBB2_7:
0xfd: {  	p2 =	sne.s32 s4, $0x1E00;
	v17 =	vld [tilespmem:s26+$0x5470];
	v13 =	vadd.f32 v13, v6;
	v11 =	vmul.f32 $1.131370830e+01, v11;
	[tilespmem:s25+$0xD460] =	vst v15;
	s25 =	smov.u32 s24;
	s24 =	smov.u32 s26  }
0xfe: {  	v15 =	vld [tilespmem:s24+$0x5400];
	v14 =	vadd.f32 v14, v5;
	v9 =	vmul.f32 $1.131370830e+01, v9;
	[tilespmem:s25+$0xD470] =	vst v16  }
0xff: {  	v16 =	vld [tilespmem:s24+$0x5410];
	[tilespmem:s25+$0xD400] =	vst v13;
	v13 =	vadd.f32 v11, v4;
	v8 =	vmul.f32 $1.131370830e+01, v8  }
.Ltmp2:
0x100: {  	v11 =	vld [tilespmem:s24+$0x5420];
	[tilespmem:s25+$0xD410] =	vst v14;
	v14 =	vadd.f32 v9, v3;
	v10 =	vmul.f32 $1.131370830e+01, v10;
	(pc) =	sbr.rel @p2 .LBB2_7-.Ltmp2, $4  }
0x101: {  	v9 =	vld [tilespmem:s24+$0x5430];
	[tilespmem:s25+$0xD420] =	vst v13;
	v18 =	vadd.f32 v8, v2;
	v12 =	vmul.f32 $1.131370830e+01, v12  }
0x102: {  	v8 =	vld [tilespmem:s24+$0x5440];
	v17 =	vmul.f32 $1.131370830e+01, v17;
	[tilespmem:s25+$0xD430] =	vst v14;
	v19 =	vadd.f32 v10, v1  }
0x103: {  	v13 =	vmul.f32 $1.131370830e+01, v15;
	v10 =	vld [tilespmem:s24+$0x5450];
	[tilespmem:s25+$0xD440] =	vst v18;
	v15 =	vadd.f32 v12, v0  }
0x104: {  	s26 =	sshra.s32 s4, $0x2;
	s4 =	sadd.s32 $0x200, s4;
	v14 =	vmul.f32 $1.131370830e+01, v16;
	v12 =	vld [tilespmem:s24+$0x5460];
	v16 =	vadd.f32 v17, v7;
	[tilespmem:s25+$0xD450] =	vst v19  }
0x105: {  	v17 =	vld [tilespmem:s26+$0x5470];
	[tilespmem:s25+$0xD460] =	vst v15;
	v13 =	vadd.f32 v13, v6;
	v11 =	vmul.f32 $1.131370830e+01, v11  }
0x106: {  	v15 =	vld [tilespmem:s26+$0x5400];
	[tilespmem:s24+$0xD470] =	vst v16;
	v14 =	vadd.f32 v14, v5;
	v9 =	vmul.f32 $1.131370830e+01, v9  }
0x107: {  	v16 =	vld [tilespmem:s26+$0x5410];
	[tilespmem:s24+$0xD400] =	vst v13;
	v11 =	vadd.f32 v11, v4  }
0x108: {  	v8 =	vmul.f32 $1.131370830e+01, v8;
	v13 =	vld [tilespmem:s26+$0x5420];
	[tilespmem:s24+$0xD410] =	vst v14;
	v9 =	vadd.f32 v9, v3  }
0x109: {  	v10 =	vmul.f32 $1.131370830e+01, v10;
	v14 =	vld [tilespmem:s26+$0x5430];
	[tilespmem:s24+$0xD420] =	vst v11  }
0x10a: {  	v8 =	vadd.f32 v8, v2;
	v11 =	vld [tilespmem:s26+$0x5440];
	[tilespmem:s24+$0xD430] =	vst v9;
	v9 =	vmul.f32 $1.131370830e+01, v12  }
0x10b: {  	v17 =	vmul.f32 $1.131370830e+01, v17;
	v10 =	vadd.f32 v10, v1  }
0x10c: {  	v12 =	vld [tilespmem:s26+$0x5450];
	[tilespmem:s24+$0xD440] =	vst v8;
	v8 =	vmul.f32 $1.131370830e+01, v15;
	v9 =	vadd.f32 v9, v0  }
0x10d: {  	v15 =	vld [tilespmem:s26+$0x5460];
	v16 =	vmul.f32 $1.131370830e+01, v16;
	v7 =	vadd.f32 v17, v7;
	[tilespmem:s24+$0xD450] =	vst v10  }
0x10e: {  	v6 =	vadd.f32 v8, v6;
	v8 =	vmul.f32 $1.131370830e+01, v13;
	[tilespmem:s24+$0xD460] =	vst v9  }
0x10f: {  	v5 =	vadd.f32 v16, v5;
	v9 =	vmul.f32 $1.131370830e+01, v14;
	[tilespmem:s26+$0xD470] =	vst v7  }
0x110: {  	[tilespmem:s26+$0xD400] =	vst v6;
	v4 =	vadd.f32 v8, v4;
	v6 =	vmul.f32 $1.131370830e+01, v11  }
0x111: {  	[tilespmem:s26+$0xD410] =	vst v5;
	v3 =	vadd.f32 v9, v3;
	v5 =	vmul.f32 $1.131370830e+01, v12  }
0x112: {  	[tilespmem:s26+$0xD420] =	vst v4;
	v2 =	vadd.f32 v6, v2;
	v4 =	vmul.f32 $1.131370830e+01, v15  }
0x113: {  	[tilespmem:s26+$0xD430] =	vst v3;
	v1 =	vadd.f32 v5, v1  }
0x114: {  	[tilespmem:s26+$0xD440] =	vst v2;
	v0 =	vadd.f32 v4, v0  }
0x115: {  	[tilespmem:s26+$0xD450] =	vst v1  }
0x116: {  	[tilespmem:s26+$0xD460] =	vst v0  }
0x117: {  	v6 =	vld [tilespmem:s23+$0x2480]  }
0x118: {  	v5 =	vld [tilespmem:s23+$0x2490]  }
0x119: {  	v4 =	vld [tilespmem:s23+$0x24A0]  }
0x11a: {  	v3 =	vld [tilespmem:s23+$0x24B0]  }
0x11b: {  	v2 =	vld [tilespmem:s23+$0x24C0]  }
0x11c: {  	v1 =	vld [tilespmem:s23+$0x24D0]  }
0x11d: {  	v0 =	vld [tilespmem:s23+$0x24E0]  }
0x11e: {  	s24 =	simm.s32 $0x0;
	v7 =	vld [tilespmem:s23+$0x24F0]  }
0x11f: {  	v8 =	vld [tilespmem:s24+$0x5C70]  }
0x120: {  	v9 =	vld [tilespmem:s24+$0x5C00]  }
0x121: {  	v10 =	vld [tilespmem:s24+$0x5C10]  }
0x122: {  	v11 =	vld [tilespmem:s24+$0x5C20]  }
0x123: {  	v12 =	vld [tilespmem:s24+$0x5C30]  }
0x124: {  	v13 =	vld [tilespmem:s24+$0x5C40];
	v8 =	vmul.f32 $1.131370830e+01, v8  }
0x125: {  	v14 =	vld [tilespmem:s24+$0x5C50];
	v9 =	vmul.f32 $1.131370830e+01, v9  }
0x126: {  	s23 =	simm.s32 $0x80;
	v15 =	vld [tilespmem:s24+$0x5C60];
	v10 =	vmul.f32 $1.131370830e+01, v10;
	v8 =	vadd.f32 v8, v7  }
0x127: {  	v16 =	vld [tilespmem:s23+$0x5C70];
	v9 =	vadd.f32 v9, v6  }
0x128: {  	v17 =	vld [tilespmem:s23+$0x5C00];
	v10 =	vadd.f32 v10, v5;
	[tilespmem:s24+$0xDC70] =	vst v8;
	v8 =	vmul.f32 $1.131370830e+01, v11  }
0x129: {  	v12 =	vmul.f32 $1.131370830e+01, v12;
	v18 =	vld [tilespmem:s23+$0x5C10];
	[tilespmem:s24+$0xDC00] =	vst v9  }
0x12a: {  	v11 =	vld [tilespmem:s23+$0x5C20];
	v8 =	vadd.f32 v8, v4;
	[tilespmem:s24+$0xDC10] =	vst v10;
	v10 =	vmul.f32 $1.131370830e+01, v13  }
0x12b: {  	v12 =	vadd.f32 v12, v3;
	v13 =	vmul.f32 $1.131370830e+01, v14  }
0x12c: {  	v15 =	vmul.f32 $1.131370830e+01, v15;
	v9 =	vld [tilespmem:s23+$0x5C30];
	[tilespmem:s24+$0xDC20] =	vst v8;
	v14 =	vadd.f32 v10, v2  }
0x12d: {  	v16 =	vmul.f32 $1.131370830e+01, v16;
	v19 =	vadd.f32 v13, v1;
	v8 =	vld [tilespmem:s23+$0x5C40];
	[tilespmem:s24+$0xDC30] =	vst v12  }
0x12e: {  	v15 =	vadd.f32 v15, v0;
	v13 =	vmul.f32 $1.131370830e+01, v17;
	v10 =	vld [tilespmem:s23+$0x5C50];
	[tilespmem:s24+$0xDC40] =	vst v14  }
0x12f: {  	s25 =	simm.s32 $0x100;
	s4 =	simm.s32 $0x600;
	v16 =	vadd.f32 v16, v7;
	v14 =	vmul.f32 $1.131370830e+01, v18;
	v12 =	vld [tilespmem:s23+$0x5C60];
	[tilespmem:s24+$0xDC50] =	vst v19  }
.LBB2_9:
0x130: {  	p2 =	sne.s32 s4, $0x1E00;
	v17 =	vld [tilespmem:s25+$0x5C70];
	v13 =	vadd.f32 v13, v6;
	v11 =	vmul.f32 $1.131370830e+01, v11;
	[tilespmem:s24+$0xDC60] =	vst v15;
	s24 =	smov.u32 s23;
	s23 =	smov.u32 s25  }
0x131: {  	v15 =	vld [tilespmem:s23+$0x5C00];
	v14 =	vadd.f32 v14, v5;
	v9 =	vmul.f32 $1.131370830e+01, v9;
	[tilespmem:s24+$0xDC70] =	vst v16  }
0x132: {  	v16 =	vld [tilespmem:s23+$0x5C10];
	[tilespmem:s24+$0xDC00] =	vst v13;
	v13 =	vadd.f32 v11, v4;
	v8 =	vmul.f32 $1.131370830e+01, v8  }
.Ltmp3:
0x133: {  	v11 =	vld [tilespmem:s23+$0x5C20];
	[tilespmem:s24+$0xDC10] =	vst v14;
	v14 =	vadd.f32 v9, v3;
	v10 =	vmul.f32 $1.131370830e+01, v10;
	(pc) =	sbr.rel @p2 .LBB2_9-.Ltmp3, $4  }
0x134: {  	v9 =	vld [tilespmem:s23+$0x5C30];
	[tilespmem:s24+$0xDC20] =	vst v13;
	v18 =	vadd.f32 v8, v2;
	v12 =	vmul.f32 $1.131370830e+01, v12  }
0x135: {  	v8 =	vld [tilespmem:s23+$0x5C40];
	v17 =	vmul.f32 $1.131370830e+01, v17;
	[tilespmem:s24+$0xDC30] =	vst v14;
	v19 =	vadd.f32 v10, v1  }
0x136: {  	v13 =	vmul.f32 $1.131370830e+01, v15;
	v10 =	vld [tilespmem:s23+$0x5C50];
	[tilespmem:s24+$0xDC40] =	vst v18;
	v15 =	vadd.f32 v12, v0  }
0x137: {  	s25 =	sshra.s32 s4, $0x2;
	s4 =	sadd.s32 $0x200, s4;
	v14 =	vmul.f32 $1.131370830e+01, v16;
	v12 =	vld [tilespmem:s23+$0x5C60];
	v16 =	vadd.f32 v17, v7;
	[tilespmem:s24+$0xDC50] =	vst v19  }
0x138: {  	v17 =	vld [tilespmem:s25+$0x5C70];
	[tilespmem:s24+$0xDC60] =	vst v15;
	v13 =	vadd.f32 v13, v6;
	v11 =	vmul.f32 $1.131370830e+01, v11  }
0x139: {  	v15 =	vld [tilespmem:s25+$0x5C00];
	[tilespmem:s23+$0xDC70] =	vst v16;
	v14 =	vadd.f32 v14, v5;
	v9 =	vmul.f32 $1.131370830e+01, v9  }
0x13a: {  	v16 =	vld [tilespmem:s25+$0x5C10];
	[tilespmem:s23+$0xDC00] =	vst v13;
	v11 =	vadd.f32 v11, v4  }
0x13b: {  	v8 =	vmul.f32 $1.131370830e+01, v8;
	v13 =	vld [tilespmem:s25+$0x5C20];
	[tilespmem:s23+$0xDC10] =	vst v14;
	v9 =	vadd.f32 v9, v3  }
0x13c: {  	v10 =	vmul.f32 $1.131370830e+01, v10;
	v14 =	vld [tilespmem:s25+$0x5C30];
	[tilespmem:s23+$0xDC20] =	vst v11  }
0x13d: {  	v8 =	vadd.f32 v8, v2;
	v11 =	vld [tilespmem:s25+$0x5C40];
	[tilespmem:s23+$0xDC30] =	vst v9;
	v9 =	vmul.f32 $1.131370830e+01, v12  }
0x13e: {  	v17 =	vmul.f32 $1.131370830e+01, v17;
	v10 =	vadd.f32 v10, v1  }
0x13f: {  	v12 =	vld [tilespmem:s25+$0x5C50];
	[tilespmem:s23+$0xDC40] =	vst v8;
	v8 =	vmul.f32 $1.131370830e+01, v15;
	v9 =	vadd.f32 v9, v0  }
0x140: {  	v15 =	vld [tilespmem:s25+$0x5C60];
	v16 =	vmul.f32 $1.131370830e+01, v16;
	v7 =	vadd.f32 v17, v7;
	[tilespmem:s23+$0xDC50] =	vst v10  }
0x141: {  	v6 =	vadd.f32 v8, v6;
	v8 =	vmul.f32 $1.131370830e+01, v13;
	[tilespmem:s23+$0xDC60] =	vst v9  }
0x142: {  	v5 =	vadd.f32 v16, v5;
	v9 =	vmul.f32 $1.131370830e+01, v14;
	[tilespmem:s25+$0xDC70] =	vst v7  }
0x143: {  	[tilespmem:s25+$0xDC00] =	vst v6;
	v4 =	vadd.f32 v8, v4;
	v6 =	vmul.f32 $1.131370830e+01, v11  }
0x144: {  	[tilespmem:s25+$0xDC10] =	vst v5;
	v3 =	vadd.f32 v9, v3;
	v5 =	vmul.f32 $1.131370830e+01, v12  }
0x145: {  	[tilespmem:s25+$0xDC20] =	vst v4;
	v2 =	vadd.f32 v6, v2;
	v4 =	vmul.f32 $1.131370830e+01, v15  }
0x146: {  	[tilespmem:s25+$0xDC30] =	vst v3;
	v1 =	vadd.f32 v5, v1  }
0x147: {  	[tilespmem:s25+$0xDC40] =	vst v2;
	v0 =	vadd.f32 v4, v0  }
0x148: {  	s4 =	sadd.s32 @!p1 $0x2120, s20;
	[tilespmem:s25+$0xDC50] =	vst v1  }
0x149: {  	s24 =	simm.s32 @!p1 $0x5400;
	s23 =	simm.s32 @!p1 $0x20;
	[tilespmem:s25+$0xDC60] =	vst v0;
	s25 =	sshll.u32 s22, $0x9  }
0x14a: {  	[tilespmem:s24], [sflag:$0x2] =	stream.indirect.gather @!p1 [hbm4b:s2+s23], $0x80, s4, s23, $0xb8;
	[tilespmem:$0x14400] =	vst v63  }
0x14b: {  	s4 =	sadd.s32 s25, s6  }
0x14c: {  	[hbm4b:s4+s3] =	stream.linear.scatter [tilespmem:s31], [sflag:$0xA], $0x1000, $0x38;
	[tilespmem:$0x14400] =	vst v63  }
0x14d: {  	_ =	swait.ge [sflag:s0], $0x1000  }
0x14e: {  	[sflag:s0] =	ssyncset.done $0x0  }
0x14f: {  	s4 =	simm.s32 @!p0 $0xB;
	[sflag:s0] =	ssyncadd.s32 $0xFFFFF000  }
0x150: {  	s22 =	sor.u32 $0x2, s21;
	_ =	swait.ge @!p0 [sflag:s4], $0x1000  }
0x151: {  	s26 =	sshll.u32 s22, $0x8;
	[sflag:s4] =	ssyncset.done @!p0 $0x0  }
0x152: {  	s23 =	sand.u32 $0x3FFFFF00, s26;
	[sflag:s4] =	ssyncadd.s32 @!p0 $0xFFFFF000  }
0x153: {  	v6 =	vld [tilespmem:s23+$0x2400]  }
0x154: {  	v5 =	vld [tilespmem:s23+$0x2410]  }
0x155: {  	v4 =	vld [tilespmem:s23+$0x2420]  }
0x156: {  	v3 =	vld [tilespmem:s23+$0x2430]  }
0x157: {  	v2 =	vld [tilespmem:s23+$0x2440]  }
0x158: {  	v1 =	vld [tilespmem:s23+$0x2450]  }
0x159: {  	v0 =	vld [tilespmem:s23+$0x2460]  }
0x15a: {  	s25 =	simm.s32 $0x0;
	v7 =	vld [tilespmem:s23+$0x2470]  }
0x15b: {  	v8 =	vld [tilespmem:s25+$0x6470]  }
0x15c: {  	v9 =	vld [tilespmem:s25+$0x6400]  }
0x15d: {  	v10 =	vld [tilespmem:s25+$0x6410]  }
0x15e: {  	v11 =	vld [tilespmem:s25+$0x6420]  }
0x15f: {  	v12 =	vld [tilespmem:s25+$0x6430]  }
0x160: {  	v13 =	vld [tilespmem:s25+$0x6440];
	v8 =	vmul.f32 $1.131370830e+01, v8  }
0x161: {  	v14 =	vld [tilespmem:s25+$0x6450];
	v9 =	vmul.f32 $1.131370830e+01, v9  }
0x162: {  	s24 =	simm.s32 $0x80;
	v15 =	vld [tilespmem:s25+$0x6460];
	v10 =	vmul.f32 $1.131370830e+01, v10;
	v8 =	vadd.f32 v8, v7  }
0x163: {  	v16 =	vld [tilespmem:s24+$0x6470];
	v9 =	vadd.f32 v9, v6  }
0x164: {  	v17 =	vld [tilespmem:s24+$0x6400];
	v10 =	vadd.f32 v10, v5;
	[tilespmem:s25+$0xE470] =	vst v8;
	v8 =	vmul.f32 $1.131370830e+01, v11  }
0x165: {  	v12 =	vmul.f32 $1.131370830e+01, v12;
	v18 =	vld [tilespmem:s24+$0x6410];
	[tilespmem:s25+$0xE400] =	vst v9  }
0x166: {  	v11 =	vld [tilespmem:s24+$0x6420];
	v8 =	vadd.f32 v8, v4;
	[tilespmem:s25+$0xE410] =	vst v10;
	v10 =	vmul.f32 $1.131370830e+01, v13  }
0x167: {  	v12 =	vadd.f32 v12, v3;
	v13 =	vmul.f32 $1.131370830e+01, v14  }
0x168: {  	v15 =	vmul.f32 $1.131370830e+01, v15;
	v9 =	vld [tilespmem:s24+$0x6430];
	[tilespmem:s25+$0xE420] =	vst v8;
	v14 =	vadd.f32 v10, v2  }
0x169: {  	v16 =	vmul.f32 $1.131370830e+01, v16;
	v19 =	vadd.f32 v13, v1;
	v8 =	vld [tilespmem:s24+$0x6440];
	[tilespmem:s25+$0xE430] =	vst v12  }
0x16a: {  	v15 =	vadd.f32 v15, v0;
	v13 =	vmul.f32 $1.131370830e+01, v17;
	v10 =	vld [tilespmem:s24+$0x6450];
	[tilespmem:s25+$0xE440] =	vst v14  }
0x16b: {  	s26 =	simm.s32 $0x100;
	s4 =	simm.s32 $0x600;
	v16 =	vadd.f32 v16, v7;
	v14 =	vmul.f32 $1.131370830e+01, v18;
	v12 =	vld [tilespmem:s24+$0x6460];
	[tilespmem:s25+$0xE450] =	vst v19  }
.LBB2_11:
0x16c: {  	p2 =	sne.s32 s4, $0x1E00;
	v17 =	vld [tilespmem:s26+$0x6470];
	v13 =	vadd.f32 v13, v6;
	v11 =	vmul.f32 $1.131370830e+01, v11;
	[tilespmem:s25+$0xE460] =	vst v15;
	s25 =	smov.u32 s24;
	s24 =	smov.u32 s26  }
0x16d: {  	v15 =	vld [tilespmem:s24+$0x6400];
	v14 =	vadd.f32 v14, v5;
	v9 =	vmul.f32 $1.131370830e+01, v9;
	[tilespmem:s25+$0xE470] =	vst v16  }
0x16e: {  	v16 =	vld [tilespmem:s24+$0x6410];
	[tilespmem:s25+$0xE400] =	vst v13;
	v13 =	vadd.f32 v11, v4;
	v8 =	vmul.f32 $1.131370830e+01, v8  }
.Ltmp4:
0x16f: {  	v11 =	vld [tilespmem:s24+$0x6420];
	[tilespmem:s25+$0xE410] =	vst v14;
	v14 =	vadd.f32 v9, v3;
	v10 =	vmul.f32 $1.131370830e+01, v10;
	(pc) =	sbr.rel @p2 .LBB2_11-.Ltmp4, $4  }
0x170: {  	v9 =	vld [tilespmem:s24+$0x6430];
	[tilespmem:s25+$0xE420] =	vst v13;
	v18 =	vadd.f32 v8, v2;
	v12 =	vmul.f32 $1.131370830e+01, v12  }
0x171: {  	v8 =	vld [tilespmem:s24+$0x6440];
	v17 =	vmul.f32 $1.131370830e+01, v17;
	[tilespmem:s25+$0xE430] =	vst v14;
	v19 =	vadd.f32 v10, v1  }
0x172: {  	v13 =	vmul.f32 $1.131370830e+01, v15;
	v10 =	vld [tilespmem:s24+$0x6450];
	[tilespmem:s25+$0xE440] =	vst v18;
	v15 =	vadd.f32 v12, v0  }
0x173: {  	s26 =	sshra.s32 s4, $0x2;
	s4 =	sadd.s32 $0x200, s4;
	v14 =	vmul.f32 $1.131370830e+01, v16;
	v12 =	vld [tilespmem:s24+$0x6460];
	v16 =	vadd.f32 v17, v7;
	[tilespmem:s25+$0xE450] =	vst v19  }
0x174: {  	v17 =	vld [tilespmem:s26+$0x6470];
	[tilespmem:s25+$0xE460] =	vst v15;
	v13 =	vadd.f32 v13, v6;
	v11 =	vmul.f32 $1.131370830e+01, v11  }
0x175: {  	v15 =	vld [tilespmem:s26+$0x6400];
	[tilespmem:s24+$0xE470] =	vst v16;
	v14 =	vadd.f32 v14, v5;
	v9 =	vmul.f32 $1.131370830e+01, v9  }
0x176: {  	v16 =	vld [tilespmem:s26+$0x6410];
	[tilespmem:s24+$0xE400] =	vst v13;
	v11 =	vadd.f32 v11, v4  }
0x177: {  	v8 =	vmul.f32 $1.131370830e+01, v8;
	v13 =	vld [tilespmem:s26+$0x6420];
	[tilespmem:s24+$0xE410] =	vst v14;
	v9 =	vadd.f32 v9, v3  }
0x178: {  	v10 =	vmul.f32 $1.131370830e+01, v10;
	v14 =	vld [tilespmem:s26+$0x6430];
	[tilespmem:s24+$0xE420] =	vst v11  }
0x179: {  	v8 =	vadd.f32 v8, v2;
	v11 =	vld [tilespmem:s26+$0x6440];
	[tilespmem:s24+$0xE430] =	vst v9;
	v9 =	vmul.f32 $1.131370830e+01, v12  }
0x17a: {  	v17 =	vmul.f32 $1.131370830e+01, v17;
	v10 =	vadd.f32 v10, v1  }
0x17b: {  	v12 =	vld [tilespmem:s26+$0x6450];
	[tilespmem:s24+$0xE440] =	vst v8;
	v8 =	vmul.f32 $1.131370830e+01, v15;
	v9 =	vadd.f32 v9, v0  }
0x17c: {  	v15 =	vld [tilespmem:s26+$0x6460];
	v16 =	vmul.f32 $1.131370830e+01, v16;
	v7 =	vadd.f32 v17, v7;
	[tilespmem:s24+$0xE450] =	vst v10  }
0x17d: {  	v6 =	vadd.f32 v8, v6;
	v8 =	vmul.f32 $1.131370830e+01, v13;
	[tilespmem:s24+$0xE460] =	vst v9  }
0x17e: {  	v5 =	vadd.f32 v16, v5;
	v9 =	vmul.f32 $1.131370830e+01, v14;
	[tilespmem:s26+$0xE470] =	vst v7  }
0x17f: {  	[tilespmem:s26+$0xE400] =	vst v6;
	v4 =	vadd.f32 v8, v4;
	v6 =	vmul.f32 $1.131370830e+01, v11  }
0x180: {  	[tilespmem:s26+$0xE410] =	vst v5;
	v3 =	vadd.f32 v9, v3;
	v5 =	vmul.f32 $1.131370830e+01, v12  }
0x181: {  	[tilespmem:s26+$0xE420] =	vst v4;
	v2 =	vadd.f32 v6, v2;
	v4 =	vmul.f32 $1.131370830e+01, v15  }
0x182: {  	[tilespmem:s26+$0xE430] =	vst v3;
	v1 =	vadd.f32 v5, v1  }
0x183: {  	[tilespmem:s26+$0xE440] =	vst v2;
	v0 =	vadd.f32 v4, v0  }
0x184: {  	[tilespmem:s26+$0xE450] =	vst v1  }
0x185: {  	[tilespmem:s26+$0xE460] =	vst v0  }
0x186: {  	v6 =	vld [tilespmem:s23+$0x2480]  }
0x187: {  	v5 =	vld [tilespmem:s23+$0x2490]  }
0x188: {  	v4 =	vld [tilespmem:s23+$0x24A0]  }
0x189: {  	v3 =	vld [tilespmem:s23+$0x24B0]  }
0x18a: {  	v2 =	vld [tilespmem:s23+$0x24C0]  }
0x18b: {  	v1 =	vld [tilespmem:s23+$0x24D0]  }
0x18c: {  	v0 =	vld [tilespmem:s23+$0x24E0]  }
0x18d: {  	s24 =	simm.s32 $0x0;
	v7 =	vld [tilespmem:s23+$0x24F0]  }
0x18e: {  	v8 =	vld [tilespmem:s24+$0x6C70]  }
0x18f: {  	v9 =	vld [tilespmem:s24+$0x6C00]  }
0x190: {  	v10 =	vld [tilespmem:s24+$0x6C10]  }
0x191: {  	v11 =	vld [tilespmem:s24+$0x6C20]  }
0x192: {  	v12 =	vld [tilespmem:s24+$0x6C30]  }
0x193: {  	v13 =	vld [tilespmem:s24+$0x6C40];
	v8 =	vmul.f32 $1.131370830e+01, v8  }
0x194: {  	v14 =	vld [tilespmem:s24+$0x6C50];
	v9 =	vmul.f32 $1.131370830e+01, v9  }
0x195: {  	s23 =	simm.s32 $0x80;
	v15 =	vld [tilespmem:s24+$0x6C60];
	v10 =	vmul.f32 $1.131370830e+01, v10;
	v8 =	vadd.f32 v8, v7  }
0x196: {  	v16 =	vld [tilespmem:s23+$0x6C70];
	v9 =	vadd.f32 v9, v6  }
0x197: {  	v17 =	vld [tilespmem:s23+$0x6C00];
	v10 =	vadd.f32 v10, v5;
	[tilespmem:s24+$0xEC70] =	vst v8;
	v8 =	vmul.f32 $1.131370830e+01, v11  }
0x198: {  	v12 =	vmul.f32 $1.131370830e+01, v12;
	v18 =	vld [tilespmem:s23+$0x6C10];
	[tilespmem:s24+$0xEC00] =	vst v9  }
0x199: {  	v11 =	vld [tilespmem:s23+$0x6C20];
	v8 =	vadd.f32 v8, v4;
	[tilespmem:s24+$0xEC10] =	vst v10;
	v10 =	vmul.f32 $1.131370830e+01, v13  }
0x19a: {  	v12 =	vadd.f32 v12, v3;
	v13 =	vmul.f32 $1.131370830e+01, v14  }
0x19b: {  	v15 =	vmul.f32 $1.131370830e+01, v15;
	v9 =	vld [tilespmem:s23+$0x6C30];
	[tilespmem:s24+$0xEC20] =	vst v8;
	v14 =	vadd.f32 v10, v2  }
0x19c: {  	v16 =	vmul.f32 $1.131370830e+01, v16;
	v19 =	vadd.f32 v13, v1;
	v8 =	vld [tilespmem:s23+$0x6C40];
	[tilespmem:s24+$0xEC30] =	vst v12  }
0x19d: {  	v15 =	vadd.f32 v15, v0;
	v13 =	vmul.f32 $1.131370830e+01, v17;
	v10 =	vld [tilespmem:s23+$0x6C50];
	[tilespmem:s24+$0xEC40] =	vst v14  }
0x19e: {  	s25 =	simm.s32 $0x100;
	s4 =	simm.s32 $0x600;
	v16 =	vadd.f32 v16, v7;
	v14 =	vmul.f32 $1.131370830e+01, v18;
	v12 =	vld [tilespmem:s23+$0x6C60];
	[tilespmem:s24+$0xEC50] =	vst v19  }
.LBB2_13:
0x19f: {  	p2 =	sne.s32 s4, $0x1E00;
	v17 =	vld [tilespmem:s25+$0x6C70];
	v13 =	vadd.f32 v13, v6;
	v11 =	vmul.f32 $1.131370830e+01, v11;
	[tilespmem:s24+$0xEC60] =	vst v15;
	s24 =	smov.u32 s23;
	s23 =	smov.u32 s25  }
0x1a0: {  	v15 =	vld [tilespmem:s23+$0x6C00];
	v14 =	vadd.f32 v14, v5;
	v9 =	vmul.f32 $1.131370830e+01, v9;
	[tilespmem:s24+$0xEC70] =	vst v16  }
0x1a1: {  	v16 =	vld [tilespmem:s23+$0x6C10];
	[tilespmem:s24+$0xEC00] =	vst v13;
	v13 =	vadd.f32 v11, v4;
	v8 =	vmul.f32 $1.131370830e+01, v8  }
.Ltmp5:
0x1a2: {  	v11 =	vld [tilespmem:s23+$0x6C20];
	[tilespmem:s24+$0xEC10] =	vst v14;
	v14 =	vadd.f32 v9, v3;
	v10 =	vmul.f32 $1.131370830e+01, v10;
	(pc) =	sbr.rel @p2 .LBB2_13-.Ltmp5, $4  }
0x1a3: {  	v9 =	vld [tilespmem:s23+$0x6C30];
	[tilespmem:s24+$0xEC20] =	vst v13;
	v18 =	vadd.f32 v8, v2;
	v12 =	vmul.f32 $1.131370830e+01, v12  }
0x1a4: {  	v8 =	vld [tilespmem:s23+$0x6C40];
	v17 =	vmul.f32 $1.131370830e+01, v17;
	[tilespmem:s24+$0xEC30] =	vst v14;
	v19 =	vadd.f32 v10, v1  }
0x1a5: {  	v13 =	vmul.f32 $1.131370830e+01, v15;
	v10 =	vld [tilespmem:s23+$0x6C50];
	[tilespmem:s24+$0xEC40] =	vst v18;
	v15 =	vadd.f32 v12, v0  }
0x1a6: {  	s25 =	sshra.s32 s4, $0x2;
	s4 =	sadd.s32 $0x200, s4;
	v14 =	vmul.f32 $1.131370830e+01, v16;
	v12 =	vld [tilespmem:s23+$0x6C60];
	v16 =	vadd.f32 v17, v7;
	[tilespmem:s24+$0xEC50] =	vst v19  }
0x1a7: {  	v17 =	vld [tilespmem:s25+$0x6C70];
	[tilespmem:s24+$0xEC60] =	vst v15;
	v13 =	vadd.f32 v13, v6;
	v11 =	vmul.f32 $1.131370830e+01, v11  }
0x1a8: {  	v15 =	vld [tilespmem:s25+$0x6C00];
	[tilespmem:s23+$0xEC70] =	vst v16;
	v14 =	vadd.f32 v14, v5;
	v9 =	vmul.f32 $1.131370830e+01, v9  }
0x1a9: {  	v16 =	vld [tilespmem:s25+$0x6C10];
	[tilespmem:s23+$0xEC00] =	vst v13;
	v11 =	vadd.f32 v11, v4  }
0x1aa: {  	v8 =	vmul.f32 $1.131370830e+01, v8;
	v13 =	vld [tilespmem:s25+$0x6C20];
	[tilespmem:s23+$0xEC10] =	vst v14;
	v9 =	vadd.f32 v9, v3  }
0x1ab: {  	v10 =	vmul.f32 $1.131370830e+01, v10;
	v14 =	vld [tilespmem:s25+$0x6C30];
	[tilespmem:s23+$0xEC20] =	vst v11  }
0x1ac: {  	v8 =	vadd.f32 v8, v2;
	v11 =	vld [tilespmem:s25+$0x6C40];
	[tilespmem:s23+$0xEC30] =	vst v9;
	v9 =	vmul.f32 $1.131370830e+01, v12  }
0x1ad: {  	v17 =	vmul.f32 $1.131370830e+01, v17;
	v10 =	vadd.f32 v10, v1  }
0x1ae: {  	v12 =	vld [tilespmem:s25+$0x6C50];
	[tilespmem:s23+$0xEC40] =	vst v8;
	v8 =	vmul.f32 $1.131370830e+01, v15;
	v9 =	vadd.f32 v9, v0  }
0x1af: {  	v15 =	vld [tilespmem:s25+$0x6C60];
	v16 =	vmul.f32 $1.131370830e+01, v16;
	v7 =	vadd.f32 v17, v7;
	[tilespmem:s23+$0xEC50] =	vst v10  }
0x1b0: {  	v6 =	vadd.f32 v8, v6;
	v8 =	vmul.f32 $1.131370830e+01, v13;
	[tilespmem:s23+$0xEC60] =	vst v9  }
0x1b1: {  	v5 =	vadd.f32 v16, v5;
	v9 =	vmul.f32 $1.131370830e+01, v14;
	[tilespmem:s25+$0xEC70] =	vst v7  }
0x1b2: {  	[tilespmem:s25+$0xEC00] =	vst v6;
	v4 =	vadd.f32 v8, v4;
	v6 =	vmul.f32 $1.131370830e+01, v11  }
0x1b3: {  	[tilespmem:s25+$0xEC10] =	vst v5;
	v3 =	vadd.f32 v9, v3;
	v5 =	vmul.f32 $1.131370830e+01, v12  }
0x1b4: {  	[tilespmem:s25+$0xEC20] =	vst v4;
	v2 =	vadd.f32 v6, v2;
	v4 =	vmul.f32 $1.131370830e+01, v15  }
0x1b5: {  	[tilespmem:s25+$0xEC30] =	vst v3;
	v1 =	vadd.f32 v5, v1  }
0x1b6: {  	[tilespmem:s25+$0xEC40] =	vst v2;
	v0 =	vadd.f32 v4, v0  }
0x1b7: {  	s4 =	sadd.s32 @!p1 $0x2140, s20;
	[tilespmem:s25+$0xEC50] =	vst v1  }
0x1b8: {  	s24 =	simm.s32 @!p1 $0x6400;
	s23 =	simm.s32 @!p1 $0x20;
	[tilespmem:s25+$0xEC60] =	vst v0;
	s25 =	sshll.u32 s22, $0x9  }
0x1b9: {  	[tilespmem:s24], [sflag:$0x3] =	stream.indirect.gather @!p1 [hbm4b:s2+s23], $0x80, s4, s23, $0xb8;
	[tilespmem:$0x14400] =	vst v63  }
0x1ba: {  	s4 =	sadd.s32 s25, s6  }
0x1bb: {  	[hbm4b:s4+s3] =	stream.linear.scatter [tilespmem:s1], [sflag:$0xB], $0x1000, $0x38;
	[tilespmem:$0x14400] =	vst v63  }
0x1bc: {  	_ =	swait.ge [sflag:s10], $0x1000  }
0x1bd: {  	[sflag:s10] =	ssyncset.done $0x0  }
0x1be: {  	s4 =	simm.s32 @!p0 $0xC;
	[sflag:s10] =	ssyncadd.s32 $0xFFFFF000  }
0x1bf: {  	s22 =	sor.u32 $0x3, s21;
	_ =	swait.ge @!p0 [sflag:s4], $0x1000  }
0x1c0: {  	s26 =	sshll.u32 s22, $0x8;
	[sflag:s4] =	ssyncset.done @!p0 $0x0  }
0x1c1: {  	s23 =	sand.u32 $0x3FFFFF00, s26;
	[sflag:s4] =	ssyncadd.s32 @!p0 $0xFFFFF000  }
0x1c2: {  	v6 =	vld [tilespmem:s23+$0x2400]  }
0x1c3: {  	v5 =	vld [tilespmem:s23+$0x2410]  }
0x1c4: {  	v4 =	vld [tilespmem:s23+$0x2420]  }
0x1c5: {  	v3 =	vld [tilespmem:s23+$0x2430]  }
0x1c6: {  	v2 =	vld [tilespmem:s23+$0x2440]  }
0x1c7: {  	v1 =	vld [tilespmem:s23+$0x2450]  }
0x1c8: {  	v0 =	vld [tilespmem:s23+$0x2460]  }
0x1c9: {  	s25 =	simm.s32 $0x0;
	v7 =	vld [tilespmem:s23+$0x2470]  }
0x1ca: {  	v8 =	vld [tilespmem:s25+$0x7470]  }
0x1cb: {  	v9 =	vld [tilespmem:s25+$0x7400]  }
0x1cc: {  	v10 =	vld [tilespmem:s25+$0x7410]  }
0x1cd: {  	v11 =	vld [tilespmem:s25+$0x7420]  }
0x1ce: {  	v12 =	vld [tilespmem:s25+$0x7430]  }
0x1cf: {  	v13 =	vld [tilespmem:s25+$0x7440];
	v8 =	vmul.f32 $1.131370830e+01, v8  }
0x1d0: {  	v14 =	vld [tilespmem:s25+$0x7450];
	v9 =	vmul.f32 $1.131370830e+01, v9  }
0x1d1: {  	s24 =	simm.s32 $0x80;
	v15 =	vld [tilespmem:s25+$0x7460];
	v10 =	vmul.f32 $1.131370830e+01, v10;
	v8 =	vadd.f32 v8, v7  }
0x1d2: {  	v16 =	vld [tilespmem:s24+$0x7470];
	v9 =	vadd.f32 v9, v6  }
0x1d3: {  	v17 =	vld [tilespmem:s24+$0x7400];
	v10 =	vadd.f32 v10, v5;
	[tilespmem:s25+$0xF470] =	vst v8;
	v8 =	vmul.f32 $1.131370830e+01, v11  }
0x1d4: {  	v12 =	vmul.f32 $1.131370830e+01, v12;
	v18 =	vld [tilespmem:s24+$0x7410];
	[tilespmem:s25+$0xF400] =	vst v9  }
0x1d5: {  	v11 =	vld [tilespmem:s24+$0x7420];
	v8 =	vadd.f32 v8, v4;
	[tilespmem:s25+$0xF410] =	vst v10;
	v10 =	vmul.f32 $1.131370830e+01, v13  }
0x1d6: {  	v12 =	vadd.f32 v12, v3;
	v13 =	vmul.f32 $1.131370830e+01, v14  }
0x1d7: {  	v15 =	vmul.f32 $1.131370830e+01, v15;
	v9 =	vld [tilespmem:s24+$0x7430];
	[tilespmem:s25+$0xF420] =	vst v8;
	v14 =	vadd.f32 v10, v2  }
0x1d8: {  	v16 =	vmul.f32 $1.131370830e+01, v16;
	v19 =	vadd.f32 v13, v1;
	v8 =	vld [tilespmem:s24+$0x7440];
	[tilespmem:s25+$0xF430] =	vst v12  }
0x1d9: {  	v15 =	vadd.f32 v15, v0;
	v13 =	vmul.f32 $1.131370830e+01, v17;
	v10 =	vld [tilespmem:s24+$0x7450];
	[tilespmem:s25+$0xF440] =	vst v14  }
0x1da: {  	s26 =	simm.s32 $0x100;
	s4 =	simm.s32 $0x600;
	v16 =	vadd.f32 v16, v7;
	v14 =	vmul.f32 $1.131370830e+01, v18;
	v12 =	vld [tilespmem:s24+$0x7460];
	[tilespmem:s25+$0xF450] =	vst v19  }
.LBB2_15:
0x1db: {  	p2 =	sne.s32 s4, $0x1E00;
	v17 =	vld [tilespmem:s26+$0x7470];
	v13 =	vadd.f32 v13, v6;
	v11 =	vmul.f32 $1.131370830e+01, v11;
	[tilespmem:s25+$0xF460] =	vst v15;
	s25 =	smov.u32 s24;
	s24 =	smov.u32 s26  }
0x1dc: {  	v15 =	vld [tilespmem:s24+$0x7400];
	v14 =	vadd.f32 v14, v5;
	v9 =	vmul.f32 $1.131370830e+01, v9;
	[tilespmem:s25+$0xF470] =	vst v16  }
0x1dd: {  	v16 =	vld [tilespmem:s24+$0x7410];
	[tilespmem:s25+$0xF400] =	vst v13;
	v13 =	vadd.f32 v11, v4;
	v8 =	vmul.f32 $1.131370830e+01, v8  }
.Ltmp6:
0x1de: {  	v11 =	vld [tilespmem:s24+$0x7420];
	[tilespmem:s25+$0xF410] =	vst v14;
	v14 =	vadd.f32 v9, v3;
	v10 =	vmul.f32 $1.131370830e+01, v10;
	(pc) =	sbr.rel @p2 .LBB2_15-.Ltmp6, $4  }
0x1df: {  	v9 =	vld [tilespmem:s24+$0x7430];
	[tilespmem:s25+$0xF420] =	vst v13;
	v18 =	vadd.f32 v8, v2;
	v12 =	vmul.f32 $1.131370830e+01, v12  }
0x1e0: {  	v8 =	vld [tilespmem:s24+$0x7440];
	v17 =	vmul.f32 $1.131370830e+01, v17;
	[tilespmem:s25+$0xF430] =	vst v14;
	v19 =	vadd.f32 v10, v1  }
0x1e1: {  	v13 =	vmul.f32 $1.131370830e+01, v15;
	v10 =	vld [tilespmem:s24+$0x7450];
	[tilespmem:s25+$0xF440] =	vst v18;
	v15 =	vadd.f32 v12, v0  }
0x1e2: {  	s26 =	sshra.s32 s4, $0x2;
	s4 =	sadd.s32 $0x200, s4;
	v14 =	vmul.f32 $1.131370830e+01, v16;
	v12 =	vld [tilespmem:s24+$0x7460];
	v16 =	vadd.f32 v17, v7;
	[tilespmem:s25+$0xF450] =	vst v19  }
0x1e3: {  	v17 =	vld [tilespmem:s26+$0x7470];
	[tilespmem:s25+$0xF460] =	vst v15;
	v13 =	vadd.f32 v13, v6;
	v11 =	vmul.f32 $1.131370830e+01, v11  }
0x1e4: {  	v15 =	vld [tilespmem:s26+$0x7400];
	[tilespmem:s24+$0xF470] =	vst v16;
	v14 =	vadd.f32 v14, v5;
	v9 =	vmul.f32 $1.131370830e+01, v9  }
0x1e5: {  	v16 =	vld [tilespmem:s26+$0x7410];
	[tilespmem:s24+$0xF400] =	vst v13;
	v11 =	vadd.f32 v11, v4  }
0x1e6: {  	v8 =	vmul.f32 $1.131370830e+01, v8;
	v13 =	vld [tilespmem:s26+$0x7420];
	[tilespmem:s24+$0xF410] =	vst v14;
	v9 =	vadd.f32 v9, v3  }
0x1e7: {  	v10 =	vmul.f32 $1.131370830e+01, v10;
	v14 =	vld [tilespmem:s26+$0x7430];
	[tilespmem:s24+$0xF420] =	vst v11  }
0x1e8: {  	v8 =	vadd.f32 v8, v2;
	v11 =	vld [tilespmem:s26+$0x7440];
	[tilespmem:s24+$0xF430] =	vst v9;
	v9 =	vmul.f32 $1.131370830e+01, v12  }
0x1e9: {  	v17 =	vmul.f32 $1.131370830e+01, v17;
	v10 =	vadd.f32 v10, v1  }
0x1ea: {  	v12 =	vld [tilespmem:s26+$0x7450];
	[tilespmem:s24+$0xF440] =	vst v8;
	v8 =	vmul.f32 $1.131370830e+01, v15;
	v9 =	vadd.f32 v9, v0  }
0x1eb: {  	v15 =	vld [tilespmem:s26+$0x7460];
	v16 =	vmul.f32 $1.131370830e+01, v16;
	v7 =	vadd.f32 v17, v7;
	[tilespmem:s24+$0xF450] =	vst v10  }
0x1ec: {  	v6 =	vadd.f32 v8, v6;
	v8 =	vmul.f32 $1.131370830e+01, v13;
	[tilespmem:s24+$0xF460] =	vst v9  }
0x1ed: {  	v5 =	vadd.f32 v16, v5;
	v9 =	vmul.f32 $1.131370830e+01, v14;
	[tilespmem:s26+$0xF470] =	vst v7  }
0x1ee: {  	[tilespmem:s26+$0xF400] =	vst v6;
	v4 =	vadd.f32 v8, v4;
	v6 =	vmul.f32 $1.131370830e+01, v11  }
0x1ef: {  	[tilespmem:s26+$0xF410] =	vst v5;
	v3 =	vadd.f32 v9, v3;
	v5 =	vmul.f32 $1.131370830e+01, v12  }
0x1f0: {  	[tilespmem:s26+$0xF420] =	vst v4;
	v2 =	vadd.f32 v6, v2;
	v4 =	vmul.f32 $1.131370830e+01, v15  }
0x1f1: {  	[tilespmem:s26+$0xF430] =	vst v3;
	v1 =	vadd.f32 v5, v1  }
0x1f2: {  	[tilespmem:s26+$0xF440] =	vst v2;
	v0 =	vadd.f32 v4, v0  }
0x1f3: {  	[tilespmem:s26+$0xF450] =	vst v1  }
0x1f4: {  	[tilespmem:s26+$0xF460] =	vst v0  }
0x1f5: {  	v6 =	vld [tilespmem:s23+$0x2480]  }
0x1f6: {  	v5 =	vld [tilespmem:s23+$0x2490]  }
0x1f7: {  	v4 =	vld [tilespmem:s23+$0x24A0]  }
0x1f8: {  	v3 =	vld [tilespmem:s23+$0x24B0]  }
0x1f9: {  	v2 =	vld [tilespmem:s23+$0x24C0]  }
0x1fa: {  	v1 =	vld [tilespmem:s23+$0x24D0]  }
0x1fb: {  	v0 =	vld [tilespmem:s23+$0x24E0]  }
0x1fc: {  	s24 =	simm.s32 $0x0;
	v7 =	vld [tilespmem:s23+$0x24F0]  }
0x1fd: {  	v8 =	vld [tilespmem:s24+$0x7C70]  }
0x1fe: {  	v9 =	vld [tilespmem:s24+$0x7C00]  }
0x1ff: {  	v10 =	vld [tilespmem:s24+$0x7C10]  }
0x200: {  	v11 =	vld [tilespmem:s24+$0x7C20]  }
0x201: {  	v12 =	vld [tilespmem:s24+$0x7C30]  }
0x202: {  	v13 =	vld [tilespmem:s24+$0x7C40];
	v8 =	vmul.f32 $1.131370830e+01, v8  }
0x203: {  	v14 =	vld [tilespmem:s24+$0x7C50];
	v9 =	vmul.f32 $1.131370830e+01, v9  }
0x204: {  	s23 =	simm.s32 $0x80;
	v15 =	vld [tilespmem:s24+$0x7C60];
	v10 =	vmul.f32 $1.131370830e+01, v10;
	v8 =	vadd.f32 v8, v7  }
0x205: {  	v16 =	vld [tilespmem:s23+$0x7C70];
	v9 =	vadd.f32 v9, v6  }
0x206: {  	v17 =	vld [tilespmem:s23+$0x7C00];
	v10 =	vadd.f32 v10, v5;
	[tilespmem:s24+$0xFC70] =	vst v8;
	v8 =	vmul.f32 $1.131370830e+01, v11  }
0x207: {  	v12 =	vmul.f32 $1.131370830e+01, v12;
	v18 =	vld [tilespmem:s23+$0x7C10];
	[tilespmem:s24+$0xFC00] =	vst v9  }
0x208: {  	v11 =	vld [tilespmem:s23+$0x7C20];
	v8 =	vadd.f32 v8, v4;
	[tilespmem:s24+$0xFC10] =	vst v10;
	v10 =	vmul.f32 $1.131370830e+01, v13  }
0x209: {  	v12 =	vadd.f32 v12, v3;
	v13 =	vmul.f32 $1.131370830e+01, v14  }
0x20a: {  	v15 =	vmul.f32 $1.131370830e+01, v15;
	v9 =	vld [tilespmem:s23+$0x7C30];
	[tilespmem:s24+$0xFC20] =	vst v8;
	v14 =	vadd.f32 v10, v2  }
0x20b: {  	v16 =	vmul.f32 $1.131370830e+01, v16;
	v19 =	vadd.f32 v13, v1;
	v8 =	vld [tilespmem:s23+$0x7C40];
	[tilespmem:s24+$0xFC30] =	vst v12  }
0x20c: {  	v15 =	vadd.f32 v15, v0;
	v13 =	vmul.f32 $1.131370830e+01, v17;
	v10 =	vld [tilespmem:s23+$0x7C50];
	[tilespmem:s24+$0xFC40] =	vst v14  }
0x20d: {  	s25 =	simm.s32 $0x100;
	s4 =	simm.s32 $0x600;
	v16 =	vadd.f32 v16, v7;
	v14 =	vmul.f32 $1.131370830e+01, v18;
	v12 =	vld [tilespmem:s23+$0x7C60];
	[tilespmem:s24+$0xFC50] =	vst v19  }
.LBB2_17:
0x20e: {  	p2 =	sne.s32 s4, $0x1E00;
	v17 =	vld [tilespmem:s25+$0x7C70];
	v13 =	vadd.f32 v13, v6;
	v11 =	vmul.f32 $1.131370830e+01, v11;
	[tilespmem:s24+$0xFC60] =	vst v15;
	s24 =	smov.u32 s23;
	s23 =	smov.u32 s25  }
0x20f: {  	v15 =	vld [tilespmem:s23+$0x7C00];
	v14 =	vadd.f32 v14, v5;
	v9 =	vmul.f32 $1.131370830e+01, v9;
	[tilespmem:s24+$0xFC70] =	vst v16  }
0x210: {  	v16 =	vld [tilespmem:s23+$0x7C10];
	[tilespmem:s24+$0xFC00] =	vst v13;
	v13 =	vadd.f32 v11, v4;
	v8 =	vmul.f32 $1.131370830e+01, v8  }
.Ltmp7:
0x211: {  	v11 =	vld [tilespmem:s23+$0x7C20];
	[tilespmem:s24+$0xFC10] =	vst v14;
	v14 =	vadd.f32 v9, v3;
	v10 =	vmul.f32 $1.131370830e+01, v10;
	(pc) =	sbr.rel @p2 .LBB2_17-.Ltmp7, $4  }
0x212: {  	v9 =	vld [tilespmem:s23+$0x7C30];
	[tilespmem:s24+$0xFC20] =	vst v13;
	v18 =	vadd.f32 v8, v2;
	v12 =	vmul.f32 $1.131370830e+01, v12  }
0x213: {  	v8 =	vld [tilespmem:s23+$0x7C40];
	v17 =	vmul.f32 $1.131370830e+01, v17;
	[tilespmem:s24+$0xFC30] =	vst v14;
	v19 =	vadd.f32 v10, v1  }
0x214: {  	v13 =	vmul.f32 $1.131370830e+01, v15;
	v10 =	vld [tilespmem:s23+$0x7C50];
	[tilespmem:s24+$0xFC40] =	vst v18;
	v15 =	vadd.f32 v12, v0  }
0x215: {  	s25 =	sshra.s32 s4, $0x2;
	s4 =	sadd.s32 $0x200, s4;
	v14 =	vmul.f32 $1.131370830e+01, v16;
	v12 =	vld [tilespmem:s23+$0x7C60];
	v16 =	vadd.f32 v17, v7;
	[tilespmem:s24+$0xFC50] =	vst v19  }
0x216: {  	v17 =	vld [tilespmem:s25+$0x7C70];
	[tilespmem:s24+$0xFC60] =	vst v15;
	v13 =	vadd.f32 v13, v6;
	v11 =	vmul.f32 $1.131370830e+01, v11  }
0x217: {  	v15 =	vld [tilespmem:s25+$0x7C00];
	[tilespmem:s23+$0xFC70] =	vst v16;
	v14 =	vadd.f32 v14, v5;
	v9 =	vmul.f32 $1.131370830e+01, v9  }
0x218: {  	v16 =	vld [tilespmem:s25+$0x7C10];
	[tilespmem:s23+$0xFC00] =	vst v13;
	v11 =	vadd.f32 v11, v4  }
0x219: {  	v8 =	vmul.f32 $1.131370830e+01, v8;
	v13 =	vld [tilespmem:s25+$0x7C20];
	[tilespmem:s23+$0xFC10] =	vst v14;
	v9 =	vadd.f32 v9, v3  }
0x21a: {  	v10 =	vmul.f32 $1.131370830e+01, v10;
	v14 =	vld [tilespmem:s25+$0x7C30];
	[tilespmem:s23+$0xFC20] =	vst v11  }
0x21b: {  	v8 =	vadd.f32 v8, v2;
	v11 =	vld [tilespmem:s25+$0x7C40];
	[tilespmem:s23+$0xFC30] =	vst v9;
	v9 =	vmul.f32 $1.131370830e+01, v12  }
0x21c: {  	v17 =	vmul.f32 $1.131370830e+01, v17;
	v10 =	vadd.f32 v10, v1  }
0x21d: {  	v12 =	vld [tilespmem:s25+$0x7C50];
	[tilespmem:s23+$0xFC40] =	vst v8;
	v8 =	vmul.f32 $1.131370830e+01, v15;
	v9 =	vadd.f32 v9, v0  }
0x21e: {  	v15 =	vld [tilespmem:s25+$0x7C60];
	v16 =	vmul.f32 $1.131370830e+01, v16;
	v7 =	vadd.f32 v17, v7;
	[tilespmem:s23+$0xFC50] =	vst v10  }
0x21f: {  	v6 =	vadd.f32 v8, v6;
	v8 =	vmul.f32 $1.131370830e+01, v13;
	[tilespmem:s23+$0xFC60] =	vst v9  }
0x220: {  	v5 =	vadd.f32 v16, v5;
	v9 =	vmul.f32 $1.131370830e+01, v14;
	[tilespmem:s25+$0xFC70] =	vst v7  }
0x221: {  	[tilespmem:s25+$0xFC00] =	vst v6;
	v4 =	vadd.f32 v8, v4;
	v6 =	vmul.f32 $1.131370830e+01, v11  }
0x222: {  	[tilespmem:s25+$0xFC10] =	vst v5;
	v3 =	vadd.f32 v9, v3;
	v5 =	vmul.f32 $1.131370830e+01, v12  }
0x223: {  	[tilespmem:s25+$0xFC20] =	vst v4;
	v2 =	vadd.f32 v6, v2;
	v4 =	vmul.f32 $1.131370830e+01, v15  }
0x224: {  	[tilespmem:s25+$0xFC30] =	vst v3;
	v1 =	vadd.f32 v5, v1  }
0x225: {  	[tilespmem:s25+$0xFC40] =	vst v2;
	v0 =	vadd.f32 v4, v0  }
0x226: {  	s4 =	sadd.s32 @!p1 $0x2160, s20;
	[tilespmem:s25+$0xFC50] =	vst v1  }
0x227: {  	s24 =	simm.s32 @!p1 $0x7400;
	s23 =	simm.s32 @!p1 $0x20;
	[tilespmem:s25+$0xFC60] =	vst v0;
	s25 =	sshll.u32 s22, $0x9  }
0x228: {  	[tilespmem:s24], [sflag:$0x4] =	stream.indirect.gather @!p1 [hbm4b:s2+s23], $0x80, s4, s23, $0xb8;
	[tilespmem:$0x14400] =	vst v63  }
0x229: {  	s4 =	sadd.s32 s25, s6  }
0x22a: {  	[hbm4b:s4+s3] =	stream.linear.scatter [tilespmem:s11], [sflag:$0xC], $0x1000, $0x38;
	[tilespmem:$0x14400] =	vst v63  }
0x22b: {  	_ =	swait.ge [sflag:s12], $0x1000  }
0x22c: {  	[sflag:s12] =	ssyncset.done $0x0  }
0x22d: {  	s4 =	simm.s32 @!p0 $0xD;
	[sflag:s12] =	ssyncadd.s32 $0xFFFFF000  }
0x22e: {  	s22 =	sor.u32 $0x4, s21;
	_ =	swait.ge @!p0 [sflag:s4], $0x1000  }
0x22f: {  	s26 =	sshll.u32 s22, $0x8;
	[sflag:s4] =	ssyncset.done @!p0 $0x0  }
0x230: {  	s23 =	sand.u32 $0x3FFFFF00, s26;
	[sflag:s4] =	ssyncadd.s32 @!p0 $0xFFFFF000  }
0x231: {  	v6 =	vld [tilespmem:s23+$0x2400]  }
0x232: {  	v5 =	vld [tilespmem:s23+$0x2410]  }
0x233: {  	v4 =	vld [tilespmem:s23+$0x2420]  }
0x234: {  	v3 =	vld [tilespmem:s23+$0x2430]  }
0x235: {  	v2 =	vld [tilespmem:s23+$0x2440]  }
0x236: {  	v1 =	vld [tilespmem:s23+$0x2450]  }
0x237: {  	v0 =	vld [tilespmem:s23+$0x2460]  }
0x238: {  	s25 =	simm.s32 $0x0;
	v7 =	vld [tilespmem:s23+$0x2470]  }
0x239: {  	v8 =	vld [tilespmem:s25+$0x8470]  }
0x23a: {  	v9 =	vld [tilespmem:s25+$0x8400]  }
0x23b: {  	v10 =	vld [tilespmem:s25+$0x8410]  }
0x23c: {  	v11 =	vld [tilespmem:s25+$0x8420]  }
0x23d: {  	v12 =	vld [tilespmem:s25+$0x8430]  }
0x23e: {  	v13 =	vld [tilespmem:s25+$0x8440];
	v8 =	vmul.f32 $1.131370830e+01, v8  }
0x23f: {  	v14 =	vld [tilespmem:s25+$0x8450];
	v9 =	vmul.f32 $1.131370830e+01, v9  }
0x240: {  	s24 =	simm.s32 $0x80;
	v15 =	vld [tilespmem:s25+$0x8460];
	v10 =	vmul.f32 $1.131370830e+01, v10;
	v8 =	vadd.f32 v8, v7  }
0x241: {  	v16 =	vld [tilespmem:s24+$0x8470];
	v9 =	vadd.f32 v9, v6  }
0x242: {  	v17 =	vld [tilespmem:s24+$0x8400];
	v10 =	vadd.f32 v10, v5;
	[tilespmem:s25+$0x10470] =	vst v8;
	v8 =	vmul.f32 $1.131370830e+01, v11  }
0x243: {  	v12 =	vmul.f32 $1.131370830e+01, v12;
	v18 =	vld [tilespmem:s24+$0x8410];
	[tilespmem:s25+$0x10400] =	vst v9  }
0x244: {  	v11 =	vld [tilespmem:s24+$0x8420];
	v8 =	vadd.f32 v8, v4;
	[tilespmem:s25+$0x10410] =	vst v10;
	v10 =	vmul.f32 $1.131370830e+01, v13  }
0x245: {  	v12 =	vadd.f32 v12, v3;
	v13 =	vmul.f32 $1.131370830e+01, v14  }
0x246: {  	v15 =	vmul.f32 $1.131370830e+01, v15;
	v9 =	vld [tilespmem:s24+$0x8430];
	[tilespmem:s25+$0x10420] =	vst v8;
	v14 =	vadd.f32 v10, v2  }
0x247: {  	v16 =	vmul.f32 $1.131370830e+01, v16;
	v19 =	vadd.f32 v13, v1;
	v8 =	vld [tilespmem:s24+$0x8440];
	[tilespmem:s25+$0x10430] =	vst v12  }
0x248: {  	v15 =	vadd.f32 v15, v0;
	v13 =	vmul.f32 $1.131370830e+01, v17;
	v10 =	vld [tilespmem:s24+$0x8450];
	[tilespmem:s25+$0x10440] =	vst v14  }
0x249: {  	s26 =	simm.s32 $0x100;
	s4 =	simm.s32 $0x600;
	v16 =	vadd.f32 v16, v7;
	v14 =	vmul.f32 $1.131370830e+01, v18;
	v12 =	vld [tilespmem:s24+$0x8460];
	[tilespmem:s25+$0x10450] =	vst v19  }
.LBB2_19:
0x24a: {  	p2 =	sne.s32 s4, $0x1E00;
	v17 =	vld [tilespmem:s26+$0x8470];
	v13 =	vadd.f32 v13, v6;
	v11 =	vmul.f32 $1.131370830e+01, v11;
	[tilespmem:s25+$0x10460] =	vst v15;
	s25 =	smov.u32 s24;
	s24 =	smov.u32 s26  }
0x24b: {  	v15 =	vld [tilespmem:s24+$0x8400];
	v14 =	vadd.f32 v14, v5;
	v9 =	vmul.f32 $1.131370830e+01, v9;
	[tilespmem:s25+$0x10470] =	vst v16  }
0x24c: {  	v16 =	vld [tilespmem:s24+$0x8410];
	[tilespmem:s25+$0x10400] =	vst v13;
	v13 =	vadd.f32 v11, v4;
	v8 =	vmul.f32 $1.131370830e+01, v8  }
.Ltmp8:
0x24d: {  	v11 =	vld [tilespmem:s24+$0x8420];
	[tilespmem:s25+$0x10410] =	vst v14;
	v14 =	vadd.f32 v9, v3;
	v10 =	vmul.f32 $1.131370830e+01, v10;
	(pc) =	sbr.rel @p2 .LBB2_19-.Ltmp8, $4  }
0x24e: {  	v9 =	vld [tilespmem:s24+$0x8430];
	[tilespmem:s25+$0x10420] =	vst v13;
	v18 =	vadd.f32 v8, v2;
	v12 =	vmul.f32 $1.131370830e+01, v12  }
0x24f: {  	v8 =	vld [tilespmem:s24+$0x8440];
	v17 =	vmul.f32 $1.131370830e+01, v17;
	[tilespmem:s25+$0x10430] =	vst v14;
	v19 =	vadd.f32 v10, v1  }
0x250: {  	v13 =	vmul.f32 $1.131370830e+01, v15;
	v10 =	vld [tilespmem:s24+$0x8450];
	[tilespmem:s25+$0x10440] =	vst v18;
	v15 =	vadd.f32 v12, v0  }
0x251: {  	s26 =	sshra.s32 s4, $0x2;
	s4 =	sadd.s32 $0x200, s4;
	v14 =	vmul.f32 $1.131370830e+01, v16;
	v12 =	vld [tilespmem:s24+$0x8460];
	v16 =	vadd.f32 v17, v7;
	[tilespmem:s25+$0x10450] =	vst v19  }
0x252: {  	v17 =	vld [tilespmem:s26+$0x8470];
	[tilespmem:s25+$0x10460] =	vst v15;
	v13 =	vadd.f32 v13, v6;
	v11 =	vmul.f32 $1.131370830e+01, v11  }
0x253: {  	v15 =	vld [tilespmem:s26+$0x8400];
	[tilespmem:s24+$0x10470] =	vst v16;
	v14 =	vadd.f32 v14, v5;
	v9 =	vmul.f32 $1.131370830e+01, v9  }
0x254: {  	v16 =	vld [tilespmem:s26+$0x8410];
	[tilespmem:s24+$0x10400] =	vst v13;
	v11 =	vadd.f32 v11, v4  }
0x255: {  	v8 =	vmul.f32 $1.131370830e+01, v8;
	v13 =	vld [tilespmem:s26+$0x8420];
	[tilespmem:s24+$0x10410] =	vst v14;
	v9 =	vadd.f32 v9, v3  }
0x256: {  	v10 =	vmul.f32 $1.131370830e+01, v10;
	v14 =	vld [tilespmem:s26+$0x8430];
	[tilespmem:s24+$0x10420] =	vst v11  }
0x257: {  	v8 =	vadd.f32 v8, v2;
	v11 =	vld [tilespmem:s26+$0x8440];
	[tilespmem:s24+$0x10430] =	vst v9;
	v9 =	vmul.f32 $1.131370830e+01, v12  }
0x258: {  	v17 =	vmul.f32 $1.131370830e+01, v17;
	v10 =	vadd.f32 v10, v1  }
0x259: {  	v12 =	vld [tilespmem:s26+$0x8450];
	[tilespmem:s24+$0x10440] =	vst v8;
	v8 =	vmul.f32 $1.131370830e+01, v15;
	v9 =	vadd.f32 v9, v0  }
0x25a: {  	v15 =	vld [tilespmem:s26+$0x8460];
	v16 =	vmul.f32 $1.131370830e+01, v16;
	v7 =	vadd.f32 v17, v7;
	[tilespmem:s24+$0x10450] =	vst v10  }
0x25b: {  	v6 =	vadd.f32 v8, v6;
	v8 =	vmul.f32 $1.131370830e+01, v13;
	[tilespmem:s24+$0x10460] =	vst v9  }
0x25c: {  	v5 =	vadd.f32 v16, v5;
	v9 =	vmul.f32 $1.131370830e+01, v14;
	[tilespmem:s26+$0x10470] =	vst v7  }
0x25d: {  	[tilespmem:s26+$0x10400] =	vst v6;
	v4 =	vadd.f32 v8, v4;
	v6 =	vmul.f32 $1.131370830e+01, v11  }
0x25e: {  	[tilespmem:s26+$0x10410] =	vst v5;
	v3 =	vadd.f32 v9, v3;
	v5 =	vmul.f32 $1.131370830e+01, v12  }
0x25f: {  	[tilespmem:s26+$0x10420] =	vst v4;
	v2 =	vadd.f32 v6, v2;
	v4 =	vmul.f32 $1.131370830e+01, v15  }
0x260: {  	[tilespmem:s26+$0x10430] =	vst v3;
	v1 =	vadd.f32 v5, v1  }
0x261: {  	[tilespmem:s26+$0x10440] =	vst v2;
	v0 =	vadd.f32 v4, v0  }
0x262: {  	[tilespmem:s26+$0x10450] =	vst v1  }
0x263: {  	[tilespmem:s26+$0x10460] =	vst v0  }
0x264: {  	v6 =	vld [tilespmem:s23+$0x2480]  }
0x265: {  	v5 =	vld [tilespmem:s23+$0x2490]  }
0x266: {  	v4 =	vld [tilespmem:s23+$0x24A0]  }
0x267: {  	v3 =	vld [tilespmem:s23+$0x24B0]  }
0x268: {  	v2 =	vld [tilespmem:s23+$0x24C0]  }
0x269: {  	v1 =	vld [tilespmem:s23+$0x24D0]  }
0x26a: {  	v0 =	vld [tilespmem:s23+$0x24E0]  }
0x26b: {  	s24 =	simm.s32 $0x0;
	v7 =	vld [tilespmem:s23+$0x24F0]  }
0x26c: {  	v8 =	vld [tilespmem:s24+$0x8C70]  }
0x26d: {  	v9 =	vld [tilespmem:s24+$0x8C00]  }
0x26e: {  	v10 =	vld [tilespmem:s24+$0x8C10]  }
0x26f: {  	v11 =	vld [tilespmem:s24+$0x8C20]  }
0x270: {  	v12 =	vld [tilespmem:s24+$0x8C30]  }
0x271: {  	v13 =	vld [tilespmem:s24+$0x8C40];
	v8 =	vmul.f32 $1.131370830e+01, v8  }
0x272: {  	v14 =	vld [tilespmem:s24+$0x8C50];
	v9 =	vmul.f32 $1.131370830e+01, v9  }
0x273: {  	s23 =	simm.s32 $0x80;
	v15 =	vld [tilespmem:s24+$0x8C60];
	v10 =	vmul.f32 $1.131370830e+01, v10;
	v8 =	vadd.f32 v8, v7  }
0x274: {  	v16 =	vld [tilespmem:s23+$0x8C70];
	v9 =	vadd.f32 v9, v6  }
0x275: {  	v17 =	vld [tilespmem:s23+$0x8C00];
	v10 =	vadd.f32 v10, v5;
	[tilespmem:s24+$0x10C70] =	vst v8;
	v8 =	vmul.f32 $1.131370830e+01, v11  }
0x276: {  	v12 =	vmul.f32 $1.131370830e+01, v12;
	v18 =	vld [tilespmem:s23+$0x8C10];
	[tilespmem:s24+$0x10C00] =	vst v9  }
0x277: {  	v11 =	vld [tilespmem:s23+$0x8C20];
	v8 =	vadd.f32 v8, v4;
	[tilespmem:s24+$0x10C10] =	vst v10;
	v10 =	vmul.f32 $1.131370830e+01, v13  }
0x278: {  	v12 =	vadd.f32 v12, v3;
	v13 =	vmul.f32 $1.131370830e+01, v14  }
0x279: {  	v15 =	vmul.f32 $1.131370830e+01, v15;
	v9 =	vld [tilespmem:s23+$0x8C30];
	[tilespmem:s24+$0x10C20] =	vst v8;
	v14 =	vadd.f32 v10, v2  }
0x27a: {  	v16 =	vmul.f32 $1.131370830e+01, v16;
	v19 =	vadd.f32 v13, v1;
	v8 =	vld [tilespmem:s23+$0x8C40];
	[tilespmem:s24+$0x10C30] =	vst v12  }
0x27b: {  	v15 =	vadd.f32 v15, v0;
	v13 =	vmul.f32 $1.131370830e+01, v17;
	v10 =	vld [tilespmem:s23+$0x8C50];
	[tilespmem:s24+$0x10C40] =	vst v14  }
0x27c: {  	s25 =	simm.s32 $0x100;
	s4 =	simm.s32 $0x600;
	v16 =	vadd.f32 v16, v7;
	v14 =	vmul.f32 $1.131370830e+01, v18;
	v12 =	vld [tilespmem:s23+$0x8C60];
	[tilespmem:s24+$0x10C50] =	vst v19  }
.LBB2_21:
0x27d: {  	p2 =	sne.s32 s4, $0x1E00;
	v17 =	vld [tilespmem:s25+$0x8C70];
	v13 =	vadd.f32 v13, v6;
	v11 =	vmul.f32 $1.131370830e+01, v11;
	[tilespmem:s24+$0x10C60] =	vst v15;
	s24 =	smov.u32 s23;
	s23 =	smov.u32 s25  }
0x27e: {  	v15 =	vld [tilespmem:s23+$0x8C00];
	v14 =	vadd.f32 v14, v5;
	v9 =	vmul.f32 $1.131370830e+01, v9;
	[tilespmem:s24+$0x10C70] =	vst v16  }
0x27f: {  	v16 =	vld [tilespmem:s23+$0x8C10];
	[tilespmem:s24+$0x10C00] =	vst v13;
	v13 =	vadd.f32 v11, v4;
	v8 =	vmul.f32 $1.131370830e+01, v8  }
.Ltmp9:
0x280: {  	v11 =	vld [tilespmem:s23+$0x8C20];
	[tilespmem:s24+$0x10C10] =	vst v14;
	v14 =	vadd.f32 v9, v3;
	v10 =	vmul.f32 $1.131370830e+01, v10;
	(pc) =	sbr.rel @p2 .LBB2_21-.Ltmp9, $4  }
0x281: {  	v9 =	vld [tilespmem:s23+$0x8C30];
	[tilespmem:s24+$0x10C20] =	vst v13;
	v18 =	vadd.f32 v8, v2;
	v12 =	vmul.f32 $1.131370830e+01, v12  }
0x282: {  	v8 =	vld [tilespmem:s23+$0x8C40];
	v17 =	vmul.f32 $1.131370830e+01, v17;
	[tilespmem:s24+$0x10C30] =	vst v14;
	v19 =	vadd.f32 v10, v1  }
0x283: {  	v13 =	vmul.f32 $1.131370830e+01, v15;
	v10 =	vld [tilespmem:s23+$0x8C50];
	[tilespmem:s24+$0x10C40] =	vst v18;
	v15 =	vadd.f32 v12, v0  }
0x284: {  	s25 =	sshra.s32 s4, $0x2;
	s4 =	sadd.s32 $0x200, s4;
	v14 =	vmul.f32 $1.131370830e+01, v16;
	v12 =	vld [tilespmem:s23+$0x8C60];
	v16 =	vadd.f32 v17, v7;
	[tilespmem:s24+$0x10C50] =	vst v19  }
0x285: {  	v17 =	vld [tilespmem:s25+$0x8C70];
	[tilespmem:s24+$0x10C60] =	vst v15;
	v13 =	vadd.f32 v13, v6;
	v11 =	vmul.f32 $1.131370830e+01, v11  }
0x286: {  	v15 =	vld [tilespmem:s25+$0x8C00];
	[tilespmem:s23+$0x10C70] =	vst v16;
	v14 =	vadd.f32 v14, v5;
	v9 =	vmul.f32 $1.131370830e+01, v9  }
0x287: {  	v16 =	vld [tilespmem:s25+$0x8C10];
	[tilespmem:s23+$0x10C00] =	vst v13;
	v11 =	vadd.f32 v11, v4  }
0x288: {  	v8 =	vmul.f32 $1.131370830e+01, v8;
	v13 =	vld [tilespmem:s25+$0x8C20];
	[tilespmem:s23+$0x10C10] =	vst v14;
	v9 =	vadd.f32 v9, v3  }
0x289: {  	v10 =	vmul.f32 $1.131370830e+01, v10;
	v14 =	vld [tilespmem:s25+$0x8C30];
	[tilespmem:s23+$0x10C20] =	vst v11  }
0x28a: {  	v8 =	vadd.f32 v8, v2;
	v11 =	vld [tilespmem:s25+$0x8C40];
	[tilespmem:s23+$0x10C30] =	vst v9;
	v9 =	vmul.f32 $1.131370830e+01, v12  }
0x28b: {  	v17 =	vmul.f32 $1.131370830e+01, v17;
	v10 =	vadd.f32 v10, v1  }
0x28c: {  	v12 =	vld [tilespmem:s25+$0x8C50];
	[tilespmem:s23+$0x10C40] =	vst v8;
	v8 =	vmul.f32 $1.131370830e+01, v15;
	v9 =	vadd.f32 v9, v0  }
0x28d: {  	v15 =	vld [tilespmem:s25+$0x8C60];
	v16 =	vmul.f32 $1.131370830e+01, v16;
	v7 =	vadd.f32 v17, v7;
	[tilespmem:s23+$0x10C50] =	vst v10  }
0x28e: {  	v6 =	vadd.f32 v8, v6;
	v8 =	vmul.f32 $1.131370830e+01, v13;
	[tilespmem:s23+$0x10C60] =	vst v9  }
0x28f: {  	v5 =	vadd.f32 v16, v5;
	v9 =	vmul.f32 $1.131370830e+01, v14;
	[tilespmem:s25+$0x10C70] =	vst v7  }
0x290: {  	[tilespmem:s25+$0x10C00] =	vst v6;
	v4 =	vadd.f32 v8, v4;
	v6 =	vmul.f32 $1.131370830e+01, v11  }
0x291: {  	[tilespmem:s25+$0x10C10] =	vst v5;
	v3 =	vadd.f32 v9, v3;
	v5 =	vmul.f32 $1.131370830e+01, v12  }
0x292: {  	[tilespmem:s25+$0x10C20] =	vst v4;
	v2 =	vadd.f32 v6, v2;
	v4 =	vmul.f32 $1.131370830e+01, v15  }
0x293: {  	[tilespmem:s25+$0x10C30] =	vst v3;
	v1 =	vadd.f32 v5, v1  }
0x294: {  	[tilespmem:s25+$0x10C40] =	vst v2;
	v0 =	vadd.f32 v4, v0  }
0x295: {  	s4 =	sadd.s32 @!p1 $0x2180, s20;
	[tilespmem:s25+$0x10C50] =	vst v1  }
0x296: {  	s24 =	simm.s32 @!p1 $0x8400;
	s23 =	simm.s32 @!p1 $0x20;
	[tilespmem:s25+$0x10C60] =	vst v0;
	s25 =	sshll.u32 s22, $0x9  }
0x297: {  	[tilespmem:s24], [sflag:$0x5] =	stream.indirect.gather @!p1 [hbm4b:s2+s23], $0x80, s4, s23, $0xb8;
	[tilespmem:$0x14400] =	vst v63  }
0x298: {  	s4 =	sadd.s32 s25, s6  }
0x299: {  	[hbm4b:s4+s3] =	stream.linear.scatter [tilespmem:s13], [sflag:$0xD], $0x1000, $0x38;
	[tilespmem:$0x14400] =	vst v63  }
0x29a: {  	_ =	swait.ge [sflag:s14], $0x1000  }
0x29b: {  	[sflag:s14] =	ssyncset.done $0x0  }
0x29c: {  	s4 =	simm.s32 @!p0 $0xE;
	[sflag:s14] =	ssyncadd.s32 $0xFFFFF000  }
0x29d: {  	s22 =	sor.u32 $0x5, s21;
	_ =	swait.ge @!p0 [sflag:s4], $0x1000  }
0x29e: {  	s26 =	sshll.u32 s22, $0x8;
	[sflag:s4] =	ssyncset.done @!p0 $0x0  }
0x29f: {  	s23 =	sand.u32 $0x3FFFFF00, s26;
	[sflag:s4] =	ssyncadd.s32 @!p0 $0xFFFFF000  }
0x2a0: {  	v6 =	vld [tilespmem:s23+$0x2400]  }
0x2a1: {  	v5 =	vld [tilespmem:s23+$0x2410]  }
0x2a2: {  	v4 =	vld [tilespmem:s23+$0x2420]  }
0x2a3: {  	v3 =	vld [tilespmem:s23+$0x2430]  }
0x2a4: {  	v2 =	vld [tilespmem:s23+$0x2440]  }
0x2a5: {  	v1 =	vld [tilespmem:s23+$0x2450]  }
0x2a6: {  	v0 =	vld [tilespmem:s23+$0x2460]  }
0x2a7: {  	s25 =	simm.s32 $0x0;
	v7 =	vld [tilespmem:s23+$0x2470]  }
0x2a8: {  	v8 =	vld [tilespmem:s25+$0x9470]  }
0x2a9: {  	v9 =	vld [tilespmem:s25+$0x9400]  }
0x2aa: {  	v10 =	vld [tilespmem:s25+$0x9410]  }
0x2ab: {  	v11 =	vld [tilespmem:s25+$0x9420]  }
0x2ac: {  	v12 =	vld [tilespmem:s25+$0x9430]  }
0x2ad: {  	v13 =	vld [tilespmem:s25+$0x9440];
	v8 =	vmul.f32 $1.131370830e+01, v8  }
0x2ae: {  	v14 =	vld [tilespmem:s25+$0x9450];
	v9 =	vmul.f32 $1.131370830e+01, v9  }
0x2af: {  	s24 =	simm.s32 $0x80;
	v15 =	vld [tilespmem:s25+$0x9460];
	v10 =	vmul.f32 $1.131370830e+01, v10;
	v8 =	vadd.f32 v8, v7  }
0x2b0: {  	v16 =	vld [tilespmem:s24+$0x9470];
	v9 =	vadd.f32 v9, v6  }
0x2b1: {  	v17 =	vld [tilespmem:s24+$0x9400];
	v10 =	vadd.f32 v10, v5;
	[tilespmem:s25+$0x11470] =	vst v8;
	v8 =	vmul.f32 $1.131370830e+01, v11  }
0x2b2: {  	v12 =	vmul.f32 $1.131370830e+01, v12;
	v18 =	vld [tilespmem:s24+$0x9410];
	[tilespmem:s25+$0x11400] =	vst v9  }
0x2b3: {  	v11 =	vld [tilespmem:s24+$0x9420];
	v8 =	vadd.f32 v8, v4;
	[tilespmem:s25+$0x11410] =	vst v10;
	v10 =	vmul.f32 $1.131370830e+01, v13  }
0x2b4: {  	v12 =	vadd.f32 v12, v3;
	v13 =	vmul.f32 $1.131370830e+01, v14  }
0x2b5: {  	v15 =	vmul.f32 $1.131370830e+01, v15;
	v9 =	vld [tilespmem:s24+$0x9430];
	[tilespmem:s25+$0x11420] =	vst v8;
	v14 =	vadd.f32 v10, v2  }
0x2b6: {  	v16 =	vmul.f32 $1.131370830e+01, v16;
	v19 =	vadd.f32 v13, v1;
	v8 =	vld [tilespmem:s24+$0x9440];
	[tilespmem:s25+$0x11430] =	vst v12  }
0x2b7: {  	v15 =	vadd.f32 v15, v0;
	v13 =	vmul.f32 $1.131370830e+01, v17;
	v10 =	vld [tilespmem:s24+$0x9450];
	[tilespmem:s25+$0x11440] =	vst v14  }
0x2b8: {  	s26 =	simm.s32 $0x100;
	s4 =	simm.s32 $0x600;
	v16 =	vadd.f32 v16, v7;
	v14 =	vmul.f32 $1.131370830e+01, v18;
	v12 =	vld [tilespmem:s24+$0x9460];
	[tilespmem:s25+$0x11450] =	vst v19  }
.LBB2_23:
0x2b9: {  	p2 =	sne.s32 s4, $0x1E00;
	v17 =	vld [tilespmem:s26+$0x9470];
	v13 =	vadd.f32 v13, v6;
	v11 =	vmul.f32 $1.131370830e+01, v11;
	[tilespmem:s25+$0x11460] =	vst v15;
	s25 =	smov.u32 s24;
	s24 =	smov.u32 s26  }
0x2ba: {  	v15 =	vld [tilespmem:s24+$0x9400];
	v14 =	vadd.f32 v14, v5;
	v9 =	vmul.f32 $1.131370830e+01, v9;
	[tilespmem:s25+$0x11470] =	vst v16  }
0x2bb: {  	v16 =	vld [tilespmem:s24+$0x9410];
	[tilespmem:s25+$0x11400] =	vst v13;
	v13 =	vadd.f32 v11, v4;
	v8 =	vmul.f32 $1.131370830e+01, v8  }
.Ltmp10:
0x2bc: {  	v11 =	vld [tilespmem:s24+$0x9420];
	[tilespmem:s25+$0x11410] =	vst v14;
	v14 =	vadd.f32 v9, v3;
	v10 =	vmul.f32 $1.131370830e+01, v10;
	(pc) =	sbr.rel @p2 .LBB2_23-.Ltmp10, $4  }
0x2bd: {  	v9 =	vld [tilespmem:s24+$0x9430];
	[tilespmem:s25+$0x11420] =	vst v13;
	v18 =	vadd.f32 v8, v2;
	v12 =	vmul.f32 $1.131370830e+01, v12  }
0x2be: {  	v8 =	vld [tilespmem:s24+$0x9440];
	v17 =	vmul.f32 $1.131370830e+01, v17;
	[tilespmem:s25+$0x11430] =	vst v14;
	v19 =	vadd.f32 v10, v1  }
0x2bf: {  	v13 =	vmul.f32 $1.131370830e+01, v15;
	v10 =	vld [tilespmem:s24+$0x9450];
	[tilespmem:s25+$0x11440] =	vst v18;
	v15 =	vadd.f32 v12, v0  }
0x2c0: {  	s26 =	sshra.s32 s4, $0x2;
	s4 =	sadd.s32 $0x200, s4;
	v14 =	vmul.f32 $1.131370830e+01, v16;
	v12 =	vld [tilespmem:s24+$0x9460];
	v16 =	vadd.f32 v17, v7;
	[tilespmem:s25+$0x11450] =	vst v19  }
0x2c1: {  	v17 =	vld [tilespmem:s26+$0x9470];
	[tilespmem:s25+$0x11460] =	vst v15;
	v13 =	vadd.f32 v13, v6;
	v11 =	vmul.f32 $1.131370830e+01, v11  }
0x2c2: {  	v15 =	vld [tilespmem:s26+$0x9400];
	[tilespmem:s24+$0x11470] =	vst v16;
	v14 =	vadd.f32 v14, v5;
	v9 =	vmul.f32 $1.131370830e+01, v9  }
0x2c3: {  	v16 =	vld [tilespmem:s26+$0x9410];
	[tilespmem:s24+$0x11400] =	vst v13;
	v11 =	vadd.f32 v11, v4  }
0x2c4: {  	v8 =	vmul.f32 $1.131370830e+01, v8;
	v13 =	vld [tilespmem:s26+$0x9420];
	[tilespmem:s24+$0x11410] =	vst v14;
	v9 =	vadd.f32 v9, v3  }
0x2c5: {  	v10 =	vmul.f32 $1.131370830e+01, v10;
	v14 =	vld [tilespmem:s26+$0x9430];
	[tilespmem:s24+$0x11420] =	vst v11  }
0x2c6: {  	v8 =	vadd.f32 v8, v2;
	v11 =	vld [tilespmem:s26+$0x9440];
	[tilespmem:s24+$0x11430] =	vst v9;
	v9 =	vmul.f32 $1.131370830e+01, v12  }
0x2c7: {  	v17 =	vmul.f32 $1.131370830e+01, v17;
	v10 =	vadd.f32 v10, v1  }
0x2c8: {  	v12 =	vld [tilespmem:s26+$0x9450];
	[tilespmem:s24+$0x11440] =	vst v8;
	v8 =	vmul.f32 $1.131370830e+01, v15;
	v9 =	vadd.f32 v9, v0  }
0x2c9: {  	v15 =	vld [tilespmem:s26+$0x9460];
	v16 =	vmul.f32 $1.131370830e+01, v16;
	v7 =	vadd.f32 v17, v7;
	[tilespmem:s24+$0x11450] =	vst v10  }
0x2ca: {  	v6 =	vadd.f32 v8, v6;
	v8 =	vmul.f32 $1.131370830e+01, v13;
	[tilespmem:s24+$0x11460] =	vst v9  }
0x2cb: {  	v5 =	vadd.f32 v16, v5;
	v9 =	vmul.f32 $1.131370830e+01, v14;
	[tilespmem:s26+$0x11470] =	vst v7  }
0x2cc: {  	[tilespmem:s26+$0x11400] =	vst v6;
	v4 =	vadd.f32 v8, v4;
	v6 =	vmul.f32 $1.131370830e+01, v11  }
0x2cd: {  	[tilespmem:s26+$0x11410] =	vst v5;
	v3 =	vadd.f32 v9, v3;
	v5 =	vmul.f32 $1.131370830e+01, v12  }
0x2ce: {  	[tilespmem:s26+$0x11420] =	vst v4;
	v2 =	vadd.f32 v6, v2;
	v4 =	vmul.f32 $1.131370830e+01, v15  }
0x2cf: {  	[tilespmem:s26+$0x11430] =	vst v3;
	v1 =	vadd.f32 v5, v1  }
0x2d0: {  	[tilespmem:s26+$0x11440] =	vst v2;
	v0 =	vadd.f32 v4, v0  }
0x2d1: {  	[tilespmem:s26+$0x11450] =	vst v1  }
0x2d2: {  	[tilespmem:s26+$0x11460] =	vst v0  }
0x2d3: {  	v6 =	vld [tilespmem:s23+$0x2480]  }
0x2d4: {  	v5 =	vld [tilespmem:s23+$0x2490]  }
0x2d5: {  	v4 =	vld [tilespmem:s23+$0x24A0]  }
0x2d6: {  	v3 =	vld [tilespmem:s23+$0x24B0]  }
0x2d7: {  	v2 =	vld [tilespmem:s23+$0x24C0]  }
0x2d8: {  	v1 =	vld [tilespmem:s23+$0x24D0]  }
0x2d9: {  	v0 =	vld [tilespmem:s23+$0x24E0]  }
0x2da: {  	s24 =	simm.s32 $0x0;
	v7 =	vld [tilespmem:s23+$0x24F0]  }
0x2db: {  	v8 =	vld [tilespmem:s24+$0x9C70]  }
0x2dc: {  	v9 =	vld [tilespmem:s24+$0x9C00]  }
0x2dd: {  	v10 =	vld [tilespmem:s24+$0x9C10]  }
0x2de: {  	v11 =	vld [tilespmem:s24+$0x9C20]  }
0x2df: {  	v12 =	vld [tilespmem:s24+$0x9C30]  }
0x2e0: {  	v13 =	vld [tilespmem:s24+$0x9C40];
	v8 =	vmul.f32 $1.131370830e+01, v8  }
0x2e1: {  	v14 =	vld [tilespmem:s24+$0x9C50];
	v9 =	vmul.f32 $1.131370830e+01, v9  }
0x2e2: {  	s23 =	simm.s32 $0x80;
	v15 =	vld [tilespmem:s24+$0x9C60];
	v10 =	vmul.f32 $1.131370830e+01, v10;
	v8 =	vadd.f32 v8, v7  }
0x2e3: {  	v16 =	vld [tilespmem:s23+$0x9C70];
	v9 =	vadd.f32 v9, v6  }
0x2e4: {  	v17 =	vld [tilespmem:s23+$0x9C00];
	v10 =	vadd.f32 v10, v5;
	[tilespmem:s24+$0x11C70] =	vst v8;
	v8 =	vmul.f32 $1.131370830e+01, v11  }
0x2e5: {  	v12 =	vmul.f32 $1.131370830e+01, v12;
	v18 =	vld [tilespmem:s23+$0x9C10];
	[tilespmem:s24+$0x11C00] =	vst v9  }
0x2e6: {  	v11 =	vld [tilespmem:s23+$0x9C20];
	v8 =	vadd.f32 v8, v4;
	[tilespmem:s24+$0x11C10] =	vst v10;
	v10 =	vmul.f32 $1.131370830e+01, v13  }
0x2e7: {  	v12 =	vadd.f32 v12, v3;
	v13 =	vmul.f32 $1.131370830e+01, v14  }
0x2e8: {  	v15 =	vmul.f32 $1.131370830e+01, v15;
	v9 =	vld [tilespmem:s23+$0x9C30];
	[tilespmem:s24+$0x11C20] =	vst v8;
	v14 =	vadd.f32 v10, v2  }
0x2e9: {  	v16 =	vmul.f32 $1.131370830e+01, v16;
	v19 =	vadd.f32 v13, v1;
	v8 =	vld [tilespmem:s23+$0x9C40];
	[tilespmem:s24+$0x11C30] =	vst v12  }
0x2ea: {  	v15 =	vadd.f32 v15, v0;
	v13 =	vmul.f32 $1.131370830e+01, v17;
	v10 =	vld [tilespmem:s23+$0x9C50];
	[tilespmem:s24+$0x11C40] =	vst v14  }
0x2eb: {  	s25 =	simm.s32 $0x100;
	s4 =	simm.s32 $0x600;
	v16 =	vadd.f32 v16, v7;
	v14 =	vmul.f32 $1.131370830e+01, v18;
	v12 =	vld [tilespmem:s23+$0x9C60];
	[tilespmem:s24+$0x11C50] =	vst v19  }
.LBB2_25:
0x2ec: {  	p2 =	sne.s32 s4, $0x1E00;
	v17 =	vld [tilespmem:s25+$0x9C70];
	v13 =	vadd.f32 v13, v6;
	v11 =	vmul.f32 $1.131370830e+01, v11;
	[tilespmem:s24+$0x11C60] =	vst v15;
	s24 =	smov.u32 s23;
	s23 =	smov.u32 s25  }
0x2ed: {  	v15 =	vld [tilespmem:s23+$0x9C00];
	v14 =	vadd.f32 v14, v5;
	v9 =	vmul.f32 $1.131370830e+01, v9;
	[tilespmem:s24+$0x11C70] =	vst v16  }
0x2ee: {  	v16 =	vld [tilespmem:s23+$0x9C10];
	[tilespmem:s24+$0x11C00] =	vst v13;
	v13 =	vadd.f32 v11, v4;
	v8 =	vmul.f32 $1.131370830e+01, v8  }
.Ltmp11:
0x2ef: {  	v11 =	vld [tilespmem:s23+$0x9C20];
	[tilespmem:s24+$0x11C10] =	vst v14;
	v14 =	vadd.f32 v9, v3;
	v10 =	vmul.f32 $1.131370830e+01, v10;
	(pc) =	sbr.rel @p2 .LBB2_25-.Ltmp11, $4  }
0x2f0: {  	v9 =	vld [tilespmem:s23+$0x9C30];
	[tilespmem:s24+$0x11C20] =	vst v13;
	v18 =	vadd.f32 v8, v2;
	v12 =	vmul.f32 $1.131370830e+01, v12  }
0x2f1: {  	v8 =	vld [tilespmem:s23+$0x9C40];
	v17 =	vmul.f32 $1.131370830e+01, v17;
	[tilespmem:s24+$0x11C30] =	vst v14;
	v19 =	vadd.f32 v10, v1  }
0x2f2: {  	v13 =	vmul.f32 $1.131370830e+01, v15;
	v10 =	vld [tilespmem:s23+$0x9C50];
	[tilespmem:s24+$0x11C40] =	vst v18;
	v15 =	vadd.f32 v12, v0  }
0x2f3: {  	s25 =	sshra.s32 s4, $0x2;
	s4 =	sadd.s32 $0x200, s4;
	v14 =	vmul.f32 $1.131370830e+01, v16;
	v12 =	vld [tilespmem:s23+$0x9C60];
	v16 =	vadd.f32 v17, v7;
	[tilespmem:s24+$0x11C50] =	vst v19  }
0x2f4: {  	v17 =	vld [tilespmem:s25+$0x9C70];
	[tilespmem:s24+$0x11C60] =	vst v15;
	v13 =	vadd.f32 v13, v6;
	v11 =	vmul.f32 $1.131370830e+01, v11  }
0x2f5: {  	v15 =	vld [tilespmem:s25+$0x9C00];
	[tilespmem:s23+$0x11C70] =	vst v16;
	v14 =	vadd.f32 v14, v5;
	v9 =	vmul.f32 $1.131370830e+01, v9  }
0x2f6: {  	v16 =	vld [tilespmem:s25+$0x9C10];
	[tilespmem:s23+$0x11C00] =	vst v13;
	v11 =	vadd.f32 v11, v4  }
0x2f7: {  	v8 =	vmul.f32 $1.131370830e+01, v8;
	v13 =	vld [tilespmem:s25+$0x9C20];
	[tilespmem:s23+$0x11C10] =	vst v14;
	v9 =	vadd.f32 v9, v3  }
0x2f8: {  	v10 =	vmul.f32 $1.131370830e+01, v10;
	v14 =	vld [tilespmem:s25+$0x9C30];
	[tilespmem:s23+$0x11C20] =	vst v11  }
0x2f9: {  	v8 =	vadd.f32 v8, v2;
	v11 =	vld [tilespmem:s25+$0x9C40];
	[tilespmem:s23+$0x11C30] =	vst v9;
	v9 =	vmul.f32 $1.131370830e+01, v12  }
0x2fa: {  	v17 =	vmul.f32 $1.131370830e+01, v17;
	v10 =	vadd.f32 v10, v1  }
0x2fb: {  	v12 =	vld [tilespmem:s25+$0x9C50];
	[tilespmem:s23+$0x11C40] =	vst v8;
	v8 =	vmul.f32 $1.131370830e+01, v15;
	v9 =	vadd.f32 v9, v0  }
0x2fc: {  	v15 =	vld [tilespmem:s25+$0x9C60];
	v16 =	vmul.f32 $1.131370830e+01, v16;
	v7 =	vadd.f32 v17, v7;
	[tilespmem:s23+$0x11C50] =	vst v10  }
0x2fd: {  	v6 =	vadd.f32 v8, v6;
	v8 =	vmul.f32 $1.131370830e+01, v13;
	[tilespmem:s23+$0x11C60] =	vst v9  }
0x2fe: {  	v5 =	vadd.f32 v16, v5;
	v9 =	vmul.f32 $1.131370830e+01, v14;
	[tilespmem:s25+$0x11C70] =	vst v7  }
0x2ff: {  	[tilespmem:s25+$0x11C00] =	vst v6;
	v4 =	vadd.f32 v8, v4;
	v6 =	vmul.f32 $1.131370830e+01, v11  }
0x300: {  	[tilespmem:s25+$0x11C10] =	vst v5;
	v3 =	vadd.f32 v9, v3;
	v5 =	vmul.f32 $1.131370830e+01, v12  }
0x301: {  	[tilespmem:s25+$0x11C20] =	vst v4;
	v2 =	vadd.f32 v6, v2;
	v4 =	vmul.f32 $1.131370830e+01, v15  }
0x302: {  	[tilespmem:s25+$0x11C30] =	vst v3;
	v1 =	vadd.f32 v5, v1  }
0x303: {  	[tilespmem:s25+$0x11C40] =	vst v2;
	v0 =	vadd.f32 v4, v0  }
0x304: {  	s4 =	sadd.s32 @!p1 $0x21A0, s20;
	[tilespmem:s25+$0x11C50] =	vst v1  }
0x305: {  	s24 =	simm.s32 @!p1 $0x9400;
	s23 =	simm.s32 @!p1 $0x20;
	[tilespmem:s25+$0x11C60] =	vst v0;
	s25 =	sshll.u32 s22, $0x9  }
0x306: {  	[tilespmem:s24], [sflag:$0x6] =	stream.indirect.gather @!p1 [hbm4b:s2+s23], $0x80, s4, s23, $0xb8;
	[tilespmem:$0x14400] =	vst v63  }
0x307: {  	s4 =	sadd.s32 s25, s6  }
0x308: {  	[hbm4b:s4+s3] =	stream.linear.scatter [tilespmem:s15], [sflag:$0xE], $0x1000, $0x38;
	[tilespmem:$0x14400] =	vst v63  }
0x309: {  	_ =	swait.ge [sflag:s16], $0x1000  }
0x30a: {  	[sflag:s16] =	ssyncset.done $0x0  }
0x30b: {  	s4 =	simm.s32 @!p0 $0xF;
	[sflag:s16] =	ssyncadd.s32 $0xFFFFF000  }
0x30c: {  	s22 =	sor.u32 $0x6, s21;
	_ =	swait.ge @!p0 [sflag:s4], $0x1000  }
0x30d: {  	s26 =	sshll.u32 s22, $0x8;
	[sflag:s4] =	ssyncset.done @!p0 $0x0  }
0x30e: {  	s23 =	sand.u32 $0x3FFFFF00, s26;
	[sflag:s4] =	ssyncadd.s32 @!p0 $0xFFFFF000  }
0x30f: {  	v6 =	vld [tilespmem:s23+$0x2400]  }
0x310: {  	v5 =	vld [tilespmem:s23+$0x2410]  }
0x311: {  	v4 =	vld [tilespmem:s23+$0x2420]  }
0x312: {  	v3 =	vld [tilespmem:s23+$0x2430]  }
0x313: {  	v2 =	vld [tilespmem:s23+$0x2440]  }
0x314: {  	v1 =	vld [tilespmem:s23+$0x2450]  }
0x315: {  	v0 =	vld [tilespmem:s23+$0x2460]  }
0x316: {  	s25 =	simm.s32 $0x0;
	v7 =	vld [tilespmem:s23+$0x2470]  }
0x317: {  	v8 =	vld [tilespmem:s25+$0xA470]  }
0x318: {  	v9 =	vld [tilespmem:s25+$0xA400]  }
0x319: {  	v10 =	vld [tilespmem:s25+$0xA410]  }
0x31a: {  	v11 =	vld [tilespmem:s25+$0xA420]  }
0x31b: {  	v12 =	vld [tilespmem:s25+$0xA430]  }
0x31c: {  	v13 =	vld [tilespmem:s25+$0xA440];
	v8 =	vmul.f32 $1.131370830e+01, v8  }
0x31d: {  	v14 =	vld [tilespmem:s25+$0xA450];
	v9 =	vmul.f32 $1.131370830e+01, v9  }
0x31e: {  	s24 =	simm.s32 $0x80;
	v15 =	vld [tilespmem:s25+$0xA460];
	v10 =	vmul.f32 $1.131370830e+01, v10;
	v8 =	vadd.f32 v8, v7  }
0x31f: {  	v16 =	vld [tilespmem:s24+$0xA470];
	v9 =	vadd.f32 v9, v6  }
0x320: {  	v17 =	vld [tilespmem:s24+$0xA400];
	v10 =	vadd.f32 v10, v5;
	[tilespmem:s25+$0x12470] =	vst v8;
	v8 =	vmul.f32 $1.131370830e+01, v11  }
0x321: {  	v12 =	vmul.f32 $1.131370830e+01, v12;
	v18 =	vld [tilespmem:s24+$0xA410];
	[tilespmem:s25+$0x12400] =	vst v9  }
0x322: {  	v11 =	vld [tilespmem:s24+$0xA420];
	v8 =	vadd.f32 v8, v4;
	[tilespmem:s25+$0x12410] =	vst v10;
	v10 =	vmul.f32 $1.131370830e+01, v13  }
0x323: {  	v12 =	vadd.f32 v12, v3;
	v13 =	vmul.f32 $1.131370830e+01, v14  }
0x324: {  	v15 =	vmul.f32 $1.131370830e+01, v15;
	v9 =	vld [tilespmem:s24+$0xA430];
	[tilespmem:s25+$0x12420] =	vst v8;
	v14 =	vadd.f32 v10, v2  }
0x325: {  	v16 =	vmul.f32 $1.131370830e+01, v16;
	v19 =	vadd.f32 v13, v1;
	v8 =	vld [tilespmem:s24+$0xA440];
	[tilespmem:s25+$0x12430] =	vst v12  }
0x326: {  	v15 =	vadd.f32 v15, v0;
	v13 =	vmul.f32 $1.131370830e+01, v17;
	v10 =	vld [tilespmem:s24+$0xA450];
	[tilespmem:s25+$0x12440] =	vst v14  }
0x327: {  	s26 =	simm.s32 $0x100;
	s4 =	simm.s32 $0x600;
	v16 =	vadd.f32 v16, v7;
	v14 =	vmul.f32 $1.131370830e+01, v18;
	v12 =	vld [tilespmem:s24+$0xA460];
	[tilespmem:s25+$0x12450] =	vst v19  }
.LBB2_27:
0x328: {  	p2 =	sne.s32 s4, $0x1E00;
	v17 =	vld [tilespmem:s26+$0xA470];
	v13 =	vadd.f32 v13, v6;
	v11 =	vmul.f32 $1.131370830e+01, v11;
	[tilespmem:s25+$0x12460] =	vst v15;
	s25 =	smov.u32 s24;
	s24 =	smov.u32 s26  }
0x329: {  	v15 =	vld [tilespmem:s24+$0xA400];
	v14 =	vadd.f32 v14, v5;
	v9 =	vmul.f32 $1.131370830e+01, v9;
	[tilespmem:s25+$0x12470] =	vst v16  }
0x32a: {  	v16 =	vld [tilespmem:s24+$0xA410];
	[tilespmem:s25+$0x12400] =	vst v13;
	v13 =	vadd.f32 v11, v4;
	v8 =	vmul.f32 $1.131370830e+01, v8  }
.Ltmp12:
0x32b: {  	v11 =	vld [tilespmem:s24+$0xA420];
	[tilespmem:s25+$0x12410] =	vst v14;
	v14 =	vadd.f32 v9, v3;
	v10 =	vmul.f32 $1.131370830e+01, v10;
	(pc) =	sbr.rel @p2 .LBB2_27-.Ltmp12, $4  }
0x32c: {  	v9 =	vld [tilespmem:s24+$0xA430];
	[tilespmem:s25+$0x12420] =	vst v13;
	v18 =	vadd.f32 v8, v2;
	v12 =	vmul.f32 $1.131370830e+01, v12  }
0x32d: {  	v8 =	vld [tilespmem:s24+$0xA440];
	v17 =	vmul.f32 $1.131370830e+01, v17;
	[tilespmem:s25+$0x12430] =	vst v14;
	v19 =	vadd.f32 v10, v1  }
0x32e: {  	v13 =	vmul.f32 $1.131370830e+01, v15;
	v10 =	vld [tilespmem:s24+$0xA450];
	[tilespmem:s25+$0x12440] =	vst v18;
	v15 =	vadd.f32 v12, v0  }
0x32f: {  	s26 =	sshra.s32 s4, $0x2;
	s4 =	sadd.s32 $0x200, s4;
	v14 =	vmul.f32 $1.131370830e+01, v16;
	v12 =	vld [tilespmem:s24+$0xA460];
	v16 =	vadd.f32 v17, v7;
	[tilespmem:s25+$0x12450] =	vst v19  }
0x330: {  	v17 =	vld [tilespmem:s26+$0xA470];
	[tilespmem:s25+$0x12460] =	vst v15;
	v13 =	vadd.f32 v13, v6;
	v11 =	vmul.f32 $1.131370830e+01, v11  }
0x331: {  	v15 =	vld [tilespmem:s26+$0xA400];
	[tilespmem:s24+$0x12470] =	vst v16;
	v14 =	vadd.f32 v14, v5;
	v9 =	vmul.f32 $1.131370830e+01, v9  }
0x332: {  	v16 =	vld [tilespmem:s26+$0xA410];
	[tilespmem:s24+$0x12400] =	vst v13;
	v11 =	vadd.f32 v11, v4  }
0x333: {  	v8 =	vmul.f32 $1.131370830e+01, v8;
	v13 =	vld [tilespmem:s26+$0xA420];
	[tilespmem:s24+$0x12410] =	vst v14;
	v9 =	vadd.f32 v9, v3  }
0x334: {  	v10 =	vmul.f32 $1.131370830e+01, v10;
	v14 =	vld [tilespmem:s26+$0xA430];
	[tilespmem:s24+$0x12420] =	vst v11  }
0x335: {  	v8 =	vadd.f32 v8, v2;
	v11 =	vld [tilespmem:s26+$0xA440];
	[tilespmem:s24+$0x12430] =	vst v9;
	v9 =	vmul.f32 $1.131370830e+01, v12  }
0x336: {  	v17 =	vmul.f32 $1.131370830e+01, v17;
	v10 =	vadd.f32 v10, v1  }
0x337: {  	v12 =	vld [tilespmem:s26+$0xA450];
	[tilespmem:s24+$0x12440] =	vst v8;
	v8 =	vmul.f32 $1.131370830e+01, v15;
	v9 =	vadd.f32 v9, v0  }
0x338: {  	v15 =	vld [tilespmem:s26+$0xA460];
	v16 =	vmul.f32 $1.131370830e+01, v16;
	v7 =	vadd.f32 v17, v7;
	[tilespmem:s24+$0x12450] =	vst v10  }
0x339: {  	v6 =	vadd.f32 v8, v6;
	v8 =	vmul.f32 $1.131370830e+01, v13;
	[tilespmem:s24+$0x12460] =	vst v9  }
0x33a: {  	v5 =	vadd.f32 v16, v5;
	v9 =	vmul.f32 $1.131370830e+01, v14;
	[tilespmem:s26+$0x12470] =	vst v7  }
0x33b: {  	[tilespmem:s26+$0x12400] =	vst v6;
	v4 =	vadd.f32 v8, v4;
	v6 =	vmul.f32 $1.131370830e+01, v11  }
0x33c: {  	[tilespmem:s26+$0x12410] =	vst v5;
	v3 =	vadd.f32 v9, v3;
	v5 =	vmul.f32 $1.131370830e+01, v12  }
0x33d: {  	[tilespmem:s26+$0x12420] =	vst v4;
	v2 =	vadd.f32 v6, v2;
	v4 =	vmul.f32 $1.131370830e+01, v15  }
0x33e: {  	[tilespmem:s26+$0x12430] =	vst v3;
	v1 =	vadd.f32 v5, v1  }
0x33f: {  	[tilespmem:s26+$0x12440] =	vst v2;
	v0 =	vadd.f32 v4, v0  }
0x340: {  	[tilespmem:s26+$0x12450] =	vst v1  }
0x341: {  	[tilespmem:s26+$0x12460] =	vst v0  }
0x342: {  	v6 =	vld [tilespmem:s23+$0x2480]  }
0x343: {  	v5 =	vld [tilespmem:s23+$0x2490]  }
0x344: {  	v4 =	vld [tilespmem:s23+$0x24A0]  }
0x345: {  	v3 =	vld [tilespmem:s23+$0x24B0]  }
0x346: {  	v2 =	vld [tilespmem:s23+$0x24C0]  }
0x347: {  	v1 =	vld [tilespmem:s23+$0x24D0]  }
0x348: {  	v0 =	vld [tilespmem:s23+$0x24E0]  }
0x349: {  	s24 =	simm.s32 $0x0;
	v7 =	vld [tilespmem:s23+$0x24F0]  }
0x34a: {  	v8 =	vld [tilespmem:s24+$0xAC70]  }
0x34b: {  	v9 =	vld [tilespmem:s24+$0xAC00]  }
0x34c: {  	v10 =	vld [tilespmem:s24+$0xAC10]  }
0x34d: {  	v11 =	vld [tilespmem:s24+$0xAC20]  }
0x34e: {  	v12 =	vld [tilespmem:s24+$0xAC30]  }
0x34f: {  	v13 =	vld [tilespmem:s24+$0xAC40];
	v8 =	vmul.f32 $1.131370830e+01, v8  }
0x350: {  	v14 =	vld [tilespmem:s24+$0xAC50];
	v9 =	vmul.f32 $1.131370830e+01, v9  }
0x351: {  	s23 =	simm.s32 $0x80;
	v15 =	vld [tilespmem:s24+$0xAC60];
	v10 =	vmul.f32 $1.131370830e+01, v10;
	v8 =	vadd.f32 v8, v7  }
0x352: {  	v16 =	vld [tilespmem:s23+$0xAC70];
	v9 =	vadd.f32 v9, v6  }
0x353: {  	v17 =	vld [tilespmem:s23+$0xAC00];
	v10 =	vadd.f32 v10, v5;
	[tilespmem:s24+$0x12C70] =	vst v8;
	v8 =	vmul.f32 $1.131370830e+01, v11  }
0x354: {  	v12 =	vmul.f32 $1.131370830e+01, v12;
	v18 =	vld [tilespmem:s23+$0xAC10];
	[tilespmem:s24+$0x12C00] =	vst v9  }
0x355: {  	v11 =	vld [tilespmem:s23+$0xAC20];
	v8 =	vadd.f32 v8, v4;
	[tilespmem:s24+$0x12C10] =	vst v10;
	v10 =	vmul.f32 $1.131370830e+01, v13  }
0x356: {  	v12 =	vadd.f32 v12, v3;
	v13 =	vmul.f32 $1.131370830e+01, v14  }
0x357: {  	v15 =	vmul.f32 $1.131370830e+01, v15;
	v9 =	vld [tilespmem:s23+$0xAC30];
	[tilespmem:s24+$0x12C20] =	vst v8;
	v14 =	vadd.f32 v10, v2  }
0x358: {  	v16 =	vmul.f32 $1.131370830e+01, v16;
	v19 =	vadd.f32 v13, v1;
	v8 =	vld [tilespmem:s23+$0xAC40];
	[tilespmem:s24+$0x12C30] =	vst v12  }
0x359: {  	v15 =	vadd.f32 v15, v0;
	v13 =	vmul.f32 $1.131370830e+01, v17;
	v10 =	vld [tilespmem:s23+$0xAC50];
	[tilespmem:s24+$0x12C40] =	vst v14  }
0x35a: {  	s25 =	simm.s32 $0x100;
	s4 =	simm.s32 $0x600;
	v16 =	vadd.f32 v16, v7;
	v14 =	vmul.f32 $1.131370830e+01, v18;
	v12 =	vld [tilespmem:s23+$0xAC60];
	[tilespmem:s24+$0x12C50] =	vst v19  }
.LBB2_29:
0x35b: {  	p2 =	sne.s32 s4, $0x1E00;
	v17 =	vld [tilespmem:s25+$0xAC70];
	v13 =	vadd.f32 v13, v6;
	v11 =	vmul.f32 $1.131370830e+01, v11;
	[tilespmem:s24+$0x12C60] =	vst v15;
	s24 =	smov.u32 s23;
	s23 =	smov.u32 s25  }
0x35c: {  	v15 =	vld [tilespmem:s23+$0xAC00];
	v14 =	vadd.f32 v14, v5;
	v9 =	vmul.f32 $1.131370830e+01, v9;
	[tilespmem:s24+$0x12C70] =	vst v16  }
0x35d: {  	v16 =	vld [tilespmem:s23+$0xAC10];
	[tilespmem:s24+$0x12C00] =	vst v13;
	v13 =	vadd.f32 v11, v4;
	v8 =	vmul.f32 $1.131370830e+01, v8  }
.Ltmp13:
0x35e: {  	v11 =	vld [tilespmem:s23+$0xAC20];
	[tilespmem:s24+$0x12C10] =	vst v14;
	v14 =	vadd.f32 v9, v3;
	v10 =	vmul.f32 $1.131370830e+01, v10;
	(pc) =	sbr.rel @p2 .LBB2_29-.Ltmp13, $4  }
0x35f: {  	v9 =	vld [tilespmem:s23+$0xAC30];
	[tilespmem:s24+$0x12C20] =	vst v13;
	v18 =	vadd.f32 v8, v2;
	v12 =	vmul.f32 $1.131370830e+01, v12  }
0x360: {  	v8 =	vld [tilespmem:s23+$0xAC40];
	v17 =	vmul.f32 $1.131370830e+01, v17;
	[tilespmem:s24+$0x12C30] =	vst v14;
	v19 =	vadd.f32 v10, v1  }
0x361: {  	v13 =	vmul.f32 $1.131370830e+01, v15;
	v10 =	vld [tilespmem:s23+$0xAC50];
	[tilespmem:s24+$0x12C40] =	vst v18;
	v15 =	vadd.f32 v12, v0  }
0x362: {  	s25 =	sshra.s32 s4, $0x2;
	s4 =	sadd.s32 $0x200, s4;
	v14 =	vmul.f32 $1.131370830e+01, v16;
	v12 =	vld [tilespmem:s23+$0xAC60];
	v16 =	vadd.f32 v17, v7;
	[tilespmem:s24+$0x12C50] =	vst v19  }
0x363: {  	v17 =	vld [tilespmem:s25+$0xAC70];
	[tilespmem:s24+$0x12C60] =	vst v15;
	v13 =	vadd.f32 v13, v6;
	v11 =	vmul.f32 $1.131370830e+01, v11  }
0x364: {  	v15 =	vld [tilespmem:s25+$0xAC00];
	[tilespmem:s23+$0x12C70] =	vst v16;
	v14 =	vadd.f32 v14, v5;
	v9 =	vmul.f32 $1.131370830e+01, v9  }
0x365: {  	v16 =	vld [tilespmem:s25+$0xAC10];
	[tilespmem:s23+$0x12C00] =	vst v13;
	v11 =	vadd.f32 v11, v4  }
0x366: {  	v8 =	vmul.f32 $1.131370830e+01, v8;
	v13 =	vld [tilespmem:s25+$0xAC20];
	[tilespmem:s23+$0x12C10] =	vst v14;
	v9 =	vadd.f32 v9, v3  }
0x367: {  	v10 =	vmul.f32 $1.131370830e+01, v10;
	v14 =	vld [tilespmem:s25+$0xAC30];
	[tilespmem:s23+$0x12C20] =	vst v11  }
0x368: {  	v8 =	vadd.f32 v8, v2;
	v11 =	vld [tilespmem:s25+$0xAC40];
	[tilespmem:s23+$0x12C30] =	vst v9;
	v9 =	vmul.f32 $1.131370830e+01, v12  }
0x369: {  	v17 =	vmul.f32 $1.131370830e+01, v17;
	v10 =	vadd.f32 v10, v1  }
0x36a: {  	v12 =	vld [tilespmem:s25+$0xAC50];
	[tilespmem:s23+$0x12C40] =	vst v8;
	v8 =	vmul.f32 $1.131370830e+01, v15;
	v9 =	vadd.f32 v9, v0  }
0x36b: {  	v15 =	vld [tilespmem:s25+$0xAC60];
	v16 =	vmul.f32 $1.131370830e+01, v16;
	v7 =	vadd.f32 v17, v7;
	[tilespmem:s23+$0x12C50] =	vst v10  }
0x36c: {  	v6 =	vadd.f32 v8, v6;
	v8 =	vmul.f32 $1.131370830e+01, v13;
	[tilespmem:s23+$0x12C60] =	vst v9  }
0x36d: {  	v5 =	vadd.f32 v16, v5;
	v9 =	vmul.f32 $1.131370830e+01, v14;
	[tilespmem:s25+$0x12C70] =	vst v7  }
0x36e: {  	[tilespmem:s25+$0x12C00] =	vst v6;
	v4 =	vadd.f32 v8, v4;
	v6 =	vmul.f32 $1.131370830e+01, v11  }
0x36f: {  	[tilespmem:s25+$0x12C10] =	vst v5;
	v3 =	vadd.f32 v9, v3;
	v5 =	vmul.f32 $1.131370830e+01, v12  }
0x370: {  	[tilespmem:s25+$0x12C20] =	vst v4;
	v2 =	vadd.f32 v6, v2;
	v4 =	vmul.f32 $1.131370830e+01, v15  }
0x371: {  	[tilespmem:s25+$0x12C30] =	vst v3;
	v1 =	vadd.f32 v5, v1  }
0x372: {  	[tilespmem:s25+$0x12C40] =	vst v2;
	v0 =	vadd.f32 v4, v0  }
0x373: {  	s4 =	sadd.s32 @!p1 $0x21C0, s20;
	[tilespmem:s25+$0x12C50] =	vst v1  }
0x374: {  	s24 =	simm.s32 @!p1 $0xA400;
	s23 =	simm.s32 @!p1 $0x20;
	[tilespmem:s25+$0x12C60] =	vst v0;
	s25 =	sshll.u32 s22, $0x9  }
0x375: {  	[tilespmem:s24], [sflag:$0x7] =	stream.indirect.gather @!p1 [hbm4b:s2+s23], $0x80, s4, s23, $0xb8;
	[tilespmem:$0x14400] =	vst v63  }
0x376: {  	s4 =	sadd.s32 s25, s6  }
0x377: {  	[hbm4b:s4+s3] =	stream.linear.scatter [tilespmem:s17], [sflag:$0xF], $0x1000, $0x38;
	[tilespmem:$0x14400] =	vst v63  }
0x378: {  	_ =	swait.ge [sflag:s18], $0x1000  }
0x379: {  	[sflag:s18] =	ssyncset.done $0x0  }
0x37a: {  	s4 =	simm.s32 @!p0 $0x10;
	[sflag:s18] =	ssyncadd.s32 $0xFFFFF000  }
0x37b: {  	s21 =	sor.u32 $0x7, s21;
	_ =	swait.ge @!p0 [sflag:s4], $0x1000  }
0x37c: {  	s26 =	sshll.u32 s21, $0x8;
	[sflag:s4] =	ssyncset.done @!p0 $0x0  }
0x37d: {  	s22 =	sand.u32 $0x3FFFFF00, s26;
	[sflag:s4] =	ssyncadd.s32 @!p0 $0xFFFFF000  }
0x37e: {  	v6 =	vld [tilespmem:s22+$0x2400]  }
0x37f: {  	v5 =	vld [tilespmem:s22+$0x2410]  }
0x380: {  	v4 =	vld [tilespmem:s22+$0x2420]  }
0x381: {  	v3 =	vld [tilespmem:s22+$0x2430]  }
0x382: {  	v2 =	vld [tilespmem:s22+$0x2440]  }
0x383: {  	v1 =	vld [tilespmem:s22+$0x2450]  }
0x384: {  	v0 =	vld [tilespmem:s22+$0x2460]  }
0x385: {  	s24 =	simm.s32 $0x0;
	v7 =	vld [tilespmem:s22+$0x2470]  }
0x386: {  	v8 =	vld [tilespmem:s24+$0xB470]  }
0x387: {  	v9 =	vld [tilespmem:s24+$0xB400]  }
0x388: {  	v10 =	vld [tilespmem:s24+$0xB410]  }
0x389: {  	v11 =	vld [tilespmem:s24+$0xB420]  }
0x38a: {  	v12 =	vld [tilespmem:s24+$0xB430]  }
0x38b: {  	v13 =	vld [tilespmem:s24+$0xB440];
	v8 =	vmul.f32 $1.131370830e+01, v8  }
0x38c: {  	v14 =	vld [tilespmem:s24+$0xB450];
	v9 =	vmul.f32 $1.131370830e+01, v9  }
0x38d: {  	s23 =	simm.s32 $0x80;
	v15 =	vld [tilespmem:s24+$0xB460];
	v10 =	vmul.f32 $1.131370830e+01, v10;
	v8 =	vadd.f32 v8, v7  }
0x38e: {  	v16 =	vld [tilespmem:s23+$0xB470];
	v9 =	vadd.f32 v9, v6  }
0x38f: {  	v17 =	vld [tilespmem:s23+$0xB400];
	v10 =	vadd.f32 v10, v5;
	[tilespmem:s24+$0x13470] =	vst v8;
	v8 =	vmul.f32 $1.131370830e+01, v11  }
0x390: {  	v12 =	vmul.f32 $1.131370830e+01, v12;
	v18 =	vld [tilespmem:s23+$0xB410];
	[tilespmem:s24+$0x13400] =	vst v9  }
0x391: {  	v11 =	vld [tilespmem:s23+$0xB420];
	v8 =	vadd.f32 v8, v4;
	[tilespmem:s24+$0x13410] =	vst v10;
	v10 =	vmul.f32 $1.131370830e+01, v13  }
0x392: {  	v12 =	vadd.f32 v12, v3;
	v13 =	vmul.f32 $1.131370830e+01, v14  }
0x393: {  	v15 =	vmul.f32 $1.131370830e+01, v15;
	v9 =	vld [tilespmem:s23+$0xB430];
	[tilespmem:s24+$0x13420] =	vst v8;
	v14 =	vadd.f32 v10, v2  }
0x394: {  	v16 =	vmul.f32 $1.131370830e+01, v16;
	v19 =	vadd.f32 v13, v1;
	v8 =	vld [tilespmem:s23+$0xB440];
	[tilespmem:s24+$0x13430] =	vst v12  }
0x395: {  	v15 =	vadd.f32 v15, v0;
	v13 =	vmul.f32 $1.131370830e+01, v17;
	v10 =	vld [tilespmem:s23+$0xB450];
	[tilespmem:s24+$0x13440] =	vst v14  }
0x396: {  	s25 =	simm.s32 $0x100;
	s4 =	simm.s32 $0x600;
	v16 =	vadd.f32 v16, v7;
	v14 =	vmul.f32 $1.131370830e+01, v18;
	v12 =	vld [tilespmem:s23+$0xB460];
	[tilespmem:s24+$0x13450] =	vst v19  }
.LBB2_31:
0x397: {  	p0 =	sne.s32 s4, $0x1E00;
	v17 =	vld [tilespmem:s25+$0xB470];
	v13 =	vadd.f32 v13, v6;
	v11 =	vmul.f32 $1.131370830e+01, v11;
	[tilespmem:s24+$0x13460] =	vst v15;
	s24 =	smov.u32 s23;
	s23 =	smov.u32 s25  }
0x398: {  	v15 =	vld [tilespmem:s23+$0xB400];
	v14 =	vadd.f32 v14, v5;
	v9 =	vmul.f32 $1.131370830e+01, v9;
	[tilespmem:s24+$0x13470] =	vst v16  }
0x399: {  	v16 =	vld [tilespmem:s23+$0xB410];
	[tilespmem:s24+$0x13400] =	vst v13;
	v13 =	vadd.f32 v11, v4;
	v8 =	vmul.f32 $1.131370830e+01, v8  }
.Ltmp14:
0x39a: {  	v11 =	vld [tilespmem:s23+$0xB420];
	[tilespmem:s24+$0x13410] =	vst v14;
	v14 =	vadd.f32 v9, v3;
	v10 =	vmul.f32 $1.131370830e+01, v10;
	(pc) =	sbr.rel @p0 .LBB2_31-.Ltmp14, $4  }
0x39b: {  	v9 =	vld [tilespmem:s23+$0xB430];
	[tilespmem:s24+$0x13420] =	vst v13;
	v18 =	vadd.f32 v8, v2;
	v12 =	vmul.f32 $1.131370830e+01, v12  }
0x39c: {  	v8 =	vld [tilespmem:s23+$0xB440];
	v17 =	vmul.f32 $1.131370830e+01, v17;
	[tilespmem:s24+$0x13430] =	vst v14;
	v19 =	vadd.f32 v10, v1  }
0x39d: {  	v13 =	vmul.f32 $1.131370830e+01, v15;
	v10 =	vld [tilespmem:s23+$0xB450];
	[tilespmem:s24+$0x13440] =	vst v18;
	v15 =	vadd.f32 v12, v0  }
0x39e: {  	s25 =	sshra.s32 s4, $0x2;
	s4 =	sadd.s32 $0x200, s4;
	v14 =	vmul.f32 $1.131370830e+01, v16;
	v12 =	vld [tilespmem:s23+$0xB460];
	v16 =	vadd.f32 v17, v7;
	[tilespmem:s24+$0x13450] =	vst v19  }
0x39f: {  	v17 =	vld [tilespmem:s25+$0xB470];
	[tilespmem:s24+$0x13460] =	vst v15;
	v13 =	vadd.f32 v13, v6;
	v11 =	vmul.f32 $1.131370830e+01, v11  }
0x3a0: {  	v15 =	vld [tilespmem:s25+$0xB400];
	[tilespmem:s23+$0x13470] =	vst v16;
	v14 =	vadd.f32 v14, v5;
	v9 =	vmul.f32 $1.131370830e+01, v9  }
0x3a1: {  	v16 =	vld [tilespmem:s25+$0xB410];
	[tilespmem:s23+$0x13400] =	vst v13;
	v11 =	vadd.f32 v11, v4  }
0x3a2: {  	v8 =	vmul.f32 $1.131370830e+01, v8;
	v13 =	vld [tilespmem:s25+$0xB420];
	[tilespmem:s23+$0x13410] =	vst v14;
	v9 =	vadd.f32 v9, v3  }
0x3a3: {  	v10 =	vmul.f32 $1.131370830e+01, v10;
	v14 =	vld [tilespmem:s25+$0xB430];
	[tilespmem:s23+$0x13420] =	vst v11  }
0x3a4: {  	v8 =	vadd.f32 v8, v2;
	v11 =	vld [tilespmem:s25+$0xB440];
	[tilespmem:s23+$0x13430] =	vst v9;
	v9 =	vmul.f32 $1.131370830e+01, v12  }
0x3a5: {  	v17 =	vmul.f32 $1.131370830e+01, v17;
	v10 =	vadd.f32 v10, v1  }
0x3a6: {  	v12 =	vld [tilespmem:s25+$0xB450];
	[tilespmem:s23+$0x13440] =	vst v8;
	v8 =	vmul.f32 $1.131370830e+01, v15;
	v9 =	vadd.f32 v9, v0  }
0x3a7: {  	v15 =	vld [tilespmem:s25+$0xB460];
	v16 =	vmul.f32 $1.131370830e+01, v16;
	v7 =	vadd.f32 v17, v7;
	[tilespmem:s23+$0x13450] =	vst v10  }
0x3a8: {  	v6 =	vadd.f32 v8, v6;
	v8 =	vmul.f32 $1.131370830e+01, v13;
	[tilespmem:s23+$0x13460] =	vst v9  }
0x3a9: {  	v5 =	vadd.f32 v16, v5;
	v9 =	vmul.f32 $1.131370830e+01, v14;
	[tilespmem:s25+$0x13470] =	vst v7  }
0x3aa: {  	[tilespmem:s25+$0x13400] =	vst v6;
	v4 =	vadd.f32 v8, v4;
	v6 =	vmul.f32 $1.131370830e+01, v11  }
0x3ab: {  	[tilespmem:s25+$0x13410] =	vst v5;
	v3 =	vadd.f32 v9, v3;
	v5 =	vmul.f32 $1.131370830e+01, v12  }
0x3ac: {  	[tilespmem:s25+$0x13420] =	vst v4;
	v2 =	vadd.f32 v6, v2;
	v4 =	vmul.f32 $1.131370830e+01, v15  }
0x3ad: {  	[tilespmem:s25+$0x13430] =	vst v3;
	v1 =	vadd.f32 v5, v1  }
0x3ae: {  	[tilespmem:s25+$0x13440] =	vst v2;
	v0 =	vadd.f32 v4, v0  }
0x3af: {  	[tilespmem:s25+$0x13450] =	vst v1  }
0x3b0: {  	[tilespmem:s25+$0x13460] =	vst v0  }
0x3b1: {  	v6 =	vld [tilespmem:s22+$0x2480]  }
0x3b2: {  	v5 =	vld [tilespmem:s22+$0x2490]  }
0x3b3: {  	v4 =	vld [tilespmem:s22+$0x24A0]  }
0x3b4: {  	v3 =	vld [tilespmem:s22+$0x24B0]  }
0x3b5: {  	v2 =	vld [tilespmem:s22+$0x24C0]  }
0x3b6: {  	v1 =	vld [tilespmem:s22+$0x24D0]  }
0x3b7: {  	v0 =	vld [tilespmem:s22+$0x24E0]  }
0x3b8: {  	s23 =	simm.s32 $0x0;
	v7 =	vld [tilespmem:s22+$0x24F0]  }
0x3b9: {  	v8 =	vld [tilespmem:s23+$0xBC70]  }
0x3ba: {  	v9 =	vld [tilespmem:s23+$0xBC00]  }
0x3bb: {  	v10 =	vld [tilespmem:s23+$0xBC10]  }
0x3bc: {  	v11 =	vld [tilespmem:s23+$0xBC20]  }
0x3bd: {  	v12 =	vld [tilespmem:s23+$0xBC30]  }
0x3be: {  	v13 =	vld [tilespmem:s23+$0xBC40];
	v8 =	vmul.f32 $1.131370830e+01, v8  }
0x3bf: {  	v14 =	vld [tilespmem:s23+$0xBC50];
	v9 =	vmul.f32 $1.131370830e+01, v9  }
0x3c0: {  	s22 =	simm.s32 $0x80;
	v15 =	vld [tilespmem:s23+$0xBC60];
	v10 =	vmul.f32 $1.131370830e+01, v10;
	v8 =	vadd.f32 v8, v7  }
0x3c1: {  	v16 =	vld [tilespmem:s22+$0xBC70];
	v9 =	vadd.f32 v9, v6  }
0x3c2: {  	v17 =	vld [tilespmem:s22+$0xBC00];
	v10 =	vadd.f32 v10, v5;
	[tilespmem:s23+$0x13C70] =	vst v8;
	v8 =	vmul.f32 $1.131370830e+01, v11  }
0x3c3: {  	v12 =	vmul.f32 $1.131370830e+01, v12;
	v18 =	vld [tilespmem:s22+$0xBC10];
	[tilespmem:s23+$0x13C00] =	vst v9  }
0x3c4: {  	v11 =	vld [tilespmem:s22+$0xBC20];
	v8 =	vadd.f32 v8, v4;
	[tilespmem:s23+$0x13C10] =	vst v10;
	v10 =	vmul.f32 $1.131370830e+01, v13  }
0x3c5: {  	v12 =	vadd.f32 v12, v3;
	v13 =	vmul.f32 $1.131370830e+01, v14  }
0x3c6: {  	v15 =	vmul.f32 $1.131370830e+01, v15;
	v9 =	vld [tilespmem:s22+$0xBC30];
	[tilespmem:s23+$0x13C20] =	vst v8;
	v14 =	vadd.f32 v10, v2  }
0x3c7: {  	v16 =	vmul.f32 $1.131370830e+01, v16;
	v19 =	vadd.f32 v13, v1;
	v8 =	vld [tilespmem:s22+$0xBC40];
	[tilespmem:s23+$0x13C30] =	vst v12  }
0x3c8: {  	v15 =	vadd.f32 v15, v0;
	v13 =	vmul.f32 $1.131370830e+01, v17;
	v10 =	vld [tilespmem:s22+$0xBC50];
	[tilespmem:s23+$0x13C40] =	vst v14  }
0x3c9: {  	s24 =	simm.s32 $0x100;
	s4 =	simm.s32 $0x600;
	v16 =	vadd.f32 v16, v7;
	v14 =	vmul.f32 $1.131370830e+01, v18;
	v12 =	vld [tilespmem:s22+$0xBC60];
	[tilespmem:s23+$0x13C50] =	vst v19  }
.LBB2_33:
0x3ca: {  	p0 =	sne.s32 s4, $0x1E00;
	v17 =	vld [tilespmem:s24+$0xBC70];
	v13 =	vadd.f32 v13, v6;
	v11 =	vmul.f32 $1.131370830e+01, v11;
	[tilespmem:s23+$0x13C60] =	vst v15;
	s23 =	smov.u32 s22;
	s22 =	smov.u32 s24  }
0x3cb: {  	v15 =	vld [tilespmem:s22+$0xBC00];
	v14 =	vadd.f32 v14, v5;
	v9 =	vmul.f32 $1.131370830e+01, v9;
	[tilespmem:s23+$0x13C70] =	vst v16  }
0x3cc: {  	v16 =	vld [tilespmem:s22+$0xBC10];
	[tilespmem:s23+$0x13C00] =	vst v13;
	v13 =	vadd.f32 v11, v4;
	v8 =	vmul.f32 $1.131370830e+01, v8  }
.Ltmp15:
0x3cd: {  	v11 =	vld [tilespmem:s22+$0xBC20];
	[tilespmem:s23+$0x13C10] =	vst v14;
	v14 =	vadd.f32 v9, v3;
	v10 =	vmul.f32 $1.131370830e+01, v10;
	(pc) =	sbr.rel @p0 .LBB2_33-.Ltmp15, $4  }
0x3ce: {  	v9 =	vld [tilespmem:s22+$0xBC30];
	[tilespmem:s23+$0x13C20] =	vst v13;
	v18 =	vadd.f32 v8, v2;
	v12 =	vmul.f32 $1.131370830e+01, v12  }
0x3cf: {  	v8 =	vld [tilespmem:s22+$0xBC40];
	v17 =	vmul.f32 $1.131370830e+01, v17;
	[tilespmem:s23+$0x13C30] =	vst v14;
	v19 =	vadd.f32 v10, v1  }
0x3d0: {  	v13 =	vmul.f32 $1.131370830e+01, v15;
	v10 =	vld [tilespmem:s22+$0xBC50];
	[tilespmem:s23+$0x13C40] =	vst v18;
	v15 =	vadd.f32 v12, v0  }
0x3d1: {  	s24 =	sshra.s32 s4, $0x2;
	s4 =	sadd.s32 $0x200, s4;
	v14 =	vmul.f32 $1.131370830e+01, v16;
	v12 =	vld [tilespmem:s22+$0xBC60];
	v16 =	vadd.f32 v17, v7;
	[tilespmem:s23+$0x13C50] =	vst v19  }
0x3d2: {  	v17 =	vld [tilespmem:s24+$0xBC70];
	[tilespmem:s23+$0x13C60] =	vst v15;
	v13 =	vadd.f32 v13, v6;
	v11 =	vmul.f32 $1.131370830e+01, v11  }
0x3d3: {  	v15 =	vld [tilespmem:s24+$0xBC00];
	[tilespmem:s22+$0x13C70] =	vst v16;
	v14 =	vadd.f32 v14, v5;
	v9 =	vmul.f32 $1.131370830e+01, v9  }
0x3d4: {  	v16 =	vld [tilespmem:s24+$0xBC10];
	[tilespmem:s22+$0x13C00] =	vst v13;
	v11 =	vadd.f32 v11, v4;
	v8 =	vmul.f32 $1.131370830e+01, v8  }
0x3d5: {  	v13 =	vld [tilespmem:s24+$0xBC20];
	[tilespmem:s22+$0x13C10] =	vst v14;
	v9 =	vadd.f32 v9, v3;
	v10 =	vmul.f32 $1.131370830e+01, v10  }
0x3d6: {  	v14 =	vld [tilespmem:s24+$0xBC30];
	[tilespmem:s22+$0x13C20] =	vst v11;
	v8 =	vadd.f32 v8, v2;
	v48 =	vmul.f32 $1.131370830e+01, v12  }
0x3d7: {  	v11 =	vld [tilespmem:s24+$0xBC40];
	[tilespmem:s22+$0x13C30] =	vst v9;
	v17 =	vmul.f32 $1.131370830e+01, v17;
	v10 =	vadd.f32 v10, v1  }
0x3d8: {  	v49 =	vld [tilespmem:s24+$0xBC50];
	[tilespmem:s22+$0x13C40] =	vst v8;
	v50 =	vmul.f32 $1.131370830e+01, v15;
	v9 =	vadd.f32 v48, v0  }
0x3d9: {  	v51 =	vld [tilespmem:s24+$0xBC60];
	v16 =	vmul.f32 $1.131370830e+01, v16;
	v7 =	vadd.f32 v17, v7;
	[tilespmem:s22+$0x13C50] =	vst v10  }
0x3da: {  	v52 =	vadd.f32 v50, v6;
	v53 =	vmul.f32 $1.131370830e+01, v13;
	[tilespmem:s22+$0x13C60] =	vst v9  }
0x3db: {  	v54 =	vadd.f32 v16, v5;
	v55 =	vmul.f32 $1.131370830e+01, v14;
	[tilespmem:s24+$0x13C70] =	vst v7  }
0x3dc: {  	[tilespmem:s24+$0x13C00] =	vst v52;
	v56 =	vadd.f32 v53, v4;
	v57 =	vmul.f32 $1.131370830e+01, v11  }
0x3dd: {  	[tilespmem:s24+$0x13C10] =	vst v54;
	v58 =	vadd.f32 v55, v3;
	v59 =	vmul.f32 $1.131370830e+01, v49  }
0x3de: {  	[tilespmem:s24+$0x13C20] =	vst v56;
	v60 =	vadd.f32 v57, v2;
	v61 =	vmul.f32 $1.131370830e+01, v51  }
0x3df: {  	s7 =	sadd.s32 $0x1, s7;
	[tilespmem:s24+$0x13C30] =	vst v58;
	v62 =	vadd.f32 v59, v1  }
0x3e0: {  	p0 =	sne.s32 s7, $0x4;
	[tilespmem:s24+$0x13C40] =	vst v60;
	v63 =	vadd.f32 v61, v0  }
.Ltmp16:
0x3e1: {  	s4 =	sadd.s32 @!p1 $0x21E0, s20;
	[tilespmem:s24+$0x13C50] =	vst v62;
	(pc) =	sbr.rel @p0 .LBB2_2-.Ltmp16, $4  }
0x3e2: {  	s20 =	simm.s32 @!p1 $0x20;
	s26 =	sshll.u32 s21, $0x9;
	s22 =	simm.s32 @!p1 $0xB400;
	[tilespmem:s24+$0x13C60] =	vst v63  }
0x3e3: {  	[tilespmem:s22], [sflag:$0x8] =	stream.indirect.gather @!p1 [hbm4b:s2+s20], $0x80, s4, s20, $0xb8;
	[tilespmem:$0x14400] =	vst v63  }
0x3e4: {  	s4 =	sadd.s32 s26, s6  }
0x3e5: {  	[hbm4b:s4+s3] =	stream.linear.scatter [tilespmem:s19], [sflag:$0x10], $0x1000, $0x38;
	[tilespmem:$0x14400] =	vst v63  }
0x3e6: {  	s4 =	simm.s32 $0x9  }
0x3e7: {  	_ =	swait.ge [sflag:s4], $0x1000  }
0x3e8: {  	[sflag:s4] =	ssyncset.done $0x0  }
0x3e9: {  	s20 =	simm.s32 $0xA;
	[sflag:s4] =	ssyncadd.s32 $0xFFFFF000  }
0x3ea: {  	_ =	swait.ge [sflag:s20], $0x1000  }
0x3eb: {  	[sflag:s20] =	ssyncset.done $0x0  }
0x3ec: {  	s21 =	simm.s32 $0xB;
	[sflag:s20] =	ssyncadd.s32 $0xFFFFF000  }
0x3ed: {  	_ =	swait.ge [sflag:s21], $0x1000  }
0x3ee: {  	[sflag:s21] =	ssyncset.done $0x0  }
0x3ef: {  	s22 =	simm.s32 $0xC;
	[sflag:s21] =	ssyncadd.s32 $0xFFFFF000  }
0x3f0: {  	_ =	swait.ge [sflag:s22], $0x1000  }
0x3f1: {  	[sflag:s22] =	ssyncset.done $0x0  }
0x3f2: {  	s23 =	simm.s32 $0xD;
	[sflag:s22] =	ssyncadd.s32 $0xFFFFF000  }
0x3f3: {  	_ =	swait.ge [sflag:s23], $0x1000  }
0x3f4: {  	[sflag:s23] =	ssyncset.done $0x0  }
0x3f5: {  	s24 =	simm.s32 $0xE;
	[sflag:s23] =	ssyncadd.s32 $0xFFFFF000  }
0x3f6: {  	_ =	swait.ge [sflag:s24], $0x1000  }
0x3f7: {  	[sflag:s24] =	ssyncset.done $0x0  }
0x3f8: {  	s25 =	simm.s32 $0xF;
	[sflag:s24] =	ssyncadd.s32 $0xFFFFF000  }
0x3f9: {  	_ =	swait.ge [sflag:s25], $0x1000  }
0x3fa: {  	[sflag:s25] =	ssyncset.done $0x0  }
0x3fb: {  	s7 =	simm.s32 $0x10;
	[sflag:s25] =	ssyncadd.s32 $0xFFFFF000  }
0x3fc: {  	_ =	swait.ge [sflag:s7], $0x1000  }
0x3fd: {  	s5 =	sadd.s32 $0x1, s5;
	s26 =	rddreg [dreg:$0x6]  }
0x3fe: {  	p0 =	sne.s32 s5, s26  }
.Ltmp17:
0x3ff: {  	_ = 	snop;
	(pc) =	sbr.rel @p0 .LBB2_1-.Ltmp17, $3  }
0x400: {  	_ =	sdelay $0x1  }
0x401: {  	[sflag:s7] =	ssyncset.done $0x0  }
0x402: {  	[sflag:s7] =	ssyncadd.s32 $0xFFFFF000  }
0x403: {  	_ =	sfence.sel $0x180000  }
0x404: {  	[bflag:$0x0] =	sbarrier.arrive $0xFFFF  }
0x405: {  	_ =	strace $0x90000047  }
0x406: {  	s0 =	stileid.u32;
	[bflag:$0x2] =	sbarrier.arrive $0xFFFF  }
0x407: {  	p0 =	sne.s32 s0, $0x0;
	s0 =	rddreg [dreg:$0x3]  }
0x408: {  	s0 =	sadd.s32 @!p0 $0x100000, s0  }
0x409: {  	[sflag:s0] =	ssyncadd.tile.s32 @!p0 $0x1;
	_ =	shalt  }
.Lfunc_end2:
_tile_overlayer_lowered:
.L_overlay_start_2:
0x40a: {  	(tag) =	ssettag $0x2  }
0x40b: {  	s0 =	rddreg [dreg:$0x0];
	s2 =	stileid.u32  }
0x40c: {  	s1 =	rddreg [dreg:$0x1];
	p0 =	sne.s32 s2, $0x0  }
0x40d: {  	s3 =	rddreg [dreg:$0x2];
	[bflag:$0x3] =	sbarrier.arrive $0xFFFF;
	s2 =	simm.s32 @!p0 $0x1C11  }
0x40e: {  	[timem:s3], [sflag:s2] =	dma.local @!p0 [hbm:s0], s1  }
0x40f: {  	s0 =	simm.s32 @!p0 $0x11  }
0x410: {  	_ =	swait.ge @!p0 [sflag:s0], s1  }
0x411: {  	s1 =	ssub.s32 @!p0 $0x0, s1;
	[sflag:s0] =	ssyncset.done @!p0 $0x0  }
0x412: {  	[sflag:s0] =	ssyncadd.s32 @!p0 s1  }
0x413: {  	[bflag:$0x3] =	sbarrier.arrive $0xFFFF  }
0x414: {  	_ =	shalt  }

</sc_bundles>
